<compile_context>
chip_gen: v7x
topology: tpu7x:2x2x1
jax: 0.10.2.dev20260603
libtpu: 0.0.44.dev20260713+nightly
codegen_flags: <defaults>
</compile_context>

<pallas_src>
import functools

import jax
import jax.numpy as jnp
from jax import lax
from jax.experimental import pallas as pl
from jax.experimental.pallas import tpu as pltpu
from jax.experimental.pallas import tpu_sc as plsc

N = 10000
E = 320000
D = 128
NC = 2
NS = 16
NW = NC * NS
EW = E // NW
B = 80
KB = EW // B
NACC = 10240
RPT = NACC // NS
NPAD = 80 * 128

_MESH = plsc.VectorSubcoreMesh(core_axis_name="c", subcore_axis_name="s")


def _wid():
    return lax.axis_index("s") * NC + lax.axis_index("c")


def _sc_deg_body(eb, zeros, out, didx, hist):
    wid = _wid()
    pltpu.sync_copy(eb.at[1, wid], didx)
    pltpu.sync_copy(zeros, hist)
    ones = jnp.full((16,), 1.0, jnp.float32)

    def step(j, carry):
        for k in range(B // 16):
            dv = didx[j, pl.ds(k * 16, 16)]
            row = lax.shift_right_logical(dv, 7)
            col = lax.bitwise_and(dv, 127)
            plsc.addupdate_scatter(hist, [row, col], ones)
        return carry

    lax.fori_loop(0, KB, step, 0)
    pltpu.sync_copy(hist, out.at[wid])


_sc_deg = pl.kernel(
    _sc_deg_body,
    out_type=jax.ShapeDtypeStruct((NW, 80, 128), jnp.float32),
    mesh=_MESH,
    compiler_params=pltpu.CompilerParams(needs_layout_passes=False),
    scratch_types=[
        pltpu.VMEM((KB, B), jnp.int32),
        pltpu.VMEM((80, 128), jnp.float32),
    ],
)


DH = D // 2


NBUF = 8


def _sc_msgpass_body(eb, g, zeros, out, sidx, didx, *rest):
    rows = rest[:NBUF]
    acc = rest[NBUF]
    gsem = rest[NBUF + 1:NBUF + 1 + NBUF]
    ssem = rest[NBUF + 1 + NBUF:]
    cid = lax.axis_index("c")
    sid = lax.axis_index("s")
    wid = sid * NC + cid
    pltpu.sync_copy(eb.at[0, wid], sidx)
    pltpu.sync_copy(eb.at[1, wid], didx)

    for half in range(2):
        if half == 1:
            def bump(j, carry):
                for k in range(B // 16):
                    sl = pl.ds(k * 16, 16)
                    sidx[j, sl] = sidx[j, sl] + 1
                return carry

            lax.fori_loop(0, KB, bump, 0)
        pltpu.sync_copy(zeros, acc.at[pl.ds(sid * RPT, RPT)])
        plsc.subcore_barrier()

        for k in range(NBUF // 2):
            pltpu.async_copy(g.at[sidx.at[k]], rows[k], gsem[k])

        def step(jj, carry):
            for k in range(NBUF):
                j = jj * NBUF + k
                b2 = (k + NBUF // 2) % NBUF

                @pl.when(j < KB)
                def _():
                    pltpu.make_async_copy(
                        g.at[sidx.at[0]], rows[k], gsem[k]).wait()
                    pltpu.async_copy(rows[k], acc.at[didx.at[j]], ssem[k],
                                     add=True)

                jn = j + NBUF // 2

                @pl.when(jn < KB)
                def _():
                    @pl.when(j >= NBUF // 2)
                    def _():
                        pltpu.make_async_copy(
                            rows[b2], acc.at[didx.at[0]], ssem[b2]).wait()
                    pltpu.async_copy(g.at[sidx.at[jn]], rows[b2], gsem[b2])

            return carry

        lax.fori_loop(0, (KB + NBUF - 1) // NBUF, step, 0)
        for k in range(NBUF):
            pltpu.make_async_copy(rows[k], acc.at[didx.at[0]],
                                  ssem[k]).wait()
        plsc.subcore_barrier()
        pltpu.sync_copy(acc.at[pl.ds(sid * RPT, RPT)],
                        out.at[cid, pl.ds(sid * RPT, RPT),
                               pl.ds(half * DH, DH)])
        plsc.subcore_barrier()


_sc_msgpass = pl.kernel(
    _sc_msgpass_body,
    out_type=jax.ShapeDtypeStruct((NC, NACC, D), jnp.float32),
    mesh=_MESH,
    compiler_params=pltpu.CompilerParams(use_tc_tiling_on_sc=False,
                                         needs_layout_passes=False),
    scratch_types=(
        [pltpu.VMEM((KB, B), jnp.int32),
         pltpu.VMEM((KB, B), jnp.int32)]
        + [pltpu.VMEM((B, DH), jnp.float32) for _ in range(NBUF)]
        + [pltpu.VMEM_SHARED((NACC, DH), jnp.float32)]
        + [pltpu.SemaphoreType.DMA for _ in range(2 * NBUF)]
    ),
)


def _sc_edgepred_body(eb, pa, pb, out, sidx, didx, pav, pbv, outv):
    wid = _wid()
    pltpu.sync_copy(eb.at[0, wid], sidx)
    pltpu.sync_copy(eb.at[1, wid], didx)
    pltpu.sync_copy(pa.at[pl.ds(0, N)], pav)
    pltpu.sync_copy(pb.at[pl.ds(0, N)], pbv)

    def step(j, carry):
        for k in range(B // 16):
            sl = pl.ds(k * 16, 16)
            sv = lax.shift_right_logical(sidx[j, sl], 1)
            dv = didx[j, sl]
            r = plsc.load_gather(pav, [sv]) + plsc.load_gather(pbv, [dv])
            outv[j, sl] = r
        return carry

    lax.fori_loop(0, KB, step, 0)
    pltpu.sync_copy(outv, out.at[wid])


_sc_edgepred = pl.kernel(
    _sc_edgepred_body,
    out_type=jax.ShapeDtypeStruct((NW, KB, B), jnp.float32),
    mesh=_MESH,
    compiler_params=pltpu.CompilerParams(needs_layout_passes=False),
    scratch_types=[
        pltpu.VMEM((KB, B), jnp.int32),
        pltpu.VMEM((KB, B), jnp.int32),
        pltpu.VMEM((N,), jnp.float32),
        pltpu.VMEM((N,), jnp.float32),
        pltpu.VMEM((KB, B), jnp.float32),
    ],
)


def _tc_dinv_body(parts_ref, out_ref):
    deg = jnp.sum(parts_ref[...], axis=0) + 1.0
    out_ref[...] = 1.0 / jnp.sqrt(deg)


def _tc_dinv(parts):
    return pl.pallas_call(
        _tc_dinv_body,
        out_shape=jax.ShapeDtypeStruct((80, 128), jnp.float32),
    )(parts)


R = 2000


def _tc_mm_body(x_ref, w_ref, dinv_ref, h_ref, g_ref):
    h = jnp.dot(x_ref[...], w_ref[...], preferred_element_type=jnp.float32)
    h_ref[...] = h
    g_ref[...] = h * dinv_ref[...]


def _tc_mm(x, w, dinv):
    return pl.pallas_call(
        _tc_mm_body,
        grid=(N // R,),
        in_specs=[
            pl.BlockSpec((R, D), lambda i: (i, 0)),
            pl.BlockSpec((D, D), lambda i: (0, 0)),
            pl.BlockSpec((R, 1), lambda i: (i, 0)),
        ],
        out_specs=[
            pl.BlockSpec((R, D), lambda i: (i, 0)),
            pl.BlockSpec((R, D), lambda i: (i, 0)),
        ],
        out_shape=[
            jax.ShapeDtypeStruct((N, D), jnp.float32),
            jax.ShapeDtypeStruct((N, D), jnp.float32),
        ],
    )(x, w, dinv)


def _tc_layer_body(parts_ref, dinv_ref, h_ref, b1_ref, w2_ref, t_ref,
                   g2_ref):
    s = parts_ref[0] + parts_ref[1]
    dv = dinv_ref[...]
    agg = dv * s + (dv * dv) * h_ref[...] + b1_ref[...]
    h1 = jnp.maximum(agg, 0.0)
    t = jnp.dot(h1, w2_ref[...], preferred_element_type=jnp.float32)
    t_ref[...] = t
    g2_ref[...] = t * dv


def _tc_layer(parts, dinv, h, b1, w2):
    return pl.pallas_call(
        _tc_layer_body,
        grid=(N // R,),
        in_specs=[
            pl.BlockSpec((NC, R, D), lambda i: (0, i, 0)),
            pl.BlockSpec((R, 1), lambda i: (i, 0)),
            pl.BlockSpec((R, D), lambda i: (i, 0)),
            pl.BlockSpec((1, D), lambda i: (0, 0)),
            pl.BlockSpec((D, D), lambda i: (0, 0)),
        ],
        out_specs=[
            pl.BlockSpec((R, D), lambda i: (i, 0)),
            pl.BlockSpec((R, D), lambda i: (i, 0)),
        ],
        out_shape=[
            jax.ShapeDtypeStruct((N, D), jnp.float32),
            jax.ShapeDtypeStruct((N, D), jnp.float32),
        ],
    )(parts, dinv, h, b1, w2)


def _tc_final_body(parts_ref, dinv_ref, t_ref, b2_ref, wa_ref, wb_ref,
                   be_ref, pa_ref, pb_ref):
    s = parts_ref[0] + parts_ref[1]
    dv = dinv_ref[...]
    h2 = dv * s + (dv * dv) * t_ref[...] + b2_ref[...]
    h2b = h2.astype(jnp.bfloat16).astype(jnp.float32)
    wab = wa_ref[...].astype(jnp.bfloat16).astype(jnp.float32)
    wbb = wb_ref[...].astype(jnp.bfloat16).astype(jnp.float32)
    pa_ref[...] = jnp.sum(h2b * wab, axis=1) + be_ref[0, 0]
    pb_ref[...] = jnp.sum(h2b * wbb, axis=1)


def _tc_final(parts, dinv, t, b2, wa, wb, be):
    RF = 1024
    return pl.pallas_call(
        _tc_final_body,
        grid=(NACC // RF,),
        in_specs=[
            pl.BlockSpec((NC, RF, D), lambda i: (0, i, 0)),
            pl.BlockSpec((RF, 1), lambda i: (i, 0)),
            pl.BlockSpec((RF, D), lambda i: (i, 0)),
            pl.BlockSpec((1, D), lambda i: (0, 0)),
            pl.BlockSpec((1, D), lambda i: (0, 0)),
            pl.BlockSpec((1, D), lambda i: (0, 0)),
            pl.BlockSpec((1, 1), lambda i: (0, 0)),
        ],
        out_specs=[
            pl.BlockSpec((RF,), lambda i: (i,)),
            pl.BlockSpec((RF,), lambda i: (i,)),
        ],
        out_shape=[
            jax.ShapeDtypeStruct((NACC,), jnp.float32),
            jax.ShapeDtypeStruct((NACC,), jnp.float32),
        ],
    )(parts, dinv, t, b2, wa, wb, be)


def kernel(x, edge_index, W1, b1, W2, b2, We, be):
    eb = (edge_index * jnp.array([2, 1], edge_index.dtype)[:, None]
          ).reshape(2, NW, KB, B)
    zeros128 = jnp.zeros((80, 128), jnp.float32)
    zeros64 = jnp.zeros((RPT, DH), jnp.float32)

    deg_parts = _sc_deg(eb, zeros128)
    dinv_pad = _tc_dinv(deg_parts)
    dinv = dinv_pad.reshape(NPAD, 1)

    h, g1 = _tc_mm(x, W1, dinv)
    acc1 = _sc_msgpass(eb, g1.reshape(2 * N, DH), zeros64)
    t, g2 = _tc_layer(acc1, dinv, h, b1.reshape(1, D), W2)
    acc2 = _sc_msgpass(eb, g2.reshape(2 * N, DH), zeros64)
    pa, pb = _tc_final(acc2, dinv, t, b2.reshape(1, D), We[:D].reshape(1, D),
                       We[D:].reshape(1, D), be.reshape(1, 1))

    out = _sc_edgepred(eb, pa, pb)
    return out.reshape(E, 1)

# --- scband reference (transcript-rebuilt; emitter-appended) ---
"""Pipeline reference for scband-gnn-73787538145698 (READ-ONLY COPY).

The authoritative reference and input builder live on the scoring server;
editing this copy changes nothing except your own understanding.
"""

import jax, jax.numpy as jnp
import numpy as np

N, E, D, H, O = 10000, 320000, 128, 128, 1

def setup_inputs(seed: int = 0):
    key = jax.random.key(seed)
    ks = jax.random.split(key, 9)
    x = jax.random.normal(ks[0], (N, D), dtype=jnp.float32)
    edge_index = jax.random.randint(ks[1], (2, E), 0, N, dtype=jnp.int32)
    W1 = jax.random.normal(ks[2], (D, H), dtype=jnp.float32) * (1.0 / np.sqrt(D))
    b1 = jnp.zeros((H,), dtype=jnp.float32)
    W2 = jax.random.normal(ks[3], (H, H), dtype=jnp.float32) * (1.0 / np.sqrt(H))
    b2 = jnp.zeros((H,), dtype=jnp.float32)
    We = jax.random.normal(ks[4], (2 * H, O), dtype=jnp.float32) * (1.0 / np.sqrt(2 * H))
    be = jnp.zeros((O,), dtype=jnp.float32)
    return {"x": x, "edge_index": edge_index, "W1": W1, "b1": b1, "W2": W2, "b2": b2, "We": We, "be": be}

def _gcn_conv(x, edge_index, W, b):
    # PyG GCNConv: add self-loops, symmetric normalization D^-1/2 A D^-1/2, linear, bias
    n = x.shape[0]
    loop = jnp.arange(n, dtype=edge_index.dtype)
    src = jnp.concatenate([edge_index[0], loop])
    dst = jnp.concatenate([edge_index[1], loop])
    deg = jnp.zeros((n,), dtype=jnp.float32).at[dst].add(1.0)
    dinv = jnp.where(deg > 0, 1.0 / jnp.sqrt(deg), 0.0)
    norm = dinv[src] * dinv[dst]
    h = x @ W
    msg = h[src] * norm[:, None]
    out = jax.ops.segment_sum(msg, dst, num_segments=n)
    return out + b

def reference(x, edge_index, W1, b1, W2, b2, We, be):
    h = jax.nn.relu(_gcn_conv(x, edge_index, W1, b1))
    h = _gcn_conv(h, edge_index, W2, b2)
    edge_features = jnp.concatenate([h[edge_index[0]], h[edge_index[1]]], axis=1)
    edge_predictions = edge_features @ We + be
    return edge_predictions

if __name__ == "__main__":
    import jax
    _d = setup_inputs()
    print(jax.jit(kernel)(*tuple(_d.values())))

</pallas_src>

<mosaic_0001>
#map = affine_map<(d0, d1) -> (0, 0, 0, 0)>
#map1 = affine_map<(d0, d1) -> (0)>
#map2 = affine_map<(d0, d1) -> (0, 0, 0)>
module attributes {stable_mosaic.version = 14 : i64} {
  func.func @_sc_edgepred_body(%arg0: i32, %arg1: i32, %arg2: memref<2x32x125x80xi32, #tpu.memory_space<hbm>>, %arg3: memref<10240xf32, #tpu.memory_space<hbm>>, %arg4: memref<10240xf32, #tpu.memory_space<hbm>>, %arg5: memref<32x125x80xf32, #tpu.memory_space<hbm>>, %arg6: memref<125x80xi32, #tpu.memory_space<vmem>>, %arg7: memref<125x80xi32, #tpu.memory_space<vmem>>, %arg8: memref<10000xf32, #tpu.memory_space<vmem>>, %arg9: memref<10000xf32, #tpu.memory_space<vmem>>, %arg10: memref<125x80xf32, #tpu.memory_space<vmem>>) attributes {dimension_semantics = [#tpu.dimension_semantics<core_parallel>, #tpu.dimension_semantics<subcore_parallel>], iteration_bounds = array<i64: 2, 16>, scalar_prefetch = 0 : i64, scratch_operands = 5 : i64, tpu.core_type = #tpu.core_type<sc_vector_subcore>, window_params = [{transform_indices = #map}, {transform_indices = #map1}, {transform_indices = #map1}, {transform_indices = #map2}]} {
    %mul3A = arith.constant 2 : i32
    %mul3A_0 = arith.muli %arg1, %mul3A : i32
    %add3A = arith.addi %mul3A_0, %arg0 : i32
    %run_scoped3A = arith.constant 0 : i32
    "tpu.region"() ({
      %run_scoped3A_7 = tpu.sem_alloc : memref<!tpu.dma_semaphore, #tpu.memory_space<semaphore_mem>>
      %dma_start3A = arith.constant 0 : i32
      %dma_start3A_8 = arith.constant 0 : i32
      %dma_start3A_9 = tpu.memref_slice %arg2[%run_scoped3A, %add3A, %dma_start3A, %dma_start3A_8] : memref<2x32x125x80xi32, #tpu.memory_space<hbm>> -> memref<1x1x125x80xi32, #tpu.memory_space<hbm>>
      %dma_start3A_10 = tpu.memref_squeeze %dma_start3A_9 : memref<1x1x125x80xi32, #tpu.memory_space<hbm>> -> memref<125x80xi32, #tpu.memory_space<hbm>>
      %dma_start3A_11 = arith.constant 0 : i32
      %dma_start3A_12 = arith.constant 0 : i32
      %dma_start3A_13 = tpu.memref_slice %arg2[%run_scoped3A, %add3A, %dma_start3A_11, %dma_start3A_12] : memref<2x32x125x80xi32, #tpu.memory_space<hbm>> -> memref<1x1x125x80xi32, #tpu.memory_space<hbm>>
      %dma_start3A_14 = tpu.memref_squeeze %dma_start3A_13 : memref<1x1x125x80xi32, #tpu.memory_space<hbm>> -> memref<125x80xi32, #tpu.memory_space<hbm>>
      tpu.enqueue_dma source(%dma_start3A_14 : memref<125x80xi32, #tpu.memory_space<hbm>>) target(%arg6 : memref<125x80xi32, #tpu.memory_space<vmem>>) target_semaphore(%run_scoped3A_7 : memref<!tpu.dma_semaphore, #tpu.memory_space<semaphore_mem>>)
      %dma_wait3A = arith.constant 0 : i32
      %dma_wait3A_15 = arith.constant 0 : i32
      %dma_wait3A_16 = tpu.memref_slice %arg2[%run_scoped3A, %add3A, %dma_wait3A, %dma_wait3A_15] : memref<2x32x125x80xi32, #tpu.memory_space<hbm>> -> memref<1x1x125x80xi32, #tpu.memory_space<hbm>>
      %dma_wait3A_17 = tpu.memref_squeeze %dma_wait3A_16 : memref<1x1x125x80xi32, #tpu.memory_space<hbm>> -> memref<125x80xi32, #tpu.memory_space<hbm>>
      %dma_wait3A_18 = arith.constant 0 : i32
      %dma_wait3A_19 = arith.constant 0 : i32
      %dma_wait3A_20 = tpu.memref_slice %arg2[%run_scoped3A, %add3A, %dma_wait3A_18, %dma_wait3A_19] : memref<2x32x125x80xi32, #tpu.memory_space<hbm>> -> memref<1x1x125x80xi32, #tpu.memory_space<hbm>>
      %dma_wait3A_21 = tpu.memref_squeeze %dma_wait3A_20 : memref<1x1x125x80xi32, #tpu.memory_space<hbm>> -> memref<125x80xi32, #tpu.memory_space<hbm>>
      tpu.wait_dma2 semaphore(%run_scoped3A_7 : memref<!tpu.dma_semaphore, #tpu.memory_space<semaphore_mem>>) src(%dma_wait3A_21 : memref<125x80xi32, #tpu.memory_space<hbm>>) dst(%arg6 : memref<125x80xi32, #tpu.memory_space<vmem>>)
      tpu.yield
    }) : () -> ()
    %run_scoped3A_1 = arith.constant 1 : i32
    "tpu.region"() ({
      %run_scoped3A_7 = tpu.sem_alloc : memref<!tpu.dma_semaphore, #tpu.memory_space<semaphore_mem>>
      %dma_start3A = arith.constant 0 : i32
      %dma_start3A_8 = arith.constant 0 : i32
      %dma_start3A_9 = tpu.memref_slice %arg2[%run_scoped3A_1, %add3A, %dma_start3A, %dma_start3A_8] : memref<2x32x125x80xi32, #tpu.memory_space<hbm>> -> memref<1x1x125x80xi32, #tpu.memory_space<hbm>>
      %dma_start3A_10 = tpu.memref_squeeze %dma_start3A_9 : memref<1x1x125x80xi32, #tpu.memory_space<hbm>> -> memref<125x80xi32, #tpu.memory_space<hbm>>
      %dma_start3A_11 = arith.constant 0 : i32
      %dma_start3A_12 = arith.constant 0 : i32
      %dma_start3A_13 = tpu.memref_slice %arg2[%run_scoped3A_1, %add3A, %dma_start3A_11, %dma_start3A_12] : memref<2x32x125x80xi32, #tpu.memory_space<hbm>> -> memref<1x1x125x80xi32, #tpu.memory_space<hbm>>
      %dma_start3A_14 = tpu.memref_squeeze %dma_start3A_13 : memref<1x1x125x80xi32, #tpu.memory_space<hbm>> -> memref<125x80xi32, #tpu.memory_space<hbm>>
      tpu.enqueue_dma source(%dma_start3A_14 : memref<125x80xi32, #tpu.memory_space<hbm>>) target(%arg7 : memref<125x80xi32, #tpu.memory_space<vmem>>) target_semaphore(%run_scoped3A_7 : memref<!tpu.dma_semaphore, #tpu.memory_space<semaphore_mem>>)
      %dma_wait3A = arith.constant 0 : i32
      %dma_wait3A_15 = arith.constant 0 : i32
      %dma_wait3A_16 = tpu.memref_slice %arg2[%run_scoped3A_1, %add3A, %dma_wait3A, %dma_wait3A_15] : memref<2x32x125x80xi32, #tpu.memory_space<hbm>> -> memref<1x1x125x80xi32, #tpu.memory_space<hbm>>
      %dma_wait3A_17 = tpu.memref_squeeze %dma_wait3A_16 : memref<1x1x125x80xi32, #tpu.memory_space<hbm>> -> memref<125x80xi32, #tpu.memory_space<hbm>>
      %dma_wait3A_18 = arith.constant 0 : i32
      %dma_wait3A_19 = arith.constant 0 : i32
      %dma_wait3A_20 = tpu.memref_slice %arg2[%run_scoped3A_1, %add3A, %dma_wait3A_18, %dma_wait3A_19] : memref<2x32x125x80xi32, #tpu.memory_space<hbm>> -> memref<1x1x125x80xi32, #tpu.memory_space<hbm>>
      %dma_wait3A_21 = tpu.memref_squeeze %dma_wait3A_20 : memref<1x1x125x80xi32, #tpu.memory_space<hbm>> -> memref<125x80xi32, #tpu.memory_space<hbm>>
      tpu.wait_dma2 semaphore(%run_scoped3A_7 : memref<!tpu.dma_semaphore, #tpu.memory_space<semaphore_mem>>) src(%dma_wait3A_21 : memref<125x80xi32, #tpu.memory_space<hbm>>) dst(%arg7 : memref<125x80xi32, #tpu.memory_space<vmem>>)
      tpu.yield
    }) : () -> ()
    "tpu.region"() ({
      %run_scoped3A_7 = tpu.sem_alloc : memref<!tpu.dma_semaphore, #tpu.memory_space<semaphore_mem>>
      %dma_start3A = arith.constant 0 : i32
      %dma_start3A_8 = tpu.memref_slice %arg3[%dma_start3A] : memref<10240xf32, #tpu.memory_space<hbm>> -> memref<10000xf32, #tpu.memory_space<hbm>>
      %dma_start3A_9 = arith.constant 0 : i32
      %dma_start3A_10 = tpu.memref_slice %arg3[%dma_start3A_9] : memref<10240xf32, #tpu.memory_space<hbm>> -> memref<10000xf32, #tpu.memory_space<hbm>>
      tpu.enqueue_dma source(%dma_start3A_10 : memref<10000xf32, #tpu.memory_space<hbm>>) target(%arg8 : memref<10000xf32, #tpu.memory_space<vmem>>) target_semaphore(%run_scoped3A_7 : memref<!tpu.dma_semaphore, #tpu.memory_space<semaphore_mem>>)
      %dma_wait3A = arith.constant 0 : i32
      %dma_wait3A_11 = tpu.memref_slice %arg3[%dma_wait3A] : memref<10240xf32, #tpu.memory_space<hbm>> -> memref<10000xf32, #tpu.memory_space<hbm>>
      %dma_wait3A_12 = arith.constant 0 : i32
      %dma_wait3A_13 = tpu.memref_slice %arg3[%dma_wait3A_12] : memref<10240xf32, #tpu.memory_space<hbm>> -> memref<10000xf32, #tpu.memory_space<hbm>>
      tpu.wait_dma2 semaphore(%run_scoped3A_7 : memref<!tpu.dma_semaphore, #tpu.memory_space<semaphore_mem>>) src(%dma_wait3A_13 : memref<10000xf32, #tpu.memory_space<hbm>>) dst(%arg8 : memref<10000xf32, #tpu.memory_space<vmem>>)
      tpu.yield
    }) : () -> ()
    "tpu.region"() ({
      %run_scoped3A_7 = tpu.sem_alloc : memref<!tpu.dma_semaphore, #tpu.memory_space<semaphore_mem>>
      %dma_start3A = arith.constant 0 : i32
      %dma_start3A_8 = tpu.memref_slice %arg4[%dma_start3A] : memref<10240xf32, #tpu.memory_space<hbm>> -> memref<10000xf32, #tpu.memory_space<hbm>>
      %dma_start3A_9 = arith.constant 0 : i32
      %dma_start3A_10 = tpu.memref_slice %arg4[%dma_start3A_9] : memref<10240xf32, #tpu.memory_space<hbm>> -> memref<10000xf32, #tpu.memory_space<hbm>>
      tpu.enqueue_dma source(%dma_start3A_10 : memref<10000xf32, #tpu.memory_space<hbm>>) target(%arg9 : memref<10000xf32, #tpu.memory_space<vmem>>) target_semaphore(%run_scoped3A_7 : memref<!tpu.dma_semaphore, #tpu.memory_space<semaphore_mem>>)
      %dma_wait3A = arith.constant 0 : i32
      %dma_wait3A_11 = tpu.memref_slice %arg4[%dma_wait3A] : memref<10240xf32, #tpu.memory_space<hbm>> -> memref<10000xf32, #tpu.memory_space<hbm>>
      %dma_wait3A_12 = arith.constant 0 : i32
      %dma_wait3A_13 = tpu.memref_slice %arg4[%dma_wait3A_12] : memref<10240xf32, #tpu.memory_space<hbm>> -> memref<10000xf32, #tpu.memory_space<hbm>>
      tpu.wait_dma2 semaphore(%run_scoped3A_7 : memref<!tpu.dma_semaphore, #tpu.memory_space<semaphore_mem>>) src(%dma_wait3A_13 : memref<10000xf32, #tpu.memory_space<hbm>>) dst(%arg9 : memref<10000xf32, #tpu.memory_space<vmem>>)
      tpu.yield
    }) : () -> ()
    %scan3A = arith.constant 0 : i32
    %scan3A_2 = arith.constant 0 : i32
    %scan3A_3 = arith.constant 125 : i32
    %scan3A_4 = arith.addi %scan3A_2, %scan3A_3 : i32
    %scan3A_5 = arith.constant 1 : i32
    scf.for %scan3A_7 = %scan3A_2 to %scan3A_4 step %scan3A_5  : i32 {
      %get3A = arith.index_cast %scan3A_7 : i32 to index
      %get3A_8 = arith.constant 0 : index
      %get3A_9 = tpu.vector_load %arg6[%get3A, %get3A_8] {strides = array<i32>} : memref<125x80xi32, #tpu.memory_space<vmem>>, vector<16xi32>,
      %shift_right_logical3A = arith.constant 1 : i32
      %shift_right_logical3A_10 = vector.broadcast %shift_right_logical3A : i32 to vector<16xi32>
      %shift_right_logical3A_11 = arith.shrui %get3A_9, %shift_right_logical3A_10 : vector<16xi32>
      %get3A_12 = arith.index_cast %scan3A_7 : i32 to index
      %get3A_13 = arith.constant 0 : index
      %get3A_14 = tpu.vector_load %arg7[%get3A_12, %get3A_13] {strides = array<i32>} : memref<125x80xi32, #tpu.memory_space<vmem>>, vector<16xi32>,
      %gather3A = tpu.vector_load_idx %arg8[%shift_right_logical3A_11] : memref<10000xf32, #tpu.memory_space<vmem>>[vector<16xi32>], vector<16xf32>,
      %gather3A_15 = tpu.vector_load_idx %arg9[%get3A_14] : memref<10000xf32, #tpu.memory_space<vmem>>[vector<16xi32>], vector<16xf32>,
      %add3A_16 = arith.addf %gather3A, %gather3A_15 : vector<16xf32>
      %swap3A = arith.index_cast %scan3A_7 : i32 to index
      %swap3A_17 = arith.constant 0 : index
      %swap3A_18 = tpu.vector_load %arg10[%swap3A, %swap3A_17] {strides = array<i32>} : memref<125x80xf32, #tpu.memory_space<vmem>>, vector<16xf32>,
      tpu.vector_store %arg10[%swap3A, %swap3A_17], %add3A_16 {strides = array<i32>} : memref<125x80xf32, #tpu.memory_space<vmem>>, vector<16xf32>,
      %get3A_19 = arith.index_cast %scan3A_7 : i32 to index
      %get3A_20 = arith.constant 16 : index
      %get3A_21 = tpu.vector_load %arg6[%get3A_19, %get3A_20] {strides = array<i32>} : memref<125x80xi32, #tpu.memory_space<vmem>>, vector<16xi32>,
      %shift_right_logical3A_22 = arith.constant 1 : i32
      %shift_right_logical3A_23 = vector.broadcast %shift_right_logical3A_22 : i32 to vector<16xi32>
      %shift_right_logical3A_24 = arith.shrui %get3A_21, %shift_right_logical3A_23 : vector<16xi32>
      %get3A_25 = arith.index_cast %scan3A_7 : i32 to index
      %get3A_26 = arith.constant 16 : index
      %get3A_27 = tpu.vector_load %arg7[%get3A_25, %get3A_26] {strides = array<i32>} : memref<125x80xi32, #tpu.memory_space<vmem>>, vector<16xi32>,
      %gather3A_28 = tpu.vector_load_idx %arg8[%shift_right_logical3A_24] : memref<10000xf32, #tpu.memory_space<vmem>>[vector<16xi32>], vector<16xf32>,
      %gather3A_29 = tpu.vector_load_idx %arg9[%get3A_27] : memref<10000xf32, #tpu.memory_space<vmem>>[vector<16xi32>], vector<16xf32>,
      %add3A_30 = arith.addf %gather3A_28, %gather3A_29 : vector<16xf32>
      %swap3A_31 = arith.index_cast %scan3A_7 : i32 to index
      %swap3A_32 = arith.constant 16 : index
      %swap3A_33 = tpu.vector_load %arg10[%swap3A_31, %swap3A_32] {strides = array<i32>} : memref<125x80xf32, #tpu.memory_space<vmem>>, vector<16xf32>,
      tpu.vector_store %arg10[%swap3A_31, %swap3A_32], %add3A_30 {strides = array<i32>} : memref<125x80xf32, #tpu.memory_space<vmem>>, vector<16xf32>,
      %get3A_34 = arith.index_cast %scan3A_7 : i32 to index
      %get3A_35 = arith.constant 32 : index
      %get3A_36 = tpu.vector_load %arg6[%get3A_34, %get3A_35] {strides = array<i32>} : memref<125x80xi32, #tpu.memory_space<vmem>>, vector<16xi32>,
      %shift_right_logical3A_37 = arith.constant 1 : i32
      %shift_right_logical3A_38 = vector.broadcast %shift_right_logical3A_37 : i32 to vector<16xi32>
      %shift_right_logical3A_39 = arith.shrui %get3A_36, %shift_right_logical3A_38 : vector<16xi32>
      %get3A_40 = arith.index_cast %scan3A_7 : i32 to index
      %get3A_41 = arith.constant 32 : index
      %get3A_42 = tpu.vector_load %arg7[%get3A_40, %get3A_41] {strides = array<i32>} : memref<125x80xi32, #tpu.memory_space<vmem>>, vector<16xi32>,
      %gather3A_43 = tpu.vector_load_idx %arg8[%shift_right_logical3A_39] : memref<10000xf32, #tpu.memory_space<vmem>>[vector<16xi32>], vector<16xf32>,
      %gather3A_44 = tpu.vector_load_idx %arg9[%get3A_42] : memref<10000xf32, #tpu.memory_space<vmem>>[vector<16xi32>], vector<16xf32>,
      %add3A_45 = arith.addf %gather3A_43, %gather3A_44 : vector<16xf32>
      %swap3A_46 = arith.index_cast %scan3A_7 : i32 to index
      %swap3A_47 = arith.constant 32 : index
      %swap3A_48 = tpu.vector_load %arg10[%swap3A_46, %swap3A_47] {strides = array<i32>} : memref<125x80xf32, #tpu.memory_space<vmem>>, vector<16xf32>,
      tpu.vector_store %arg10[%swap3A_46, %swap3A_47], %add3A_45 {strides = array<i32>} : memref<125x80xf32, #tpu.memory_space<vmem>>, vector<16xf32>,
      %get3A_49 = arith.index_cast %scan3A_7 : i32 to index
      %get3A_50 = arith.constant 48 : index
      %get3A_51 = tpu.vector_load %arg6[%get3A_49, %get3A_50] {strides = array<i32>} : memref<125x80xi32, #tpu.memory_space<vmem>>, vector<16xi32>,
      %shift_right_logical3A_52 = arith.constant 1 : i32
      %shift_right_logical3A_53 = vector.broadcast %shift_right_logical3A_52 : i32 to vector<16xi32>
      %shift_right_logical3A_54 = arith.shrui %get3A_51, %shift_right_logical3A_53 : vector<16xi32>
      %get3A_55 = arith.index_cast %scan3A_7 : i32 to index
      %get3A_56 = arith.constant 48 : index
      %get3A_57 = tpu.vector_load %arg7[%get3A_55, %get3A_56] {strides = array<i32>} : memref<125x80xi32, #tpu.memory_space<vmem>>, vector<16xi32>,
      %gather3A_58 = tpu.vector_load_idx %arg8[%shift_right_logical3A_54] : memref<10000xf32, #tpu.memory_space<vmem>>[vector<16xi32>], vector<16xf32>,
      %gather3A_59 = tpu.vector_load_idx %arg9[%get3A_57] : memref<10000xf32, #tpu.memory_space<vmem>>[vector<16xi32>], vector<16xf32>,
      %add3A_60 = arith.addf %gather3A_58, %gather3A_59 : vector<16xf32>
      %swap3A_61 = arith.index_cast %scan3A_7 : i32 to index
      %swap3A_62 = arith.constant 48 : index
      %swap3A_63 = tpu.vector_load %arg10[%swap3A_61, %swap3A_62] {strides = array<i32>} : memref<125x80xf32, #tpu.memory_space<vmem>>, vector<16xf32>,
      tpu.vector_store %arg10[%swap3A_61, %swap3A_62], %add3A_60 {strides = array<i32>} : memref<125x80xf32, #tpu.memory_space<vmem>>, vector<16xf32>,
      %get3A_64 = arith.index_cast %scan3A_7 : i32 to index
      %get3A_65 = arith.constant 64 : index
      %get3A_66 = tpu.vector_load %arg6[%get3A_64, %get3A_65] {strides = array<i32>} : memref<125x80xi32, #tpu.memory_space<vmem>>, vector<16xi32>,
      %shift_right_logical3A_67 = arith.constant 1 : i32
      %shift_right_logical3A_68 = vector.broadcast %shift_right_logical3A_67 : i32 to vector<16xi32>
      %shift_right_logical3A_69 = arith.shrui %get3A_66, %shift_right_logical3A_68 : vector<16xi32>
      %get3A_70 = arith.index_cast %scan3A_7 : i32 to index
      %get3A_71 = arith.constant 64 : index
      %get3A_72 = tpu.vector_load %arg7[%get3A_70, %get3A_71] {strides = array<i32>} : memref<125x80xi32, #tpu.memory_space<vmem>>, vector<16xi32>,
      %gather3A_73 = tpu.vector_load_idx %arg8[%shift_right_logical3A_69] : memref<10000xf32, #tpu.memory_space<vmem>>[vector<16xi32>], vector<16xf32>,
      %gather3A_74 = tpu.vector_load_idx %arg9[%get3A_72] : memref<10000xf32, #tpu.memory_space<vmem>>[vector<16xi32>], vector<16xf32>,
      %add3A_75 = arith.addf %gather3A_73, %gather3A_74 : vector<16xf32>
      %swap3A_76 = arith.index_cast %scan3A_7 : i32 to index
      %swap3A_77 = arith.constant 64 : index
      %swap3A_78 = tpu.vector_load %arg10[%swap3A_76, %swap3A_77] {strides = array<i32>} : memref<125x80xf32, #tpu.memory_space<vmem>>, vector<16xf32>,
      tpu.vector_store %arg10[%swap3A_76, %swap3A_77], %add3A_75 {strides = array<i32>} : memref<125x80xf32, #tpu.memory_space<vmem>>, vector<16xf32>,
    }
    %scan3A_6 = arith.constant 125 : i32
    "tpu.region"() ({
      %run_scoped3A_7 = tpu.sem_alloc : memref<!tpu.dma_semaphore, #tpu.memory_space<semaphore_mem>>
      %dma_start3A = arith.constant 0 : i32
      %dma_start3A_8 = arith.constant 0 : i32
      %dma_start3A_9 = tpu.memref_slice %arg5[%add3A, %dma_start3A, %dma_start3A_8] : memref<32x125x80xf32, #tpu.memory_space<hbm>> -> memref<1x125x80xf32, #tpu.memory_space<hbm>>
      %dma_start3A_10 = tpu.memref_squeeze %dma_start3A_9 : memref<1x125x80xf32, #tpu.memory_space<hbm>> -> memref<125x80xf32, #tpu.memory_space<hbm>>
      %dma_start3A_11 = arith.constant 0 : i32
      %dma_start3A_12 = arith.constant 0 : i32
      %dma_start3A_13 = tpu.memref_slice %arg5[%add3A, %dma_start3A_11, %dma_start3A_12] : memref<32x125x80xf32, #tpu.memory_space<hbm>> -> memref<1x125x80xf32, #tpu.memory_space<hbm>>
      %dma_start3A_14 = tpu.memref_squeeze %dma_start3A_13 : memref<1x125x80xf32, #tpu.memory_space<hbm>> -> memref<125x80xf32, #tpu.memory_space<hbm>>
      tpu.enqueue_dma source(%arg10 : memref<125x80xf32, #tpu.memory_space<vmem>>) target(%dma_start3A_14 : memref<125x80xf32, #tpu.memory_space<hbm>>) target_semaphore(%run_scoped3A_7 : memref<!tpu.dma_semaphore, #tpu.memory_space<semaphore_mem>>)
      %dma_wait3A = arith.constant 0 : i32
      %dma_wait3A_15 = arith.constant 0 : i32
      %dma_wait3A_16 = tpu.memref_slice %arg5[%add3A, %dma_wait3A, %dma_wait3A_15] : memref<32x125x80xf32, #tpu.memory_space<hbm>> -> memref<1x125x80xf32, #tpu.memory_space<hbm>>
      %dma_wait3A_17 = tpu.memref_squeeze %dma_wait3A_16 : memref<1x125x80xf32, #tpu.memory_space<hbm>> -> memref<125x80xf32, #tpu.memory_space<hbm>>
      %dma_wait3A_18 = arith.constant 0 : i32
      %dma_wait3A_19 = arith.constant 0 : i32
      %dma_wait3A_20 = tpu.memref_slice %arg5[%add3A, %dma_wait3A_18, %dma_wait3A_19] : memref<32x125x80xf32, #tpu.memory_space<hbm>> -> memref<1x125x80xf32, #tpu.memory_space<hbm>>
      %dma_wait3A_21 = tpu.memref_squeeze %dma_wait3A_20 : memref<1x125x80xf32, #tpu.memory_space<hbm>> -> memref<125x80xf32, #tpu.memory_space<hbm>>
      tpu.wait_dma2 semaphore(%run_scoped3A_7 : memref<!tpu.dma_semaphore, #tpu.memory_space<semaphore_mem>>) src(%arg10 : memref<125x80xf32, #tpu.memory_space<vmem>>) dst(%dma_wait3A_21 : memref<125x80xf32, #tpu.memory_space<hbm>>)
      tpu.yield
    }) : () -> ()
    return
  }
}

#map = affine_map<(d0, d1) -> (0, 0, 0, 0)>
#map1 = affine_map<(d0, d1) -> (0, 0)>
#map2 = affine_map<(d0, d1) -> (0, 0, 0)>
module attributes {stable_mosaic.version = 14 : i64} {
  func.func @_sc_msgpass_body(%arg0: i32, %arg1: i32, %arg2: memref<2x32x125x80xi32, #tpu.memory_space<hbm>>, %arg3: memref<20000x64xf32, #tpu.memory_space<hbm>>, %arg4: memref<640x64xf32, #tpu.memory_space<hbm>>, %arg5: memref<2x10240x128xf32, #tpu.memory_space<hbm>>, %arg6: memref<125x80xi32, #tpu.memory_space<vmem>>, %arg7: memref<125x80xi32, #tpu.memory_space<vmem>>, %arg8: memref<80x64xf32, #tpu.memory_space<vmem>>, %arg9: memref<80x64xf32, #tpu.memory_space<vmem>>, %arg10: memref<80x64xf32, #tpu.memory_space<vmem>>, %arg11: memref<80x64xf32, #tpu.memory_space<vmem>>, %arg12: memref<80x64xf32, #tpu.memory_space<vmem>>, %arg13: memref<80x64xf32, #tpu.memory_space<vmem>>, %arg14: memref<80x64xf32, #tpu.memory_space<vmem>>, %arg15: memref<80x64xf32, #tpu.memory_space<vmem>>, %arg16: memref<10240x64xf32, #tpu.memory_space<vmem_shared>>, %arg17: memref<!tpu.dma_semaphore, #tpu.memory_space<semaphore_mem>>, %arg18: memref<!tpu.dma_semaphore, #tpu.memory_space<semaphore_mem>>, %arg19: memref<!tpu.dma_semaphore, #tpu.memory_space<semaphore_mem>>, %arg20: memref<!tpu.dma_semaphore, #tpu.memory_space<semaphore_mem>>, %arg21: memref<!tpu.dma_semaphore, #tpu.memory_space<semaphore_mem>>, %arg22: memref<!tpu.dma_semaphore, #tpu.memory_space<semaphore_mem>>, %arg23: memref<!tpu.dma_semaphore, #tpu.memory_space<semaphore_mem>>, %arg24: memref<!tpu.dma_semaphore, #tpu.memory_space<semaphore_mem>>, %arg25: memref<!tpu.dma_semaphore, #tpu.memory_space<semaphore_mem>>, %arg26: memref<!tpu.dma_semaphore, #tpu.memory_space<semaphore_mem>>, %arg27: memref<!tpu.dma_semaphore, #tpu.memory_space<semaphore_mem>>, %arg28: memref<!tpu.dma_semaphore, #tpu.memory_space<semaphore_mem>>, %arg29: memref<!tpu.dma_semaphore, #tpu.memory_space<semaphore_mem>>, %arg30: memref<!tpu.dma_semaphore, #tpu.memory_space<semaphore_mem>>, %arg31: memref<!tpu.dma_semaphore, #tpu.memory_space<semaphore_mem>>, %arg32: memref<!tpu.dma_semaphore, #tpu.memory_space<semaphore_mem>>) attributes {dimension_semantics = [#tpu.dimension_semantics<core_parallel>, #tpu.dimension_semantics<subcore_parallel>], iteration_bounds = array<i64: 2, 16>, scalar_prefetch = 0 : i64, scratch_operands = 27 : i64, tpu.core_type = #tpu.core_type<sc_vector_subcore>, window_params = [{transform_indices = #map}, {transform_indices = #map1}, {transform_indices = #map1}, {transform_indices = #map2}]} {
    %mul3A = arith.constant 2 : i32
    %mul3A_0 = arith.muli %arg1, %mul3A : i32
    %add3A = arith.addi %mul3A_0, %arg0 : i32
    %run_scoped3A = arith.constant 0 : i32
    "tpu.region"() ({
      %run_scoped3A_202 = tpu.sem_alloc : memref<!tpu.dma_semaphore, #tpu.memory_space<semaphore_mem>>
      %dma_start3A_203 = arith.constant 0 : i32
      %dma_start3A_204 = arith.constant 0 : i32
      %dma_start3A_205 = tpu.memref_slice %arg2[%run_scoped3A, %add3A, %dma_start3A_203, %dma_start3A_204] : memref<2x32x125x80xi32, #tpu.memory_space<hbm>> -> memref<1x1x125x80xi32, #tpu.memory_space<hbm>>
      %dma_start3A_206 = tpu.memref_squeeze %dma_start3A_205 : memref<1x1x125x80xi32, #tpu.memory_space<hbm>> -> memref<125x80xi32, #tpu.memory_space<hbm>>
      %dma_start3A_207 = arith.constant 0 : i32
      %dma_start3A_208 = arith.constant 0 : i32
      %dma_start3A_209 = tpu.memref_slice %arg2[%run_scoped3A, %add3A, %dma_start3A_207, %dma_start3A_208] : memref<2x32x125x80xi32, #tpu.memory_space<hbm>> -> memref<1x1x125x80xi32, #tpu.memory_space<hbm>>
      %dma_start3A_210 = tpu.memref_squeeze %dma_start3A_209 : memref<1x1x125x80xi32, #tpu.memory_space<hbm>> -> memref<125x80xi32, #tpu.memory_space<hbm>>
      tpu.enqueue_dma source(%dma_start3A_210 : memref<125x80xi32, #tpu.memory_space<hbm>>) target(%arg6 : memref<125x80xi32, #tpu.memory_space<vmem>>) target_semaphore(%run_scoped3A_202 : memref<!tpu.dma_semaphore, #tpu.memory_space<semaphore_mem>>)
      %dma_wait3A_211 = arith.constant 0 : i32
      %dma_wait3A_212 = arith.constant 0 : i32
      %dma_wait3A_213 = tpu.memref_slice %arg2[%run_scoped3A, %add3A, %dma_wait3A_211, %dma_wait3A_212] : memref<2x32x125x80xi32, #tpu.memory_space<hbm>> -> memref<1x1x125x80xi32, #tpu.memory_space<hbm>>
      %dma_wait3A_214 = tpu.memref_squeeze %dma_wait3A_213 : memref<1x1x125x80xi32, #tpu.memory_space<hbm>> -> memref<125x80xi32, #tpu.memory_space<hbm>>
      %dma_wait3A_215 = arith.constant 0 : i32
      %dma_wait3A_216 = arith.constant 0 : i32
      %dma_wait3A_217 = tpu.memref_slice %arg2[%run_scoped3A, %add3A, %dma_wait3A_215, %dma_wait3A_216] : memref<2x32x125x80xi32, #tpu.memory_space<hbm>> -> memref<1x1x125x80xi32, #tpu.memory_space<hbm>>
      %dma_wait3A_218 = tpu.memref_squeeze %dma_wait3A_217 : memref<1x1x125x80xi32, #tpu.memory_space<hbm>> -> memref<125x80xi32, #tpu.memory_space<hbm>>
      tpu.wait_dma2 semaphore(%run_scoped3A_202 : memref<!tpu.dma_semaphore, #tpu.memory_space<semaphore_mem>>) src(%dma_wait3A_218 : memref<125x80xi32, #tpu.memory_space<hbm>>) dst(%arg6 : memref<125x80xi32, #tpu.memory_space<vmem>>)
      tpu.yield
    }) : () -> ()
    %run_scoped3A_1 = arith.constant 1 : i32
    "tpu.region"() ({
      %run_scoped3A_202 = tpu.sem_alloc : memref<!tpu.dma_semaphore, #tpu.memory_space<semaphore_mem>>
      %dma_start3A_203 = arith.constant 0 : i32
      %dma_start3A_204 = arith.constant 0 : i32
      %dma_start3A_205 = tpu.memref_slice %arg2[%run_scoped3A_1, %add3A, %dma_start3A_203, %dma_start3A_204] : memref<2x32x125x80xi32, #tpu.memory_space<hbm>> -> memref<1x1x125x80xi32, #tpu.memory_space<hbm>>
      %dma_start3A_206 = tpu.memref_squeeze %dma_start3A_205 : memref<1x1x125x80xi32, #tpu.memory_space<hbm>> -> memref<125x80xi32, #tpu.memory_space<hbm>>
      %dma_start3A_207 = arith.constant 0 : i32
      %dma_start3A_208 = arith.constant 0 : i32
      %dma_start3A_209 = tpu.memref_slice %arg2[%run_scoped3A_1, %add3A, %dma_start3A_207, %dma_start3A_208] : memref<2x32x125x80xi32, #tpu.memory_space<hbm>> -> memref<1x1x125x80xi32, #tpu.memory_space<hbm>>
      %dma_start3A_210 = tpu.memref_squeeze %dma_start3A_209 : memref<1x1x125x80xi32, #tpu.memory_space<hbm>> -> memref<125x80xi32, #tpu.memory_space<hbm>>
      tpu.enqueue_dma source(%dma_start3A_210 : memref<125x80xi32, #tpu.memory_space<hbm>>) target(%arg7 : memref<125x80xi32, #tpu.memory_space<vmem>>) target_semaphore(%run_scoped3A_202 : memref<!tpu.dma_semaphore, #tpu.memory_space<semaphore_mem>>)
      %dma_wait3A_211 = arith.constant 0 : i32
      %dma_wait3A_212 = arith.constant 0 : i32
      %dma_wait3A_213 = tpu.memref_slice %arg2[%run_scoped3A_1, %add3A, %dma_wait3A_211, %dma_wait3A_212] : memref<2x32x125x80xi32, #tpu.memory_space<hbm>> -> memref<1x1x125x80xi32, #tpu.memory_space<hbm>>
      %dma_wait3A_214 = tpu.memref_squeeze %dma_wait3A_213 : memref<1x1x125x80xi32, #tpu.memory_space<hbm>> -> memref<125x80xi32, #tpu.memory_space<hbm>>
      %dma_wait3A_215 = arith.constant 0 : i32
      %dma_wait3A_216 = arith.constant 0 : i32
      %dma_wait3A_217 = tpu.memref_slice %arg2[%run_scoped3A_1, %add3A, %dma_wait3A_215, %dma_wait3A_216] : memref<2x32x125x80xi32, #tpu.memory_space<hbm>> -> memref<1x1x125x80xi32, #tpu.memory_space<hbm>>
      %dma_wait3A_218 = tpu.memref_squeeze %dma_wait3A_217 : memref<1x1x125x80xi32, #tpu.memory_space<hbm>> -> memref<125x80xi32, #tpu.memory_space<hbm>>
      tpu.wait_dma2 semaphore(%run_scoped3A_202 : memref<!tpu.dma_semaphore, #tpu.memory_space<semaphore_mem>>) src(%dma_wait3A_218 : memref<125x80xi32, #tpu.memory_space<hbm>>) dst(%arg7 : memref<125x80xi32, #tpu.memory_space<vmem>>)
      tpu.yield
    }) : () -> ()
    %mul3A_2 = arith.constant 640 : i32
    %mul3A_3 = arith.muli %arg1, %mul3A_2 : i32
    "tpu.region"() ({
      %run_scoped3A_202 = tpu.sem_alloc : memref<!tpu.dma_semaphore, #tpu.memory_space<semaphore_mem>>
      %dma_start3A_203 = arith.constant 0 : i32
      %dma_start3A_204 = tpu.memref_slice %arg16[%mul3A_3, %dma_start3A_203] : memref<10240x64xf32, #tpu.memory_space<vmem_shared>> -> memref<640x64xf32, #tpu.memory_space<vmem_shared>>
      tpu.enqueue_dma source(%arg4 : memref<640x64xf32, #tpu.memory_space<hbm>>) target(%dma_start3A_204 : memref<640x64xf32, #tpu.memory_space<vmem_shared>>) target_semaphore(%run_scoped3A_202 : memref<!tpu.dma_semaphore, #tpu.memory_space<semaphore_mem>>)
      %dma_wait3A_205 = arith.constant 0 : i32
      %dma_wait3A_206 = tpu.memref_slice %arg16[%mul3A_3, %dma_wait3A_205] : memref<10240x64xf32, #tpu.memory_space<vmem_shared>> -> memref<640x64xf32, #tpu.memory_space<vmem_shared>>
      tpu.wait_dma2 semaphore(%run_scoped3A_202 : memref<!tpu.dma_semaphore, #tpu.memory_space<semaphore_mem>>) src(%arg4 : memref<640x64xf32, #tpu.memory_space<hbm>>) dst(%dma_wait3A_206 : memref<640x64xf32, #tpu.memory_space<vmem_shared>>)
      tpu.yield
    }) : () -> ()
    %barrier3A = arith.constant 0 : index
    tpu.barrier barrier_id(%barrier3A)
    %dma_start3A = arith.constant 0 : i32
    %dma_start3A_4 = arith.constant 0 : i32
    %dma_start3A_5 = tpu.memref_slice %arg6[%dma_start3A, %dma_start3A_4] : memref<125x80xi32, #tpu.memory_space<vmem>> -> memref<1x80xi32, #tpu.memory_space<vmem>>
    %dma_start3A_6 = tpu.memref_squeeze %dma_start3A_5 : memref<1x80xi32, #tpu.memory_space<vmem>> -> memref<80xi32, #tpu.memory_space<vmem>>
    %dma_start3A_7 = arith.constant 0 : i32
    %dma_start3A_8 = arith.constant 0 : i32
    %dma_start3A_9 = tpu.memref_slice %arg3[%dma_start3A_7, %dma_start3A_8] : memref<20000x64xf32, #tpu.memory_space<hbm>> -> memref<20000x64xf32, #tpu.memory_space<hbm>>
    tpu.enqueue_indirect_dma source(%dma_start3A_9 : memref<20000x64xf32, #tpu.memory_space<hbm>>) target(%arg8 : memref<80x64xf32, #tpu.memory_space<vmem>>) offsets(%dma_start3A_6 : memref<80xi32, #tpu.memory_space<vmem>>) semaphore(%arg17 : memref<!tpu.dma_semaphore, #tpu.memory_space<semaphore_mem>>)
    %dma_start3A_10 = arith.constant 1 : i32
    %dma_start3A_11 = arith.constant 0 : i32
    %dma_start3A_12 = tpu.memref_slice %arg6[%dma_start3A_10, %dma_start3A_11] : memref<125x80xi32, #tpu.memory_space<vmem>> -> memref<1x80xi32, #tpu.memory_space<vmem>>
    %dma_start3A_13 = tpu.memref_squeeze %dma_start3A_12 : memref<1x80xi32, #tpu.memory_space<vmem>> -> memref<80xi32, #tpu.memory_space<vmem>>
    %dma_start3A_14 = arith.constant 0 : i32
    %dma_start3A_15 = arith.constant 0 : i32
    %dma_start3A_16 = tpu.memref_slice %arg3[%dma_start3A_14, %dma_start3A_15] : memref<20000x64xf32, #tpu.memory_space<hbm>> -> memref<20000x64xf32, #tpu.memory_space<hbm>>
    tpu.enqueue_indirect_dma source(%dma_start3A_16 : memref<20000x64xf32, #tpu.memory_space<hbm>>) target(%arg9 : memref<80x64xf32, #tpu.memory_space<vmem>>) offsets(%dma_start3A_13 : memref<80xi32, #tpu.memory_space<vmem>>) semaphore(%arg18 : memref<!tpu.dma_semaphore, #tpu.memory_space<semaphore_mem>>)
    %dma_start3A_17 = arith.constant 2 : i32
    %dma_start3A_18 = arith.constant 0 : i32
    %dma_start3A_19 = tpu.memref_slice %arg6[%dma_start3A_17, %dma_start3A_18] : memref<125x80xi32, #tpu.memory_space<vmem>> -> memref<1x80xi32, #tpu.memory_space<vmem>>
    %dma_start3A_20 = tpu.memref_squeeze %dma_start3A_19 : memref<1x80xi32, #tpu.memory_space<vmem>> -> memref<80xi32, #tpu.memory_space<vmem>>
    %dma_start3A_21 = arith.constant 0 : i32
    %dma_start3A_22 = arith.constant 0 : i32
    %dma_start3A_23 = tpu.memref_slice %arg3[%dma_start3A_21, %dma_start3A_22] : memref<20000x64xf32, #tpu.memory_space<hbm>> -> memref<20000x64xf32, #tpu.memory_space<hbm>>
    tpu.enqueue_indirect_dma source(%dma_start3A_23 : memref<20000x64xf32, #tpu.memory_space<hbm>>) target(%arg10 : memref<80x64xf32, #tpu.memory_space<vmem>>) offsets(%dma_start3A_20 : memref<80xi32, #tpu.memory_space<vmem>>) semaphore(%arg19 : memref<!tpu.dma_semaphore, #tpu.memory_space<semaphore_mem>>)
    %dma_start3A_24 = arith.constant 3 : i32
    %dma_start3A_25 = arith.constant 0 : i32
    %dma_start3A_26 = tpu.memref_slice %arg6[%dma_start3A_24, %dma_start3A_25] : memref<125x80xi32, #tpu.memory_space<vmem>> -> memref<1x80xi32, #tpu.memory_space<vmem>>
    %dma_start3A_27 = tpu.memref_squeeze %dma_start3A_26 : memref<1x80xi32, #tpu.memory_space<vmem>> -> memref<80xi32, #tpu.memory_space<vmem>>
    %dma_start3A_28 = arith.constant 0 : i32
    %dma_start3A_29 = arith.constant 0 : i32
    %dma_start3A_30 = tpu.memref_slice %arg3[%dma_start3A_28, %dma_start3A_29] : memref<20000x64xf32, #tpu.memory_space<hbm>> -> memref<20000x64xf32, #tpu.memory_space<hbm>>
    tpu.enqueue_indirect_dma source(%dma_start3A_30 : memref<20000x64xf32, #tpu.memory_space<hbm>>) target(%arg11 : memref<80x64xf32, #tpu.memory_space<vmem>>) offsets(%dma_start3A_27 : memref<80xi32, #tpu.memory_space<vmem>>) semaphore(%arg20 : memref<!tpu.dma_semaphore, #tpu.memory_space<semaphore_mem>>)
    %scan3A = arith.constant 0 : i32
    %scan3A_31 = arith.constant 0 : i32
    %scan3A_32 = arith.constant 16 : i32
    %scan3A_33 = arith.addi %scan3A_31, %scan3A_32 : i32
    %scan3A_34 = arith.constant 1 : i32
    scf.for %scan3A_202 = %scan3A_31 to %scan3A_33 step %scan3A_34  : i32 {
      %mul3A_203 = arith.constant 8 : i32
      %mul3A_204 = arith.muli %scan3A_202, %mul3A_203 : i32
      %add3A_205 = arith.constant 0 : i32
      %add3A_206 = arith.addi %mul3A_204, %add3A_205 : i32
      %lt3A = arith.constant 125 : i32
      %lt3A_207 = arith.cmpi slt, %add3A_206, %lt3A : i32
      %convert_element_type3A = arith.extui %lt3A_207 : i1 to i32
      %cond3A = arith.constant 0 : i32
      %cond3A_208 = arith.cmpi ne, %convert_element_type3A, %cond3A : i32
      scf.if %cond3A_208 {
        %dma_wait3A_328 = arith.constant 0 : i32
        %dma_wait3A_329 = arith.constant 0 : i32
        %dma_wait3A_330 = tpu.memref_slice %arg6[%dma_wait3A_328, %dma_wait3A_329] : memref<125x80xi32, #tpu.memory_space<vmem>> -> memref<1x80xi32, #tpu.memory_space<vmem>>
        %dma_wait3A_331 = tpu.memref_squeeze %dma_wait3A_330 : memref<1x80xi32, #tpu.memory_space<vmem>> -> memref<80xi32, #tpu.memory_space<vmem>>
        %dma_wait3A_332 = arith.constant 0 : i32
        %dma_wait3A_333 = arith.constant 0 : i32
        %dma_wait3A_334 = tpu.memref_slice %arg3[%dma_wait3A_332, %dma_wait3A_333] : memref<20000x64xf32, #tpu.memory_space<hbm>> -> memref<20000x64xf32, #tpu.memory_space<hbm>>
        tpu.wait_indirect_dma semaphore(%arg17 : memref<!tpu.dma_semaphore, #tpu.memory_space<semaphore_mem>>) src(%dma_wait3A_334 : memref<20000x64xf32, #tpu.memory_space<hbm>>) dst(%arg8 : memref<80x64xf32, #tpu.memory_space<vmem>>)
        %dma_start3A_335 = arith.constant 0 : i32
        %dma_start3A_336 = tpu.memref_slice %arg7[%add3A_206, %dma_start3A_335] : memref<125x80xi32, #tpu.memory_space<vmem>> -> memref<1x80xi32, #tpu.memory_space<vmem>>
        %dma_start3A_337 = tpu.memref_squeeze %dma_start3A_336 : memref<1x80xi32, #tpu.memory_space<vmem>> -> memref<80xi32, #tpu.memory_space<vmem>>
        %dma_start3A_338 = arith.constant 0 : i32
        %dma_start3A_339 = arith.constant 0 : i32
        %dma_start3A_340 = tpu.memref_slice %arg16[%dma_start3A_338, %dma_start3A_339] : memref<10240x64xf32, #tpu.memory_space<vmem_shared>> -> memref<10240x64xf32, #tpu.memory_space<vmem_shared>>
        tpu.enqueue_indirect_dma source(%arg8 : memref<80x64xf32, #tpu.memory_space<vmem>>) target(%dma_start3A_340 : memref<10240x64xf32, #tpu.memory_space<vmem_shared>>) offsets(%dma_start3A_337 : memref<80xi32, #tpu.memory_space<vmem>>) semaphore(%arg25 : memref<!tpu.dma_semaphore, #tpu.memory_space<semaphore_mem>>) {add = true}
      } else {
      }
      %add3A_209 = arith.constant 4 : i32
      %add3A_210 = arith.addi %add3A_206, %add3A_209 : i32
      %lt3A_211 = arith.constant 125 : i32
      %lt3A_212 = arith.cmpi slt, %add3A_210, %lt3A_211 : i32
      %convert_element_type3A_213 = arith.extui %lt3A_212 : i1 to i32
      %cond3A_214 = arith.constant 0 : i32
      %cond3A_215 = arith.cmpi ne, %convert_element_type3A_213, %cond3A_214 : i32
      scf.if %cond3A_215 {
        %ge3A = arith.constant 4 : i32
        %ge3A_328 = arith.cmpi sge, %add3A_206, %ge3A : i32
        %convert_element_type3A_329 = arith.extui %ge3A_328 : i1 to i32
        %cond3A_330 = arith.constant 0 : i32
        %cond3A_331 = arith.cmpi ne, %convert_element_type3A_329, %cond3A_330 : i32
        scf.if %cond3A_331 {
          %dma_wait3A_338 = arith.constant 0 : i32
          %dma_wait3A_339 = arith.constant 0 : i32
          %dma_wait3A_340 = tpu.memref_slice %arg7[%dma_wait3A_338, %dma_wait3A_339] : memref<125x80xi32, #tpu.memory_space<vmem>> -> memref<1x80xi32, #tpu.memory_space<vmem>>
          %dma_wait3A_341 = tpu.memref_squeeze %dma_wait3A_340 : memref<1x80xi32, #tpu.memory_space<vmem>> -> memref<80xi32, #tpu.memory_space<vmem>>
          %dma_wait3A_342 = arith.constant 0 : i32
          %dma_wait3A_343 = arith.constant 0 : i32
          %dma_wait3A_344 = tpu.memref_slice %arg16[%dma_wait3A_342, %dma_wait3A_343] : memref<10240x64xf32, #tpu.memory_space<vmem_shared>> -> memref<10240x64xf32, #tpu.memory_space<vmem_shared>>
          tpu.wait_indirect_dma semaphore(%arg29 : memref<!tpu.dma_semaphore, #tpu.memory_space<semaphore_mem>>) src(%arg12 : memref<80x64xf32, #tpu.memory_space<vmem>>) dst(%dma_wait3A_344 : memref<10240x64xf32, #tpu.memory_space<vmem_shared>>)
        } else {
        }
        %dma_start3A_332 = arith.constant 0 : i32
        %dma_start3A_333 = tpu.memref_slice %arg6[%add3A_210, %dma_start3A_332] : memref<125x80xi32, #tpu.memory_space<vmem>> -> memref<1x80xi32, #tpu.memory_space<vmem>>
        %dma_start3A_334 = tpu.memref_squeeze %dma_start3A_333 : memref<1x80xi32, #tpu.memory_space<vmem>> -> memref<80xi32, #tpu.memory_space<vmem>>
        %dma_start3A_335 = arith.constant 0 : i32
        %dma_start3A_336 = arith.constant 0 : i32
        %dma_start3A_337 = tpu.memref_slice %arg3[%dma_start3A_335, %dma_start3A_336] : memref<20000x64xf32, #tpu.memory_space<hbm>> -> memref<20000x64xf32, #tpu.memory_space<hbm>>
        tpu.enqueue_indirect_dma source(%dma_start3A_337 : memref<20000x64xf32, #tpu.memory_space<hbm>>) target(%arg12 : memref<80x64xf32, #tpu.memory_space<vmem>>) offsets(%dma_start3A_334 : memref<80xi32, #tpu.memory_space<vmem>>) semaphore(%arg21 : memref<!tpu.dma_semaphore, #tpu.memory_space<semaphore_mem>>)
      } else {
      }
      %mul3A_216 = arith.constant 8 : i32
      %mul3A_217 = arith.muli %scan3A_202, %mul3A_216 : i32
      %add3A_218 = arith.constant 1 : i32
      %add3A_219 = arith.addi %mul3A_217, %add3A_218 : i32
      %lt3A_220 = arith.constant 125 : i32
      %lt3A_221 = arith.cmpi slt, %add3A_219, %lt3A_220 : i32
      %convert_element_type3A_222 = arith.extui %lt3A_221 : i1 to i32
      %cond3A_223 = arith.constant 0 : i32
      %cond3A_224 = arith.cmpi ne, %convert_element_type3A_222, %cond3A_223 : i32
      scf.if %cond3A_224 {
        %dma_wait3A_328 = arith.constant 0 : i32
        %dma_wait3A_329 = arith.constant 0 : i32
        %dma_wait3A_330 = tpu.memref_slice %arg6[%dma_wait3A_328, %dma_wait3A_329] : memref<125x80xi32, #tpu.memory_space<vmem>> -> memref<1x80xi32, #tpu.memory_space<vmem>>
        %dma_wait3A_331 = tpu.memref_squeeze %dma_wait3A_330 : memref<1x80xi32, #tpu.memory_space<vmem>> -> memref<80xi32, #tpu.memory_space<vmem>>
        %dma_wait3A_332 = arith.constant 0 : i32
        %dma_wait3A_333 = arith.constant 0 : i32
        %dma_wait3A_334 = tpu.memref_slice %arg3[%dma_wait3A_332, %dma_wait3A_333] : memref<20000x64xf32, #tpu.memory_space<hbm>> -> memref<20000x64xf32, #tpu.memory_space<hbm>>
        tpu.wait_indirect_dma semaphore(%arg18 : memref<!tpu.dma_semaphore, #tpu.memory_space<semaphore_mem>>) src(%dma_wait3A_334 : memref<20000x64xf32, #tpu.memory_space<hbm>>) dst(%arg9 : memref<80x64xf32, #tpu.memory_space<vmem>>)
        %dma_start3A_335 = arith.constant 0 : i32
        %dma_start3A_336 = tpu.memref_slice %arg7[%add3A_219, %dma_start3A_335] : memref<125x80xi32, #tpu.memory_space<vmem>> -> memref<1x80xi32, #tpu.memory_space<vmem>>
        %dma_start3A_337 = tpu.memref_squeeze %dma_start3A_336 : memref<1x80xi32, #tpu.memory_space<vmem>> -> memref<80xi32, #tpu.memory_space<vmem>>
        %dma_start3A_338 = arith.constant 0 : i32
        %dma_start3A_339 = arith.constant 0 : i32
        %dma_start3A_340 = tpu.memref_slice %arg16[%dma_start3A_338, %dma_start3A_339] : memref<10240x64xf32, #tpu.memory_space<vmem_shared>> -> memref<10240x64xf32, #tpu.memory_space<vmem_shared>>
        tpu.enqueue_indirect_dma source(%arg9 : memref<80x64xf32, #tpu.memory_space<vmem>>) target(%dma_start3A_340 : memref<10240x64xf32, #tpu.memory_space<vmem_shared>>) offsets(%dma_start3A_337 : memref<80xi32, #tpu.memory_space<vmem>>) semaphore(%arg26 : memref<!tpu.dma_semaphore, #tpu.memory_space<semaphore_mem>>) {add = true}
      } else {
      }
      %add3A_225 = arith.constant 4 : i32
      %add3A_226 = arith.addi %add3A_219, %add3A_225 : i32
      %lt3A_227 = arith.constant 125 : i32
      %lt3A_228 = arith.cmpi slt, %add3A_226, %lt3A_227 : i32
      %convert_element_type3A_229 = arith.extui %lt3A_228 : i1 to i32
      %cond3A_230 = arith.constant 0 : i32
      %cond3A_231 = arith.cmpi ne, %convert_element_type3A_229, %cond3A_230 : i32
      scf.if %cond3A_231 {
        %ge3A = arith.constant 4 : i32
        %ge3A_328 = arith.cmpi sge, %add3A_219, %ge3A : i32
        %convert_element_type3A_329 = arith.extui %ge3A_328 : i1 to i32
        %cond3A_330 = arith.constant 0 : i32
        %cond3A_331 = arith.cmpi ne, %convert_element_type3A_329, %cond3A_330 : i32
        scf.if %cond3A_331 {
          %dma_wait3A_338 = arith.constant 0 : i32
          %dma_wait3A_339 = arith.constant 0 : i32
          %dma_wait3A_340 = tpu.memref_slice %arg7[%dma_wait3A_338, %dma_wait3A_339] : memref<125x80xi32, #tpu.memory_space<vmem>> -> memref<1x80xi32, #tpu.memory_space<vmem>>
          %dma_wait3A_341 = tpu.memref_squeeze %dma_wait3A_340 : memref<1x80xi32, #tpu.memory_space<vmem>> -> memref<80xi32, #tpu.memory_space<vmem>>
          %dma_wait3A_342 = arith.constant 0 : i32
          %dma_wait3A_343 = arith.constant 0 : i32
          %dma_wait3A_344 = tpu.memref_slice %arg16[%dma_wait3A_342, %dma_wait3A_343] : memref<10240x64xf32, #tpu.memory_space<vmem_shared>> -> memref<10240x64xf32, #tpu.memory_space<vmem_shared>>
          tpu.wait_indirect_dma semaphore(%arg30 : memref<!tpu.dma_semaphore, #tpu.memory_space<semaphore_mem>>) src(%arg13 : memref<80x64xf32, #tpu.memory_space<vmem>>) dst(%dma_wait3A_344 : memref<10240x64xf32, #tpu.memory_space<vmem_shared>>)
        } else {
        }
        %dma_start3A_332 = arith.constant 0 : i32
        %dma_start3A_333 = tpu.memref_slice %arg6[%add3A_226, %dma_start3A_332] : memref<125x80xi32, #tpu.memory_space<vmem>> -> memref<1x80xi32, #tpu.memory_space<vmem>>
        %dma_start3A_334 = tpu.memref_squeeze %dma_start3A_333 : memref<1x80xi32, #tpu.memory_space<vmem>> -> memref<80xi32, #tpu.memory_space<vmem>>
        %dma_start3A_335 = arith.constant 0 : i32
        %dma_start3A_336 = arith.constant 0 : i32
        %dma_start3A_337 = tpu.memref_slice %arg3[%dma_start3A_335, %dma_start3A_336] : memref<20000x64xf32, #tpu.memory_space<hbm>> -> memref<20000x64xf32, #tpu.memory_space<hbm>>
        tpu.enqueue_indirect_dma source(%dma_start3A_337 : memref<20000x64xf32, #tpu.memory_space<hbm>>) target(%arg13 : memref<80x64xf32, #tpu.memory_space<vmem>>) offsets(%dma_start3A_334 : memref<80xi32, #tpu.memory_space<vmem>>) semaphore(%arg22 : memref<!tpu.dma_semaphore, #tpu.memory_space<semaphore_mem>>)
      } else {
      }
      %mul3A_232 = arith.constant 8 : i32
      %mul3A_233 = arith.muli %scan3A_202, %mul3A_232 : i32
      %add3A_234 = arith.constant 2 : i32
      %add3A_235 = arith.addi %mul3A_233, %add3A_234 : i32
      %lt3A_236 = arith.constant 125 : i32
      %lt3A_237 = arith.cmpi slt, %add3A_235, %lt3A_236 : i32
      %convert_element_type3A_238 = arith.extui %lt3A_237 : i1 to i32
      %cond3A_239 = arith.constant 0 : i32
      %cond3A_240 = arith.cmpi ne, %convert_element_type3A_238, %cond3A_239 : i32
      scf.if %cond3A_240 {
        %dma_wait3A_328 = arith.constant 0 : i32
        %dma_wait3A_329 = arith.constant 0 : i32
        %dma_wait3A_330 = tpu.memref_slice %arg6[%dma_wait3A_328, %dma_wait3A_329] : memref<125x80xi32, #tpu.memory_space<vmem>> -> memref<1x80xi32, #tpu.memory_space<vmem>>
        %dma_wait3A_331 = tpu.memref_squeeze %dma_wait3A_330 : memref<1x80xi32, #tpu.memory_space<vmem>> -> memref<80xi32, #tpu.memory_space<vmem>>
        %dma_wait3A_332 = arith.constant 0 : i32
        %dma_wait3A_333 = arith.constant 0 : i32
        %dma_wait3A_334 = tpu.memref_slice %arg3[%dma_wait3A_332, %dma_wait3A_333] : memref<20000x64xf32, #tpu.memory_space<hbm>> -> memref<20000x64xf32, #tpu.memory_space<hbm>>
        tpu.wait_indirect_dma semaphore(%arg19 : memref<!tpu.dma_semaphore, #tpu.memory_space<semaphore_mem>>) src(%dma_wait3A_334 : memref<20000x64xf32, #tpu.memory_space<hbm>>) dst(%arg10 : memref<80x64xf32, #tpu.memory_space<vmem>>)
        %dma_start3A_335 = arith.constant 0 : i32
        %dma_start3A_336 = tpu.memref_slice %arg7[%add3A_235, %dma_start3A_335] : memref<125x80xi32, #tpu.memory_space<vmem>> -> memref<1x80xi32, #tpu.memory_space<vmem>>
        %dma_start3A_337 = tpu.memref_squeeze %dma_start3A_336 : memref<1x80xi32, #tpu.memory_space<vmem>> -> memref<80xi32, #tpu.memory_space<vmem>>
        %dma_start3A_338 = arith.constant 0 : i32
        %dma_start3A_339 = arith.constant 0 : i32
        %dma_start3A_340 = tpu.memref_slice %arg16[%dma_start3A_338, %dma_start3A_339] : memref<10240x64xf32, #tpu.memory_space<vmem_shared>> -> memref<10240x64xf32, #tpu.memory_space<vmem_shared>>
        tpu.enqueue_indirect_dma source(%arg10 : memref<80x64xf32, #tpu.memory_space<vmem>>) target(%dma_start3A_340 : memref<10240x64xf32, #tpu.memory_space<vmem_shared>>) offsets(%dma_start3A_337 : memref<80xi32, #tpu.memory_space<vmem>>) semaphore(%arg27 : memref<!tpu.dma_semaphore, #tpu.memory_space<semaphore_mem>>) {add = true}
      } else {
      }
      %add3A_241 = arith.constant 4 : i32
      %add3A_242 = arith.addi %add3A_235, %add3A_241 : i32
      %lt3A_243 = arith.constant 125 : i32
      %lt3A_244 = arith.cmpi slt, %add3A_242, %lt3A_243 : i32
      %convert_element_type3A_245 = arith.extui %lt3A_244 : i1 to i32
      %cond3A_246 = arith.constant 0 : i32
      %cond3A_247 = arith.cmpi ne, %convert_element_type3A_245, %cond3A_246 : i32
      scf.if %cond3A_247 {
        %ge3A = arith.constant 4 : i32
        %ge3A_328 = arith.cmpi sge, %add3A_235, %ge3A : i32
        %convert_element_type3A_329 = arith.extui %ge3A_328 : i1 to i32
        %cond3A_330 = arith.constant 0 : i32
        %cond3A_331 = arith.cmpi ne, %convert_element_type3A_329, %cond3A_330 : i32
        scf.if %cond3A_331 {
          %dma_wait3A_338 = arith.constant 0 : i32
          %dma_wait3A_339 = arith.constant 0 : i32
          %dma_wait3A_340 = tpu.memref_slice %arg7[%dma_wait3A_338, %dma_wait3A_339] : memref<125x80xi32, #tpu.memory_space<vmem>> -> memref<1x80xi32, #tpu.memory_space<vmem>>
          %dma_wait3A_341 = tpu.memref_squeeze %dma_wait3A_340 : memref<1x80xi32, #tpu.memory_space<vmem>> -> memref<80xi32, #tpu.memory_space<vmem>>
          %dma_wait3A_342 = arith.constant 0 : i32
          %dma_wait3A_343 = arith.constant 0 : i32
          %dma_wait3A_344 = tpu.memref_slice %arg16[%dma_wait3A_342, %dma_wait3A_343] : memref<10240x64xf32, #tpu.memory_space<vmem_shared>> -> memref<10240x64xf32, #tpu.memory_space<vmem_shared>>
          tpu.wait_indirect_dma semaphore(%arg31 : memref<!tpu.dma_semaphore, #tpu.memory_space<semaphore_mem>>) src(%arg14 : memref<80x64xf32, #tpu.memory_space<vmem>>) dst(%dma_wait3A_344 : memref<10240x64xf32, #tpu.memory_space<vmem_shared>>)
        } else {
        }
        %dma_start3A_332 = arith.constant 0 : i32
        %dma_start3A_333 = tpu.memref_slice %arg6[%add3A_242, %dma_start3A_332] : memref<125x80xi32, #tpu.memory_space<vmem>> -> memref<1x80xi32, #tpu.memory_space<vmem>>
        %dma_start3A_334 = tpu.memref_squeeze %dma_start3A_333 : memref<1x80xi32, #tpu.memory_space<vmem>> -> memref<80xi32, #tpu.memory_space<vmem>>
        %dma_start3A_335 = arith.constant 0 : i32
        %dma_start3A_336 = arith.constant 0 : i32
        %dma_start3A_337 = tpu.memref_slice %arg3[%dma_start3A_335, %dma_start3A_336] : memref<20000x64xf32, #tpu.memory_space<hbm>> -> memref<20000x64xf32, #tpu.memory_space<hbm>>
        tpu.enqueue_indirect_dma source(%dma_start3A_337 : memref<20000x64xf32, #tpu.memory_space<hbm>>) target(%arg14 : memref<80x64xf32, #tpu.memory_space<vmem>>) offsets(%dma_start3A_334 : memref<80xi32, #tpu.memory_space<vmem>>) semaphore(%arg23 : memref<!tpu.dma_semaphore, #tpu.memory_space<semaphore_mem>>)
      } else {
      }
      %mul3A_248 = arith.constant 8 : i32
      %mul3A_249 = arith.muli %scan3A_202, %mul3A_248 : i32
      %add3A_250 = arith.constant 3 : i32
      %add3A_251 = arith.addi %mul3A_249, %add3A_250 : i32
      %lt3A_252 = arith.constant 125 : i32
      %lt3A_253 = arith.cmpi slt, %add3A_251, %lt3A_252 : i32
      %convert_element_type3A_254 = arith.extui %lt3A_253 : i1 to i32
      %cond3A_255 = arith.constant 0 : i32
      %cond3A_256 = arith.cmpi ne, %convert_element_type3A_254, %cond3A_255 : i32
      scf.if %cond3A_256 {
        %dma_wait3A_328 = arith.constant 0 : i32
        %dma_wait3A_329 = arith.constant 0 : i32
        %dma_wait3A_330 = tpu.memref_slice %arg6[%dma_wait3A_328, %dma_wait3A_329] : memref<125x80xi32, #tpu.memory_space<vmem>> -> memref<1x80xi32, #tpu.memory_space<vmem>>
        %dma_wait3A_331 = tpu.memref_squeeze %dma_wait3A_330 : memref<1x80xi32, #tpu.memory_space<vmem>> -> memref<80xi32, #tpu.memory_space<vmem>>
        %dma_wait3A_332 = arith.constant 0 : i32
        %dma_wait3A_333 = arith.constant 0 : i32
        %dma_wait3A_334 = tpu.memref_slice %arg3[%dma_wait3A_332, %dma_wait3A_333] : memref<20000x64xf32, #tpu.memory_space<hbm>> -> memref<20000x64xf32, #tpu.memory_space<hbm>>
        tpu.wait_indirect_dma semaphore(%arg20 : memref<!tpu.dma_semaphore, #tpu.memory_space<semaphore_mem>>) src(%dma_wait3A_334 : memref<20000x64xf32, #tpu.memory_space<hbm>>) dst(%arg11 : memref<80x64xf32, #tpu.memory_space<vmem>>)
        %dma_start3A_335 = arith.constant 0 : i32
        %dma_start3A_336 = tpu.memref_slice %arg7[%add3A_251, %dma_start3A_335] : memref<125x80xi32, #tpu.memory_space<vmem>> -> memref<1x80xi32, #tpu.memory_space<vmem>>
        %dma_start3A_337 = tpu.memref_squeeze %dma_start3A_336 : memref<1x80xi32, #tpu.memory_space<vmem>> -> memref<80xi32, #tpu.memory_space<vmem>>
        %dma_start3A_338 = arith.constant 0 : i32
        %dma_start3A_339 = arith.constant 0 : i32
        %dma_start3A_340 = tpu.memref_slice %arg16[%dma_start3A_338, %dma_start3A_339] : memref<10240x64xf32, #tpu.memory_space<vmem_shared>> -> memref<10240x64xf32, #tpu.memory_space<vmem_shared>>
        tpu.enqueue_indirect_dma source(%arg11 : memref<80x64xf32, #tpu.memory_space<vmem>>) target(%dma_start3A_340 : memref<10240x64xf32, #tpu.memory_space<vmem_shared>>) offsets(%dma_start3A_337 : memref<80xi32, #tpu.memory_space<vmem>>) semaphore(%arg28 : memref<!tpu.dma_semaphore, #tpu.memory_space<semaphore_mem>>) {add = true}
      } else {
      }
      %add3A_257 = arith.constant 4 : i32
      %add3A_258 = arith.addi %add3A_251, %add3A_257 : i32
      %lt3A_259 = arith.constant 125 : i32
      %lt3A_260 = arith.cmpi slt, %add3A_258, %lt3A_259 : i32
      %convert_element_type3A_261 = arith.extui %lt3A_260 : i1 to i32
      %cond3A_262 = arith.constant 0 : i32
      %cond3A_263 = arith.cmpi ne, %convert_element_type3A_261, %cond3A_262 : i32
      scf.if %cond3A_263 {
        %ge3A = arith.constant 4 : i32
        %ge3A_328 = arith.cmpi sge, %add3A_251, %ge3A : i32
        %convert_element_type3A_329 = arith.extui %ge3A_328 : i1 to i32
        %cond3A_330 = arith.constant 0 : i32
        %cond3A_331 = arith.cmpi ne, %convert_element_type3A_329, %cond3A_330 : i32
        scf.if %cond3A_331 {
          %dma_wait3A_338 = arith.constant 0 : i32
          %dma_wait3A_339 = arith.constant 0 : i32
          %dma_wait3A_340 = tpu.memref_slice %arg7[%dma_wait3A_338, %dma_wait3A_339] : memref<125x80xi32, #tpu.memory_space<vmem>> -> memref<1x80xi32, #tpu.memory_space<vmem>>
          %dma_wait3A_341 = tpu.memref_squeeze %dma_wait3A_340 : memref<1x80xi32, #tpu.memory_space<vmem>> -> memref<80xi32, #tpu.memory_space<vmem>>
          %dma_wait3A_342 = arith.constant 0 : i32
          %dma_wait3A_343 = arith.constant 0 : i32
          %dma_wait3A_344 = tpu.memref_slice %arg16[%dma_wait3A_342, %dma_wait3A_343] : memref<10240x64xf32, #tpu.memory_space<vmem_shared>> -> memref<10240x64xf32, #tpu.memory_space<vmem_shared>>
          tpu.wait_indirect_dma semaphore(%arg32 : memref<!tpu.dma_semaphore, #tpu.memory_space<semaphore_mem>>) src(%arg15 : memref<80x64xf32, #tpu.memory_space<vmem>>) dst(%dma_wait3A_344 : memref<10240x64xf32, #tpu.memory_space<vmem_shared>>)
        } else {
        }
        %dma_start3A_332 = arith.constant 0 : i32
        %dma_start3A_333 = tpu.memref_slice %arg6[%add3A_258, %dma_start3A_332] : memref<125x80xi32, #tpu.memory_space<vmem>> -> memref<1x80xi32, #tpu.memory_space<vmem>>
        %dma_start3A_334 = tpu.memref_squeeze %dma_start3A_333 : memref<1x80xi32, #tpu.memory_space<vmem>> -> memref<80xi32, #tpu.memory_space<vmem>>
        %dma_start3A_335 = arith.constant 0 : i32
        %dma_start3A_336 = arith.constant 0 : i32
        %dma_start3A_337 = tpu.memref_slice %arg3[%dma_start3A_335, %dma_start3A_336] : memref<20000x64xf32, #tpu.memory_space<hbm>> -> memref<20000x64xf32, #tpu.memory_space<hbm>>
        tpu.enqueue_indirect_dma source(%dma_start3A_337 : memref<20000x64xf32, #tpu.memory_space<hbm>>) target(%arg15 : memref<80x64xf32, #tpu.memory_space<vmem>>) offsets(%dma_start3A_334 : memref<80xi32, #tpu.memory_space<vmem>>) semaphore(%arg24 : memref<!tpu.dma_semaphore, #tpu.memory_space<semaphore_mem>>)
      } else {
      }
      %mul3A_264 = arith.constant 8 : i32
      %mul3A_265 = arith.muli %scan3A_202, %mul3A_264 : i32
      %add3A_266 = arith.constant 4 : i32
      %add3A_267 = arith.addi %mul3A_265, %add3A_266 : i32
      %lt3A_268 = arith.constant 125 : i32
      %lt3A_269 = arith.cmpi slt, %add3A_267, %lt3A_268 : i32
      %convert_element_type3A_270 = arith.extui %lt3A_269 : i1 to i32
      %cond3A_271 = arith.constant 0 : i32
      %cond3A_272 = arith.cmpi ne, %convert_element_type3A_270, %cond3A_271 : i32
      scf.if %cond3A_272 {
        %dma_wait3A_328 = arith.constant 0 : i32
        %dma_wait3A_329 = arith.constant 0 : i32
        %dma_wait3A_330 = tpu.memref_slice %arg6[%dma_wait3A_328, %dma_wait3A_329] : memref<125x80xi32, #tpu.memory_space<vmem>> -> memref<1x80xi32, #tpu.memory_space<vmem>>
        %dma_wait3A_331 = tpu.memref_squeeze %dma_wait3A_330 : memref<1x80xi32, #tpu.memory_space<vmem>> -> memref<80xi32, #tpu.memory_space<vmem>>
        %dma_wait3A_332 = arith.constant 0 : i32
        %dma_wait3A_333 = arith.constant 0 : i32
        %dma_wait3A_334 = tpu.memref_slice %arg3[%dma_wait3A_332, %dma_wait3A_333] : memref<20000x64xf32, #tpu.memory_space<hbm>> -> memref<20000x64xf32, #tpu.memory_space<hbm>>
        tpu.wait_indirect_dma semaphore(%arg21 : memref<!tpu.dma_semaphore, #tpu.memory_space<semaphore_mem>>) src(%dma_wait3A_334 : memref<20000x64xf32, #tpu.memory_space<hbm>>) dst(%arg12 : memref<80x64xf32, #tpu.memory_space<vmem>>)
        %dma_start3A_335 = arith.constant 0 : i32
        %dma_start3A_336 = tpu.memref_slice %arg7[%add3A_267, %dma_start3A_335] : memref<125x80xi32, #tpu.memory_space<vmem>> -> memref<1x80xi32, #tpu.memory_space<vmem>>
        %dma_start3A_337 = tpu.memref_squeeze %dma_start3A_336 : memref<1x80xi32, #tpu.memory_space<vmem>> -> memref<80xi32, #tpu.memory_space<vmem>>
        %dma_start3A_338 = arith.constant 0 : i32
        %dma_start3A_339 = arith.constant 0 : i32
        %dma_start3A_340 = tpu.memref_slice %arg16[%dma_start3A_338, %dma_start3A_339] : memref<10240x64xf32, #tpu.memory_space<vmem_shared>> -> memref<10240x64xf32, #tpu.memory_space<vmem_shared>>
        tpu.enqueue_indirect_dma source(%arg12 : memref<80x64xf32, #tpu.memory_space<vmem>>) target(%dma_start3A_340 : memref<10240x64xf32, #tpu.memory_space<vmem_shared>>) offsets(%dma_start3A_337 : memref<80xi32, #tpu.memory_space<vmem>>) semaphore(%arg29 : memref<!tpu.dma_semaphore, #tpu.memory_space<semaphore_mem>>) {add = true}
      } else {
      }
      %add3A_273 = arith.constant 4 : i32
      %add3A_274 = arith.addi %add3A_267, %add3A_273 : i32
      %lt3A_275 = arith.constant 125 : i32
      %lt3A_276 = arith.cmpi slt, %add3A_274, %lt3A_275 : i32
      %convert_element_type3A_277 = arith.extui %lt3A_276 : i1 to i32
      %cond3A_278 = arith.constant 0 : i32
      %cond3A_279 = arith.cmpi ne, %convert_element_type3A_277, %cond3A_278 : i32
      scf.if %cond3A_279 {
        %ge3A = arith.constant 4 : i32
        %ge3A_328 = arith.cmpi sge, %add3A_267, %ge3A : i32
        %convert_element_type3A_329 = arith.extui %ge3A_328 : i1 to i32
        %cond3A_330 = arith.constant 0 : i32
        %cond3A_331 = arith.cmpi ne, %convert_element_type3A_329, %cond3A_330 : i32
        scf.if %cond3A_331 {
          %dma_wait3A_338 = arith.constant 0 : i32
          %dma_wait3A_339 = arith.constant 0 : i32
          %dma_wait3A_340 = tpu.memref_slice %arg7[%dma_wait3A_338, %dma_wait3A_339] : memref<125x80xi32, #tpu.memory_space<vmem>> -> memref<1x80xi32, #tpu.memory_space<vmem>>
          %dma_wait3A_341 = tpu.memref_squeeze %dma_wait3A_340 : memref<1x80xi32, #tpu.memory_space<vmem>> -> memref<80xi32, #tpu.memory_space<vmem>>
          %dma_wait3A_342 = arith.constant 0 : i32
          %dma_wait3A_343 = arith.constant 0 : i32
          %dma_wait3A_344 = tpu.memref_slice %arg16[%dma_wait3A_342, %dma_wait3A_343] : memref<10240x64xf32, #tpu.memory_space<vmem_shared>> -> memref<10240x64xf32, #tpu.memory_space<vmem_shared>>
          tpu.wait_indirect_dma semaphore(%arg25 : memref<!tpu.dma_semaphore, #tpu.memory_space<semaphore_mem>>) src(%arg8 : memref<80x64xf32, #tpu.memory_space<vmem>>) dst(%dma_wait3A_344 : memref<10240x64xf32, #tpu.memory_space<vmem_shared>>)
        } else {
        }
        %dma_start3A_332 = arith.constant 0 : i32
        %dma_start3A_333 = tpu.memref_slice %arg6[%add3A_274, %dma_start3A_332] : memref<125x80xi32, #tpu.memory_space<vmem>> -> memref<1x80xi32, #tpu.memory_space<vmem>>
        %dma_start3A_334 = tpu.memref_squeeze %dma_start3A_333 : memref<1x80xi32, #tpu.memory_space<vmem>> -> memref<80xi32, #tpu.memory_space<vmem>>
        %dma_start3A_335 = arith.constant 0 : i32
        %dma_start3A_336 = arith.constant 0 : i32
        %dma_start3A_337 = tpu.memref_slice %arg3[%dma_start3A_335, %dma_start3A_336] : memref<20000x64xf32, #tpu.memory_space<hbm>> -> memref<20000x64xf32, #tpu.memory_space<hbm>>
        tpu.enqueue_indirect_dma source(%dma_start3A_337 : memref<20000x64xf32, #tpu.memory_space<hbm>>) target(%arg8 : memref<80x64xf32, #tpu.memory_space<vmem>>) offsets(%dma_start3A_334 : memref<80xi32, #tpu.memory_space<vmem>>) semaphore(%arg17 : memref<!tpu.dma_semaphore, #tpu.memory_space<semaphore_mem>>)
      } else {
      }
      %mul3A_280 = arith.constant 8 : i32
      %mul3A_281 = arith.muli %scan3A_202, %mul3A_280 : i32
      %add3A_282 = arith.constant 5 : i32
      %add3A_283 = arith.addi %mul3A_281, %add3A_282 : i32
      %lt3A_284 = arith.constant 125 : i32
      %lt3A_285 = arith.cmpi slt, %add3A_283, %lt3A_284 : i32
      %convert_element_type3A_286 = arith.extui %lt3A_285 : i1 to i32
      %cond3A_287 = arith.constant 0 : i32
      %cond3A_288 = arith.cmpi ne, %convert_element_type3A_286, %cond3A_287 : i32
      scf.if %cond3A_288 {
        %dma_wait3A_328 = arith.constant 0 : i32
        %dma_wait3A_329 = arith.constant 0 : i32
        %dma_wait3A_330 = tpu.memref_slice %arg6[%dma_wait3A_328, %dma_wait3A_329] : memref<125x80xi32, #tpu.memory_space<vmem>> -> memref<1x80xi32, #tpu.memory_space<vmem>>
        %dma_wait3A_331 = tpu.memref_squeeze %dma_wait3A_330 : memref<1x80xi32, #tpu.memory_space<vmem>> -> memref<80xi32, #tpu.memory_space<vmem>>
        %dma_wait3A_332 = arith.constant 0 : i32
        %dma_wait3A_333 = arith.constant 0 : i32
        %dma_wait3A_334 = tpu.memref_slice %arg3[%dma_wait3A_332, %dma_wait3A_333] : memref<20000x64xf32, #tpu.memory_space<hbm>> -> memref<20000x64xf32, #tpu.memory_space<hbm>>
        tpu.wait_indirect_dma semaphore(%arg22 : memref<!tpu.dma_semaphore, #tpu.memory_space<semaphore_mem>>) src(%dma_wait3A_334 : memref<20000x64xf32, #tpu.memory_space<hbm>>) dst(%arg13 : memref<80x64xf32, #tpu.memory_space<vmem>>)
        %dma_start3A_335 = arith.constant 0 : i32
        %dma_start3A_336 = tpu.memref_slice %arg7[%add3A_283, %dma_start3A_335] : memref<125x80xi32, #tpu.memory_space<vmem>> -> memref<1x80xi32, #tpu.memory_space<vmem>>
        %dma_start3A_337 = tpu.memref_squeeze %dma_start3A_336 : memref<1x80xi32, #tpu.memory_space<vmem>> -> memref<80xi32, #tpu.memory_space<vmem>>
        %dma_start3A_338 = arith.constant 0 : i32
        %dma_start3A_339 = arith.constant 0 : i32
        %dma_start3A_340 = tpu.memref_slice %arg16[%dma_start3A_338, %dma_start3A_339] : memref<10240x64xf32, #tpu.memory_space<vmem_shared>> -> memref<10240x64xf32, #tpu.memory_space<vmem_shared>>
        tpu.enqueue_indirect_dma source(%arg13 : memref<80x64xf32, #tpu.memory_space<vmem>>) target(%dma_start3A_340 : memref<10240x64xf32, #tpu.memory_space<vmem_shared>>) offsets(%dma_start3A_337 : memref<80xi32, #tpu.memory_space<vmem>>) semaphore(%arg30 : memref<!tpu.dma_semaphore, #tpu.memory_space<semaphore_mem>>) {add = true}
      } else {
      }
      %add3A_289 = arith.constant 4 : i32
      %add3A_290 = arith.addi %add3A_283, %add3A_289 : i32
      %lt3A_291 = arith.constant 125 : i32
      %lt3A_292 = arith.cmpi slt, %add3A_290, %lt3A_291 : i32
      %convert_element_type3A_293 = arith.extui %lt3A_292 : i1 to i32
      %cond3A_294 = arith.constant 0 : i32
      %cond3A_295 = arith.cmpi ne, %convert_element_type3A_293, %cond3A_294 : i32
      scf.if %cond3A_295 {
        %ge3A = arith.constant 4 : i32
        %ge3A_328 = arith.cmpi sge, %add3A_283, %ge3A : i32
        %convert_element_type3A_329 = arith.extui %ge3A_328 : i1 to i32
        %cond3A_330 = arith.constant 0 : i32
        %cond3A_331 = arith.cmpi ne, %convert_element_type3A_329, %cond3A_330 : i32
        scf.if %cond3A_331 {
          %dma_wait3A_338 = arith.constant 0 : i32
          %dma_wait3A_339 = arith.constant 0 : i32
          %dma_wait3A_340 = tpu.memref_slice %arg7[%dma_wait3A_338, %dma_wait3A_339] : memref<125x80xi32, #tpu.memory_space<vmem>> -> memref<1x80xi32, #tpu.memory_space<vmem>>
          %dma_wait3A_341 = tpu.memref_squeeze %dma_wait3A_340 : memref<1x80xi32, #tpu.memory_space<vmem>> -> memref<80xi32, #tpu.memory_space<vmem>>
          %dma_wait3A_342 = arith.constant 0 : i32
          %dma_wait3A_343 = arith.constant 0 : i32
          %dma_wait3A_344 = tpu.memref_slice %arg16[%dma_wait3A_342, %dma_wait3A_343] : memref<10240x64xf32, #tpu.memory_space<vmem_shared>> -> memref<10240x64xf32, #tpu.memory_space<vmem_shared>>
          tpu.wait_indirect_dma semaphore(%arg26 : memref<!tpu.dma_semaphore, #tpu.memory_space<semaphore_mem>>) src(%arg9 : memref<80x64xf32, #tpu.memory_space<vmem>>) dst(%dma_wait3A_344 : memref<10240x64xf32, #tpu.memory_space<vmem_shared>>)
        } else {
        }
        %dma_start3A_332 = arith.constant 0 : i32
        %dma_start3A_333 = tpu.memref_slice %arg6[%add3A_290, %dma_start3A_332] : memref<125x80xi32, #tpu.memory_space<vmem>> -> memref<1x80xi32, #tpu.memory_space<vmem>>
        %dma_start3A_334 = tpu.memref_squeeze %dma_start3A_333 : memref<1x80xi32, #tpu.memory_space<vmem>> -> memref<80xi32, #tpu.memory_space<vmem>>
        %dma_start3A_335 = arith.constant 0 : i32
        %dma_start3A_336 = arith.constant 0 : i32
        %dma_start3A_337 = tpu.memref_slice %arg3[%dma_start3A_335, %dma_start3A_336] : memref<20000x64xf32, #tpu.memory_space<hbm>> -> memref<20000x64xf32, #tpu.memory_space<hbm>>
        tpu.enqueue_indirect_dma source(%dma_start3A_337 : memref<20000x64xf32, #tpu.memory_space<hbm>>) target(%arg9 : memref<80x64xf32, #tpu.memory_space<vmem>>) offsets(%dma_start3A_334 : memref<80xi32, #tpu.memory_space<vmem>>) semaphore(%arg18 : memref<!tpu.dma_semaphore, #tpu.memory_space<semaphore_mem>>)
      } else {
      }
      %mul3A_296 = arith.constant 8 : i32
      %mul3A_297 = arith.muli %scan3A_202, %mul3A_296 : i32
      %add3A_298 = arith.constant 6 : i32
      %add3A_299 = arith.addi %mul3A_297, %add3A_298 : i32
      %lt3A_300 = arith.constant 125 : i32
      %lt3A_301 = arith.cmpi slt, %add3A_299, %lt3A_300 : i32
      %convert_element_type3A_302 = arith.extui %lt3A_301 : i1 to i32
      %cond3A_303 = arith.constant 0 : i32
      %cond3A_304 = arith.cmpi ne, %convert_element_type3A_302, %cond3A_303 : i32
      scf.if %cond3A_304 {
        %dma_wait3A_328 = arith.constant 0 : i32
        %dma_wait3A_329 = arith.constant 0 : i32
        %dma_wait3A_330 = tpu.memref_slice %arg6[%dma_wait3A_328, %dma_wait3A_329] : memref<125x80xi32, #tpu.memory_space<vmem>> -> memref<1x80xi32, #tpu.memory_space<vmem>>
        %dma_wait3A_331 = tpu.memref_squeeze %dma_wait3A_330 : memref<1x80xi32, #tpu.memory_space<vmem>> -> memref<80xi32, #tpu.memory_space<vmem>>
        %dma_wait3A_332 = arith.constant 0 : i32
        %dma_wait3A_333 = arith.constant 0 : i32
        %dma_wait3A_334 = tpu.memref_slice %arg3[%dma_wait3A_332, %dma_wait3A_333] : memref<20000x64xf32, #tpu.memory_space<hbm>> -> memref<20000x64xf32, #tpu.memory_space<hbm>>
        tpu.wait_indirect_dma semaphore(%arg23 : memref<!tpu.dma_semaphore, #tpu.memory_space<semaphore_mem>>) src(%dma_wait3A_334 : memref<20000x64xf32, #tpu.memory_space<hbm>>) dst(%arg14 : memref<80x64xf32, #tpu.memory_space<vmem>>)
        %dma_start3A_335 = arith.constant 0 : i32
        %dma_start3A_336 = tpu.memref_slice %arg7[%add3A_299, %dma_start3A_335] : memref<125x80xi32, #tpu.memory_space<vmem>> -> memref<1x80xi32, #tpu.memory_space<vmem>>
        %dma_start3A_337 = tpu.memref_squeeze %dma_start3A_336 : memref<1x80xi32, #tpu.memory_space<vmem>> -> memref<80xi32, #tpu.memory_space<vmem>>
        %dma_start3A_338 = arith.constant 0 : i32
        %dma_start3A_339 = arith.constant 0 : i32
        %dma_start3A_340 = tpu.memref_slice %arg16[%dma_start3A_338, %dma_start3A_339] : memref<10240x64xf32, #tpu.memory_space<vmem_shared>> -> memref<10240x64xf32, #tpu.memory_space<vmem_shared>>
        tpu.enqueue_indirect_dma source(%arg14 : memref<80x64xf32, #tpu.memory_space<vmem>>) target(%dma_start3A_340 : memref<10240x64xf32, #tpu.memory_space<vmem_shared>>) offsets(%dma_start3A_337 : memref<80xi32, #tpu.memory_space<vmem>>) semaphore(%arg31 : memref<!tpu.dma_semaphore, #tpu.memory_space<semaphore_mem>>) {add = true}
      } else {
      }
      %add3A_305 = arith.constant 4 : i32
      %add3A_306 = arith.addi %add3A_299, %add3A_305 : i32
      %lt3A_307 = arith.constant 125 : i32
      %lt3A_308 = arith.cmpi slt, %add3A_306, %lt3A_307 : i32
      %convert_element_type3A_309 = arith.extui %lt3A_308 : i1 to i32
      %cond3A_310 = arith.constant 0 : i32
      %cond3A_311 = arith.cmpi ne, %convert_element_type3A_309, %cond3A_310 : i32
      scf.if %cond3A_311 {
        %ge3A = arith.constant 4 : i32
        %ge3A_328 = arith.cmpi sge, %add3A_299, %ge3A : i32
        %convert_element_type3A_329 = arith.extui %ge3A_328 : i1 to i32
        %cond3A_330 = arith.constant 0 : i32
        %cond3A_331 = arith.cmpi ne, %convert_element_type3A_329, %cond3A_330 : i32
        scf.if %cond3A_331 {
          %dma_wait3A_338 = arith.constant 0 : i32
          %dma_wait3A_339 = arith.constant 0 : i32
          %dma_wait3A_340 = tpu.memref_slice %arg7[%dma_wait3A_338, %dma_wait3A_339] : memref<125x80xi32, #tpu.memory_space<vmem>> -> memref<1x80xi32, #tpu.memory_space<vmem>>
          %dma_wait3A_341 = tpu.memref_squeeze %dma_wait3A_340 : memref<1x80xi32, #tpu.memory_space<vmem>> -> memref<80xi32, #tpu.memory_space<vmem>>
          %dma_wait3A_342 = arith.constant 0 : i32
          %dma_wait3A_343 = arith.constant 0 : i32
          %dma_wait3A_344 = tpu.memref_slice %arg16[%dma_wait3A_342, %dma_wait3A_343] : memref<10240x64xf32, #tpu.memory_space<vmem_shared>> -> memref<10240x64xf32, #tpu.memory_space<vmem_shared>>
          tpu.wait_indirect_dma semaphore(%arg27 : memref<!tpu.dma_semaphore, #tpu.memory_space<semaphore_mem>>) src(%arg10 : memref<80x64xf32, #tpu.memory_space<vmem>>) dst(%dma_wait3A_344 : memref<10240x64xf32, #tpu.memory_space<vmem_shared>>)
        } else {
        }
        %dma_start3A_332 = arith.constant 0 : i32
        %dma_start3A_333 = tpu.memref_slice %arg6[%add3A_306, %dma_start3A_332] : memref<125x80xi32, #tpu.memory_space<vmem>> -> memref<1x80xi32, #tpu.memory_space<vmem>>
        %dma_start3A_334 = tpu.memref_squeeze %dma_start3A_333 : memref<1x80xi32, #tpu.memory_space<vmem>> -> memref<80xi32, #tpu.memory_space<vmem>>
        %dma_start3A_335 = arith.constant 0 : i32
        %dma_start3A_336 = arith.constant 0 : i32
        %dma_start3A_337 = tpu.memref_slice %arg3[%dma_start3A_335, %dma_start3A_336] : memref<20000x64xf32, #tpu.memory_space<hbm>> -> memref<20000x64xf32, #tpu.memory_space<hbm>>
        tpu.enqueue_indirect_dma source(%dma_start3A_337 : memref<20000x64xf32, #tpu.memory_space<hbm>>) target(%arg10 : memref<80x64xf32, #tpu.memory_space<vmem>>) offsets(%dma_start3A_334 : memref<80xi32, #tpu.memory_space<vmem>>) semaphore(%arg19 : memref<!tpu.dma_semaphore, #tpu.memory_space<semaphore_mem>>)
      } else {
      }
      %mul3A_312 = arith.constant 8 : i32
      %mul3A_313 = arith.muli %scan3A_202, %mul3A_312 : i32
      %add3A_314 = arith.constant 7 : i32
      %add3A_315 = arith.addi %mul3A_313, %add3A_314 : i32
      %lt3A_316 = arith.constant 125 : i32
      %lt3A_317 = arith.cmpi slt, %add3A_315, %lt3A_316 : i32
      %convert_element_type3A_318 = arith.extui %lt3A_317 : i1 to i32
      %cond3A_319 = arith.constant 0 : i32
      %cond3A_320 = arith.cmpi ne, %convert_element_type3A_318, %cond3A_319 : i32
      scf.if %cond3A_320 {
        %dma_wait3A_328 = arith.constant 0 : i32
        %dma_wait3A_329 = arith.constant 0 : i32
        %dma_wait3A_330 = tpu.memref_slice %arg6[%dma_wait3A_328, %dma_wait3A_329] : memref<125x80xi32, #tpu.memory_space<vmem>> -> memref<1x80xi32, #tpu.memory_space<vmem>>
        %dma_wait3A_331 = tpu.memref_squeeze %dma_wait3A_330 : memref<1x80xi32, #tpu.memory_space<vmem>> -> memref<80xi32, #tpu.memory_space<vmem>>
        %dma_wait3A_332 = arith.constant 0 : i32
        %dma_wait3A_333 = arith.constant 0 : i32
        %dma_wait3A_334 = tpu.memref_slice %arg3[%dma_wait3A_332, %dma_wait3A_333] : memref<20000x64xf32, #tpu.memory_space<hbm>> -> memref<20000x64xf32, #tpu.memory_space<hbm>>
        tpu.wait_indirect_dma semaphore(%arg24 : memref<!tpu.dma_semaphore, #tpu.memory_space<semaphore_mem>>) src(%dma_wait3A_334 : memref<20000x64xf32, #tpu.memory_space<hbm>>) dst(%arg15 : memref<80x64xf32, #tpu.memory_space<vmem>>)
        %dma_start3A_335 = arith.constant 0 : i32
        %dma_start3A_336 = tpu.memref_slice %arg7[%add3A_315, %dma_start3A_335] : memref<125x80xi32, #tpu.memory_space<vmem>> -> memref<1x80xi32, #tpu.memory_space<vmem>>
        %dma_start3A_337 = tpu.memref_squeeze %dma_start3A_336 : memref<1x80xi32, #tpu.memory_space<vmem>> -> memref<80xi32, #tpu.memory_space<vmem>>
        %dma_start3A_338 = arith.constant 0 : i32
        %dma_start3A_339 = arith.constant 0 : i32
        %dma_start3A_340 = tpu.memref_slice %arg16[%dma_start3A_338, %dma_start3A_339] : memref<10240x64xf32, #tpu.memory_space<vmem_shared>> -> memref<10240x64xf32, #tpu.memory_space<vmem_shared>>
        tpu.enqueue_indirect_dma source(%arg15 : memref<80x64xf32, #tpu.memory_space<vmem>>) target(%dma_start3A_340 : memref<10240x64xf32, #tpu.memory_space<vmem_shared>>) offsets(%dma_start3A_337 : memref<80xi32, #tpu.memory_space<vmem>>) semaphore(%arg32 : memref<!tpu.dma_semaphore, #tpu.memory_space<semaphore_mem>>) {add = true}
      } else {
      }
      %add3A_321 = arith.constant 4 : i32
      %add3A_322 = arith.addi %add3A_315, %add3A_321 : i32
      %lt3A_323 = arith.constant 125 : i32
      %lt3A_324 = arith.cmpi slt, %add3A_322, %lt3A_323 : i32
      %convert_element_type3A_325 = arith.extui %lt3A_324 : i1 to i32
      %cond3A_326 = arith.constant 0 : i32
      %cond3A_327 = arith.cmpi ne, %convert_element_type3A_325, %cond3A_326 : i32
      scf.if %cond3A_327 {
        %ge3A = arith.constant 4 : i32
        %ge3A_328 = arith.cmpi sge, %add3A_315, %ge3A : i32
        %convert_element_type3A_329 = arith.extui %ge3A_328 : i1 to i32
        %cond3A_330 = arith.constant 0 : i32
        %cond3A_331 = arith.cmpi ne, %convert_element_type3A_329, %cond3A_330 : i32
        scf.if %cond3A_331 {
          %dma_wait3A_338 = arith.constant 0 : i32
          %dma_wait3A_339 = arith.constant 0 : i32
          %dma_wait3A_340 = tpu.memref_slice %arg7[%dma_wait3A_338, %dma_wait3A_339] : memref<125x80xi32, #tpu.memory_space<vmem>> -> memref<1x80xi32, #tpu.memory_space<vmem>>
          %dma_wait3A_341 = tpu.memref_squeeze %dma_wait3A_340 : memref<1x80xi32, #tpu.memory_space<vmem>> -> memref<80xi32, #tpu.memory_space<vmem>>
          %dma_wait3A_342 = arith.constant 0 : i32
          %dma_wait3A_343 = arith.constant 0 : i32
          %dma_wait3A_344 = tpu.memref_slice %arg16[%dma_wait3A_342, %dma_wait3A_343] : memref<10240x64xf32, #tpu.memory_space<vmem_shared>> -> memref<10240x64xf32, #tpu.memory_space<vmem_shared>>
          tpu.wait_indirect_dma semaphore(%arg28 : memref<!tpu.dma_semaphore, #tpu.memory_space<semaphore_mem>>) src(%arg11 : memref<80x64xf32, #tpu.memory_space<vmem>>) dst(%dma_wait3A_344 : memref<10240x64xf32, #tpu.memory_space<vmem_shared>>)
        } else {
        }
        %dma_start3A_332 = arith.constant 0 : i32
        %dma_start3A_333 = tpu.memref_slice %arg6[%add3A_322, %dma_start3A_332] : memref<125x80xi32, #tpu.memory_space<vmem>> -> memref<1x80xi32, #tpu.memory_space<vmem>>
        %dma_start3A_334 = tpu.memref_squeeze %dma_start3A_333 : memref<1x80xi32, #tpu.memory_space<vmem>> -> memref<80xi32, #tpu.memory_space<vmem>>
        %dma_start3A_335 = arith.constant 0 : i32
        %dma_start3A_336 = arith.constant 0 : i32
        %dma_start3A_337 = tpu.memref_slice %arg3[%dma_start3A_335, %dma_start3A_336] : memref<20000x64xf32, #tpu.memory_space<hbm>> -> memref<20000x64xf32, #tpu.memory_space<hbm>>
        tpu.enqueue_indirect_dma source(%dma_start3A_337 : memref<20000x64xf32, #tpu.memory_space<hbm>>) target(%arg11 : memref<80x64xf32, #tpu.memory_space<vmem>>) offsets(%dma_start3A_334 : memref<80xi32, #tpu.memory_space<vmem>>) semaphore(%arg20 : memref<!tpu.dma_semaphore, #tpu.memory_space<semaphore_mem>>)
      } else {
      }
    }
    %scan3A_35 = arith.constant 16 : i32
    %dma_wait3A = arith.constant 0 : i32
    %dma_wait3A_36 = arith.constant 0 : i32
    %dma_wait3A_37 = tpu.memref_slice %arg7[%dma_wait3A, %dma_wait3A_36] : memref<125x80xi32, #tpu.memory_space<vmem>> -> memref<1x80xi32, #tpu.memory_space<vmem>>
    %dma_wait3A_38 = tpu.memref_squeeze %dma_wait3A_37 : memref<1x80xi32, #tpu.memory_space<vmem>> -> memref<80xi32, #tpu.memory_space<vmem>>
    %dma_wait3A_39 = arith.constant 0 : i32
    %dma_wait3A_40 = arith.constant 0 : i32
    %dma_wait3A_41 = tpu.memref_slice %arg16[%dma_wait3A_39, %dma_wait3A_40] : memref<10240x64xf32, #tpu.memory_space<vmem_shared>> -> memref<10240x64xf32, #tpu.memory_space<vmem_shared>>
    tpu.wait_indirect_dma semaphore(%arg25 : memref<!tpu.dma_semaphore, #tpu.memory_space<semaphore_mem>>) src(%arg8 : memref<80x64xf32, #tpu.memory_space<vmem>>) dst(%dma_wait3A_41 : memref<10240x64xf32, #tpu.memory_space<vmem_shared>>)
    %dma_wait3A_42 = arith.constant 0 : i32
    %dma_wait3A_43 = arith.constant 0 : i32
    %dma_wait3A_44 = tpu.memref_slice %arg7[%dma_wait3A_42, %dma_wait3A_43] : memref<125x80xi32, #tpu.memory_space<vmem>> -> memref<1x80xi32, #tpu.memory_space<vmem>>
    %dma_wait3A_45 = tpu.memref_squeeze %dma_wait3A_44 : memref<1x80xi32, #tpu.memory_space<vmem>> -> memref<80xi32, #tpu.memory_space<vmem>>
    %dma_wait3A_46 = arith.constant 0 : i32
    %dma_wait3A_47 = arith.constant 0 : i32
    %dma_wait3A_48 = tpu.memref_slice %arg16[%dma_wait3A_46, %dma_wait3A_47] : memref<10240x64xf32, #tpu.memory_space<vmem_shared>> -> memref<10240x64xf32, #tpu.memory_space<vmem_shared>>
    tpu.wait_indirect_dma semaphore(%arg26 : memref<!tpu.dma_semaphore, #tpu.memory_space<semaphore_mem>>) src(%arg9 : memref<80x64xf32, #tpu.memory_space<vmem>>) dst(%dma_wait3A_48 : memref<10240x64xf32, #tpu.memory_space<vmem_shared>>)
    %dma_wait3A_49 = arith.constant 0 : i32
    %dma_wait3A_50 = arith.constant 0 : i32
    %dma_wait3A_51 = tpu.memref_slice %arg7[%dma_wait3A_49, %dma_wait3A_50] : memref<125x80xi32, #tpu.memory_space<vmem>> -> memref<1x80xi32, #tpu.memory_space<vmem>>
    %dma_wait3A_52 = tpu.memref_squeeze %dma_wait3A_51 : memref<1x80xi32, #tpu.memory_space<vmem>> -> memref<80xi32, #tpu.memory_space<vmem>>
    %dma_wait3A_53 = arith.constant 0 : i32
    %dma_wait3A_54 = arith.constant 0 : i32
    %dma_wait3A_55 = tpu.memref_slice %arg16[%dma_wait3A_53, %dma_wait3A_54] : memref<10240x64xf32, #tpu.memory_space<vmem_shared>> -> memref<10240x64xf32, #tpu.memory_space<vmem_shared>>
    tpu.wait_indirect_dma semaphore(%arg27 : memref<!tpu.dma_semaphore, #tpu.memory_space<semaphore_mem>>) src(%arg10 : memref<80x64xf32, #tpu.memory_space<vmem>>) dst(%dma_wait3A_55 : memref<10240x64xf32, #tpu.memory_space<vmem_shared>>)
    %dma_wait3A_56 = arith.constant 0 : i32
    %dma_wait3A_57 = arith.constant 0 : i32
    %dma_wait3A_58 = tpu.memref_slice %arg7[%dma_wait3A_56, %dma_wait3A_57] : memref<125x80xi32, #tpu.memory_space<vmem>> -> memref<1x80xi32, #tpu.memory_space<vmem>>
    %dma_wait3A_59 = tpu.memref_squeeze %dma_wait3A_58 : memref<1x80xi32, #tpu.memory_space<vmem>> -> memref<80xi32, #tpu.memory_space<vmem>>
    %dma_wait3A_60 = arith.constant 0 : i32
    %dma_wait3A_61 = arith.constant 0 : i32
    %dma_wait3A_62 = tpu.memref_slice %arg16[%dma_wait3A_60, %dma_wait3A_61] : memref<10240x64xf32, #tpu.memory_space<vmem_shared>> -> memref<10240x64xf32, #tpu.memory_space<vmem_shared>>
    tpu.wait_indirect_dma semaphore(%arg28 : memref<!tpu.dma_semaphore, #tpu.memory_space<semaphore_mem>>) src(%arg11 : memref<80x64xf32, #tpu.memory_space<vmem>>) dst(%dma_wait3A_62 : memref<10240x64xf32, #tpu.memory_space<vmem_shared>>)
    %dma_wait3A_63 = arith.constant 0 : i32
    %dma_wait3A_64 = arith.constant 0 : i32
    %dma_wait3A_65 = tpu.memref_slice %arg7[%dma_wait3A_63, %dma_wait3A_64] : memref<125x80xi32, #tpu.memory_space<vmem>> -> memref<1x80xi32, #tpu.memory_space<vmem>>
    %dma_wait3A_66 = tpu.memref_squeeze %dma_wait3A_65 : memref<1x80xi32, #tpu.memory_space<vmem>> -> memref<80xi32, #tpu.memory_space<vmem>>
    %dma_wait3A_67 = arith.constant 0 : i32
    %dma_wait3A_68 = arith.constant 0 : i32
    %dma_wait3A_69 = tpu.memref_slice %arg16[%dma_wait3A_67, %dma_wait3A_68] : memref<10240x64xf32, #tpu.memory_space<vmem_shared>> -> memref<10240x64xf32, #tpu.memory_space<vmem_shared>>
    tpu.wait_indirect_dma semaphore(%arg29 : memref<!tpu.dma_semaphore, #tpu.memory_space<semaphore_mem>>) src(%arg12 : memref<80x64xf32, #tpu.memory_space<vmem>>) dst(%dma_wait3A_69 : memref<10240x64xf32, #tpu.memory_space<vmem_shared>>)
    %dma_wait3A_70 = arith.constant 0 : i32
    %dma_wait3A_71 = arith.constant 0 : i32
    %dma_wait3A_72 = tpu.memref_slice %arg7[%dma_wait3A_70, %dma_wait3A_71] : memref<125x80xi32, #tpu.memory_space<vmem>> -> memref<1x80xi32, #tpu.memory_space<vmem>>
    %dma_wait3A_73 = tpu.memref_squeeze %dma_wait3A_72 : memref<1x80xi32, #tpu.memory_space<vmem>> -> memref<80xi32, #tpu.memory_space<vmem>>
    %dma_wait3A_74 = arith.constant 0 : i32
    %dma_wait3A_75 = arith.constant 0 : i32
    %dma_wait3A_76 = tpu.memref_slice %arg16[%dma_wait3A_74, %dma_wait3A_75] : memref<10240x64xf32, #tpu.memory_space<vmem_shared>> -> memref<10240x64xf32, #tpu.memory_space<vmem_shared>>
    tpu.wait_indirect_dma semaphore(%arg30 : memref<!tpu.dma_semaphore, #tpu.memory_space<semaphore_mem>>) src(%arg13 : memref<80x64xf32, #tpu.memory_space<vmem>>) dst(%dma_wait3A_76 : memref<10240x64xf32, #tpu.memory_space<vmem_shared>>)
    %dma_wait3A_77 = arith.constant 0 : i32
    %dma_wait3A_78 = arith.constant 0 : i32
    %dma_wait3A_79 = tpu.memref_slice %arg7[%dma_wait3A_77, %dma_wait3A_78] : memref<125x80xi32, #tpu.memory_space<vmem>> -> memref<1x80xi32, #tpu.memory_space<vmem>>
    %dma_wait3A_80 = tpu.memref_squeeze %dma_wait3A_79 : memref<1x80xi32, #tpu.memory_space<vmem>> -> memref<80xi32, #tpu.memory_space<vmem>>
    %dma_wait3A_81 = arith.constant 0 : i32
    %dma_wait3A_82 = arith.constant 0 : i32
    %dma_wait3A_83 = tpu.memref_slice %arg16[%dma_wait3A_81, %dma_wait3A_82] : memref<10240x64xf32, #tpu.memory_space<vmem_shared>> -> memref<10240x64xf32, #tpu.memory_space<vmem_shared>>
    tpu.wait_indirect_dma semaphore(%arg31 : memref<!tpu.dma_semaphore, #tpu.memory_space<semaphore_mem>>) src(%arg14 : memref<80x64xf32, #tpu.memory_space<vmem>>) dst(%dma_wait3A_83 : memref<10240x64xf32, #tpu.memory_space<vmem_shared>>)
    %dma_wait3A_84 = arith.constant 0 : i32
    %dma_wait3A_85 = arith.constant 0 : i32
    %dma_wait3A_86 = tpu.memref_slice %arg7[%dma_wait3A_84, %dma_wait3A_85] : memref<125x80xi32, #tpu.memory_space<vmem>> -> memref<1x80xi32, #tpu.memory_space<vmem>>
    %dma_wait3A_87 = tpu.memref_squeeze %dma_wait3A_86 : memref<1x80xi32, #tpu.memory_space<vmem>> -> memref<80xi32, #tpu.memory_space<vmem>>
    %dma_wait3A_88 = arith.constant 0 : i32
    %dma_wait3A_89 = arith.constant 0 : i32
    %dma_wait3A_90 = tpu.memref_slice %arg16[%dma_wait3A_88, %dma_wait3A_89] : memref<10240x64xf32, #tpu.memory_space<vmem_shared>> -> memref<10240x64xf32, #tpu.memory_space<vmem_shared>>
    tpu.wait_indirect_dma semaphore(%arg32 : memref<!tpu.dma_semaphore, #tpu.memory_space<semaphore_mem>>) src(%arg15 : memref<80x64xf32, #tpu.memory_space<vmem>>) dst(%dma_wait3A_90 : memref<10240x64xf32, #tpu.memory_space<vmem_shared>>)
    %barrier3A_91 = arith.constant 0 : index
    tpu.barrier barrier_id(%barrier3A_91)
    %mul3A_92 = arith.constant 640 : i32
    %mul3A_93 = arith.muli %arg1, %mul3A_92 : i32
    %mul3A_94 = arith.constant 640 : i32
    %mul3A_95 = arith.muli %arg1, %mul3A_94 : i32
    "tpu.region"() ({
      %run_scoped3A_202 = tpu.sem_alloc : memref<!tpu.dma_semaphore, #tpu.memory_space<semaphore_mem>>
      %dma_start3A_203 = arith.constant 0 : i32
      %dma_start3A_204 = tpu.memref_slice %arg5[%arg0, %mul3A_95, %dma_start3A_203] : memref<2x10240x128xf32, #tpu.memory_space<hbm>> -> memref<1x640x64xf32, #tpu.memory_space<hbm>>
      %dma_start3A_205 = tpu.memref_squeeze %dma_start3A_204 : memref<1x640x64xf32, #tpu.memory_space<hbm>> -> memref<640x64xf32, #tpu.memory_space<hbm>>
      %dma_start3A_206 = arith.constant 0 : i32
      %dma_start3A_207 = tpu.memref_slice %arg16[%mul3A_93, %dma_start3A_206] : memref<10240x64xf32, #tpu.memory_space<vmem_shared>> -> memref<640x64xf32, #tpu.memory_space<vmem_shared>>
      tpu.enqueue_dma source(%dma_start3A_207 : memref<640x64xf32, #tpu.memory_space<vmem_shared>>) target(%dma_start3A_205 : memref<640x64xf32, #tpu.memory_space<hbm>>) target_semaphore(%run_scoped3A_202 : memref<!tpu.dma_semaphore, #tpu.memory_space<semaphore_mem>>)
      %dma_wait3A_208 = arith.constant 0 : i32
      %dma_wait3A_209 = tpu.memref_slice %arg5[%arg0, %mul3A_95, %dma_wait3A_208] : memref<2x10240x128xf32, #tpu.memory_space<hbm>> -> memref<1x640x64xf32, #tpu.memory_space<hbm>>
      %dma_wait3A_210 = tpu.memref_squeeze %dma_wait3A_209 : memref<1x640x64xf32, #tpu.memory_space<hbm>> -> memref<640x64xf32, #tpu.memory_space<hbm>>
      %dma_wait3A_211 = arith.constant 0 : i32
      %dma_wait3A_212 = tpu.memref_slice %arg16[%mul3A_93, %dma_wait3A_211] : memref<10240x64xf32, #tpu.memory_space<vmem_shared>> -> memref<640x64xf32, #tpu.memory_space<vmem_shared>>
      tpu.wait_dma2 semaphore(%run_scoped3A_202 : memref<!tpu.dma_semaphore, #tpu.memory_space<semaphore_mem>>) src(%dma_wait3A_212 : memref<640x64xf32, #tpu.memory_space<vmem_shared>>) dst(%dma_wait3A_210 : memref<640x64xf32, #tpu.memory_space<hbm>>)
      tpu.yield
    }) : () -> ()
    %barrier3A_96 = arith.constant 0 : index
    tpu.barrier barrier_id(%barrier3A_96)
    %scan3A_97 = arith.constant 0 : i32
    %scan3A_98 = arith.constant 0 : i32
    %scan3A_99 = arith.constant 125 : i32
    %scan3A_100 = arith.addi %scan3A_98, %scan3A_99 : i32
    %scan3A_101 = arith.constant 1 : i32
    scf.for %scan3A_202 = %scan3A_98 to %scan3A_100 step %scan3A_101  : i32 {
      %get3A = arith.index_cast %scan3A_202 : i32 to index
      %get3A_203 = arith.constant 0 : index
      %get3A_204 = tpu.vector_load %arg6[%get3A, %get3A_203] {strides = array<i32>} : memref<125x80xi32, #tpu.memory_space<vmem>>, vector<16xi32>,
      %add3A_205 = arith.constant 1 : i32
      %add3A_206 = vector.broadcast %add3A_205 : i32 to vector<16xi32>
      %add3A_207 = arith.addi %get3A_204, %add3A_206 : vector<16xi32>
      %swap3A = arith.index_cast %scan3A_202 : i32 to index
      %swap3A_208 = arith.constant 0 : index
      %swap3A_209 = tpu.vector_load %arg6[%swap3A, %swap3A_208] {strides = array<i32>} : memref<125x80xi32, #tpu.memory_space<vmem>>, vector<16xi32>,
      tpu.vector_store %arg6[%swap3A, %swap3A_208], %add3A_207 {strides = array<i32>} : memref<125x80xi32, #tpu.memory_space<vmem>>, vector<16xi32>,
      %get3A_210 = arith.index_cast %scan3A_202 : i32 to index
      %get3A_211 = arith.constant 16 : index
      %get3A_212 = tpu.vector_load %arg6[%get3A_210, %get3A_211] {strides = array<i32>} : memref<125x80xi32, #tpu.memory_space<vmem>>, vector<16xi32>,
      %add3A_213 = arith.constant 1 : i32
      %add3A_214 = vector.broadcast %add3A_213 : i32 to vector<16xi32>
      %add3A_215 = arith.addi %get3A_212, %add3A_214 : vector<16xi32>
      %swap3A_216 = arith.index_cast %scan3A_202 : i32 to index
      %swap3A_217 = arith.constant 16 : index
      %swap3A_218 = tpu.vector_load %arg6[%swap3A_216, %swap3A_217] {strides = array<i32>} : memref<125x80xi32, #tpu.memory_space<vmem>>, vector<16xi32>,
      tpu.vector_store %arg6[%swap3A_216, %swap3A_217], %add3A_215 {strides = array<i32>} : memref<125x80xi32, #tpu.memory_space<vmem>>, vector<16xi32>,
      %get3A_219 = arith.index_cast %scan3A_202 : i32 to index
      %get3A_220 = arith.constant 32 : index
      %get3A_221 = tpu.vector_load %arg6[%get3A_219, %get3A_220] {strides = array<i32>} : memref<125x80xi32, #tpu.memory_space<vmem>>, vector<16xi32>,
      %add3A_222 = arith.constant 1 : i32
      %add3A_223 = vector.broadcast %add3A_222 : i32 to vector<16xi32>
      %add3A_224 = arith.addi %get3A_221, %add3A_223 : vector<16xi32>
      %swap3A_225 = arith.index_cast %scan3A_202 : i32 to index
      %swap3A_226 = arith.constant 32 : index
      %swap3A_227 = tpu.vector_load %arg6[%swap3A_225, %swap3A_226] {strides = array<i32>} : memref<125x80xi32, #tpu.memory_space<vmem>>, vector<16xi32>,
      tpu.vector_store %arg6[%swap3A_225, %swap3A_226], %add3A_224 {strides = array<i32>} : memref<125x80xi32, #tpu.memory_space<vmem>>, vector<16xi32>,
      %get3A_228 = arith.index_cast %scan3A_202 : i32 to index
      %get3A_229 = arith.constant 48 : index
      %get3A_230 = tpu.vector_load %arg6[%get3A_228, %get3A_229] {strides = array<i32>} : memref<125x80xi32, #tpu.memory_space<vmem>>, vector<16xi32>,
      %add3A_231 = arith.constant 1 : i32
      %add3A_232 = vector.broadcast %add3A_231 : i32 to vector<16xi32>
      %add3A_233 = arith.addi %get3A_230, %add3A_232 : vector<16xi32>
      %swap3A_234 = arith.index_cast %scan3A_202 : i32 to index
      %swap3A_235 = arith.constant 48 : index
      %swap3A_236 = tpu.vector_load %arg6[%swap3A_234, %swap3A_235] {strides = array<i32>} : memref<125x80xi32, #tpu.memory_space<vmem>>, vector<16xi32>,
      tpu.vector_store %arg6[%swap3A_234, %swap3A_235], %add3A_233 {strides = array<i32>} : memref<125x80xi32, #tpu.memory_space<vmem>>, vector<16xi32>,
      %get3A_237 = arith.index_cast %scan3A_202 : i32 to index
      %get3A_238 = arith.constant 64 : index
      %get3A_239 = tpu.vector_load %arg6[%get3A_237, %get3A_238] {strides = array<i32>} : memref<125x80xi32, #tpu.memory_space<vmem>>, vector<16xi32>,
      %add3A_240 = arith.constant 1 : i32
      %add3A_241 = vector.broadcast %add3A_240 : i32 to vector<16xi32>
      %add3A_242 = arith.addi %get3A_239, %add3A_241 : vector<16xi32>
      %swap3A_243 = arith.index_cast %scan3A_202 : i32 to index
      %swap3A_244 = arith.constant 64 : index
      %swap3A_245 = tpu.vector_load %arg6[%swap3A_243, %swap3A_244] {strides = array<i32>} : memref<125x80xi32, #tpu.memory_space<vmem>>, vector<16xi32>,
      tpu.vector_store %arg6[%swap3A_243, %swap3A_244], %add3A_242 {strides = array<i32>} : memref<125x80xi32, #tpu.memory_space<vmem>>, vector<16xi32>,
    }
    %scan3A_102 = arith.constant 125 : i32
    %mul3A_103 = arith.constant 640 : i32
    %mul3A_104 = arith.muli %arg1, %mul3A_103 : i32
    "tpu.region"() ({
      %run_scoped3A_202 = tpu.sem_alloc : memref<!tpu.dma_semaphore, #tpu.memory_space<semaphore_mem>>
      %dma_start3A_203 = arith.constant 0 : i32
      %dma_start3A_204 = tpu.memref_slice %arg16[%mul3A_104, %dma_start3A_203] : memref<10240x64xf32, #tpu.memory_space<vmem_shared>> -> memref<640x64xf32, #tpu.memory_space<vmem_shared>>
      tpu.enqueue_dma source(%arg4 : memref<640x64xf32, #tpu.memory_space<hbm>>) target(%dma_start3A_204 : memref<640x64xf32, #tpu.memory_space<vmem_shared>>) target_semaphore(%run_scoped3A_202 : memref<!tpu.dma_semaphore, #tpu.memory_space<semaphore_mem>>)
      %dma_wait3A_205 = arith.constant 0 : i32
      %dma_wait3A_206 = tpu.memref_slice %arg16[%mul3A_104, %dma_wait3A_205] : memref<10240x64xf32, #tpu.memory_space<vmem_shared>> -> memref<640x64xf32, #tpu.memory_space<vmem_shared>>
      tpu.wait_dma2 semaphore(%run_scoped3A_202 : memref<!tpu.dma_semaphore, #tpu.memory_space<semaphore_mem>>) src(%arg4 : memref<640x64xf32, #tpu.memory_space<hbm>>) dst(%dma_wait3A_206 : memref<640x64xf32, #tpu.memory_space<vmem_shared>>)
      tpu.yield
    }) : () -> ()
    %barrier3A_105 = arith.constant 0 : index
    tpu.barrier barrier_id(%barrier3A_105)
    %dma_start3A_106 = arith.constant 0 : i32
    %dma_start3A_107 = arith.constant 0 : i32
    %dma_start3A_108 = tpu.memref_slice %arg6[%dma_start3A_106, %dma_start3A_107] : memref<125x80xi32, #tpu.memory_space<vmem>> -> memref<1x80xi32, #tpu.memory_space<vmem>>
    %dma_start3A_109 = tpu.memref_squeeze %dma_start3A_108 : memref<1x80xi32, #tpu.memory_space<vmem>> -> memref<80xi32, #tpu.memory_space<vmem>>
    %dma_start3A_110 = arith.constant 0 : i32
    %dma_start3A_111 = arith.constant 0 : i32
    %dma_start3A_112 = tpu.memref_slice %arg3[%dma_start3A_110, %dma_start3A_111] : memref<20000x64xf32, #tpu.memory_space<hbm>> -> memref<20000x64xf32, #tpu.memory_space<hbm>>
    tpu.enqueue_indirect_dma source(%dma_start3A_112 : memref<20000x64xf32, #tpu.memory_space<hbm>>) target(%arg8 : memref<80x64xf32, #tpu.memory_space<vmem>>) offsets(%dma_start3A_109 : memref<80xi32, #tpu.memory_space<vmem>>) semaphore(%arg17 : memref<!tpu.dma_semaphore, #tpu.memory_space<semaphore_mem>>)
    %dma_start3A_113 = arith.constant 1 : i32
    %dma_start3A_114 = arith.constant 0 : i32
    %dma_start3A_115 = tpu.memref_slice %arg6[%dma_start3A_113, %dma_start3A_114] : memref<125x80xi32, #tpu.memory_space<vmem>> -> memref<1x80xi32, #tpu.memory_space<vmem>>
    %dma_start3A_116 = tpu.memref_squeeze %dma_start3A_115 : memref<1x80xi32, #tpu.memory_space<vmem>> -> memref<80xi32, #tpu.memory_space<vmem>>
    %dma_start3A_117 = arith.constant 0 : i32
    %dma_start3A_118 = arith.constant 0 : i32
    %dma_start3A_119 = tpu.memref_slice %arg3[%dma_start3A_117, %dma_start3A_118] : memref<20000x64xf32, #tpu.memory_space<hbm>> -> memref<20000x64xf32, #tpu.memory_space<hbm>>
    tpu.enqueue_indirect_dma source(%dma_start3A_119 : memref<20000x64xf32, #tpu.memory_space<hbm>>) target(%arg9 : memref<80x64xf32, #tpu.memory_space<vmem>>) offsets(%dma_start3A_116 : memref<80xi32, #tpu.memory_space<vmem>>) semaphore(%arg18 : memref<!tpu.dma_semaphore, #tpu.memory_space<semaphore_mem>>)
    %dma_start3A_120 = arith.constant 2 : i32
    %dma_start3A_121 = arith.constant 0 : i32
    %dma_start3A_122 = tpu.memref_slice %arg6[%dma_start3A_120, %dma_start3A_121] : memref<125x80xi32, #tpu.memory_space<vmem>> -> memref<1x80xi32, #tpu.memory_space<vmem>>
    %dma_start3A_123 = tpu.memref_squeeze %dma_start3A_122 : memref<1x80xi32, #tpu.memory_space<vmem>> -> memref<80xi32, #tpu.memory_space<vmem>>
    %dma_start3A_124 = arith.constant 0 : i32
    %dma_start3A_125 = arith.constant 0 : i32
    %dma_start3A_126 = tpu.memref_slice %arg3[%dma_start3A_124, %dma_start3A_125] : memref<20000x64xf32, #tpu.memory_space<hbm>> -> memref<20000x64xf32, #tpu.memory_space<hbm>>
    tpu.enqueue_indirect_dma source(%dma_start3A_126 : memref<20000x64xf32, #tpu.memory_space<hbm>>) target(%arg10 : memref<80x64xf32, #tpu.memory_space<vmem>>) offsets(%dma_start3A_123 : memref<80xi32, #tpu.memory_space<vmem>>) semaphore(%arg19 : memref<!tpu.dma_semaphore, #tpu.memory_space<semaphore_mem>>)
    %dma_start3A_127 = arith.constant 3 : i32
    %dma_start3A_128 = arith.constant 0 : i32
    %dma_start3A_129 = tpu.memref_slice %arg6[%dma_start3A_127, %dma_start3A_128] : memref<125x80xi32, #tpu.memory_space<vmem>> -> memref<1x80xi32, #tpu.memory_space<vmem>>
    %dma_start3A_130 = tpu.memref_squeeze %dma_start3A_129 : memref<1x80xi32, #tpu.memory_space<vmem>> -> memref<80xi32, #tpu.memory_space<vmem>>
    %dma_start3A_131 = arith.constant 0 : i32
    %dma_start3A_132 = arith.constant 0 : i32
    %dma_start3A_133 = tpu.memref_slice %arg3[%dma_start3A_131, %dma_start3A_132] : memref<20000x64xf32, #tpu.memory_space<hbm>> -> memref<20000x64xf32, #tpu.memory_space<hbm>>
    tpu.enqueue_indirect_dma source(%dma_start3A_133 : memref<20000x64xf32, #tpu.memory_space<hbm>>) target(%arg11 : memref<80x64xf32, #tpu.memory_space<vmem>>) offsets(%dma_start3A_130 : memref<80xi32, #tpu.memory_space<vmem>>) semaphore(%arg20 : memref<!tpu.dma_semaphore, #tpu.memory_space<semaphore_mem>>)
    %scan3A_134 = arith.constant 0 : i32
    %scan3A_135 = arith.constant 0 : i32
    %scan3A_136 = arith.constant 16 : i32
    %scan3A_137 = arith.addi %scan3A_135, %scan3A_136 : i32
    %scan3A_138 = arith.constant 1 : i32
    scf.for %scan3A_202 = %scan3A_135 to %scan3A_137 step %scan3A_138  : i32 {
      %mul3A_203 = arith.constant 8 : i32
      %mul3A_204 = arith.muli %scan3A_202, %mul3A_203 : i32
      %add3A_205 = arith.constant 0 : i32
      %add3A_206 = arith.addi %mul3A_204, %add3A_205 : i32
      %lt3A = arith.constant 125 : i32
      %lt3A_207 = arith.cmpi slt, %add3A_206, %lt3A : i32
      %convert_element_type3A = arith.extui %lt3A_207 : i1 to i32
      %cond3A = arith.constant 0 : i32
      %cond3A_208 = arith.cmpi ne, %convert_element_type3A, %cond3A : i32
      scf.if %cond3A_208 {
        %dma_wait3A_328 = arith.constant 0 : i32
        %dma_wait3A_329 = arith.constant 0 : i32
        %dma_wait3A_330 = tpu.memref_slice %arg6[%dma_wait3A_328, %dma_wait3A_329] : memref<125x80xi32, #tpu.memory_space<vmem>> -> memref<1x80xi32, #tpu.memory_space<vmem>>
        %dma_wait3A_331 = tpu.memref_squeeze %dma_wait3A_330 : memref<1x80xi32, #tpu.memory_space<vmem>> -> memref<80xi32, #tpu.memory_space<vmem>>
        %dma_wait3A_332 = arith.constant 0 : i32
        %dma_wait3A_333 = arith.constant 0 : i32
        %dma_wait3A_334 = tpu.memref_slice %arg3[%dma_wait3A_332, %dma_wait3A_333] : memref<20000x64xf32, #tpu.memory_space<hbm>> -> memref<20000x64xf32, #tpu.memory_space<hbm>>
        tpu.wait_indirect_dma semaphore(%arg17 : memref<!tpu.dma_semaphore, #tpu.memory_space<semaphore_mem>>) src(%dma_wait3A_334 : memref<20000x64xf32, #tpu.memory_space<hbm>>) dst(%arg8 : memref<80x64xf32, #tpu.memory_space<vmem>>)
        %dma_start3A_335 = arith.constant 0 : i32
        %dma_start3A_336 = tpu.memref_slice %arg7[%add3A_206, %dma_start3A_335] : memref<125x80xi32, #tpu.memory_space<vmem>> -> memref<1x80xi32, #tpu.memory_space<vmem>>
        %dma_start3A_337 = tpu.memref_squeeze %dma_start3A_336 : memref<1x80xi32, #tpu.memory_space<vmem>> -> memref<80xi32, #tpu.memory_space<vmem>>
        %dma_start3A_338 = arith.constant 0 : i32
        %dma_start3A_339 = arith.constant 0 : i32
        %dma_start3A_340 = tpu.memref_slice %arg16[%dma_start3A_338, %dma_start3A_339] : memref<10240x64xf32, #tpu.memory_space<vmem_shared>> -> memref<10240x64xf32, #tpu.memory_space<vmem_shared>>
        tpu.enqueue_indirect_dma source(%arg8 : memref<80x64xf32, #tpu.memory_space<vmem>>) target(%dma_start3A_340 : memref<10240x64xf32, #tpu.memory_space<vmem_shared>>) offsets(%dma_start3A_337 : memref<80xi32, #tpu.memory_space<vmem>>) semaphore(%arg25 : memref<!tpu.dma_semaphore, #tpu.memory_space<semaphore_mem>>) {add = true}
      } else {
      }
      %add3A_209 = arith.constant 4 : i32
      %add3A_210 = arith.addi %add3A_206, %add3A_209 : i32
      %lt3A_211 = arith.constant 125 : i32
      %lt3A_212 = arith.cmpi slt, %add3A_210, %lt3A_211 : i32
      %convert_element_type3A_213 = arith.extui %lt3A_212 : i1 to i32
      %cond3A_214 = arith.constant 0 : i32
      %cond3A_215 = arith.cmpi ne, %convert_element_type3A_213, %cond3A_214 : i32
      scf.if %cond3A_215 {
        %ge3A = arith.constant 4 : i32
        %ge3A_328 = arith.cmpi sge, %add3A_206, %ge3A : i32
        %convert_element_type3A_329 = arith.extui %ge3A_328 : i1 to i32
        %cond3A_330 = arith.constant 0 : i32
        %cond3A_331 = arith.cmpi ne, %convert_element_type3A_329, %cond3A_330 : i32
        scf.if %cond3A_331 {
          %dma_wait3A_338 = arith.constant 0 : i32
          %dma_wait3A_339 = arith.constant 0 : i32
          %dma_wait3A_340 = tpu.memref_slice %arg7[%dma_wait3A_338, %dma_wait3A_339] : memref<125x80xi32, #tpu.memory_space<vmem>> -> memref<1x80xi32, #tpu.memory_space<vmem>>
          %dma_wait3A_341 = tpu.memref_squeeze %dma_wait3A_340 : memref<1x80xi32, #tpu.memory_space<vmem>> -> memref<80xi32, #tpu.memory_space<vmem>>
          %dma_wait3A_342 = arith.constant 0 : i32
          %dma_wait3A_343 = arith.constant 0 : i32
          %dma_wait3A_344 = tpu.memref_slice %arg16[%dma_wait3A_342, %dma_wait3A_343] : memref<10240x64xf32, #tpu.memory_space<vmem_shared>> -> memref<10240x64xf32, #tpu.memory_space<vmem_shared>>
          tpu.wait_indirect_dma semaphore(%arg29 : memref<!tpu.dma_semaphore, #tpu.memory_space<semaphore_mem>>) src(%arg12 : memref<80x64xf32, #tpu.memory_space<vmem>>) dst(%dma_wait3A_344 : memref<10240x64xf32, #tpu.memory_space<vmem_shared>>)
        } else {
        }
        %dma_start3A_332 = arith.constant 0 : i32
        %dma_start3A_333 = tpu.memref_slice %arg6[%add3A_210, %dma_start3A_332] : memref<125x80xi32, #tpu.memory_space<vmem>> -> memref<1x80xi32, #tpu.memory_space<vmem>>
        %dma_start3A_334 = tpu.memref_squeeze %dma_start3A_333 : memref<1x80xi32, #tpu.memory_space<vmem>> -> memref<80xi32, #tpu.memory_space<vmem>>
        %dma_start3A_335 = arith.constant 0 : i32
        %dma_start3A_336 = arith.constant 0 : i32
        %dma_start3A_337 = tpu.memref_slice %arg3[%dma_start3A_335, %dma_start3A_336] : memref<20000x64xf32, #tpu.memory_space<hbm>> -> memref<20000x64xf32, #tpu.memory_space<hbm>>
        tpu.enqueue_indirect_dma source(%dma_start3A_337 : memref<20000x64xf32, #tpu.memory_space<hbm>>) target(%arg12 : memref<80x64xf32, #tpu.memory_space<vmem>>) offsets(%dma_start3A_334 : memref<80xi32, #tpu.memory_space<vmem>>) semaphore(%arg21 : memref<!tpu.dma_semaphore, #tpu.memory_space<semaphore_mem>>)
      } else {
      }
      %mul3A_216 = arith.constant 8 : i32
      %mul3A_217 = arith.muli %scan3A_202, %mul3A_216 : i32
      %add3A_218 = arith.constant 1 : i32
      %add3A_219 = arith.addi %mul3A_217, %add3A_218 : i32
      %lt3A_220 = arith.constant 125 : i32
      %lt3A_221 = arith.cmpi slt, %add3A_219, %lt3A_220 : i32
      %convert_element_type3A_222 = arith.extui %lt3A_221 : i1 to i32
      %cond3A_223 = arith.constant 0 : i32
      %cond3A_224 = arith.cmpi ne, %convert_element_type3A_222, %cond3A_223 : i32
      scf.if %cond3A_224 {
        %dma_wait3A_328 = arith.constant 0 : i32
        %dma_wait3A_329 = arith.constant 0 : i32
        %dma_wait3A_330 = tpu.memref_slice %arg6[%dma_wait3A_328, %dma_wait3A_329] : memref<125x80xi32, #tpu.memory_space<vmem>> -> memref<1x80xi32, #tpu.memory_space<vmem>>
        %dma_wait3A_331 = tpu.memref_squeeze %dma_wait3A_330 : memref<1x80xi32, #tpu.memory_space<vmem>> -> memref<80xi32, #tpu.memory_space<vmem>>
        %dma_wait3A_332 = arith.constant 0 : i32
        %dma_wait3A_333 = arith.constant 0 : i32
        %dma_wait3A_334 = tpu.memref_slice %arg3[%dma_wait3A_332, %dma_wait3A_333] : memref<20000x64xf32, #tpu.memory_space<hbm>> -> memref<20000x64xf32, #tpu.memory_space<hbm>>
        tpu.wait_indirect_dma semaphore(%arg18 : memref<!tpu.dma_semaphore, #tpu.memory_space<semaphore_mem>>) src(%dma_wait3A_334 : memref<20000x64xf32, #tpu.memory_space<hbm>>) dst(%arg9 : memref<80x64xf32, #tpu.memory_space<vmem>>)
        %dma_start3A_335 = arith.constant 0 : i32
        %dma_start3A_336 = tpu.memref_slice %arg7[%add3A_219, %dma_start3A_335] : memref<125x80xi32, #tpu.memory_space<vmem>> -> memref<1x80xi32, #tpu.memory_space<vmem>>
        %dma_start3A_337 = tpu.memref_squeeze %dma_start3A_336 : memref<1x80xi32, #tpu.memory_space<vmem>> -> memref<80xi32, #tpu.memory_space<vmem>>
        %dma_start3A_338 = arith.constant 0 : i32
        %dma_start3A_339 = arith.constant 0 : i32
        %dma_start3A_340 = tpu.memref_slice %arg16[%dma_start3A_338, %dma_start3A_339] : memref<10240x64xf32, #tpu.memory_space<vmem_shared>> -> memref<10240x64xf32, #tpu.memory_space<vmem_shared>>
        tpu.enqueue_indirect_dma source(%arg9 : memref<80x64xf32, #tpu.memory_space<vmem>>) target(%dma_start3A_340 : memref<10240x64xf32, #tpu.memory_space<vmem_shared>>) offsets(%dma_start3A_337 : memref<80xi32, #tpu.memory_space<vmem>>) semaphore(%arg26 : memref<!tpu.dma_semaphore, #tpu.memory_space<semaphore_mem>>) {add = true}
      } else {
      }
      %add3A_225 = arith.constant 4 : i32
      %add3A_226 = arith.addi %add3A_219, %add3A_225 : i32
      %lt3A_227 = arith.constant 125 : i32
      %lt3A_228 = arith.cmpi slt, %add3A_226, %lt3A_227 : i32
      %convert_element_type3A_229 = arith.extui %lt3A_228 : i1 to i32
      %cond3A_230 = arith.constant 0 : i32
      %cond3A_231 = arith.cmpi ne, %convert_element_type3A_229, %cond3A_230 : i32
      scf.if %cond3A_231 {
        %ge3A = arith.constant 4 : i32
        %ge3A_328 = arith.cmpi sge, %add3A_219, %ge3A : i32
        %convert_element_type3A_329 = arith.extui %ge3A_328 : i1 to i32
        %cond3A_330 = arith.constant 0 : i32
        %cond3A_331 = arith.cmpi ne, %convert_element_type3A_329, %cond3A_330 : i32
        scf.if %cond3A_331 {
          %dma_wait3A_338 = arith.constant 0 : i32
          %dma_wait3A_339 = arith.constant 0 : i32
          %dma_wait3A_340 = tpu.memref_slice %arg7[%dma_wait3A_338, %dma_wait3A_339] : memref<125x80xi32, #tpu.memory_space<vmem>> -> memref<1x80xi32, #tpu.memory_space<vmem>>
          %dma_wait3A_341 = tpu.memref_squeeze %dma_wait3A_340 : memref<1x80xi32, #tpu.memory_space<vmem>> -> memref<80xi32, #tpu.memory_space<vmem>>
          %dma_wait3A_342 = arith.constant 0 : i32
          %dma_wait3A_343 = arith.constant 0 : i32
          %dma_wait3A_344 = tpu.memref_slice %arg16[%dma_wait3A_342, %dma_wait3A_343] : memref<10240x64xf32, #tpu.memory_space<vmem_shared>> -> memref<10240x64xf32, #tpu.memory_space<vmem_shared>>
          tpu.wait_indirect_dma semaphore(%arg30 : memref<!tpu.dma_semaphore, #tpu.memory_space<semaphore_mem>>) src(%arg13 : memref<80x64xf32, #tpu.memory_space<vmem>>) dst(%dma_wait3A_344 : memref<10240x64xf32, #tpu.memory_space<vmem_shared>>)
        } else {
        }
        %dma_start3A_332 = arith.constant 0 : i32
        %dma_start3A_333 = tpu.memref_slice %arg6[%add3A_226, %dma_start3A_332] : memref<125x80xi32, #tpu.memory_space<vmem>> -> memref<1x80xi32, #tpu.memory_space<vmem>>
        %dma_start3A_334 = tpu.memref_squeeze %dma_start3A_333 : memref<1x80xi32, #tpu.memory_space<vmem>> -> memref<80xi32, #tpu.memory_space<vmem>>
        %dma_start3A_335 = arith.constant 0 : i32
        %dma_start3A_336 = arith.constant 0 : i32
        %dma_start3A_337 = tpu.memref_slice %arg3[%dma_start3A_335, %dma_start3A_336] : memref<20000x64xf32, #tpu.memory_space<hbm>> -> memref<20000x64xf32, #tpu.memory_space<hbm>>
        tpu.enqueue_indirect_dma source(%dma_start3A_337 : memref<20000x64xf32, #tpu.memory_space<hbm>>) target(%arg13 : memref<80x64xf32, #tpu.memory_space<vmem>>) offsets(%dma_start3A_334 : memref<80xi32, #tpu.memory_space<vmem>>) semaphore(%arg22 : memref<!tpu.dma_semaphore, #tpu.memory_space<semaphore_mem>>)
      } else {
      }
      %mul3A_232 = arith.constant 8 : i32
      %mul3A_233 = arith.muli %scan3A_202, %mul3A_232 : i32
      %add3A_234 = arith.constant 2 : i32
      %add3A_235 = arith.addi %mul3A_233, %add3A_234 : i32
      %lt3A_236 = arith.constant 125 : i32
      %lt3A_237 = arith.cmpi slt, %add3A_235, %lt3A_236 : i32
      %convert_element_type3A_238 = arith.extui %lt3A_237 : i1 to i32
      %cond3A_239 = arith.constant 0 : i32
      %cond3A_240 = arith.cmpi ne, %convert_element_type3A_238, %cond3A_239 : i32
      scf.if %cond3A_240 {
        %dma_wait3A_328 = arith.constant 0 : i32
        %dma_wait3A_329 = arith.constant 0 : i32
        %dma_wait3A_330 = tpu.memref_slice %arg6[%dma_wait3A_328, %dma_wait3A_329] : memref<125x80xi32, #tpu.memory_space<vmem>> -> memref<1x80xi32, #tpu.memory_space<vmem>>
        %dma_wait3A_331 = tpu.memref_squeeze %dma_wait3A_330 : memref<1x80xi32, #tpu.memory_space<vmem>> -> memref<80xi32, #tpu.memory_space<vmem>>
        %dma_wait3A_332 = arith.constant 0 : i32
        %dma_wait3A_333 = arith.constant 0 : i32
        %dma_wait3A_334 = tpu.memref_slice %arg3[%dma_wait3A_332, %dma_wait3A_333] : memref<20000x64xf32, #tpu.memory_space<hbm>> -> memref<20000x64xf32, #tpu.memory_space<hbm>>
        tpu.wait_indirect_dma semaphore(%arg19 : memref<!tpu.dma_semaphore, #tpu.memory_space<semaphore_mem>>) src(%dma_wait3A_334 : memref<20000x64xf32, #tpu.memory_space<hbm>>) dst(%arg10 : memref<80x64xf32, #tpu.memory_space<vmem>>)
        %dma_start3A_335 = arith.constant 0 : i32
        %dma_start3A_336 = tpu.memref_slice %arg7[%add3A_235, %dma_start3A_335] : memref<125x80xi32, #tpu.memory_space<vmem>> -> memref<1x80xi32, #tpu.memory_space<vmem>>
        %dma_start3A_337 = tpu.memref_squeeze %dma_start3A_336 : memref<1x80xi32, #tpu.memory_space<vmem>> -> memref<80xi32, #tpu.memory_space<vmem>>
        %dma_start3A_338 = arith.constant 0 : i32
        %dma_start3A_339 = arith.constant 0 : i32
        %dma_start3A_340 = tpu.memref_slice %arg16[%dma_start3A_338, %dma_start3A_339] : memref<10240x64xf32, #tpu.memory_space<vmem_shared>> -> memref<10240x64xf32, #tpu.memory_space<vmem_shared>>
        tpu.enqueue_indirect_dma source(%arg10 : memref<80x64xf32, #tpu.memory_space<vmem>>) target(%dma_start3A_340 : memref<10240x64xf32, #tpu.memory_space<vmem_shared>>) offsets(%dma_start3A_337 : memref<80xi32, #tpu.memory_space<vmem>>) semaphore(%arg27 : memref<!tpu.dma_semaphore, #tpu.memory_space<semaphore_mem>>) {add = true}
      } else {
      }
      %add3A_241 = arith.constant 4 : i32
      %add3A_242 = arith.addi %add3A_235, %add3A_241 : i32
      %lt3A_243 = arith.constant 125 : i32
      %lt3A_244 = arith.cmpi slt, %add3A_242, %lt3A_243 : i32
      %convert_element_type3A_245 = arith.extui %lt3A_244 : i1 to i32
      %cond3A_246 = arith.constant 0 : i32
      %cond3A_247 = arith.cmpi ne, %convert_element_type3A_245, %cond3A_246 : i32
      scf.if %cond3A_247 {
        %ge3A = arith.constant 4 : i32
        %ge3A_328 = arith.cmpi sge, %add3A_235, %ge3A : i32
        %convert_element_type3A_329 = arith.extui %ge3A_328 : i1 to i32
        %cond3A_330 = arith.constant 0 : i32
        %cond3A_331 = arith.cmpi ne, %convert_element_type3A_329, %cond3A_330 : i32
        scf.if %cond3A_331 {
          %dma_wait3A_338 = arith.constant 0 : i32
          %dma_wait3A_339 = arith.constant 0 : i32
          %dma_wait3A_340 = tpu.memref_slice %arg7[%dma_wait3A_338, %dma_wait3A_339] : memref<125x80xi32, #tpu.memory_space<vmem>> -> memref<1x80xi32, #tpu.memory_space<vmem>>
          %dma_wait3A_341 = tpu.memref_squeeze %dma_wait3A_340 : memref<1x80xi32, #tpu.memory_space<vmem>> -> memref<80xi32, #tpu.memory_space<vmem>>
          %dma_wait3A_342 = arith.constant 0 : i32
          %dma_wait3A_343 = arith.constant 0 : i32
          %dma_wait3A_344 = tpu.memref_slice %arg16[%dma_wait3A_342, %dma_wait3A_343] : memref<10240x64xf32, #tpu.memory_space<vmem_shared>> -> memref<10240x64xf32, #tpu.memory_space<vmem_shared>>
          tpu.wait_indirect_dma semaphore(%arg31 : memref<!tpu.dma_semaphore, #tpu.memory_space<semaphore_mem>>) src(%arg14 : memref<80x64xf32, #tpu.memory_space<vmem>>) dst(%dma_wait3A_344 : memref<10240x64xf32, #tpu.memory_space<vmem_shared>>)
        } else {
        }
        %dma_start3A_332 = arith.constant 0 : i32
        %dma_start3A_333 = tpu.memref_slice %arg6[%add3A_242, %dma_start3A_332] : memref<125x80xi32, #tpu.memory_space<vmem>> -> memref<1x80xi32, #tpu.memory_space<vmem>>
        %dma_start3A_334 = tpu.memref_squeeze %dma_start3A_333 : memref<1x80xi32, #tpu.memory_space<vmem>> -> memref<80xi32, #tpu.memory_space<vmem>>
        %dma_start3A_335 = arith.constant 0 : i32
        %dma_start3A_336 = arith.constant 0 : i32
        %dma_start3A_337 = tpu.memref_slice %arg3[%dma_start3A_335, %dma_start3A_336] : memref<20000x64xf32, #tpu.memory_space<hbm>> -> memref<20000x64xf32, #tpu.memory_space<hbm>>
        tpu.enqueue_indirect_dma source(%dma_start3A_337 : memref<20000x64xf32, #tpu.memory_space<hbm>>) target(%arg14 : memref<80x64xf32, #tpu.memory_space<vmem>>) offsets(%dma_start3A_334 : memref<80xi32, #tpu.memory_space<vmem>>) semaphore(%arg23 : memref<!tpu.dma_semaphore, #tpu.memory_space<semaphore_mem>>)
      } else {
      }
      %mul3A_248 = arith.constant 8 : i32
      %mul3A_249 = arith.muli %scan3A_202, %mul3A_248 : i32
      %add3A_250 = arith.constant 3 : i32
      %add3A_251 = arith.addi %mul3A_249, %add3A_250 : i32
      %lt3A_252 = arith.constant 125 : i32
      %lt3A_253 = arith.cmpi slt, %add3A_251, %lt3A_252 : i32
      %convert_element_type3A_254 = arith.extui %lt3A_253 : i1 to i32
      %cond3A_255 = arith.constant 0 : i32
      %cond3A_256 = arith.cmpi ne, %convert_element_type3A_254, %cond3A_255 : i32
      scf.if %cond3A_256 {
        %dma_wait3A_328 = arith.constant 0 : i32
        %dma_wait3A_329 = arith.constant 0 : i32
        %dma_wait3A_330 = tpu.memref_slice %arg6[%dma_wait3A_328, %dma_wait3A_329] : memref<125x80xi32, #tpu.memory_space<vmem>> -> memref<1x80xi32, #tpu.memory_space<vmem>>
        %dma_wait3A_331 = tpu.memref_squeeze %dma_wait3A_330 : memref<1x80xi32, #tpu.memory_space<vmem>> -> memref<80xi32, #tpu.memory_space<vmem>>
        %dma_wait3A_332 = arith.constant 0 : i32
        %dma_wait3A_333 = arith.constant 0 : i32
        %dma_wait3A_334 = tpu.memref_slice %arg3[%dma_wait3A_332, %dma_wait3A_333] : memref<20000x64xf32, #tpu.memory_space<hbm>> -> memref<20000x64xf32, #tpu.memory_space<hbm>>
        tpu.wait_indirect_dma semaphore(%arg20 : memref<!tpu.dma_semaphore, #tpu.memory_space<semaphore_mem>>) src(%dma_wait3A_334 : memref<20000x64xf32, #tpu.memory_space<hbm>>) dst(%arg11 : memref<80x64xf32, #tpu.memory_space<vmem>>)
        %dma_start3A_335 = arith.constant 0 : i32
        %dma_start3A_336 = tpu.memref_slice %arg7[%add3A_251, %dma_start3A_335] : memref<125x80xi32, #tpu.memory_space<vmem>> -> memref<1x80xi32, #tpu.memory_space<vmem>>
        %dma_start3A_337 = tpu.memref_squeeze %dma_start3A_336 : memref<1x80xi32, #tpu.memory_space<vmem>> -> memref<80xi32, #tpu.memory_space<vmem>>
        %dma_start3A_338 = arith.constant 0 : i32
        %dma_start3A_339 = arith.constant 0 : i32
        %dma_start3A_340 = tpu.memref_slice %arg16[%dma_start3A_338, %dma_start3A_339] : memref<10240x64xf32, #tpu.memory_space<vmem_shared>> -> memref<10240x64xf32, #tpu.memory_space<vmem_shared>>
        tpu.enqueue_indirect_dma source(%arg11 : memref<80x64xf32, #tpu.memory_space<vmem>>) target(%dma_start3A_340 : memref<10240x64xf32, #tpu.memory_space<vmem_shared>>) offsets(%dma_start3A_337 : memref<80xi32, #tpu.memory_space<vmem>>) semaphore(%arg28 : memref<!tpu.dma_semaphore, #tpu.memory_space<semaphore_mem>>) {add = true}
      } else {
      }
      %add3A_257 = arith.constant 4 : i32
      %add3A_258 = arith.addi %add3A_251, %add3A_257 : i32
      %lt3A_259 = arith.constant 125 : i32
      %lt3A_260 = arith.cmpi slt, %add3A_258, %lt3A_259 : i32
      %convert_element_type3A_261 = arith.extui %lt3A_260 : i1 to i32
      %cond3A_262 = arith.constant 0 : i32
      %cond3A_263 = arith.cmpi ne, %convert_element_type3A_261, %cond3A_262 : i32
      scf.if %cond3A_263 {
        %ge3A = arith.constant 4 : i32
        %ge3A_328 = arith.cmpi sge, %add3A_251, %ge3A : i32
        %convert_element_type3A_329 = arith.extui %ge3A_328 : i1 to i32
        %cond3A_330 = arith.constant 0 : i32
        %cond3A_331 = arith.cmpi ne, %convert_element_type3A_329, %cond3A_330 : i32
        scf.if %cond3A_331 {
          %dma_wait3A_338 = arith.constant 0 : i32
          %dma_wait3A_339 = arith.constant 0 : i32
          %dma_wait3A_340 = tpu.memref_slice %arg7[%dma_wait3A_338, %dma_wait3A_339] : memref<125x80xi32, #tpu.memory_space<vmem>> -> memref<1x80xi32, #tpu.memory_space<vmem>>
          %dma_wait3A_341 = tpu.memref_squeeze %dma_wait3A_340 : memref<1x80xi32, #tpu.memory_space<vmem>> -> memref<80xi32, #tpu.memory_space<vmem>>
          %dma_wait3A_342 = arith.constant 0 : i32
          %dma_wait3A_343 = arith.constant 0 : i32
          %dma_wait3A_344 = tpu.memref_slice %arg16[%dma_wait3A_342, %dma_wait3A_343] : memref<10240x64xf32, #tpu.memory_space<vmem_shared>> -> memref<10240x64xf32, #tpu.memory_space<vmem_shared>>
          tpu.wait_indirect_dma semaphore(%arg32 : memref<!tpu.dma_semaphore, #tpu.memory_space<semaphore_mem>>) src(%arg15 : memref<80x64xf32, #tpu.memory_space<vmem>>) dst(%dma_wait3A_344 : memref<10240x64xf32, #tpu.memory_space<vmem_shared>>)
        } else {
        }
        %dma_start3A_332 = arith.constant 0 : i32
        %dma_start3A_333 = tpu.memref_slice %arg6[%add3A_258, %dma_start3A_332] : memref<125x80xi32, #tpu.memory_space<vmem>> -> memref<1x80xi32, #tpu.memory_space<vmem>>
        %dma_start3A_334 = tpu.memref_squeeze %dma_start3A_333 : memref<1x80xi32, #tpu.memory_space<vmem>> -> memref<80xi32, #tpu.memory_space<vmem>>
        %dma_start3A_335 = arith.constant 0 : i32
        %dma_start3A_336 = arith.constant 0 : i32
        %dma_start3A_337 = tpu.memref_slice %arg3[%dma_start3A_335, %dma_start3A_336] : memref<20000x64xf32, #tpu.memory_space<hbm>> -> memref<20000x64xf32, #tpu.memory_space<hbm>>
        tpu.enqueue_indirect_dma source(%dma_start3A_337 : memref<20000x64xf32, #tpu.memory_space<hbm>>) target(%arg15 : memref<80x64xf32, #tpu.memory_space<vmem>>) offsets(%dma_start3A_334 : memref<80xi32, #tpu.memory_space<vmem>>) semaphore(%arg24 : memref<!tpu.dma_semaphore, #tpu.memory_space<semaphore_mem>>)
      } else {
      }
      %mul3A_264 = arith.constant 8 : i32
      %mul3A_265 = arith.muli %scan3A_202, %mul3A_264 : i32
      %add3A_266 = arith.constant 4 : i32
      %add3A_267 = arith.addi %mul3A_265, %add3A_266 : i32
      %lt3A_268 = arith.constant 125 : i32
      %lt3A_269 = arith.cmpi slt, %add3A_267, %lt3A_268 : i32
      %convert_element_type3A_270 = arith.extui %lt3A_269 : i1 to i32
      %cond3A_271 = arith.constant 0 : i32
      %cond3A_272 = arith.cmpi ne, %convert_element_type3A_270, %cond3A_271 : i32
      scf.if %cond3A_272 {
        %dma_wait3A_328 = arith.constant 0 : i32
        %dma_wait3A_329 = arith.constant 0 : i32
        %dma_wait3A_330 = tpu.memref_slice %arg6[%dma_wait3A_328, %dma_wait3A_329] : memref<125x80xi32, #tpu.memory_space<vmem>> -> memref<1x80xi32, #tpu.memory_space<vmem>>
        %dma_wait3A_331 = tpu.memref_squeeze %dma_wait3A_330 : memref<1x80xi32, #tpu.memory_space<vmem>> -> memref<80xi32, #tpu.memory_space<vmem>>
        %dma_wait3A_332 = arith.constant 0 : i32
        %dma_wait3A_333 = arith.constant 0 : i32
        %dma_wait3A_334 = tpu.memref_slice %arg3[%dma_wait3A_332, %dma_wait3A_333] : memref<20000x64xf32, #tpu.memory_space<hbm>> -> memref<20000x64xf32, #tpu.memory_space<hbm>>
        tpu.wait_indirect_dma semaphore(%arg21 : memref<!tpu.dma_semaphore, #tpu.memory_space<semaphore_mem>>) src(%dma_wait3A_334 : memref<20000x64xf32, #tpu.memory_space<hbm>>) dst(%arg12 : memref<80x64xf32, #tpu.memory_space<vmem>>)
        %dma_start3A_335 = arith.constant 0 : i32
        %dma_start3A_336 = tpu.memref_slice %arg7[%add3A_267, %dma_start3A_335] : memref<125x80xi32, #tpu.memory_space<vmem>> -> memref<1x80xi32, #tpu.memory_space<vmem>>
        %dma_start3A_337 = tpu.memref_squeeze %dma_start3A_336 : memref<1x80xi32, #tpu.memory_space<vmem>> -> memref<80xi32, #tpu.memory_space<vmem>>
        %dma_start3A_338 = arith.constant 0 : i32
        %dma_start3A_339 = arith.constant 0 : i32
        %dma_start3A_340 = tpu.memref_slice %arg16[%dma_start3A_338, %dma_start3A_339] : memref<10240x64xf32, #tpu.memory_space<vmem_shared>> -> memref<10240x64xf32, #tpu.memory_space<vmem_shared>>
        tpu.enqueue_indirect_dma source(%arg12 : memref<80x64xf32, #tpu.memory_space<vmem>>) target(%dma_start3A_340 : memref<10240x64xf32, #tpu.memory_space<vmem_shared>>) offsets(%dma_start3A_337 : memref<80xi32, #tpu.memory_space<vmem>>) semaphore(%arg29 : memref<!tpu.dma_semaphore, #tpu.memory_space<semaphore_mem>>) {add = true}
      } else {
      }
      %add3A_273 = arith.constant 4 : i32
      %add3A_274 = arith.addi %add3A_267, %add3A_273 : i32
      %lt3A_275 = arith.constant 125 : i32
      %lt3A_276 = arith.cmpi slt, %add3A_274, %lt3A_275 : i32
      %convert_element_type3A_277 = arith.extui %lt3A_276 : i1 to i32
      %cond3A_278 = arith.constant 0 : i32
      %cond3A_279 = arith.cmpi ne, %convert_element_type3A_277, %cond3A_278 : i32
      scf.if %cond3A_279 {
        %ge3A = arith.constant 4 : i32
        %ge3A_328 = arith.cmpi sge, %add3A_267, %ge3A : i32
        %convert_element_type3A_329 = arith.extui %ge3A_328 : i1 to i32
        %cond3A_330 = arith.constant 0 : i32
        %cond3A_331 = arith.cmpi ne, %convert_element_type3A_329, %cond3A_330 : i32
        scf.if %cond3A_331 {
          %dma_wait3A_338 = arith.constant 0 : i32
          %dma_wait3A_339 = arith.constant 0 : i32
          %dma_wait3A_340 = tpu.memref_slice %arg7[%dma_wait3A_338, %dma_wait3A_339] : memref<125x80xi32, #tpu.memory_space<vmem>> -> memref<1x80xi32, #tpu.memory_space<vmem>>
          %dma_wait3A_341 = tpu.memref_squeeze %dma_wait3A_340 : memref<1x80xi32, #tpu.memory_space<vmem>> -> memref<80xi32, #tpu.memory_space<vmem>>
          %dma_wait3A_342 = arith.constant 0 : i32
          %dma_wait3A_343 = arith.constant 0 : i32
          %dma_wait3A_344 = tpu.memref_slice %arg16[%dma_wait3A_342, %dma_wait3A_343] : memref<10240x64xf32, #tpu.memory_space<vmem_shared>> -> memref<10240x64xf32, #tpu.memory_space<vmem_shared>>
          tpu.wait_indirect_dma semaphore(%arg25 : memref<!tpu.dma_semaphore, #tpu.memory_space<semaphore_mem>>) src(%arg8 : memref<80x64xf32, #tpu.memory_space<vmem>>) dst(%dma_wait3A_344 : memref<10240x64xf32, #tpu.memory_space<vmem_shared>>)
        } else {
        }
        %dma_start3A_332 = arith.constant 0 : i32
        %dma_start3A_333 = tpu.memref_slice %arg6[%add3A_274, %dma_start3A_332] : memref<125x80xi32, #tpu.memory_space<vmem>> -> memref<1x80xi32, #tpu.memory_space<vmem>>
        %dma_start3A_334 = tpu.memref_squeeze %dma_start3A_333 : memref<1x80xi32, #tpu.memory_space<vmem>> -> memref<80xi32, #tpu.memory_space<vmem>>
        %dma_start3A_335 = arith.constant 0 : i32
        %dma_start3A_336 = arith.constant 0 : i32
        %dma_start3A_337 = tpu.memref_slice %arg3[%dma_start3A_335, %dma_start3A_336] : memref<20000x64xf32, #tpu.memory_space<hbm>> -> memref<20000x64xf32, #tpu.memory_space<hbm>>
        tpu.enqueue_indirect_dma source(%dma_start3A_337 : memref<20000x64xf32, #tpu.memory_space<hbm>>) target(%arg8 : memref<80x64xf32, #tpu.memory_space<vmem>>) offsets(%dma_start3A_334 : memref<80xi32, #tpu.memory_space<vmem>>) semaphore(%arg17 : memref<!tpu.dma_semaphore, #tpu.memory_space<semaphore_mem>>)
      } else {
      }
      %mul3A_280 = arith.constant 8 : i32
      %mul3A_281 = arith.muli %scan3A_202, %mul3A_280 : i32
      %add3A_282 = arith.constant 5 : i32
      %add3A_283 = arith.addi %mul3A_281, %add3A_282 : i32
      %lt3A_284 = arith.constant 125 : i32
      %lt3A_285 = arith.cmpi slt, %add3A_283, %lt3A_284 : i32
      %convert_element_type3A_286 = arith.extui %lt3A_285 : i1 to i32
      %cond3A_287 = arith.constant 0 : i32
      %cond3A_288 = arith.cmpi ne, %convert_element_type3A_286, %cond3A_287 : i32
      scf.if %cond3A_288 {
        %dma_wait3A_328 = arith.constant 0 : i32
        %dma_wait3A_329 = arith.constant 0 : i32
        %dma_wait3A_330 = tpu.memref_slice %arg6[%dma_wait3A_328, %dma_wait3A_329] : memref<125x80xi32, #tpu.memory_space<vmem>> -> memref<1x80xi32, #tpu.memory_space<vmem>>
        %dma_wait3A_331 = tpu.memref_squeeze %dma_wait3A_330 : memref<1x80xi32, #tpu.memory_space<vmem>> -> memref<80xi32, #tpu.memory_space<vmem>>
        %dma_wait3A_332 = arith.constant 0 : i32
        %dma_wait3A_333 = arith.constant 0 : i32
        %dma_wait3A_334 = tpu.memref_slice %arg3[%dma_wait3A_332, %dma_wait3A_333] : memref<20000x64xf32, #tpu.memory_space<hbm>> -> memref<20000x64xf32, #tpu.memory_space<hbm>>
        tpu.wait_indirect_dma semaphore(%arg22 : memref<!tpu.dma_semaphore, #tpu.memory_space<semaphore_mem>>) src(%dma_wait3A_334 : memref<20000x64xf32, #tpu.memory_space<hbm>>) dst(%arg13 : memref<80x64xf32, #tpu.memory_space<vmem>>)
        %dma_start3A_335 = arith.constant 0 : i32
        %dma_start3A_336 = tpu.memref_slice %arg7[%add3A_283, %dma_start3A_335] : memref<125x80xi32, #tpu.memory_space<vmem>> -> memref<1x80xi32, #tpu.memory_space<vmem>>
        %dma_start3A_337 = tpu.memref_squeeze %dma_start3A_336 : memref<1x80xi32, #tpu.memory_space<vmem>> -> memref<80xi32, #tpu.memory_space<vmem>>
        %dma_start3A_338 = arith.constant 0 : i32
        %dma_start3A_339 = arith.constant 0 : i32
        %dma_start3A_340 = tpu.memref_slice %arg16[%dma_start3A_338, %dma_start3A_339] : memref<10240x64xf32, #tpu.memory_space<vmem_shared>> -> memref<10240x64xf32, #tpu.memory_space<vmem_shared>>
        tpu.enqueue_indirect_dma source(%arg13 : memref<80x64xf32, #tpu.memory_space<vmem>>) target(%dma_start3A_340 : memref<10240x64xf32, #tpu.memory_space<vmem_shared>>) offsets(%dma_start3A_337 : memref<80xi32, #tpu.memory_space<vmem>>) semaphore(%arg30 : memref<!tpu.dma_semaphore, #tpu.memory_space<semaphore_mem>>) {add = true}
      } else {
      }
      %add3A_289 = arith.constant 4 : i32
      %add3A_290 = arith.addi %add3A_283, %add3A_289 : i32
      %lt3A_291 = arith.constant 125 : i32
      %lt3A_292 = arith.cmpi slt, %add3A_290, %lt3A_291 : i32
      %convert_element_type3A_293 = arith.extui %lt3A_292 : i1 to i32
      %cond3A_294 = arith.constant 0 : i32
      %cond3A_295 = arith.cmpi ne, %convert_element_type3A_293, %cond3A_294 : i32
      scf.if %cond3A_295 {
        %ge3A = arith.constant 4 : i32
        %ge3A_328 = arith.cmpi sge, %add3A_283, %ge3A : i32
        %convert_element_type3A_329 = arith.extui %ge3A_328 : i1 to i32
        %cond3A_330 = arith.constant 0 : i32
        %cond3A_331 = arith.cmpi ne, %convert_element_type3A_329, %cond3A_330 : i32
        scf.if %cond3A_331 {
          %dma_wait3A_338 = arith.constant 0 : i32
          %dma_wait3A_339 = arith.constant 0 : i32
          %dma_wait3A_340 = tpu.memref_slice %arg7[%dma_wait3A_338, %dma_wait3A_339] : memref<125x80xi32, #tpu.memory_space<vmem>> -> memref<1x80xi32, #tpu.memory_space<vmem>>
          %dma_wait3A_341 = tpu.memref_squeeze %dma_wait3A_340 : memref<1x80xi32, #tpu.memory_space<vmem>> -> memref<80xi32, #tpu.memory_space<vmem>>
          %dma_wait3A_342 = arith.constant 0 : i32
          %dma_wait3A_343 = arith.constant 0 : i32
          %dma_wait3A_344 = tpu.memref_slice %arg16[%dma_wait3A_342, %dma_wait3A_343] : memref<10240x64xf32, #tpu.memory_space<vmem_shared>> -> memref<10240x64xf32, #tpu.memory_space<vmem_shared>>
          tpu.wait_indirect_dma semaphore(%arg26 : memref<!tpu.dma_semaphore, #tpu.memory_space<semaphore_mem>>) src(%arg9 : memref<80x64xf32, #tpu.memory_space<vmem>>) dst(%dma_wait3A_344 : memref<10240x64xf32, #tpu.memory_space<vmem_shared>>)
        } else {
        }
        %dma_start3A_332 = arith.constant 0 : i32
        %dma_start3A_333 = tpu.memref_slice %arg6[%add3A_290, %dma_start3A_332] : memref<125x80xi32, #tpu.memory_space<vmem>> -> memref<1x80xi32, #tpu.memory_space<vmem>>
        %dma_start3A_334 = tpu.memref_squeeze %dma_start3A_333 : memref<1x80xi32, #tpu.memory_space<vmem>> -> memref<80xi32, #tpu.memory_space<vmem>>
        %dma_start3A_335 = arith.constant 0 : i32
        %dma_start3A_336 = arith.constant 0 : i32
        %dma_start3A_337 = tpu.memref_slice %arg3[%dma_start3A_335, %dma_start3A_336] : memref<20000x64xf32, #tpu.memory_space<hbm>> -> memref<20000x64xf32, #tpu.memory_space<hbm>>
        tpu.enqueue_indirect_dma source(%dma_start3A_337 : memref<20000x64xf32, #tpu.memory_space<hbm>>) target(%arg9 : memref<80x64xf32, #tpu.memory_space<vmem>>) offsets(%dma_start3A_334 : memref<80xi32, #tpu.memory_space<vmem>>) semaphore(%arg18 : memref<!tpu.dma_semaphore, #tpu.memory_space<semaphore_mem>>)
      } else {
      }
      %mul3A_296 = arith.constant 8 : i32
      %mul3A_297 = arith.muli %scan3A_202, %mul3A_296 : i32
      %add3A_298 = arith.constant 6 : i32
      %add3A_299 = arith.addi %mul3A_297, %add3A_298 : i32
      %lt3A_300 = arith.constant 125 : i32
      %lt3A_301 = arith.cmpi slt, %add3A_299, %lt3A_300 : i32
      %convert_element_type3A_302 = arith.extui %lt3A_301 : i1 to i32
      %cond3A_303 = arith.constant 0 : i32
      %cond3A_304 = arith.cmpi ne, %convert_element_type3A_302, %cond3A_303 : i32
      scf.if %cond3A_304 {
        %dma_wait3A_328 = arith.constant 0 : i32
        %dma_wait3A_329 = arith.constant 0 : i32
        %dma_wait3A_330 = tpu.memref_slice %arg6[%dma_wait3A_328, %dma_wait3A_329] : memref<125x80xi32, #tpu.memory_space<vmem>> -> memref<1x80xi32, #tpu.memory_space<vmem>>
        %dma_wait3A_331 = tpu.memref_squeeze %dma_wait3A_330 : memref<1x80xi32, #tpu.memory_space<vmem>> -> memref<80xi32, #tpu.memory_space<vmem>>
        %dma_wait3A_332 = arith.constant 0 : i32
        %dma_wait3A_333 = arith.constant 0 : i32
        %dma_wait3A_334 = tpu.memref_slice %arg3[%dma_wait3A_332, %dma_wait3A_333] : memref<20000x64xf32, #tpu.memory_space<hbm>> -> memref<20000x64xf32, #tpu.memory_space<hbm>>
        tpu.wait_indirect_dma semaphore(%arg23 : memref<!tpu.dma_semaphore, #tpu.memory_space<semaphore_mem>>) src(%dma_wait3A_334 : memref<20000x64xf32, #tpu.memory_space<hbm>>) dst(%arg14 : memref<80x64xf32, #tpu.memory_space<vmem>>)
        %dma_start3A_335 = arith.constant 0 : i32
        %dma_start3A_336 = tpu.memref_slice %arg7[%add3A_299, %dma_start3A_335] : memref<125x80xi32, #tpu.memory_space<vmem>> -> memref<1x80xi32, #tpu.memory_space<vmem>>
        %dma_start3A_337 = tpu.memref_squeeze %dma_start3A_336 : memref<1x80xi32, #tpu.memory_space<vmem>> -> memref<80xi32, #tpu.memory_space<vmem>>
        %dma_start3A_338 = arith.constant 0 : i32
        %dma_start3A_339 = arith.constant 0 : i32
        %dma_start3A_340 = tpu.memref_slice %arg16[%dma_start3A_338, %dma_start3A_339] : memref<10240x64xf32, #tpu.memory_space<vmem_shared>> -> memref<10240x64xf32, #tpu.memory_space<vmem_shared>>
        tpu.enqueue_indirect_dma source(%arg14 : memref<80x64xf32, #tpu.memory_space<vmem>>) target(%dma_start3A_340 : memref<10240x64xf32, #tpu.memory_space<vmem_shared>>) offsets(%dma_start3A_337 : memref<80xi32, #tpu.memory_space<vmem>>) semaphore(%arg31 : memref<!tpu.dma_semaphore, #tpu.memory_space<semaphore_mem>>) {add = true}
      } else {
      }
      %add3A_305 = arith.constant 4 : i32
      %add3A_306 = arith.addi %add3A_299, %add3A_305 : i32
      %lt3A_307 = arith.constant 125 : i32
      %lt3A_308 = arith.cmpi slt, %add3A_306, %lt3A_307 : i32
      %convert_element_type3A_309 = arith.extui %lt3A_308 : i1 to i32
      %cond3A_310 = arith.constant 0 : i32
      %cond3A_311 = arith.cmpi ne, %convert_element_type3A_309, %cond3A_310 : i32
      scf.if %cond3A_311 {
        %ge3A = arith.constant 4 : i32
        %ge3A_328 = arith.cmpi sge, %add3A_299, %ge3A : i32
        %convert_element_type3A_329 = arith.extui %ge3A_328 : i1 to i32
        %cond3A_330 = arith.constant 0 : i32
        %cond3A_331 = arith.cmpi ne, %convert_element_type3A_329, %cond3A_330 : i32
        scf.if %cond3A_331 {
          %dma_wait3A_338 = arith.constant 0 : i32
          %dma_wait3A_339 = arith.constant 0 : i32
          %dma_wait3A_340 = tpu.memref_slice %arg7[%dma_wait3A_338, %dma_wait3A_339] : memref<125x80xi32, #tpu.memory_space<vmem>> -> memref<1x80xi32, #tpu.memory_space<vmem>>
          %dma_wait3A_341 = tpu.memref_squeeze %dma_wait3A_340 : memref<1x80xi32, #tpu.memory_space<vmem>> -> memref<80xi32, #tpu.memory_space<vmem>>
          %dma_wait3A_342 = arith.constant 0 : i32
          %dma_wait3A_343 = arith.constant 0 : i32
          %dma_wait3A_344 = tpu.memref_slice %arg16[%dma_wait3A_342, %dma_wait3A_343] : memref<10240x64xf32, #tpu.memory_space<vmem_shared>> -> memref<10240x64xf32, #tpu.memory_space<vmem_shared>>
          tpu.wait_indirect_dma semaphore(%arg27 : memref<!tpu.dma_semaphore, #tpu.memory_space<semaphore_mem>>) src(%arg10 : memref<80x64xf32, #tpu.memory_space<vmem>>) dst(%dma_wait3A_344 : memref<10240x64xf32, #tpu.memory_space<vmem_shared>>)
        } else {
        }
        %dma_start3A_332 = arith.constant 0 : i32
        %dma_start3A_333 = tpu.memref_slice %arg6[%add3A_306, %dma_start3A_332] : memref<125x80xi32, #tpu.memory_space<vmem>> -> memref<1x80xi32, #tpu.memory_space<vmem>>
        %dma_start3A_334 = tpu.memref_squeeze %dma_start3A_333 : memref<1x80xi32, #tpu.memory_space<vmem>> -> memref<80xi32, #tpu.memory_space<vmem>>
        %dma_start3A_335 = arith.constant 0 : i32
        %dma_start3A_336 = arith.constant 0 : i32
        %dma_start3A_337 = tpu.memref_slice %arg3[%dma_start3A_335, %dma_start3A_336] : memref<20000x64xf32, #tpu.memory_space<hbm>> -> memref<20000x64xf32, #tpu.memory_space<hbm>>
        tpu.enqueue_indirect_dma source(%dma_start3A_337 : memref<20000x64xf32, #tpu.memory_space<hbm>>) target(%arg10 : memref<80x64xf32, #tpu.memory_space<vmem>>) offsets(%dma_start3A_334 : memref<80xi32, #tpu.memory_space<vmem>>) semaphore(%arg19 : memref<!tpu.dma_semaphore, #tpu.memory_space<semaphore_mem>>)
      } else {
      }
      %mul3A_312 = arith.constant 8 : i32
      %mul3A_313 = arith.muli %scan3A_202, %mul3A_312 : i32
      %add3A_314 = arith.constant 7 : i32
      %add3A_315 = arith.addi %mul3A_313, %add3A_314 : i32
      %lt3A_316 = arith.constant 125 : i32
      %lt3A_317 = arith.cmpi slt, %add3A_315, %lt3A_316 : i32
      %convert_element_type3A_318 = arith.extui %lt3A_317 : i1 to i32
      %cond3A_319 = arith.constant 0 : i32
      %cond3A_320 = arith.cmpi ne, %convert_element_type3A_318, %cond3A_319 : i32
      scf.if %cond3A_320 {
        %dma_wait3A_328 = arith.constant 0 : i32
        %dma_wait3A_329 = arith.constant 0 : i32
        %dma_wait3A_330 = tpu.memref_slice %arg6[%dma_wait3A_328, %dma_wait3A_329] : memref<125x80xi32, #tpu.memory_space<vmem>> -> memref<1x80xi32, #tpu.memory_space<vmem>>
        %dma_wait3A_331 = tpu.memref_squeeze %dma_wait3A_330 : memref<1x80xi32, #tpu.memory_space<vmem>> -> memref<80xi32, #tpu.memory_space<vmem>>
        %dma_wait3A_332 = arith.constant 0 : i32
        %dma_wait3A_333 = arith.constant 0 : i32
        %dma_wait3A_334 = tpu.memref_slice %arg3[%dma_wait3A_332, %dma_wait3A_333] : memref<20000x64xf32, #tpu.memory_space<hbm>> -> memref<20000x64xf32, #tpu.memory_space<hbm>>
        tpu.wait_indirect_dma semaphore(%arg24 : memref<!tpu.dma_semaphore, #tpu.memory_space<semaphore_mem>>) src(%dma_wait3A_334 : memref<20000x64xf32, #tpu.memory_space<hbm>>) dst(%arg15 : memref<80x64xf32, #tpu.memory_space<vmem>>)
        %dma_start3A_335 = arith.constant 0 : i32
        %dma_start3A_336 = tpu.memref_slice %arg7[%add3A_315, %dma_start3A_335] : memref<125x80xi32, #tpu.memory_space<vmem>> -> memref<1x80xi32, #tpu.memory_space<vmem>>
        %dma_start3A_337 = tpu.memref_squeeze %dma_start3A_336 : memref<1x80xi32, #tpu.memory_space<vmem>> -> memref<80xi32, #tpu.memory_space<vmem>>
        %dma_start3A_338 = arith.constant 0 : i32
        %dma_start3A_339 = arith.constant 0 : i32
        %dma_start3A_340 = tpu.memref_slice %arg16[%dma_start3A_338, %dma_start3A_339] : memref<10240x64xf32, #tpu.memory_space<vmem_shared>> -> memref<10240x64xf32, #tpu.memory_space<vmem_shared>>
        tpu.enqueue_indirect_dma source(%arg15 : memref<80x64xf32, #tpu.memory_space<vmem>>) target(%dma_start3A_340 : memref<10240x64xf32, #tpu.memory_space<vmem_shared>>) offsets(%dma_start3A_337 : memref<80xi32, #tpu.memory_space<vmem>>) semaphore(%arg32 : memref<!tpu.dma_semaphore, #tpu.memory_space<semaphore_mem>>) {add = true}
      } else {
      }
      %add3A_321 = arith.constant 4 : i32
      %add3A_322 = arith.addi %add3A_315, %add3A_321 : i32
      %lt3A_323 = arith.constant 125 : i32
      %lt3A_324 = arith.cmpi slt, %add3A_322, %lt3A_323 : i32
      %convert_element_type3A_325 = arith.extui %lt3A_324 : i1 to i32
      %cond3A_326 = arith.constant 0 : i32
      %cond3A_327 = arith.cmpi ne, %convert_element_type3A_325, %cond3A_326 : i32
      scf.if %cond3A_327 {
        %ge3A = arith.constant 4 : i32
        %ge3A_328 = arith.cmpi sge, %add3A_315, %ge3A : i32
        %convert_element_type3A_329 = arith.extui %ge3A_328 : i1 to i32
        %cond3A_330 = arith.constant 0 : i32
        %cond3A_331 = arith.cmpi ne, %convert_element_type3A_329, %cond3A_330 : i32
        scf.if %cond3A_331 {
          %dma_wait3A_338 = arith.constant 0 : i32
          %dma_wait3A_339 = arith.constant 0 : i32
          %dma_wait3A_340 = tpu.memref_slice %arg7[%dma_wait3A_338, %dma_wait3A_339] : memref<125x80xi32, #tpu.memory_space<vmem>> -> memref<1x80xi32, #tpu.memory_space<vmem>>
          %dma_wait3A_341 = tpu.memref_squeeze %dma_wait3A_340 : memref<1x80xi32, #tpu.memory_space<vmem>> -> memref<80xi32, #tpu.memory_space<vmem>>
          %dma_wait3A_342 = arith.constant 0 : i32
          %dma_wait3A_343 = arith.constant 0 : i32
          %dma_wait3A_344 = tpu.memref_slice %arg16[%dma_wait3A_342, %dma_wait3A_343] : memref<10240x64xf32, #tpu.memory_space<vmem_shared>> -> memref<10240x64xf32, #tpu.memory_space<vmem_shared>>
          tpu.wait_indirect_dma semaphore(%arg28 : memref<!tpu.dma_semaphore, #tpu.memory_space<semaphore_mem>>) src(%arg11 : memref<80x64xf32, #tpu.memory_space<vmem>>) dst(%dma_wait3A_344 : memref<10240x64xf32, #tpu.memory_space<vmem_shared>>)
        } else {
        }
        %dma_start3A_332 = arith.constant 0 : i32
        %dma_start3A_333 = tpu.memref_slice %arg6[%add3A_322, %dma_start3A_332] : memref<125x80xi32, #tpu.memory_space<vmem>> -> memref<1x80xi32, #tpu.memory_space<vmem>>
        %dma_start3A_334 = tpu.memref_squeeze %dma_start3A_333 : memref<1x80xi32, #tpu.memory_space<vmem>> -> memref<80xi32, #tpu.memory_space<vmem>>
        %dma_start3A_335 = arith.constant 0 : i32
        %dma_start3A_336 = arith.constant 0 : i32
        %dma_start3A_337 = tpu.memref_slice %arg3[%dma_start3A_335, %dma_start3A_336] : memref<20000x64xf32, #tpu.memory_space<hbm>> -> memref<20000x64xf32, #tpu.memory_space<hbm>>
        tpu.enqueue_indirect_dma source(%dma_start3A_337 : memref<20000x64xf32, #tpu.memory_space<hbm>>) target(%arg11 : memref<80x64xf32, #tpu.memory_space<vmem>>) offsets(%dma_start3A_334 : memref<80xi32, #tpu.memory_space<vmem>>) semaphore(%arg20 : memref<!tpu.dma_semaphore, #tpu.memory_space<semaphore_mem>>)
      } else {
      }
    }
    %scan3A_139 = arith.constant 16 : i32
    %dma_wait3A_140 = arith.constant 0 : i32
    %dma_wait3A_141 = arith.constant 0 : i32
    %dma_wait3A_142 = tpu.memref_slice %arg7[%dma_wait3A_140, %dma_wait3A_141] : memref<125x80xi32, #tpu.memory_space<vmem>> -> memref<1x80xi32, #tpu.memory_space<vmem>>
    %dma_wait3A_143 = tpu.memref_squeeze %dma_wait3A_142 : memref<1x80xi32, #tpu.memory_space<vmem>> -> memref<80xi32, #tpu.memory_space<vmem>>
    %dma_wait3A_144 = arith.constant 0 : i32
    %dma_wait3A_145 = arith.constant 0 : i32
    %dma_wait3A_146 = tpu.memref_slice %arg16[%dma_wait3A_144, %dma_wait3A_145] : memref<10240x64xf32, #tpu.memory_space<vmem_shared>> -> memref<10240x64xf32, #tpu.memory_space<vmem_shared>>
    tpu.wait_indirect_dma semaphore(%arg25 : memref<!tpu.dma_semaphore, #tpu.memory_space<semaphore_mem>>) src(%arg8 : memref<80x64xf32, #tpu.memory_space<vmem>>) dst(%dma_wait3A_146 : memref<10240x64xf32, #tpu.memory_space<vmem_shared>>)
    %dma_wait3A_147 = arith.constant 0 : i32
    %dma_wait3A_148 = arith.constant 0 : i32
    %dma_wait3A_149 = tpu.memref_slice %arg7[%dma_wait3A_147, %dma_wait3A_148] : memref<125x80xi32, #tpu.memory_space<vmem>> -> memref<1x80xi32, #tpu.memory_space<vmem>>
    %dma_wait3A_150 = tpu.memref_squeeze %dma_wait3A_149 : memref<1x80xi32, #tpu.memory_space<vmem>> -> memref<80xi32, #tpu.memory_space<vmem>>
    %dma_wait3A_151 = arith.constant 0 : i32
    %dma_wait3A_152 = arith.constant 0 : i32
    %dma_wait3A_153 = tpu.memref_slice %arg16[%dma_wait3A_151, %dma_wait3A_152] : memref<10240x64xf32, #tpu.memory_space<vmem_shared>> -> memref<10240x64xf32, #tpu.memory_space<vmem_shared>>
    tpu.wait_indirect_dma semaphore(%arg26 : memref<!tpu.dma_semaphore, #tpu.memory_space<semaphore_mem>>) src(%arg9 : memref<80x64xf32, #tpu.memory_space<vmem>>) dst(%dma_wait3A_153 : memref<10240x64xf32, #tpu.memory_space<vmem_shared>>)
    %dma_wait3A_154 = arith.constant 0 : i32
    %dma_wait3A_155 = arith.constant 0 : i32
    %dma_wait3A_156 = tpu.memref_slice %arg7[%dma_wait3A_154, %dma_wait3A_155] : memref<125x80xi32, #tpu.memory_space<vmem>> -> memref<1x80xi32, #tpu.memory_space<vmem>>
    %dma_wait3A_157 = tpu.memref_squeeze %dma_wait3A_156 : memref<1x80xi32, #tpu.memory_space<vmem>> -> memref<80xi32, #tpu.memory_space<vmem>>
    %dma_wait3A_158 = arith.constant 0 : i32
    %dma_wait3A_159 = arith.constant 0 : i32
    %dma_wait3A_160 = tpu.memref_slice %arg16[%dma_wait3A_158, %dma_wait3A_159] : memref<10240x64xf32, #tpu.memory_space<vmem_shared>> -> memref<10240x64xf32, #tpu.memory_space<vmem_shared>>
    tpu.wait_indirect_dma semaphore(%arg27 : memref<!tpu.dma_semaphore, #tpu.memory_space<semaphore_mem>>) src(%arg10 : memref<80x64xf32, #tpu.memory_space<vmem>>) dst(%dma_wait3A_160 : memref<10240x64xf32, #tpu.memory_space<vmem_shared>>)
    %dma_wait3A_161 = arith.constant 0 : i32
    %dma_wait3A_162 = arith.constant 0 : i32
    %dma_wait3A_163 = tpu.memref_slice %arg7[%dma_wait3A_161, %dma_wait3A_162] : memref<125x80xi32, #tpu.memory_space<vmem>> -> memref<1x80xi32, #tpu.memory_space<vmem>>
    %dma_wait3A_164 = tpu.memref_squeeze %dma_wait3A_163 : memref<1x80xi32, #tpu.memory_space<vmem>> -> memref<80xi32, #tpu.memory_space<vmem>>
    %dma_wait3A_165 = arith.constant 0 : i32
    %dma_wait3A_166 = arith.constant 0 : i32
    %dma_wait3A_167 = tpu.memref_slice %arg16[%dma_wait3A_165, %dma_wait3A_166] : memref<10240x64xf32, #tpu.memory_space<vmem_shared>> -> memref<10240x64xf32, #tpu.memory_space<vmem_shared>>
    tpu.wait_indirect_dma semaphore(%arg28 : memref<!tpu.dma_semaphore, #tpu.memory_space<semaphore_mem>>) src(%arg11 : memref<80x64xf32, #tpu.memory_space<vmem>>) dst(%dma_wait3A_167 : memref<10240x64xf32, #tpu.memory_space<vmem_shared>>)
    %dma_wait3A_168 = arith.constant 0 : i32
    %dma_wait3A_169 = arith.constant 0 : i32
    %dma_wait3A_170 = tpu.memref_slice %arg7[%dma_wait3A_168, %dma_wait3A_169] : memref<125x80xi32, #tpu.memory_space<vmem>> -> memref<1x80xi32, #tpu.memory_space<vmem>>
    %dma_wait3A_171 = tpu.memref_squeeze %dma_wait3A_170 : memref<1x80xi32, #tpu.memory_space<vmem>> -> memref<80xi32, #tpu.memory_space<vmem>>
    %dma_wait3A_172 = arith.constant 0 : i32
    %dma_wait3A_173 = arith.constant 0 : i32
    %dma_wait3A_174 = tpu.memref_slice %arg16[%dma_wait3A_172, %dma_wait3A_173] : memref<10240x64xf32, #tpu.memory_space<vmem_shared>> -> memref<10240x64xf32, #tpu.memory_space<vmem_shared>>
    tpu.wait_indirect_dma semaphore(%arg29 : memref<!tpu.dma_semaphore, #tpu.memory_space<semaphore_mem>>) src(%arg12 : memref<80x64xf32, #tpu.memory_space<vmem>>) dst(%dma_wait3A_174 : memref<10240x64xf32, #tpu.memory_space<vmem_shared>>)
    %dma_wait3A_175 = arith.constant 0 : i32
    %dma_wait3A_176 = arith.constant 0 : i32
    %dma_wait3A_177 = tpu.memref_slice %arg7[%dma_wait3A_175, %dma_wait3A_176] : memref<125x80xi32, #tpu.memory_space<vmem>> -> memref<1x80xi32, #tpu.memory_space<vmem>>
    %dma_wait3A_178 = tpu.memref_squeeze %dma_wait3A_177 : memref<1x80xi32, #tpu.memory_space<vmem>> -> memref<80xi32, #tpu.memory_space<vmem>>
    %dma_wait3A_179 = arith.constant 0 : i32
    %dma_wait3A_180 = arith.constant 0 : i32
    %dma_wait3A_181 = tpu.memref_slice %arg16[%dma_wait3A_179, %dma_wait3A_180] : memref<10240x64xf32, #tpu.memory_space<vmem_shared>> -> memref<10240x64xf32, #tpu.memory_space<vmem_shared>>
    tpu.wait_indirect_dma semaphore(%arg30 : memref<!tpu.dma_semaphore, #tpu.memory_space<semaphore_mem>>) src(%arg13 : memref<80x64xf32, #tpu.memory_space<vmem>>) dst(%dma_wait3A_181 : memref<10240x64xf32, #tpu.memory_space<vmem_shared>>)
    %dma_wait3A_182 = arith.constant 0 : i32
    %dma_wait3A_183 = arith.constant 0 : i32
    %dma_wait3A_184 = tpu.memref_slice %arg7[%dma_wait3A_182, %dma_wait3A_183] : memref<125x80xi32, #tpu.memory_space<vmem>> -> memref<1x80xi32, #tpu.memory_space<vmem>>
    %dma_wait3A_185 = tpu.memref_squeeze %dma_wait3A_184 : memref<1x80xi32, #tpu.memory_space<vmem>> -> memref<80xi32, #tpu.memory_space<vmem>>
    %dma_wait3A_186 = arith.constant 0 : i32
    %dma_wait3A_187 = arith.constant 0 : i32
    %dma_wait3A_188 = tpu.memref_slice %arg16[%dma_wait3A_186, %dma_wait3A_187] : memref<10240x64xf32, #tpu.memory_space<vmem_shared>> -> memref<10240x64xf32, #tpu.memory_space<vmem_shared>>
    tpu.wait_indirect_dma semaphore(%arg31 : memref<!tpu.dma_semaphore, #tpu.memory_space<semaphore_mem>>) src(%arg14 : memref<80x64xf32, #tpu.memory_space<vmem>>) dst(%dma_wait3A_188 : memref<10240x64xf32, #tpu.memory_space<vmem_shared>>)
    %dma_wait3A_189 = arith.constant 0 : i32
    %dma_wait3A_190 = arith.constant 0 : i32
    %dma_wait3A_191 = tpu.memref_slice %arg7[%dma_wait3A_189, %dma_wait3A_190] : memref<125x80xi32, #tpu.memory_space<vmem>> -> memref<1x80xi32, #tpu.memory_space<vmem>>
    %dma_wait3A_192 = tpu.memref_squeeze %dma_wait3A_191 : memref<1x80xi32, #tpu.memory_space<vmem>> -> memref<80xi32, #tpu.memory_space<vmem>>
    %dma_wait3A_193 = arith.constant 0 : i32
    %dma_wait3A_194 = arith.constant 0 : i32
    %dma_wait3A_195 = tpu.memref_slice %arg16[%dma_wait3A_193, %dma_wait3A_194] : memref<10240x64xf32, #tpu.memory_space<vmem_shared>> -> memref<10240x64xf32, #tpu.memory_space<vmem_shared>>
    tpu.wait_indirect_dma semaphore(%arg32 : memref<!tpu.dma_semaphore, #tpu.memory_space<semaphore_mem>>) src(%arg15 : memref<80x64xf32, #tpu.memory_space<vmem>>) dst(%dma_wait3A_195 : memref<10240x64xf32, #tpu.memory_space<vmem_shared>>)
    %barrier3A_196 = arith.constant 0 : index
    tpu.barrier barrier_id(%barrier3A_196)
    %mul3A_197 = arith.constant 640 : i32
    %mul3A_198 = arith.muli %arg1, %mul3A_197 : i32
    %mul3A_199 = arith.constant 640 : i32
    %mul3A_200 = arith.muli %arg1, %mul3A_199 : i32
    "tpu.region"() ({
      %run_scoped3A_202 = tpu.sem_alloc : memref<!tpu.dma_semaphore, #tpu.memory_space<semaphore_mem>>
      %dma_start3A_203 = arith.constant 64 : i32
      %dma_start3A_204 = tpu.memref_slice %arg5[%arg0, %mul3A_200, %dma_start3A_203] : memref<2x10240x128xf32, #tpu.memory_space<hbm>> -> memref<1x640x64xf32, #tpu.memory_space<hbm>>
      %dma_start3A_205 = tpu.memref_squeeze %dma_start3A_204 : memref<1x640x64xf32, #tpu.memory_space<hbm>> -> memref<640x64xf32, #tpu.memory_space<hbm>>
      %dma_start3A_206 = arith.constant 0 : i32
      %dma_start3A_207 = tpu.memref_slice %arg16[%mul3A_198, %dma_start3A_206] : memref<10240x64xf32, #tpu.memory_space<vmem_shared>> -> memref<640x64xf32, #tpu.memory_space<vmem_shared>>
      tpu.enqueue_dma source(%dma_start3A_207 : memref<640x64xf32, #tpu.memory_space<vmem_shared>>) target(%dma_start3A_205 : memref<640x64xf32, #tpu.memory_space<hbm>>) target_semaphore(%run_scoped3A_202 : memref<!tpu.dma_semaphore, #tpu.memory_space<semaphore_mem>>)
      %dma_wait3A_208 = arith.constant 64 : i32
      %dma_wait3A_209 = tpu.memref_slice %arg5[%arg0, %mul3A_200, %dma_wait3A_208] : memref<2x10240x128xf32, #tpu.memory_space<hbm>> -> memref<1x640x64xf32, #tpu.memory_space<hbm>>
      %dma_wait3A_210 = tpu.memref_squeeze %dma_wait3A_209 : memref<1x640x64xf32, #tpu.memory_space<hbm>> -> memref<640x64xf32, #tpu.memory_space<hbm>>
      %dma_wait3A_211 = arith.constant 0 : i32
      %dma_wait3A_212 = tpu.memref_slice %arg16[%mul3A_198, %dma_wait3A_211] : memref<10240x64xf32, #tpu.memory_space<vmem_shared>> -> memref<640x64xf32, #tpu.memory_space<vmem_shared>>
      tpu.wait_dma2 semaphore(%run_scoped3A_202 : memref<!tpu.dma_semaphore, #tpu.memory_space<semaphore_mem>>) src(%dma_wait3A_212 : memref<640x64xf32, #tpu.memory_space<vmem_shared>>) dst(%dma_wait3A_210 : memref<640x64xf32, #tpu.memory_space<hbm>>)
      tpu.yield
    }) : () -> ()
    %barrier3A_201 = arith.constant 0 : index
    tpu.barrier barrier_id(%barrier3A_201)
    return
  }
}

#map = affine_map<(d0, d1) -> (0, 0, 0, 0)>
#map1 = affine_map<(d0, d1) -> (0, 0)>
#map2 = affine_map<(d0, d1) -> (0, 0, 0)>
module attributes {stable_mosaic.version = 14 : i64} {
  func.func @_sc_deg_body(%arg0: i32, %arg1: i32, %arg2: memref<2x32x125x80xi32, #tpu.memory_space<hbm>>, %arg3: memref<80x128xf32, #tpu.memory_space<hbm>>, %arg4: memref<32x80x128xf32, #tpu.memory_space<hbm>>, %arg5: memref<125x80xi32, #tpu.memory_space<vmem>>, %arg6: memref<80x128xf32, #tpu.memory_space<vmem>>) attributes {dimension_semantics = [#tpu.dimension_semantics<core_parallel>, #tpu.dimension_semantics<subcore_parallel>], iteration_bounds = array<i64: 2, 16>, scalar_prefetch = 0 : i64, scratch_operands = 2 : i64, tpu.core_type = #tpu.core_type<sc_vector_subcore>, window_params = [{transform_indices = #map}, {transform_indices = #map1}, {transform_indices = #map2}]} {
    %mul3A = arith.constant 2 : i32
    %mul3A_0 = arith.muli %arg1, %mul3A : i32
    %add3A = arith.addi %mul3A_0, %arg0 : i32
    %run_scoped3A = arith.constant 1 : i32
    "tpu.region"() ({
      %run_scoped3A_7 = tpu.sem_alloc : memref<!tpu.dma_semaphore, #tpu.memory_space<semaphore_mem>>
      %dma_start3A = arith.constant 0 : i32
      %dma_start3A_8 = arith.constant 0 : i32
      %dma_start3A_9 = tpu.memref_slice %arg2[%run_scoped3A, %add3A, %dma_start3A, %dma_start3A_8] : memref<2x32x125x80xi32, #tpu.memory_space<hbm>> -> memref<1x1x125x80xi32, #tpu.memory_space<hbm>>
      %dma_start3A_10 = tpu.memref_squeeze %dma_start3A_9 : memref<1x1x125x80xi32, #tpu.memory_space<hbm>> -> memref<125x80xi32, #tpu.memory_space<hbm>>
      %dma_start3A_11 = arith.constant 0 : i32
      %dma_start3A_12 = arith.constant 0 : i32
      %dma_start3A_13 = tpu.memref_slice %arg2[%run_scoped3A, %add3A, %dma_start3A_11, %dma_start3A_12] : memref<2x32x125x80xi32, #tpu.memory_space<hbm>> -> memref<1x1x125x80xi32, #tpu.memory_space<hbm>>
      %dma_start3A_14 = tpu.memref_squeeze %dma_start3A_13 : memref<1x1x125x80xi32, #tpu.memory_space<hbm>> -> memref<125x80xi32, #tpu.memory_space<hbm>>
      tpu.enqueue_dma source(%dma_start3A_14 : memref<125x80xi32, #tpu.memory_space<hbm>>) target(%arg5 : memref<125x80xi32, #tpu.memory_space<vmem>>) target_semaphore(%run_scoped3A_7 : memref<!tpu.dma_semaphore, #tpu.memory_space<semaphore_mem>>)
      %dma_wait3A = arith.constant 0 : i32
      %dma_wait3A_15 = arith.constant 0 : i32
      %dma_wait3A_16 = tpu.memref_slice %arg2[%run_scoped3A, %add3A, %dma_wait3A, %dma_wait3A_15] : memref<2x32x125x80xi32, #tpu.memory_space<hbm>> -> memref<1x1x125x80xi32, #tpu.memory_space<hbm>>
      %dma_wait3A_17 = tpu.memref_squeeze %dma_wait3A_16 : memref<1x1x125x80xi32, #tpu.memory_space<hbm>> -> memref<125x80xi32, #tpu.memory_space<hbm>>
      %dma_wait3A_18 = arith.constant 0 : i32
      %dma_wait3A_19 = arith.constant 0 : i32
      %dma_wait3A_20 = tpu.memref_slice %arg2[%run_scoped3A, %add3A, %dma_wait3A_18, %dma_wait3A_19] : memref<2x32x125x80xi32, #tpu.memory_space<hbm>> -> memref<1x1x125x80xi32, #tpu.memory_space<hbm>>
      %dma_wait3A_21 = tpu.memref_squeeze %dma_wait3A_20 : memref<1x1x125x80xi32, #tpu.memory_space<hbm>> -> memref<125x80xi32, #tpu.memory_space<hbm>>
      tpu.wait_dma2 semaphore(%run_scoped3A_7 : memref<!tpu.dma_semaphore, #tpu.memory_space<semaphore_mem>>) src(%dma_wait3A_21 : memref<125x80xi32, #tpu.memory_space<hbm>>) dst(%arg5 : memref<125x80xi32, #tpu.memory_space<vmem>>)
      tpu.yield
    }) : () -> ()
    "tpu.region"() ({
      %run_scoped3A_7 = tpu.sem_alloc : memref<!tpu.dma_semaphore, #tpu.memory_space<semaphore_mem>>
      tpu.enqueue_dma source(%arg3 : memref<80x128xf32, #tpu.memory_space<hbm>>) target(%arg6 : memref<80x128xf32, #tpu.memory_space<vmem>>) target_semaphore(%run_scoped3A_7 : memref<!tpu.dma_semaphore, #tpu.memory_space<semaphore_mem>>)
      tpu.wait_dma2 semaphore(%run_scoped3A_7 : memref<!tpu.dma_semaphore, #tpu.memory_space<semaphore_mem>>) src(%arg3 : memref<80x128xf32, #tpu.memory_space<hbm>>) dst(%arg6 : memref<80x128xf32, #tpu.memory_space<vmem>>)
      tpu.yield
    }) : () -> ()
    %broadcast_in_dim3A = arith.constant 1.000000e+00 : f32
    %broadcast_in_dim3A_1 = vector.broadcast %broadcast_in_dim3A : f32 to vector<16xf32>
    %scan3A = arith.constant 0 : i32
    %scan3A_2 = arith.constant 0 : i32
    %scan3A_3 = arith.constant 125 : i32
    %scan3A_4 = arith.addi %scan3A_2, %scan3A_3 : i32
    %scan3A_5 = arith.constant 1 : i32
    scf.for %scan3A_7 = %scan3A_2 to %scan3A_4 step %scan3A_5  : i32 {
      %get3A = arith.index_cast %scan3A_7 : i32 to index
      %get3A_8 = arith.constant 0 : index
      %get3A_9 = tpu.vector_load %arg5[%get3A, %get3A_8] {strides = array<i32>} : memref<125x80xi32, #tpu.memory_space<vmem>>, vector<16xi32>,
      %shift_right_logical3A = arith.constant 7 : i32
      %shift_right_logical3A_10 = vector.broadcast %shift_right_logical3A : i32 to vector<16xi32>
      %shift_right_logical3A_11 = arith.shrui %get3A_9, %shift_right_logical3A_10 : vector<16xi32>
      %and3A = arith.constant 127 : i32
      %and3A_12 = vector.broadcast %and3A : i32 to vector<16xi32>
      %and3A_13 = arith.andi %get3A_9, %and3A_12 : vector<16xi32>
      tpu.vector_store_idx %arg6[%shift_right_logical3A_11, %and3A_13], %broadcast_in_dim3A_1 {add = true} : memref<80x128xf32, #tpu.memory_space<vmem>>[vector<16xi32>, vector<16xi32>], vector<16xf32>,
      %get3A_14 = arith.index_cast %scan3A_7 : i32 to index
      %get3A_15 = arith.constant 16 : index
      %get3A_16 = tpu.vector_load %arg5[%get3A_14, %get3A_15] {strides = array<i32>} : memref<125x80xi32, #tpu.memory_space<vmem>>, vector<16xi32>,
      %shift_right_logical3A_17 = arith.constant 7 : i32
      %shift_right_logical3A_18 = vector.broadcast %shift_right_logical3A_17 : i32 to vector<16xi32>
      %shift_right_logical3A_19 = arith.shrui %get3A_16, %shift_right_logical3A_18 : vector<16xi32>
      %and3A_20 = arith.constant 127 : i32
      %and3A_21 = vector.broadcast %and3A_20 : i32 to vector<16xi32>
      %and3A_22 = arith.andi %get3A_16, %and3A_21 : vector<16xi32>
      tpu.vector_store_idx %arg6[%shift_right_logical3A_19, %and3A_22], %broadcast_in_dim3A_1 {add = true} : memref<80x128xf32, #tpu.memory_space<vmem>>[vector<16xi32>, vector<16xi32>], vector<16xf32>,
      %get3A_23 = arith.index_cast %scan3A_7 : i32 to index
      %get3A_24 = arith.constant 32 : index
      %get3A_25 = tpu.vector_load %arg5[%get3A_23, %get3A_24] {strides = array<i32>} : memref<125x80xi32, #tpu.memory_space<vmem>>, vector<16xi32>,
      %shift_right_logical3A_26 = arith.constant 7 : i32
      %shift_right_logical3A_27 = vector.broadcast %shift_right_logical3A_26 : i32 to vector<16xi32>
      %shift_right_logical3A_28 = arith.shrui %get3A_25, %shift_right_logical3A_27 : vector<16xi32>
      %and3A_29 = arith.constant 127 : i32
      %and3A_30 = vector.broadcast %and3A_29 : i32 to vector<16xi32>
      %and3A_31 = arith.andi %get3A_25, %and3A_30 : vector<16xi32>
      tpu.vector_store_idx %arg6[%shift_right_logical3A_28, %and3A_31], %broadcast_in_dim3A_1 {add = true} : memref<80x128xf32, #tpu.memory_space<vmem>>[vector<16xi32>, vector<16xi32>], vector<16xf32>,
      %get3A_32 = arith.index_cast %scan3A_7 : i32 to index
      %get3A_33 = arith.constant 48 : index
      %get3A_34 = tpu.vector_load %arg5[%get3A_32, %get3A_33] {strides = array<i32>} : memref<125x80xi32, #tpu.memory_space<vmem>>, vector<16xi32>,
      %shift_right_logical3A_35 = arith.constant 7 : i32
      %shift_right_logical3A_36 = vector.broadcast %shift_right_logical3A_35 : i32 to vector<16xi32>
      %shift_right_logical3A_37 = arith.shrui %get3A_34, %shift_right_logical3A_36 : vector<16xi32>
      %and3A_38 = arith.constant 127 : i32
      %and3A_39 = vector.broadcast %and3A_38 : i32 to vector<16xi32>
      %and3A_40 = arith.andi %get3A_34, %and3A_39 : vector<16xi32>
      tpu.vector_store_idx %arg6[%shift_right_logical3A_37, %and3A_40], %broadcast_in_dim3A_1 {add = true} : memref<80x128xf32, #tpu.memory_space<vmem>>[vector<16xi32>, vector<16xi32>], vector<16xf32>,
      %get3A_41 = arith.index_cast %scan3A_7 : i32 to index
      %get3A_42 = arith.constant 64 : index
      %get3A_43 = tpu.vector_load %arg5[%get3A_41, %get3A_42] {strides = array<i32>} : memref<125x80xi32, #tpu.memory_space<vmem>>, vector<16xi32>,
      %shift_right_logical3A_44 = arith.constant 7 : i32
      %shift_right_logical3A_45 = vector.broadcast %shift_right_logical3A_44 : i32 to vector<16xi32>
      %shift_right_logical3A_46 = arith.shrui %get3A_43, %shift_right_logical3A_45 : vector<16xi32>
      %and3A_47 = arith.constant 127 : i32
      %and3A_48 = vector.broadcast %and3A_47 : i32 to vector<16xi32>
      %and3A_49 = arith.andi %get3A_43, %and3A_48 : vector<16xi32>
      tpu.vector_store_idx %arg6[%shift_right_logical3A_46, %and3A_49], %broadcast_in_dim3A_1 {add = true} : memref<80x128xf32, #tpu.memory_space<vmem>>[vector<16xi32>, vector<16xi32>], vector<16xf32>,
    }
    %scan3A_6 = arith.constant 125 : i32
    "tpu.region"() ({
      %run_scoped3A_7 = tpu.sem_alloc : memref<!tpu.dma_semaphore, #tpu.memory_space<semaphore_mem>>
      %dma_start3A = arith.constant 0 : i32
      %dma_start3A_8 = arith.constant 0 : i32
      %dma_start3A_9 = tpu.memref_slice %arg4[%add3A, %dma_start3A, %dma_start3A_8] : memref<32x80x128xf32, #tpu.memory_space<hbm>> -> memref<1x80x128xf32, #tpu.memory_space<hbm>>
      %dma_start3A_10 = tpu.memref_squeeze %dma_start3A_9 : memref<1x80x128xf32, #tpu.memory_space<hbm>> -> memref<80x128xf32, #tpu.memory_space<hbm>>
      %dma_start3A_11 = arith.constant 0 : i32
      %dma_start3A_12 = arith.constant 0 : i32
      %dma_start3A_13 = tpu.memref_slice %arg4[%add3A, %dma_start3A_11, %dma_start3A_12] : memref<32x80x128xf32, #tpu.memory_space<hbm>> -> memref<1x80x128xf32, #tpu.memory_space<hbm>>
      %dma_start3A_14 = tpu.memref_squeeze %dma_start3A_13 : memref<1x80x128xf32, #tpu.memory_space<hbm>> -> memref<80x128xf32, #tpu.memory_space<hbm>>
      tpu.enqueue_dma source(%arg6 : memref<80x128xf32, #tpu.memory_space<vmem>>) target(%dma_start3A_14 : memref<80x128xf32, #tpu.memory_space<hbm>>) target_semaphore(%run_scoped3A_7 : memref<!tpu.dma_semaphore, #tpu.memory_space<semaphore_mem>>)
      %dma_wait3A = arith.constant 0 : i32
      %dma_wait3A_15 = arith.constant 0 : i32
      %dma_wait3A_16 = tpu.memref_slice %arg4[%add3A, %dma_wait3A, %dma_wait3A_15] : memref<32x80x128xf32, #tpu.memory_space<hbm>> -> memref<1x80x128xf32, #tpu.memory_space<hbm>>
      %dma_wait3A_17 = tpu.memref_squeeze %dma_wait3A_16 : memref<1x80x128xf32, #tpu.memory_space<hbm>> -> memref<80x128xf32, #tpu.memory_space<hbm>>
      %dma_wait3A_18 = arith.constant 0 : i32
      %dma_wait3A_19 = arith.constant 0 : i32
      %dma_wait3A_20 = tpu.memref_slice %arg4[%add3A, %dma_wait3A_18, %dma_wait3A_19] : memref<32x80x128xf32, #tpu.memory_space<hbm>> -> memref<1x80x128xf32, #tpu.memory_space<hbm>>
      %dma_wait3A_21 = tpu.memref_squeeze %dma_wait3A_20 : memref<1x80x128xf32, #tpu.memory_space<hbm>> -> memref<80x128xf32, #tpu.memory_space<hbm>>
      tpu.wait_dma2 semaphore(%run_scoped3A_7 : memref<!tpu.dma_semaphore, #tpu.memory_space<semaphore_mem>>) src(%arg6 : memref<80x128xf32, #tpu.memory_space<vmem>>) dst(%dma_wait3A_21 : memref<80x128xf32, #tpu.memory_space<hbm>>)
      tpu.yield
    }) : () -> ()
    return
  }
}

#map = affine_map<(d0, d1) -> (0, 0, 0, 0)>
#map1 = affine_map<(d0, d1) -> (0, 0)>
#map2 = affine_map<(d0, d1) -> (0, 0, 0)>
module attributes {stable_mosaic.version = 14 : i64} {
  func.func @_sc_msgpass_body(%arg0: i32, %arg1: i32, %arg2: memref<2x32x125x80xi32, #tpu.memory_space<hbm>>, %arg3: memref<20000x64xf32, #tpu.memory_space<hbm>>, %arg4: memref<640x64xf32, #tpu.memory_space<hbm>>, %arg5: memref<2x10240x128xf32, #tpu.memory_space<hbm>>, %arg6: memref<125x80xi32, #tpu.memory_space<vmem>>, %arg7: memref<125x80xi32, #tpu.memory_space<vmem>>, %arg8: memref<80x64xf32, #tpu.memory_space<vmem>>, %arg9: memref<80x64xf32, #tpu.memory_space<vmem>>, %arg10: memref<80x64xf32, #tpu.memory_space<vmem>>, %arg11: memref<80x64xf32, #tpu.memory_space<vmem>>, %arg12: memref<80x64xf32, #tpu.memory_space<vmem>>, %arg13: memref<80x64xf32, #tpu.memory_space<vmem>>, %arg14: memref<80x64xf32, #tpu.memory_space<vmem>>, %arg15: memref<80x64xf32, #tpu.memory_space<vmem>>, %arg16: memref<10240x64xf32, #tpu.memory_space<vmem_shared>>, %arg17: memref<!tpu.dma_semaphore, #tpu.memory_space<semaphore_mem>>, %arg18: memref<!tpu.dma_semaphore, #tpu.memory_space<semaphore_mem>>, %arg19: memref<!tpu.dma_semaphore, #tpu.memory_space<semaphore_mem>>, %arg20: memref<!tpu.dma_semaphore, #tpu.memory_space<semaphore_mem>>, %arg21: memref<!tpu.dma_semaphore, #tpu.memory_space<semaphore_mem>>, %arg22: memref<!tpu.dma_semaphore, #tpu.memory_space<semaphore_mem>>, %arg23: memref<!tpu.dma_semaphore, #tpu.memory_space<semaphore_mem>>, %arg24: memref<!tpu.dma_semaphore, #tpu.memory_space<semaphore_mem>>, %arg25: memref<!tpu.dma_semaphore, #tpu.memory_space<semaphore_mem>>, %arg26: memref<!tpu.dma_semaphore, #tpu.memory_space<semaphore_mem>>, %arg27: memref<!tpu.dma_semaphore, #tpu.memory_space<semaphore_mem>>, %arg28: memref<!tpu.dma_semaphore, #tpu.memory_space<semaphore_mem>>, %arg29: memref<!tpu.dma_semaphore, #tpu.memory_space<semaphore_mem>>, %arg30: memref<!tpu.dma_semaphore, #tpu.memory_space<semaphore_mem>>, %arg31: memref<!tpu.dma_semaphore, #tpu.memory_space<semaphore_mem>>, %arg32: memref<!tpu.dma_semaphore, #tpu.memory_space<semaphore_mem>>) attributes {dimension_semantics = [#tpu.dimension_semantics<core_parallel>, #tpu.dimension_semantics<subcore_parallel>], iteration_bounds = array<i64: 2, 16>, scalar_prefetch = 0 : i64, scratch_operands = 27 : i64, tpu.core_type = #tpu.core_type<sc_vector_subcore>, window_params = [{transform_indices = #map}, {transform_indices = #map1}, {transform_indices = #map1}, {transform_indices = #map2}]} {
    %mul3A = arith.constant 2 : i32
    %mul3A_0 = arith.muli %arg1, %mul3A : i32
    %add3A = arith.addi %mul3A_0, %arg0 : i32
    %run_scoped3A = arith.constant 0 : i32
    "tpu.region"() ({
      %run_scoped3A_202 = tpu.sem_alloc : memref<!tpu.dma_semaphore, #tpu.memory_space<semaphore_mem>>
      %dma_start3A_203 = arith.constant 0 : i32
      %dma_start3A_204 = arith.constant 0 : i32
      %dma_start3A_205 = tpu.memref_slice %arg2[%run_scoped3A, %add3A, %dma_start3A_203, %dma_start3A_204] : memref<2x32x125x80xi32, #tpu.memory_space<hbm>> -> memref<1x1x125x80xi32, #tpu.memory_space<hbm>>
      %dma_start3A_206 = tpu.memref_squeeze %dma_start3A_205 : memref<1x1x125x80xi32, #tpu.memory_space<hbm>> -> memref<125x80xi32, #tpu.memory_space<hbm>>
      %dma_start3A_207 = arith.constant 0 : i32
      %dma_start3A_208 = arith.constant 0 : i32
      %dma_start3A_209 = tpu.memref_slice %arg2[%run_scoped3A, %add3A, %dma_start3A_207, %dma_start3A_208] : memref<2x32x125x80xi32, #tpu.memory_space<hbm>> -> memref<1x1x125x80xi32, #tpu.memory_space<hbm>>
      %dma_start3A_210 = tpu.memref_squeeze %dma_start3A_209 : memref<1x1x125x80xi32, #tpu.memory_space<hbm>> -> memref<125x80xi32, #tpu.memory_space<hbm>>
      tpu.enqueue_dma source(%dma_start3A_210 : memref<125x80xi32, #tpu.memory_space<hbm>>) target(%arg6 : memref<125x80xi32, #tpu.memory_space<vmem>>) target_semaphore(%run_scoped3A_202 : memref<!tpu.dma_semaphore, #tpu.memory_space<semaphore_mem>>)
      %dma_wait3A_211 = arith.constant 0 : i32
      %dma_wait3A_212 = arith.constant 0 : i32
      %dma_wait3A_213 = tpu.memref_slice %arg2[%run_scoped3A, %add3A, %dma_wait3A_211, %dma_wait3A_212] : memref<2x32x125x80xi32, #tpu.memory_space<hbm>> -> memref<1x1x125x80xi32, #tpu.memory_space<hbm>>
      %dma_wait3A_214 = tpu.memref_squeeze %dma_wait3A_213 : memref<1x1x125x80xi32, #tpu.memory_space<hbm>> -> memref<125x80xi32, #tpu.memory_space<hbm>>
      %dma_wait3A_215 = arith.constant 0 : i32
      %dma_wait3A_216 = arith.constant 0 : i32
      %dma_wait3A_217 = tpu.memref_slice %arg2[%run_scoped3A, %add3A, %dma_wait3A_215, %dma_wait3A_216] : memref<2x32x125x80xi32, #tpu.memory_space<hbm>> -> memref<1x1x125x80xi32, #tpu.memory_space<hbm>>
      %dma_wait3A_218 = tpu.memref_squeeze %dma_wait3A_217 : memref<1x1x125x80xi32, #tpu.memory_space<hbm>> -> memref<125x80xi32, #tpu.memory_space<hbm>>
      tpu.wait_dma2 semaphore(%run_scoped3A_202 : memref<!tpu.dma_semaphore, #tpu.memory_space<semaphore_mem>>) src(%dma_wait3A_218 : memref<125x80xi32, #tpu.memory_space<hbm>>) dst(%arg6 : memref<125x80xi32, #tpu.memory_space<vmem>>)
      tpu.yield
    }) : () -> ()
    %run_scoped3A_1 = arith.constant 1 : i32
    "tpu.region"() ({
      %run_scoped3A_202 = tpu.sem_alloc : memref<!tpu.dma_semaphore, #tpu.memory_space<semaphore_mem>>
      %dma_start3A_203 = arith.constant 0 : i32
      %dma_start3A_204 = arith.constant 0 : i32
      %dma_start3A_205 = tpu.memref_slice %arg2[%run_scoped3A_1, %add3A, %dma_start3A_203, %dma_start3A_204] : memref<2x32x125x80xi32, #tpu.memory_space<hbm>> -> memref<1x1x125x80xi32, #tpu.memory_space<hbm>>
      %dma_start3A_206 = tpu.memref_squeeze %dma_start3A_205 : memref<1x1x125x80xi32, #tpu.memory_space<hbm>> -> memref<125x80xi32, #tpu.memory_space<hbm>>
      %dma_start3A_207 = arith.constant 0 : i32
      %dma_start3A_208 = arith.constant 0 : i32
      %dma_start3A_209 = tpu.memref_slice %arg2[%run_scoped3A_1, %add3A, %dma_start3A_207, %dma_start3A_208] : memref<2x32x125x80xi32, #tpu.memory_space<hbm>> -> memref<1x1x125x80xi32, #tpu.memory_space<hbm>>
      %dma_start3A_210 = tpu.memref_squeeze %dma_start3A_209 : memref<1x1x125x80xi32, #tpu.memory_space<hbm>> -> memref<125x80xi32, #tpu.memory_space<hbm>>
      tpu.enqueue_dma source(%dma_start3A_210 : memref<125x80xi32, #tpu.memory_space<hbm>>) target(%arg7 : memref<125x80xi32, #tpu.memory_space<vmem>>) target_semaphore(%run_scoped3A_202 : memref<!tpu.dma_semaphore, #tpu.memory_space<semaphore_mem>>)
      %dma_wait3A_211 = arith.constant 0 : i32
      %dma_wait3A_212 = arith.constant 0 : i32
      %dma_wait3A_213 = tpu.memref_slice %arg2[%run_scoped3A_1, %add3A, %dma_wait3A_211, %dma_wait3A_212] : memref<2x32x125x80xi32, #tpu.memory_space<hbm>> -> memref<1x1x125x80xi32, #tpu.memory_space<hbm>>
      %dma_wait3A_214 = tpu.memref_squeeze %dma_wait3A_213 : memref<1x1x125x80xi32, #tpu.memory_space<hbm>> -> memref<125x80xi32, #tpu.memory_space<hbm>>
      %dma_wait3A_215 = arith.constant 0 : i32
      %dma_wait3A_216 = arith.constant 0 : i32
      %dma_wait3A_217 = tpu.memref_slice %arg2[%run_scoped3A_1, %add3A, %dma_wait3A_215, %dma_wait3A_216] : memref<2x32x125x80xi32, #tpu.memory_space<hbm>> -> memref<1x1x125x80xi32, #tpu.memory_space<hbm>>
      %dma_wait3A_218 = tpu.memref_squeeze %dma_wait3A_217 : memref<1x1x125x80xi32, #tpu.memory_space<hbm>> -> memref<125x80xi32, #tpu.memory_space<hbm>>
      tpu.wait_dma2 semaphore(%run_scoped3A_202 : memref<!tpu.dma_semaphore, #tpu.memory_space<semaphore_mem>>) src(%dma_wait3A_218 : memref<125x80xi32, #tpu.memory_space<hbm>>) dst(%arg7 : memref<125x80xi32, #tpu.memory_space<vmem>>)
      tpu.yield
    }) : () -> ()
    %mul3A_2 = arith.constant 640 : i32
    %mul3A_3 = arith.muli %arg1, %mul3A_2 : i32
    "tpu.region"() ({
      %run_scoped3A_202 = tpu.sem_alloc : memref<!tpu.dma_semaphore, #tpu.memory_space<semaphore_mem>>
      %dma_start3A_203 = arith.constant 0 : i32
      %dma_start3A_204 = tpu.memref_slice %arg16[%mul3A_3, %dma_start3A_203] : memref<10240x64xf32, #tpu.memory_space<vmem_shared>> -> memref<640x64xf32, #tpu.memory_space<vmem_shared>>
      tpu.enqueue_dma source(%arg4 : memref<640x64xf32, #tpu.memory_space<hbm>>) target(%dma_start3A_204 : memref<640x64xf32, #tpu.memory_space<vmem_shared>>) target_semaphore(%run_scoped3A_202 : memref<!tpu.dma_semaphore, #tpu.memory_space<semaphore_mem>>)
      %dma_wait3A_205 = arith.constant 0 : i32
      %dma_wait3A_206 = tpu.memref_slice %arg16[%mul3A_3, %dma_wait3A_205] : memref<10240x64xf32, #tpu.memory_space<vmem_shared>> -> memref<640x64xf32, #tpu.memory_space<vmem_shared>>
      tpu.wait_dma2 semaphore(%run_scoped3A_202 : memref<!tpu.dma_semaphore, #tpu.memory_space<semaphore_mem>>) src(%arg4 : memref<640x64xf32, #tpu.memory_space<hbm>>) dst(%dma_wait3A_206 : memref<640x64xf32, #tpu.memory_space<vmem_shared>>)
      tpu.yield
    }) : () -> ()
    %barrier3A = arith.constant 0 : index
    tpu.barrier barrier_id(%barrier3A)
    %dma_start3A = arith.constant 0 : i32
    %dma_start3A_4 = arith.constant 0 : i32
    %dma_start3A_5 = tpu.memref_slice %arg6[%dma_start3A, %dma_start3A_4] : memref<125x80xi32, #tpu.memory_space<vmem>> -> memref<1x80xi32, #tpu.memory_space<vmem>>
    %dma_start3A_6 = tpu.memref_squeeze %dma_start3A_5 : memref<1x80xi32, #tpu.memory_space<vmem>> -> memref<80xi32, #tpu.memory_space<vmem>>
    %dma_start3A_7 = arith.constant 0 : i32
    %dma_start3A_8 = arith.constant 0 : i32
    %dma_start3A_9 = tpu.memref_slice %arg3[%dma_start3A_7, %dma_start3A_8] : memref<20000x64xf32, #tpu.memory_space<hbm>> -> memref<20000x64xf32, #tpu.memory_space<hbm>>
    tpu.enqueue_indirect_dma source(%dma_start3A_9 : memref<20000x64xf32, #tpu.memory_space<hbm>>) target(%arg8 : memref<80x64xf32, #tpu.memory_space<vmem>>) offsets(%dma_start3A_6 : memref<80xi32, #tpu.memory_space<vmem>>) semaphore(%arg17 : memref<!tpu.dma_semaphore, #tpu.memory_space<semaphore_mem>>)
    %dma_start3A_10 = arith.constant 1 : i32
    %dma_start3A_11 = arith.constant 0 : i32
    %dma_start3A_12 = tpu.memref_slice %arg6[%dma_start3A_10, %dma_start3A_11] : memref<125x80xi32, #tpu.memory_space<vmem>> -> memref<1x80xi32, #tpu.memory_space<vmem>>
    %dma_start3A_13 = tpu.memref_squeeze %dma_start3A_12 : memref<1x80xi32, #tpu.memory_space<vmem>> -> memref<80xi32, #tpu.memory_space<vmem>>
    %dma_start3A_14 = arith.constant 0 : i32
    %dma_start3A_15 = arith.constant 0 : i32
    %dma_start3A_16 = tpu.memref_slice %arg3[%dma_start3A_14, %dma_start3A_15] : memref<20000x64xf32, #tpu.memory_space<hbm>> -> memref<20000x64xf32, #tpu.memory_space<hbm>>
    tpu.enqueue_indirect_dma source(%dma_start3A_16 : memref<20000x64xf32, #tpu.memory_space<hbm>>) target(%arg9 : memref<80x64xf32, #tpu.memory_space<vmem>>) offsets(%dma_start3A_13 : memref<80xi32, #tpu.memory_space<vmem>>) semaphore(%arg18 : memref<!tpu.dma_semaphore, #tpu.memory_space<semaphore_mem>>)
    %dma_start3A_17 = arith.constant 2 : i32
    %dma_start3A_18 = arith.constant 0 : i32
    %dma_start3A_19 = tpu.memref_slice %arg6[%dma_start3A_17, %dma_start3A_18] : memref<125x80xi32, #tpu.memory_space<vmem>> -> memref<1x80xi32, #tpu.memory_space<vmem>>
    %dma_start3A_20 = tpu.memref_squeeze %dma_start3A_19 : memref<1x80xi32, #tpu.memory_space<vmem>> -> memref<80xi32, #tpu.memory_space<vmem>>
    %dma_start3A_21 = arith.constant 0 : i32
    %dma_start3A_22 = arith.constant 0 : i32
    %dma_start3A_23 = tpu.memref_slice %arg3[%dma_start3A_21, %dma_start3A_22] : memref<20000x64xf32, #tpu.memory_space<hbm>> -> memref<20000x64xf32, #tpu.memory_space<hbm>>
    tpu.enqueue_indirect_dma source(%dma_start3A_23 : memref<20000x64xf32, #tpu.memory_space<hbm>>) target(%arg10 : memref<80x64xf32, #tpu.memory_space<vmem>>) offsets(%dma_start3A_20 : memref<80xi32, #tpu.memory_space<vmem>>) semaphore(%arg19 : memref<!tpu.dma_semaphore, #tpu.memory_space<semaphore_mem>>)
    %dma_start3A_24 = arith.constant 3 : i32
    %dma_start3A_25 = arith.constant 0 : i32
    %dma_start3A_26 = tpu.memref_slice %arg6[%dma_start3A_24, %dma_start3A_25] : memref<125x80xi32, #tpu.memory_space<vmem>> -> memref<1x80xi32, #tpu.memory_space<vmem>>
    %dma_start3A_27 = tpu.memref_squeeze %dma_start3A_26 : memref<1x80xi32, #tpu.memory_space<vmem>> -> memref<80xi32, #tpu.memory_space<vmem>>
    %dma_start3A_28 = arith.constant 0 : i32
    %dma_start3A_29 = arith.constant 0 : i32
    %dma_start3A_30 = tpu.memref_slice %arg3[%dma_start3A_28, %dma_start3A_29] : memref<20000x64xf32, #tpu.memory_space<hbm>> -> memref<20000x64xf32, #tpu.memory_space<hbm>>
    tpu.enqueue_indirect_dma source(%dma_start3A_30 : memref<20000x64xf32, #tpu.memory_space<hbm>>) target(%arg11 : memref<80x64xf32, #tpu.memory_space<vmem>>) offsets(%dma_start3A_27 : memref<80xi32, #tpu.memory_space<vmem>>) semaphore(%arg20 : memref<!tpu.dma_semaphore, #tpu.memory_space<semaphore_mem>>)
    %scan3A = arith.constant 0 : i32
    %scan3A_31 = arith.constant 0 : i32
    %scan3A_32 = arith.constant 16 : i32
    %scan3A_33 = arith.addi %scan3A_31, %scan3A_32 : i32
    %scan3A_34 = arith.constant 1 : i32
    scf.for %scan3A_202 = %scan3A_31 to %scan3A_33 step %scan3A_34  : i32 {
      %mul3A_203 = arith.constant 8 : i32
      %mul3A_204 = arith.muli %scan3A_202, %mul3A_203 : i32
      %add3A_205 = arith.constant 0 : i32
      %add3A_206 = arith.addi %mul3A_204, %add3A_205 : i32
      %lt3A = arith.constant 125 : i32
      %lt3A_207 = arith.cmpi slt, %add3A_206, %lt3A : i32
      %convert_element_type3A = arith.extui %lt3A_207 : i1 to i32
      %cond3A = arith.constant 0 : i32
      %cond3A_208 = arith.cmpi ne, %convert_element_type3A, %cond3A : i32
      scf.if %cond3A_208 {
        %dma_wait3A_328 = arith.constant 0 : i32
        %dma_wait3A_329 = arith.constant 0 : i32
        %dma_wait3A_330 = tpu.memref_slice %arg6[%dma_wait3A_328, %dma_wait3A_329] : memref<125x80xi32, #tpu.memory_space<vmem>> -> memref<1x80xi32, #tpu.memory_space<vmem>>
        %dma_wait3A_331 = tpu.memref_squeeze %dma_wait3A_330 : memref<1x80xi32, #tpu.memory_space<vmem>> -> memref<80xi32, #tpu.memory_space<vmem>>
        %dma_wait3A_332 = arith.constant 0 : i32
        %dma_wait3A_333 = arith.constant 0 : i32
        %dma_wait3A_334 = tpu.memref_slice %arg3[%dma_wait3A_332, %dma_wait3A_333] : memref<20000x64xf32, #tpu.memory_space<hbm>> -> memref<20000x64xf32, #tpu.memory_space<hbm>>
        tpu.wait_indirect_dma semaphore(%arg17 : memref<!tpu.dma_semaphore, #tpu.memory_space<semaphore_mem>>) src(%dma_wait3A_334 : memref<20000x64xf32, #tpu.memory_space<hbm>>) dst(%arg8 : memref<80x64xf32, #tpu.memory_space<vmem>>)
        %dma_start3A_335 = arith.constant 0 : i32
        %dma_start3A_336 = tpu.memref_slice %arg7[%add3A_206, %dma_start3A_335] : memref<125x80xi32, #tpu.memory_space<vmem>> -> memref<1x80xi32, #tpu.memory_space<vmem>>
        %dma_start3A_337 = tpu.memref_squeeze %dma_start3A_336 : memref<1x80xi32, #tpu.memory_space<vmem>> -> memref<80xi32, #tpu.memory_space<vmem>>
        %dma_start3A_338 = arith.constant 0 : i32
        %dma_start3A_339 = arith.constant 0 : i32
        %dma_start3A_340 = tpu.memref_slice %arg16[%dma_start3A_338, %dma_start3A_339] : memref<10240x64xf32, #tpu.memory_space<vmem_shared>> -> memref<10240x64xf32, #tpu.memory_space<vmem_shared>>
        tpu.enqueue_indirect_dma source(%arg8 : memref<80x64xf32, #tpu.memory_space<vmem>>) target(%dma_start3A_340 : memref<10240x64xf32, #tpu.memory_space<vmem_shared>>) offsets(%dma_start3A_337 : memref<80xi32, #tpu.memory_space<vmem>>) semaphore(%arg25 : memref<!tpu.dma_semaphore, #tpu.memory_space<semaphore_mem>>) {add = true}
      } else {
      }
      %add3A_209 = arith.constant 4 : i32
      %add3A_210 = arith.addi %add3A_206, %add3A_209 : i32
      %lt3A_211 = arith.constant 125 : i32
      %lt3A_212 = arith.cmpi slt, %add3A_210, %lt3A_211 : i32
      %convert_element_type3A_213 = arith.extui %lt3A_212 : i1 to i32
      %cond3A_214 = arith.constant 0 : i32
      %cond3A_215 = arith.cmpi ne, %convert_element_type3A_213, %cond3A_214 : i32
      scf.if %cond3A_215 {
        %ge3A = arith.constant 4 : i32
        %ge3A_328 = arith.cmpi sge, %add3A_206, %ge3A : i32
        %convert_element_type3A_329 = arith.extui %ge3A_328 : i1 to i32
        %cond3A_330 = arith.constant 0 : i32
        %cond3A_331 = arith.cmpi ne, %convert_element_type3A_329, %cond3A_330 : i32
        scf.if %cond3A_331 {
          %dma_wait3A_338 = arith.constant 0 : i32
          %dma_wait3A_339 = arith.constant 0 : i32
          %dma_wait3A_340 = tpu.memref_slice %arg7[%dma_wait3A_338, %dma_wait3A_339] : memref<125x80xi32, #tpu.memory_space<vmem>> -> memref<1x80xi32, #tpu.memory_space<vmem>>
          %dma_wait3A_341 = tpu.memref_squeeze %dma_wait3A_340 : memref<1x80xi32, #tpu.memory_space<vmem>> -> memref<80xi32, #tpu.memory_space<vmem>>
          %dma_wait3A_342 = arith.constant 0 : i32
          %dma_wait3A_343 = arith.constant 0 : i32
          %dma_wait3A_344 = tpu.memref_slice %arg16[%dma_wait3A_342, %dma_wait3A_343] : memref<10240x64xf32, #tpu.memory_space<vmem_shared>> -> memref<10240x64xf32, #tpu.memory_space<vmem_shared>>
          tpu.wait_indirect_dma semaphore(%arg29 : memref<!tpu.dma_semaphore, #tpu.memory_space<semaphore_mem>>) src(%arg12 : memref<80x64xf32, #tpu.memory_space<vmem>>) dst(%dma_wait3A_344 : memref<10240x64xf32, #tpu.memory_space<vmem_shared>>)
        } else {
        }
        %dma_start3A_332 = arith.constant 0 : i32
        %dma_start3A_333 = tpu.memref_slice %arg6[%add3A_210, %dma_start3A_332] : memref<125x80xi32, #tpu.memory_space<vmem>> -> memref<1x80xi32, #tpu.memory_space<vmem>>
        %dma_start3A_334 = tpu.memref_squeeze %dma_start3A_333 : memref<1x80xi32, #tpu.memory_space<vmem>> -> memref<80xi32, #tpu.memory_space<vmem>>
        %dma_start3A_335 = arith.constant 0 : i32
        %dma_start3A_336 = arith.constant 0 : i32
        %dma_start3A_337 = tpu.memref_slice %arg3[%dma_start3A_335, %dma_start3A_336] : memref<20000x64xf32, #tpu.memory_space<hbm>> -> memref<20000x64xf32, #tpu.memory_space<hbm>>
        tpu.enqueue_indirect_dma source(%dma_start3A_337 : memref<20000x64xf32, #tpu.memory_space<hbm>>) target(%arg12 : memref<80x64xf32, #tpu.memory_space<vmem>>) offsets(%dma_start3A_334 : memref<80xi32, #tpu.memory_space<vmem>>) semaphore(%arg21 : memref<!tpu.dma_semaphore, #tpu.memory_space<semaphore_mem>>)
      } else {
      }
      %mul3A_216 = arith.constant 8 : i32
      %mul3A_217 = arith.muli %scan3A_202, %mul3A_216 : i32
      %add3A_218 = arith.constant 1 : i32
      %add3A_219 = arith.addi %mul3A_217, %add3A_218 : i32
      %lt3A_220 = arith.constant 125 : i32
      %lt3A_221 = arith.cmpi slt, %add3A_219, %lt3A_220 : i32
      %convert_element_type3A_222 = arith.extui %lt3A_221 : i1 to i32
      %cond3A_223 = arith.constant 0 : i32
      %cond3A_224 = arith.cmpi ne, %convert_element_type3A_222, %cond3A_223 : i32
      scf.if %cond3A_224 {
        %dma_wait3A_328 = arith.constant 0 : i32
        %dma_wait3A_329 = arith.constant 0 : i32
        %dma_wait3A_330 = tpu.memref_slice %arg6[%dma_wait3A_328, %dma_wait3A_329] : memref<125x80xi32, #tpu.memory_space<vmem>> -> memref<1x80xi32, #tpu.memory_space<vmem>>
        %dma_wait3A_331 = tpu.memref_squeeze %dma_wait3A_330 : memref<1x80xi32, #tpu.memory_space<vmem>> -> memref<80xi32, #tpu.memory_space<vmem>>
        %dma_wait3A_332 = arith.constant 0 : i32
        %dma_wait3A_333 = arith.constant 0 : i32
        %dma_wait3A_334 = tpu.memref_slice %arg3[%dma_wait3A_332, %dma_wait3A_333] : memref<20000x64xf32, #tpu.memory_space<hbm>> -> memref<20000x64xf32, #tpu.memory_space<hbm>>
        tpu.wait_indirect_dma semaphore(%arg18 : memref<!tpu.dma_semaphore, #tpu.memory_space<semaphore_mem>>) src(%dma_wait3A_334 : memref<20000x64xf32, #tpu.memory_space<hbm>>) dst(%arg9 : memref<80x64xf32, #tpu.memory_space<vmem>>)
        %dma_start3A_335 = arith.constant 0 : i32
        %dma_start3A_336 = tpu.memref_slice %arg7[%add3A_219, %dma_start3A_335] : memref<125x80xi32, #tpu.memory_space<vmem>> -> memref<1x80xi32, #tpu.memory_space<vmem>>
        %dma_start3A_337 = tpu.memref_squeeze %dma_start3A_336 : memref<1x80xi32, #tpu.memory_space<vmem>> -> memref<80xi32, #tpu.memory_space<vmem>>
        %dma_start3A_338 = arith.constant 0 : i32
        %dma_start3A_339 = arith.constant 0 : i32
        %dma_start3A_340 = tpu.memref_slice %arg16[%dma_start3A_338, %dma_start3A_339] : memref<10240x64xf32, #tpu.memory_space<vmem_shared>> -> memref<10240x64xf32, #tpu.memory_space<vmem_shared>>
        tpu.enqueue_indirect_dma source(%arg9 : memref<80x64xf32, #tpu.memory_space<vmem>>) target(%dma_start3A_340 : memref<10240x64xf32, #tpu.memory_space<vmem_shared>>) offsets(%dma_start3A_337 : memref<80xi32, #tpu.memory_space<vmem>>) semaphore(%arg26 : memref<!tpu.dma_semaphore, #tpu.memory_space<semaphore_mem>>) {add = true}
      } else {
      }
      %add3A_225 = arith.constant 4 : i32
      %add3A_226 = arith.addi %add3A_219, %add3A_225 : i32
      %lt3A_227 = arith.constant 125 : i32
      %lt3A_228 = arith.cmpi slt, %add3A_226, %lt3A_227 : i32
      %convert_element_type3A_229 = arith.extui %lt3A_228 : i1 to i32
      %cond3A_230 = arith.constant 0 : i32
      %cond3A_231 = arith.cmpi ne, %convert_element_type3A_229, %cond3A_230 : i32
      scf.if %cond3A_231 {
        %ge3A = arith.constant 4 : i32
        %ge3A_328 = arith.cmpi sge, %add3A_219, %ge3A : i32
        %convert_element_type3A_329 = arith.extui %ge3A_328 : i1 to i32
        %cond3A_330 = arith.constant 0 : i32
        %cond3A_331 = arith.cmpi ne, %convert_element_type3A_329, %cond3A_330 : i32
        scf.if %cond3A_331 {
          %dma_wait3A_338 = arith.constant 0 : i32
          %dma_wait3A_339 = arith.constant 0 : i32
          %dma_wait3A_340 = tpu.memref_slice %arg7[%dma_wait3A_338, %dma_wait3A_339] : memref<125x80xi32, #tpu.memory_space<vmem>> -> memref<1x80xi32, #tpu.memory_space<vmem>>
          %dma_wait3A_341 = tpu.memref_squeeze %dma_wait3A_340 : memref<1x80xi32, #tpu.memory_space<vmem>> -> memref<80xi32, #tpu.memory_space<vmem>>
          %dma_wait3A_342 = arith.constant 0 : i32
          %dma_wait3A_343 = arith.constant 0 : i32
          %dma_wait3A_344 = tpu.memref_slice %arg16[%dma_wait3A_342, %dma_wait3A_343] : memref<10240x64xf32, #tpu.memory_space<vmem_shared>> -> memref<10240x64xf32, #tpu.memory_space<vmem_shared>>
          tpu.wait_indirect_dma semaphore(%arg30 : memref<!tpu.dma_semaphore, #tpu.memory_space<semaphore_mem>>) src(%arg13 : memref<80x64xf32, #tpu.memory_space<vmem>>) dst(%dma_wait3A_344 : memref<10240x64xf32, #tpu.memory_space<vmem_shared>>)
        } else {
        }
        %dma_start3A_332 = arith.constant 0 : i32
        %dma_start3A_333 = tpu.memref_slice %arg6[%add3A_226, %dma_start3A_332] : memref<125x80xi32, #tpu.memory_space<vmem>> -> memref<1x80xi32, #tpu.memory_space<vmem>>
        %dma_start3A_334 = tpu.memref_squeeze %dma_start3A_333 : memref<1x80xi32, #tpu.memory_space<vmem>> -> memref<80xi32, #tpu.memory_space<vmem>>
        %dma_start3A_335 = arith.constant 0 : i32
        %dma_start3A_336 = arith.constant 0 : i32
        %dma_start3A_337 = tpu.memref_slice %arg3[%dma_start3A_335, %dma_start3A_336] : memref<20000x64xf32, #tpu.memory_space<hbm>> -> memref<20000x64xf32, #tpu.memory_space<hbm>>
        tpu.enqueue_indirect_dma source(%dma_start3A_337 : memref<20000x64xf32, #tpu.memory_space<hbm>>) target(%arg13 : memref<80x64xf32, #tpu.memory_space<vmem>>) offsets(%dma_start3A_334 : memref<80xi32, #tpu.memory_space<vmem>>) semaphore(%arg22 : memref<!tpu.dma_semaphore, #tpu.memory_space<semaphore_mem>>)
      } else {
      }
      %mul3A_232 = arith.constant 8 : i32
      %mul3A_233 = arith.muli %scan3A_202, %mul3A_232 : i32
      %add3A_234 = arith.constant 2 : i32
      %add3A_235 = arith.addi %mul3A_233, %add3A_234 : i32
      %lt3A_236 = arith.constant 125 : i32
      %lt3A_237 = arith.cmpi slt, %add3A_235, %lt3A_236 : i32
      %convert_element_type3A_238 = arith.extui %lt3A_237 : i1 to i32
      %cond3A_239 = arith.constant 0 : i32
      %cond3A_240 = arith.cmpi ne, %convert_element_type3A_238, %cond3A_239 : i32
      scf.if %cond3A_240 {
        %dma_wait3A_328 = arith.constant 0 : i32
        %dma_wait3A_329 = arith.constant 0 : i32
        %dma_wait3A_330 = tpu.memref_slice %arg6[%dma_wait3A_328, %dma_wait3A_329] : memref<125x80xi32, #tpu.memory_space<vmem>> -> memref<1x80xi32, #tpu.memory_space<vmem>>
        %dma_wait3A_331 = tpu.memref_squeeze %dma_wait3A_330 : memref<1x80xi32, #tpu.memory_space<vmem>> -> memref<80xi32, #tpu.memory_space<vmem>>
        %dma_wait3A_332 = arith.constant 0 : i32
        %dma_wait3A_333 = arith.constant 0 : i32
        %dma_wait3A_334 = tpu.memref_slice %arg3[%dma_wait3A_332, %dma_wait3A_333] : memref<20000x64xf32, #tpu.memory_space<hbm>> -> memref<20000x64xf32, #tpu.memory_space<hbm>>
        tpu.wait_indirect_dma semaphore(%arg19 : memref<!tpu.dma_semaphore, #tpu.memory_space<semaphore_mem>>) src(%dma_wait3A_334 : memref<20000x64xf32, #tpu.memory_space<hbm>>) dst(%arg10 : memref<80x64xf32, #tpu.memory_space<vmem>>)
        %dma_start3A_335 = arith.constant 0 : i32
        %dma_start3A_336 = tpu.memref_slice %arg7[%add3A_235, %dma_start3A_335] : memref<125x80xi32, #tpu.memory_space<vmem>> -> memref<1x80xi32, #tpu.memory_space<vmem>>
        %dma_start3A_337 = tpu.memref_squeeze %dma_start3A_336 : memref<1x80xi32, #tpu.memory_space<vmem>> -> memref<80xi32, #tpu.memory_space<vmem>>
        %dma_start3A_338 = arith.constant 0 : i32
        %dma_start3A_339 = arith.constant 0 : i32
        %dma_start3A_340 = tpu.memref_slice %arg16[%dma_start3A_338, %dma_start3A_339] : memref<10240x64xf32, #tpu.memory_space<vmem_shared>> -> memref<10240x64xf32, #tpu.memory_space<vmem_shared>>
        tpu.enqueue_indirect_dma source(%arg10 : memref<80x64xf32, #tpu.memory_space<vmem>>) target(%dma_start3A_340 : memref<10240x64xf32, #tpu.memory_space<vmem_shared>>) offsets(%dma_start3A_337 : memref<80xi32, #tpu.memory_space<vmem>>) semaphore(%arg27 : memref<!tpu.dma_semaphore, #tpu.memory_space<semaphore_mem>>) {add = true}
      } else {
      }
      %add3A_241 = arith.constant 4 : i32
      %add3A_242 = arith.addi %add3A_235, %add3A_241 : i32
      %lt3A_243 = arith.constant 125 : i32
      %lt3A_244 = arith.cmpi slt, %add3A_242, %lt3A_243 : i32
      %convert_element_type3A_245 = arith.extui %lt3A_244 : i1 to i32
      %cond3A_246 = arith.constant 0 : i32
      %cond3A_247 = arith.cmpi ne, %convert_element_type3A_245, %cond3A_246 : i32
      scf.if %cond3A_247 {
        %ge3A = arith.constant 4 : i32
        %ge3A_328 = arith.cmpi sge, %add3A_235, %ge3A : i32
        %convert_element_type3A_329 = arith.extui %ge3A_328 : i1 to i32
        %cond3A_330 = arith.constant 0 : i32
        %cond3A_331 = arith.cmpi ne, %convert_element_type3A_329, %cond3A_330 : i32
        scf.if %cond3A_331 {
          %dma_wait3A_338 = arith.constant 0 : i32
          %dma_wait3A_339 = arith.constant 0 : i32
          %dma_wait3A_340 = tpu.memref_slice %arg7[%dma_wait3A_338, %dma_wait3A_339] : memref<125x80xi32, #tpu.memory_space<vmem>> -> memref<1x80xi32, #tpu.memory_space<vmem>>
          %dma_wait3A_341 = tpu.memref_squeeze %dma_wait3A_340 : memref<1x80xi32, #tpu.memory_space<vmem>> -> memref<80xi32, #tpu.memory_space<vmem>>
          %dma_wait3A_342 = arith.constant 0 : i32
          %dma_wait3A_343 = arith.constant 0 : i32
          %dma_wait3A_344 = tpu.memref_slice %arg16[%dma_wait3A_342, %dma_wait3A_343] : memref<10240x64xf32, #tpu.memory_space<vmem_shared>> -> memref<10240x64xf32, #tpu.memory_space<vmem_shared>>
          tpu.wait_indirect_dma semaphore(%arg31 : memref<!tpu.dma_semaphore, #tpu.memory_space<semaphore_mem>>) src(%arg14 : memref<80x64xf32, #tpu.memory_space<vmem>>) dst(%dma_wait3A_344 : memref<10240x64xf32, #tpu.memory_space<vmem_shared>>)
        } else {
        }
        %dma_start3A_332 = arith.constant 0 : i32
        %dma_start3A_333 = tpu.memref_slice %arg6[%add3A_242, %dma_start3A_332] : memref<125x80xi32, #tpu.memory_space<vmem>> -> memref<1x80xi32, #tpu.memory_space<vmem>>
        %dma_start3A_334 = tpu.memref_squeeze %dma_start3A_333 : memref<1x80xi32, #tpu.memory_space<vmem>> -> memref<80xi32, #tpu.memory_space<vmem>>
        %dma_start3A_335 = arith.constant 0 : i32
        %dma_start3A_336 = arith.constant 0 : i32
        %dma_start3A_337 = tpu.memref_slice %arg3[%dma_start3A_335, %dma_start3A_336] : memref<20000x64xf32, #tpu.memory_space<hbm>> -> memref<20000x64xf32, #tpu.memory_space<hbm>>
        tpu.enqueue_indirect_dma source(%dma_start3A_337 : memref<20000x64xf32, #tpu.memory_space<hbm>>) target(%arg14 : memref<80x64xf32, #tpu.memory_space<vmem>>) offsets(%dma_start3A_334 : memref<80xi32, #tpu.memory_space<vmem>>) semaphore(%arg23 : memref<!tpu.dma_semaphore, #tpu.memory_space<semaphore_mem>>)
      } else {
      }
      %mul3A_248 = arith.constant 8 : i32
      %mul3A_249 = arith.muli %scan3A_202, %mul3A_248 : i32
      %add3A_250 = arith.constant 3 : i32
      %add3A_251 = arith.addi %mul3A_249, %add3A_250 : i32
      %lt3A_252 = arith.constant 125 : i32
      %lt3A_253 = arith.cmpi slt, %add3A_251, %lt3A_252 : i32
      %convert_element_type3A_254 = arith.extui %lt3A_253 : i1 to i32
      %cond3A_255 = arith.constant 0 : i32
      %cond3A_256 = arith.cmpi ne, %convert_element_type3A_254, %cond3A_255 : i32
      scf.if %cond3A_256 {
        %dma_wait3A_328 = arith.constant 0 : i32
        %dma_wait3A_329 = arith.constant 0 : i32
        %dma_wait3A_330 = tpu.memref_slice %arg6[%dma_wait3A_328, %dma_wait3A_329] : memref<125x80xi32, #tpu.memory_space<vmem>> -> memref<1x80xi32, #tpu.memory_space<vmem>>
        %dma_wait3A_331 = tpu.memref_squeeze %dma_wait3A_330 : memref<1x80xi32, #tpu.memory_space<vmem>> -> memref<80xi32, #tpu.memory_space<vmem>>
        %dma_wait3A_332 = arith.constant 0 : i32
        %dma_wait3A_333 = arith.constant 0 : i32
        %dma_wait3A_334 = tpu.memref_slice %arg3[%dma_wait3A_332, %dma_wait3A_333] : memref<20000x64xf32, #tpu.memory_space<hbm>> -> memref<20000x64xf32, #tpu.memory_space<hbm>>
        tpu.wait_indirect_dma semaphore(%arg20 : memref<!tpu.dma_semaphore, #tpu.memory_space<semaphore_mem>>) src(%dma_wait3A_334 : memref<20000x64xf32, #tpu.memory_space<hbm>>) dst(%arg11 : memref<80x64xf32, #tpu.memory_space<vmem>>)
        %dma_start3A_335 = arith.constant 0 : i32
        %dma_start3A_336 = tpu.memref_slice %arg7[%add3A_251, %dma_start3A_335] : memref<125x80xi32, #tpu.memory_space<vmem>> -> memref<1x80xi32, #tpu.memory_space<vmem>>
        %dma_start3A_337 = tpu.memref_squeeze %dma_start3A_336 : memref<1x80xi32, #tpu.memory_space<vmem>> -> memref<80xi32, #tpu.memory_space<vmem>>
        %dma_start3A_338 = arith.constant 0 : i32
        %dma_start3A_339 = arith.constant 0 : i32
        %dma_start3A_340 = tpu.memref_slice %arg16[%dma_start3A_338, %dma_start3A_339] : memref<10240x64xf32, #tpu.memory_space<vmem_shared>> -> memref<10240x64xf32, #tpu.memory_space<vmem_shared>>
        tpu.enqueue_indirect_dma source(%arg11 : memref<80x64xf32, #tpu.memory_space<vmem>>) target(%dma_start3A_340 : memref<10240x64xf32, #tpu.memory_space<vmem_shared>>) offsets(%dma_start3A_337 : memref<80xi32, #tpu.memory_space<vmem>>) semaphore(%arg28 : memref<!tpu.dma_semaphore, #tpu.memory_space<semaphore_mem>>) {add = true}
      } else {
      }
      %add3A_257 = arith.constant 4 : i32
      %add3A_258 = arith.addi %add3A_251, %add3A_257 : i32
      %lt3A_259 = arith.constant 125 : i32
      %lt3A_260 = arith.cmpi slt, %add3A_258, %lt3A_259 : i32
      %convert_element_type3A_261 = arith.extui %lt3A_260 : i1 to i32
      %cond3A_262 = arith.constant 0 : i32
      %cond3A_263 = arith.cmpi ne, %convert_element_type3A_261, %cond3A_262 : i32
      scf.if %cond3A_263 {
        %ge3A = arith.constant 4 : i32
        %ge3A_328 = arith.cmpi sge, %add3A_251, %ge3A : i32
        %convert_element_type3A_329 = arith.extui %ge3A_328 : i1 to i32
        %cond3A_330 = arith.constant 0 : i32
        %cond3A_331 = arith.cmpi ne, %convert_element_type3A_329, %cond3A_330 : i32
        scf.if %cond3A_331 {
          %dma_wait3A_338 = arith.constant 0 : i32
          %dma_wait3A_339 = arith.constant 0 : i32
          %dma_wait3A_340 = tpu.memref_slice %arg7[%dma_wait3A_338, %dma_wait3A_339] : memref<125x80xi32, #tpu.memory_space<vmem>> -> memref<1x80xi32, #tpu.memory_space<vmem>>
          %dma_wait3A_341 = tpu.memref_squeeze %dma_wait3A_340 : memref<1x80xi32, #tpu.memory_space<vmem>> -> memref<80xi32, #tpu.memory_space<vmem>>
          %dma_wait3A_342 = arith.constant 0 : i32
          %dma_wait3A_343 = arith.constant 0 : i32
          %dma_wait3A_344 = tpu.memref_slice %arg16[%dma_wait3A_342, %dma_wait3A_343] : memref<10240x64xf32, #tpu.memory_space<vmem_shared>> -> memref<10240x64xf32, #tpu.memory_space<vmem_shared>>
          tpu.wait_indirect_dma semaphore(%arg32 : memref<!tpu.dma_semaphore, #tpu.memory_space<semaphore_mem>>) src(%arg15 : memref<80x64xf32, #tpu.memory_space<vmem>>) dst(%dma_wait3A_344 : memref<10240x64xf32, #tpu.memory_space<vmem_shared>>)
        } else {
        }
        %dma_start3A_332 = arith.constant 0 : i32
        %dma_start3A_333 = tpu.memref_slice %arg6[%add3A_258, %dma_start3A_332] : memref<125x80xi32, #tpu.memory_space<vmem>> -> memref<1x80xi32, #tpu.memory_space<vmem>>
        %dma_start3A_334 = tpu.memref_squeeze %dma_start3A_333 : memref<1x80xi32, #tpu.memory_space<vmem>> -> memref<80xi32, #tpu.memory_space<vmem>>
        %dma_start3A_335 = arith.constant 0 : i32
        %dma_start3A_336 = arith.constant 0 : i32
        %dma_start3A_337 = tpu.memref_slice %arg3[%dma_start3A_335, %dma_start3A_336] : memref<20000x64xf32, #tpu.memory_space<hbm>> -> memref<20000x64xf32, #tpu.memory_space<hbm>>
        tpu.enqueue_indirect_dma source(%dma_start3A_337 : memref<20000x64xf32, #tpu.memory_space<hbm>>) target(%arg15 : memref<80x64xf32, #tpu.memory_space<vmem>>) offsets(%dma_start3A_334 : memref<80xi32, #tpu.memory_space<vmem>>) semaphore(%arg24 : memref<!tpu.dma_semaphore, #tpu.memory_space<semaphore_mem>>)
      } else {
      }
      %mul3A_264 = arith.constant 8 : i32
      %mul3A_265 = arith.muli %scan3A_202, %mul3A_264 : i32
      %add3A_266 = arith.constant 4 : i32
      %add3A_267 = arith.addi %mul3A_265, %add3A_266 : i32
      %lt3A_268 = arith.constant 125 : i32
      %lt3A_269 = arith.cmpi slt, %add3A_267, %lt3A_268 : i32
      %convert_element_type3A_270 = arith.extui %lt3A_269 : i1 to i32
      %cond3A_271 = arith.constant 0 : i32
      %cond3A_272 = arith.cmpi ne, %convert_element_type3A_270, %cond3A_271 : i32
      scf.if %cond3A_272 {
        %dma_wait3A_328 = arith.constant 0 : i32
        %dma_wait3A_329 = arith.constant 0 : i32
        %dma_wait3A_330 = tpu.memref_slice %arg6[%dma_wait3A_328, %dma_wait3A_329] : memref<125x80xi32, #tpu.memory_space<vmem>> -> memref<1x80xi32, #tpu.memory_space<vmem>>
        %dma_wait3A_331 = tpu.memref_squeeze %dma_wait3A_330 : memref<1x80xi32, #tpu.memory_space<vmem>> -> memref<80xi32, #tpu.memory_space<vmem>>
        %dma_wait3A_332 = arith.constant 0 : i32
        %dma_wait3A_333 = arith.constant 0 : i32
        %dma_wait3A_334 = tpu.memref_slice %arg3[%dma_wait3A_332, %dma_wait3A_333] : memref<20000x64xf32, #tpu.memory_space<hbm>> -> memref<20000x64xf32, #tpu.memory_space<hbm>>
        tpu.wait_indirect_dma semaphore(%arg21 : memref<!tpu.dma_semaphore, #tpu.memory_space<semaphore_mem>>) src(%dma_wait3A_334 : memref<20000x64xf32, #tpu.memory_space<hbm>>) dst(%arg12 : memref<80x64xf32, #tpu.memory_space<vmem>>)
        %dma_start3A_335 = arith.constant 0 : i32
        %dma_start3A_336 = tpu.memref_slice %arg7[%add3A_267, %dma_start3A_335] : memref<125x80xi32, #tpu.memory_space<vmem>> -> memref<1x80xi32, #tpu.memory_space<vmem>>
        %dma_start3A_337 = tpu.memref_squeeze %dma_start3A_336 : memref<1x80xi32, #tpu.memory_space<vmem>> -> memref<80xi32, #tpu.memory_space<vmem>>
        %dma_start3A_338 = arith.constant 0 : i32
        %dma_start3A_339 = arith.constant 0 : i32
        %dma_start3A_340 = tpu.memref_slice %arg16[%dma_start3A_338, %dma_start3A_339] : memref<10240x64xf32, #tpu.memory_space<vmem_shared>> -> memref<10240x64xf32, #tpu.memory_space<vmem_shared>>
        tpu.enqueue_indirect_dma source(%arg12 : memref<80x64xf32, #tpu.memory_space<vmem>>) target(%dma_start3A_340 : memref<10240x64xf32, #tpu.memory_space<vmem_shared>>) offsets(%dma_start3A_337 : memref<80xi32, #tpu.memory_space<vmem>>) semaphore(%arg29 : memref<!tpu.dma_semaphore, #tpu.memory_space<semaphore_mem>>) {add = true}
      } else {
      }
      %add3A_273 = arith.constant 4 : i32
      %add3A_274 = arith.addi %add3A_267, %add3A_273 : i32
      %lt3A_275 = arith.constant 125 : i32
      %lt3A_276 = arith.cmpi slt, %add3A_274, %lt3A_275 : i32
      %convert_element_type3A_277 = arith.extui %lt3A_276 : i1 to i32
      %cond3A_278 = arith.constant 0 : i32
      %cond3A_279 = arith.cmpi ne, %convert_element_type3A_277, %cond3A_278 : i32
      scf.if %cond3A_279 {
        %ge3A = arith.constant 4 : i32
        %ge3A_328 = arith.cmpi sge, %add3A_267, %ge3A : i32
        %convert_element_type3A_329 = arith.extui %ge3A_328 : i1 to i32
        %cond3A_330 = arith.constant 0 : i32
        %cond3A_331 = arith.cmpi ne, %convert_element_type3A_329, %cond3A_330 : i32
        scf.if %cond3A_331 {
          %dma_wait3A_338 = arith.constant 0 : i32
          %dma_wait3A_339 = arith.constant 0 : i32
          %dma_wait3A_340 = tpu.memref_slice %arg7[%dma_wait3A_338, %dma_wait3A_339] : memref<125x80xi32, #tpu.memory_space<vmem>> -> memref<1x80xi32, #tpu.memory_space<vmem>>
          %dma_wait3A_341 = tpu.memref_squeeze %dma_wait3A_340 : memref<1x80xi32, #tpu.memory_space<vmem>> -> memref<80xi32, #tpu.memory_space<vmem>>
          %dma_wait3A_342 = arith.constant 0 : i32
          %dma_wait3A_343 = arith.constant 0 : i32
          %dma_wait3A_344 = tpu.memref_slice %arg16[%dma_wait3A_342, %dma_wait3A_343] : memref<10240x64xf32, #tpu.memory_space<vmem_shared>> -> memref<10240x64xf32, #tpu.memory_space<vmem_shared>>
          tpu.wait_indirect_dma semaphore(%arg25 : memref<!tpu.dma_semaphore, #tpu.memory_space<semaphore_mem>>) src(%arg8 : memref<80x64xf32, #tpu.memory_space<vmem>>) dst(%dma_wait3A_344 : memref<10240x64xf32, #tpu.memory_space<vmem_shared>>)
        } else {
        }
        %dma_start3A_332 = arith.constant 0 : i32
        %dma_start3A_333 = tpu.memref_slice %arg6[%add3A_274, %dma_start3A_332] : memref<125x80xi32, #tpu.memory_space<vmem>> -> memref<1x80xi32, #tpu.memory_space<vmem>>
        %dma_start3A_334 = tpu.memref_squeeze %dma_start3A_333 : memref<1x80xi32, #tpu.memory_space<vmem>> -> memref<80xi32, #tpu.memory_space<vmem>>
        %dma_start3A_335 = arith.constant 0 : i32
        %dma_start3A_336 = arith.constant 0 : i32
        %dma_start3A_337 = tpu.memref_slice %arg3[%dma_start3A_335, %dma_start3A_336] : memref<20000x64xf32, #tpu.memory_space<hbm>> -> memref<20000x64xf32, #tpu.memory_space<hbm>>
        tpu.enqueue_indirect_dma source(%dma_start3A_337 : memref<20000x64xf32, #tpu.memory_space<hbm>>) target(%arg8 : memref<80x64xf32, #tpu.memory_space<vmem>>) offsets(%dma_start3A_334 : memref<80xi32, #tpu.memory_space<vmem>>) semaphore(%arg17 : memref<!tpu.dma_semaphore, #tpu.memory_space<semaphore_mem>>)
      } else {
      }
      %mul3A_280 = arith.constant 8 : i32
      %mul3A_281 = arith.muli %scan3A_202, %mul3A_280 : i32
      %add3A_282 = arith.constant 5 : i32
      %add3A_283 = arith.addi %mul3A_281, %add3A_282 : i32
      %lt3A_284 = arith.constant 125 : i32
      %lt3A_285 = arith.cmpi slt, %add3A_283, %lt3A_284 : i32
      %convert_element_type3A_286 = arith.extui %lt3A_285 : i1 to i32
      %cond3A_287 = arith.constant 0 : i32
      %cond3A_288 = arith.cmpi ne, %convert_element_type3A_286, %cond3A_287 : i32
      scf.if %cond3A_288 {
        %dma_wait3A_328 = arith.constant 0 : i32
        %dma_wait3A_329 = arith.constant 0 : i32
        %dma_wait3A_330 = tpu.memref_slice %arg6[%dma_wait3A_328, %dma_wait3A_329] : memref<125x80xi32, #tpu.memory_space<vmem>> -> memref<1x80xi32, #tpu.memory_space<vmem>>
        %dma_wait3A_331 = tpu.memref_squeeze %dma_wait3A_330 : memref<1x80xi32, #tpu.memory_space<vmem>> -> memref<80xi32, #tpu.memory_space<vmem>>
        %dma_wait3A_332 = arith.constant 0 : i32
        %dma_wait3A_333 = arith.constant 0 : i32
        %dma_wait3A_334 = tpu.memref_slice %arg3[%dma_wait3A_332, %dma_wait3A_333] : memref<20000x64xf32, #tpu.memory_space<hbm>> -> memref<20000x64xf32, #tpu.memory_space<hbm>>
        tpu.wait_indirect_dma semaphore(%arg22 : memref<!tpu.dma_semaphore, #tpu.memory_space<semaphore_mem>>) src(%dma_wait3A_334 : memref<20000x64xf32, #tpu.memory_space<hbm>>) dst(%arg13 : memref<80x64xf32, #tpu.memory_space<vmem>>)
        %dma_start3A_335 = arith.constant 0 : i32
        %dma_start3A_336 = tpu.memref_slice %arg7[%add3A_283, %dma_start3A_335] : memref<125x80xi32, #tpu.memory_space<vmem>> -> memref<1x80xi32, #tpu.memory_space<vmem>>
        %dma_start3A_337 = tpu.memref_squeeze %dma_start3A_336 : memref<1x80xi32, #tpu.memory_space<vmem>> -> memref<80xi32, #tpu.memory_space<vmem>>
        %dma_start3A_338 = arith.constant 0 : i32
        %dma_start3A_339 = arith.constant 0 : i32
        %dma_start3A_340 = tpu.memref_slice %arg16[%dma_start3A_338, %dma_start3A_339] : memref<10240x64xf32, #tpu.memory_space<vmem_shared>> -> memref<10240x64xf32, #tpu.memory_space<vmem_shared>>
        tpu.enqueue_indirect_dma source(%arg13 : memref<80x64xf32, #tpu.memory_space<vmem>>) target(%dma_start3A_340 : memref<10240x64xf32, #tpu.memory_space<vmem_shared>>) offsets(%dma_start3A_337 : memref<80xi32, #tpu.memory_space<vmem>>) semaphore(%arg30 : memref<!tpu.dma_semaphore, #tpu.memory_space<semaphore_mem>>) {add = true}
      } else {
      }
      %add3A_289 = arith.constant 4 : i32
      %add3A_290 = arith.addi %add3A_283, %add3A_289 : i32
      %lt3A_291 = arith.constant 125 : i32
      %lt3A_292 = arith.cmpi slt, %add3A_290, %lt3A_291 : i32
      %convert_element_type3A_293 = arith.extui %lt3A_292 : i1 to i32
      %cond3A_294 = arith.constant 0 : i32
      %cond3A_295 = arith.cmpi ne, %convert_element_type3A_293, %cond3A_294 : i32
      scf.if %cond3A_295 {
        %ge3A = arith.constant 4 : i32
        %ge3A_328 = arith.cmpi sge, %add3A_283, %ge3A : i32
        %convert_element_type3A_329 = arith.extui %ge3A_328 : i1 to i32
        %cond3A_330 = arith.constant 0 : i32
        %cond3A_331 = arith.cmpi ne, %convert_element_type3A_329, %cond3A_330 : i32
        scf.if %cond3A_331 {
          %dma_wait3A_338 = arith.constant 0 : i32
          %dma_wait3A_339 = arith.constant 0 : i32
          %dma_wait3A_340 = tpu.memref_slice %arg7[%dma_wait3A_338, %dma_wait3A_339] : memref<125x80xi32, #tpu.memory_space<vmem>> -> memref<1x80xi32, #tpu.memory_space<vmem>>
          %dma_wait3A_341 = tpu.memref_squeeze %dma_wait3A_340 : memref<1x80xi32, #tpu.memory_space<vmem>> -> memref<80xi32, #tpu.memory_space<vmem>>
          %dma_wait3A_342 = arith.constant 0 : i32
          %dma_wait3A_343 = arith.constant 0 : i32
          %dma_wait3A_344 = tpu.memref_slice %arg16[%dma_wait3A_342, %dma_wait3A_343] : memref<10240x64xf32, #tpu.memory_space<vmem_shared>> -> memref<10240x64xf32, #tpu.memory_space<vmem_shared>>
          tpu.wait_indirect_dma semaphore(%arg26 : memref<!tpu.dma_semaphore, #tpu.memory_space<semaphore_mem>>) src(%arg9 : memref<80x64xf32, #tpu.memory_space<vmem>>) dst(%dma_wait3A_344 : memref<10240x64xf32, #tpu.memory_space<vmem_shared>>)
        } else {
        }
        %dma_start3A_332 = arith.constant 0 : i32
        %dma_start3A_333 = tpu.memref_slice %arg6[%add3A_290, %dma_start3A_332] : memref<125x80xi32, #tpu.memory_space<vmem>> -> memref<1x80xi32, #tpu.memory_space<vmem>>
        %dma_start3A_334 = tpu.memref_squeeze %dma_start3A_333 : memref<1x80xi32, #tpu.memory_space<vmem>> -> memref<80xi32, #tpu.memory_space<vmem>>
        %dma_start3A_335 = arith.constant 0 : i32
        %dma_start3A_336 = arith.constant 0 : i32
        %dma_start3A_337 = tpu.memref_slice %arg3[%dma_start3A_335, %dma_start3A_336] : memref<20000x64xf32, #tpu.memory_space<hbm>> -> memref<20000x64xf32, #tpu.memory_space<hbm>>
        tpu.enqueue_indirect_dma source(%dma_start3A_337 : memref<20000x64xf32, #tpu.memory_space<hbm>>) target(%arg9 : memref<80x64xf32, #tpu.memory_space<vmem>>) offsets(%dma_start3A_334 : memref<80xi32, #tpu.memory_space<vmem>>) semaphore(%arg18 : memref<!tpu.dma_semaphore, #tpu.memory_space<semaphore_mem>>)
      } else {
      }
      %mul3A_296 = arith.constant 8 : i32
      %mul3A_297 = arith.muli %scan3A_202, %mul3A_296 : i32
      %add3A_298 = arith.constant 6 : i32
      %add3A_299 = arith.addi %mul3A_297, %add3A_298 : i32
      %lt3A_300 = arith.constant 125 : i32
      %lt3A_301 = arith.cmpi slt, %add3A_299, %lt3A_300 : i32
      %convert_element_type3A_302 = arith.extui %lt3A_301 : i1 to i32
      %cond3A_303 = arith.constant 0 : i32
      %cond3A_304 = arith.cmpi ne, %convert_element_type3A_302, %cond3A_303 : i32
      scf.if %cond3A_304 {
        %dma_wait3A_328 = arith.constant 0 : i32
        %dma_wait3A_329 = arith.constant 0 : i32
        %dma_wait3A_330 = tpu.memref_slice %arg6[%dma_wait3A_328, %dma_wait3A_329] : memref<125x80xi32, #tpu.memory_space<vmem>> -> memref<1x80xi32, #tpu.memory_space<vmem>>
        %dma_wait3A_331 = tpu.memref_squeeze %dma_wait3A_330 : memref<1x80xi32, #tpu.memory_space<vmem>> -> memref<80xi32, #tpu.memory_space<vmem>>
        %dma_wait3A_332 = arith.constant 0 : i32
        %dma_wait3A_333 = arith.constant 0 : i32
        %dma_wait3A_334 = tpu.memref_slice %arg3[%dma_wait3A_332, %dma_wait3A_333] : memref<20000x64xf32, #tpu.memory_space<hbm>> -> memref<20000x64xf32, #tpu.memory_space<hbm>>
        tpu.wait_indirect_dma semaphore(%arg23 : memref<!tpu.dma_semaphore, #tpu.memory_space<semaphore_mem>>) src(%dma_wait3A_334 : memref<20000x64xf32, #tpu.memory_space<hbm>>) dst(%arg14 : memref<80x64xf32, #tpu.memory_space<vmem>>)
        %dma_start3A_335 = arith.constant 0 : i32
        %dma_start3A_336 = tpu.memref_slice %arg7[%add3A_299, %dma_start3A_335] : memref<125x80xi32, #tpu.memory_space<vmem>> -> memref<1x80xi32, #tpu.memory_space<vmem>>
        %dma_start3A_337 = tpu.memref_squeeze %dma_start3A_336 : memref<1x80xi32, #tpu.memory_space<vmem>> -> memref<80xi32, #tpu.memory_space<vmem>>
        %dma_start3A_338 = arith.constant 0 : i32
        %dma_start3A_339 = arith.constant 0 : i32
        %dma_start3A_340 = tpu.memref_slice %arg16[%dma_start3A_338, %dma_start3A_339] : memref<10240x64xf32, #tpu.memory_space<vmem_shared>> -> memref<10240x64xf32, #tpu.memory_space<vmem_shared>>
        tpu.enqueue_indirect_dma source(%arg14 : memref<80x64xf32, #tpu.memory_space<vmem>>) target(%dma_start3A_340 : memref<10240x64xf32, #tpu.memory_space<vmem_shared>>) offsets(%dma_start3A_337 : memref<80xi32, #tpu.memory_space<vmem>>) semaphore(%arg31 : memref<!tpu.dma_semaphore, #tpu.memory_space<semaphore_mem>>) {add = true}
      } else {
      }
      %add3A_305 = arith.constant 4 : i32
      %add3A_306 = arith.addi %add3A_299, %add3A_305 : i32
      %lt3A_307 = arith.constant 125 : i32
      %lt3A_308 = arith.cmpi slt, %add3A_306, %lt3A_307 : i32
      %convert_element_type3A_309 = arith.extui %lt3A_308 : i1 to i32
      %cond3A_310 = arith.constant 0 : i32
      %cond3A_311 = arith.cmpi ne, %convert_element_type3A_309, %cond3A_310 : i32
      scf.if %cond3A_311 {
        %ge3A = arith.constant 4 : i32
        %ge3A_328 = arith.cmpi sge, %add3A_299, %ge3A : i32
        %convert_element_type3A_329 = arith.extui %ge3A_328 : i1 to i32
        %cond3A_330 = arith.constant 0 : i32
        %cond3A_331 = arith.cmpi ne, %convert_element_type3A_329, %cond3A_330 : i32
        scf.if %cond3A_331 {
          %dma_wait3A_338 = arith.constant 0 : i32
          %dma_wait3A_339 = arith.constant 0 : i32
          %dma_wait3A_340 = tpu.memref_slice %arg7[%dma_wait3A_338, %dma_wait3A_339] : memref<125x80xi32, #tpu.memory_space<vmem>> -> memref<1x80xi32, #tpu.memory_space<vmem>>
          %dma_wait3A_341 = tpu.memref_squeeze %dma_wait3A_340 : memref<1x80xi32, #tpu.memory_space<vmem>> -> memref<80xi32, #tpu.memory_space<vmem>>
          %dma_wait3A_342 = arith.constant 0 : i32
          %dma_wait3A_343 = arith.constant 0 : i32
          %dma_wait3A_344 = tpu.memref_slice %arg16[%dma_wait3A_342, %dma_wait3A_343] : memref<10240x64xf32, #tpu.memory_space<vmem_shared>> -> memref<10240x64xf32, #tpu.memory_space<vmem_shared>>
          tpu.wait_indirect_dma semaphore(%arg27 : memref<!tpu.dma_semaphore, #tpu.memory_space<semaphore_mem>>) src(%arg10 : memref<80x64xf32, #tpu.memory_space<vmem>>) dst(%dma_wait3A_344 : memref<10240x64xf32, #tpu.memory_space<vmem_shared>>)
        } else {
        }
        %dma_start3A_332 = arith.constant 0 : i32
        %dma_start3A_333 = tpu.memref_slice %arg6[%add3A_306, %dma_start3A_332] : memref<125x80xi32, #tpu.memory_space<vmem>> -> memref<1x80xi32, #tpu.memory_space<vmem>>
        %dma_start3A_334 = tpu.memref_squeeze %dma_start3A_333 : memref<1x80xi32, #tpu.memory_space<vmem>> -> memref<80xi32, #tpu.memory_space<vmem>>
        %dma_start3A_335 = arith.constant 0 : i32
        %dma_start3A_336 = arith.constant 0 : i32
        %dma_start3A_337 = tpu.memref_slice %arg3[%dma_start3A_335, %dma_start3A_336] : memref<20000x64xf32, #tpu.memory_space<hbm>> -> memref<20000x64xf32, #tpu.memory_space<hbm>>
        tpu.enqueue_indirect_dma source(%dma_start3A_337 : memref<20000x64xf32, #tpu.memory_space<hbm>>) target(%arg10 : memref<80x64xf32, #tpu.memory_space<vmem>>) offsets(%dma_start3A_334 : memref<80xi32, #tpu.memory_space<vmem>>) semaphore(%arg19 : memref<!tpu.dma_semaphore, #tpu.memory_space<semaphore_mem>>)
      } else {
      }
      %mul3A_312 = arith.constant 8 : i32
      %mul3A_313 = arith.muli %scan3A_202, %mul3A_312 : i32
      %add3A_314 = arith.constant 7 : i32
      %add3A_315 = arith.addi %mul3A_313, %add3A_314 : i32
      %lt3A_316 = arith.constant 125 : i32
      %lt3A_317 = arith.cmpi slt, %add3A_315, %lt3A_316 : i32
      %convert_element_type3A_318 = arith.extui %lt3A_317 : i1 to i32
      %cond3A_319 = arith.constant 0 : i32
      %cond3A_320 = arith.cmpi ne, %convert_element_type3A_318, %cond3A_319 : i32
      scf.if %cond3A_320 {
        %dma_wait3A_328 = arith.constant 0 : i32
        %dma_wait3A_329 = arith.constant 0 : i32
        %dma_wait3A_330 = tpu.memref_slice %arg6[%dma_wait3A_328, %dma_wait3A_329] : memref<125x80xi32, #tpu.memory_space<vmem>> -> memref<1x80xi32, #tpu.memory_space<vmem>>
        %dma_wait3A_331 = tpu.memref_squeeze %dma_wait3A_330 : memref<1x80xi32, #tpu.memory_space<vmem>> -> memref<80xi32, #tpu.memory_space<vmem>>
        %dma_wait3A_332 = arith.constant 0 : i32
        %dma_wait3A_333 = arith.constant 0 : i32
        %dma_wait3A_334 = tpu.memref_slice %arg3[%dma_wait3A_332, %dma_wait3A_333] : memref<20000x64xf32, #tpu.memory_space<hbm>> -> memref<20000x64xf32, #tpu.memory_space<hbm>>
        tpu.wait_indirect_dma semaphore(%arg24 : memref<!tpu.dma_semaphore, #tpu.memory_space<semaphore_mem>>) src(%dma_wait3A_334 : memref<20000x64xf32, #tpu.memory_space<hbm>>) dst(%arg15 : memref<80x64xf32, #tpu.memory_space<vmem>>)
        %dma_start3A_335 = arith.constant 0 : i32
        %dma_start3A_336 = tpu.memref_slice %arg7[%add3A_315, %dma_start3A_335] : memref<125x80xi32, #tpu.memory_space<vmem>> -> memref<1x80xi32, #tpu.memory_space<vmem>>
        %dma_start3A_337 = tpu.memref_squeeze %dma_start3A_336 : memref<1x80xi32, #tpu.memory_space<vmem>> -> memref<80xi32, #tpu.memory_space<vmem>>
        %dma_start3A_338 = arith.constant 0 : i32
        %dma_start3A_339 = arith.constant 0 : i32
        %dma_start3A_340 = tpu.memref_slice %arg16[%dma_start3A_338, %dma_start3A_339] : memref<10240x64xf32, #tpu.memory_space<vmem_shared>> -> memref<10240x64xf32, #tpu.memory_space<vmem_shared>>
        tpu.enqueue_indirect_dma source(%arg15 : memref<80x64xf32, #tpu.memory_space<vmem>>) target(%dma_start3A_340 : memref<10240x64xf32, #tpu.memory_space<vmem_shared>>) offsets(%dma_start3A_337 : memref<80xi32, #tpu.memory_space<vmem>>) semaphore(%arg32 : memref<!tpu.dma_semaphore, #tpu.memory_space<semaphore_mem>>) {add = true}
      } else {
      }
      %add3A_321 = arith.constant 4 : i32
      %add3A_322 = arith.addi %add3A_315, %add3A_321 : i32
      %lt3A_323 = arith.constant 125 : i32
      %lt3A_324 = arith.cmpi slt, %add3A_322, %lt3A_323 : i32
      %convert_element_type3A_325 = arith.extui %lt3A_324 : i1 to i32
      %cond3A_326 = arith.constant 0 : i32
      %cond3A_327 = arith.cmpi ne, %convert_element_type3A_325, %cond3A_326 : i32
      scf.if %cond3A_327 {
        %ge3A = arith.constant 4 : i32
        %ge3A_328 = arith.cmpi sge, %add3A_315, %ge3A : i32
        %convert_element_type3A_329 = arith.extui %ge3A_328 : i1 to i32
        %cond3A_330 = arith.constant 0 : i32
        %cond3A_331 = arith.cmpi ne, %convert_element_type3A_329, %cond3A_330 : i32
        scf.if %cond3A_331 {
          %dma_wait3A_338 = arith.constant 0 : i32
          %dma_wait3A_339 = arith.constant 0 : i32
          %dma_wait3A_340 = tpu.memref_slice %arg7[%dma_wait3A_338, %dma_wait3A_339] : memref<125x80xi32, #tpu.memory_space<vmem>> -> memref<1x80xi32, #tpu.memory_space<vmem>>
          %dma_wait3A_341 = tpu.memref_squeeze %dma_wait3A_340 : memref<1x80xi32, #tpu.memory_space<vmem>> -> memref<80xi32, #tpu.memory_space<vmem>>
          %dma_wait3A_342 = arith.constant 0 : i32
          %dma_wait3A_343 = arith.constant 0 : i32
          %dma_wait3A_344 = tpu.memref_slice %arg16[%dma_wait3A_342, %dma_wait3A_343] : memref<10240x64xf32, #tpu.memory_space<vmem_shared>> -> memref<10240x64xf32, #tpu.memory_space<vmem_shared>>
          tpu.wait_indirect_dma semaphore(%arg28 : memref<!tpu.dma_semaphore, #tpu.memory_space<semaphore_mem>>) src(%arg11 : memref<80x64xf32, #tpu.memory_space<vmem>>) dst(%dma_wait3A_344 : memref<10240x64xf32, #tpu.memory_space<vmem_shared>>)
        } else {
        }
        %dma_start3A_332 = arith.constant 0 : i32
        %dma_start3A_333 = tpu.memref_slice %arg6[%add3A_322, %dma_start3A_332] : memref<125x80xi32, #tpu.memory_space<vmem>> -> memref<1x80xi32, #tpu.memory_space<vmem>>
        %dma_start3A_334 = tpu.memref_squeeze %dma_start3A_333 : memref<1x80xi32, #tpu.memory_space<vmem>> -> memref<80xi32, #tpu.memory_space<vmem>>
        %dma_start3A_335 = arith.constant 0 : i32
        %dma_start3A_336 = arith.constant 0 : i32
        %dma_start3A_337 = tpu.memref_slice %arg3[%dma_start3A_335, %dma_start3A_336] : memref<20000x64xf32, #tpu.memory_space<hbm>> -> memref<20000x64xf32, #tpu.memory_space<hbm>>
        tpu.enqueue_indirect_dma source(%dma_start3A_337 : memref<20000x64xf32, #tpu.memory_space<hbm>>) target(%arg11 : memref<80x64xf32, #tpu.memory_space<vmem>>) offsets(%dma_start3A_334 : memref<80xi32, #tpu.memory_space<vmem>>) semaphore(%arg20 : memref<!tpu.dma_semaphore, #tpu.memory_space<semaphore_mem>>)
      } else {
      }
    }
    %scan3A_35 = arith.constant 16 : i32
    %dma_wait3A = arith.constant 0 : i32
    %dma_wait3A_36 = arith.constant 0 : i32
    %dma_wait3A_37 = tpu.memref_slice %arg7[%dma_wait3A, %dma_wait3A_36] : memref<125x80xi32, #tpu.memory_space<vmem>> -> memref<1x80xi32, #tpu.memory_space<vmem>>
    %dma_wait3A_38 = tpu.memref_squeeze %dma_wait3A_37 : memref<1x80xi32, #tpu.memory_space<vmem>> -> memref<80xi32, #tpu.memory_space<vmem>>
    %dma_wait3A_39 = arith.constant 0 : i32
    %dma_wait3A_40 = arith.constant 0 : i32
    %dma_wait3A_41 = tpu.memref_slice %arg16[%dma_wait3A_39, %dma_wait3A_40] : memref<10240x64xf32, #tpu.memory_space<vmem_shared>> -> memref<10240x64xf32, #tpu.memory_space<vmem_shared>>
    tpu.wait_indirect_dma semaphore(%arg25 : memref<!tpu.dma_semaphore, #tpu.memory_space<semaphore_mem>>) src(%arg8 : memref<80x64xf32, #tpu.memory_space<vmem>>) dst(%dma_wait3A_41 : memref<10240x64xf32, #tpu.memory_space<vmem_shared>>)
    %dma_wait3A_42 = arith.constant 0 : i32
    %dma_wait3A_43 = arith.constant 0 : i32
    %dma_wait3A_44 = tpu.memref_slice %arg7[%dma_wait3A_42, %dma_wait3A_43] : memref<125x80xi32, #tpu.memory_space<vmem>> -> memref<1x80xi32, #tpu.memory_space<vmem>>
    %dma_wait3A_45 = tpu.memref_squeeze %dma_wait3A_44 : memref<1x80xi32, #tpu.memory_space<vmem>> -> memref<80xi32, #tpu.memory_space<vmem>>
    %dma_wait3A_46 = arith.constant 0 : i32
    %dma_wait3A_47 = arith.constant 0 : i32
    %dma_wait3A_48 = tpu.memref_slice %arg16[%dma_wait3A_46, %dma_wait3A_47] : memref<10240x64xf32, #tpu.memory_space<vmem_shared>> -> memref<10240x64xf32, #tpu.memory_space<vmem_shared>>
    tpu.wait_indirect_dma semaphore(%arg26 : memref<!tpu.dma_semaphore, #tpu.memory_space<semaphore_mem>>) src(%arg9 : memref<80x64xf32, #tpu.memory_space<vmem>>) dst(%dma_wait3A_48 : memref<10240x64xf32, #tpu.memory_space<vmem_shared>>)
    %dma_wait3A_49 = arith.constant 0 : i32
    %dma_wait3A_50 = arith.constant 0 : i32
    %dma_wait3A_51 = tpu.memref_slice %arg7[%dma_wait3A_49, %dma_wait3A_50] : memref<125x80xi32, #tpu.memory_space<vmem>> -> memref<1x80xi32, #tpu.memory_space<vmem>>
    %dma_wait3A_52 = tpu.memref_squeeze %dma_wait3A_51 : memref<1x80xi32, #tpu.memory_space<vmem>> -> memref<80xi32, #tpu.memory_space<vmem>>
    %dma_wait3A_53 = arith.constant 0 : i32
    %dma_wait3A_54 = arith.constant 0 : i32
    %dma_wait3A_55 = tpu.memref_slice %arg16[%dma_wait3A_53, %dma_wait3A_54] : memref<10240x64xf32, #tpu.memory_space<vmem_shared>> -> memref<10240x64xf32, #tpu.memory_space<vmem_shared>>
    tpu.wait_indirect_dma semaphore(%arg27 : memref<!tpu.dma_semaphore, #tpu.memory_space<semaphore_mem>>) src(%arg10 : memref<80x64xf32, #tpu.memory_space<vmem>>) dst(%dma_wait3A_55 : memref<10240x64xf32, #tpu.memory_space<vmem_shared>>)
    %dma_wait3A_56 = arith.constant 0 : i32
    %dma_wait3A_57 = arith.constant 0 : i32
    %dma_wait3A_58 = tpu.memref_slice %arg7[%dma_wait3A_56, %dma_wait3A_57] : memref<125x80xi32, #tpu.memory_space<vmem>> -> memref<1x80xi32, #tpu.memory_space<vmem>>
    %dma_wait3A_59 = tpu.memref_squeeze %dma_wait3A_58 : memref<1x80xi32, #tpu.memory_space<vmem>> -> memref<80xi32, #tpu.memory_space<vmem>>
    %dma_wait3A_60 = arith.constant 0 : i32
    %dma_wait3A_61 = arith.constant 0 : i32
    %dma_wait3A_62 = tpu.memref_slice %arg16[%dma_wait3A_60, %dma_wait3A_61] : memref<10240x64xf32, #tpu.memory_space<vmem_shared>> -> memref<10240x64xf32, #tpu.memory_space<vmem_shared>>
    tpu.wait_indirect_dma semaphore(%arg28 : memref<!tpu.dma_semaphore, #tpu.memory_space<semaphore_mem>>) src(%arg11 : memref<80x64xf32, #tpu.memory_space<vmem>>) dst(%dma_wait3A_62 : memref<10240x64xf32, #tpu.memory_space<vmem_shared>>)
    %dma_wait3A_63 = arith.constant 0 : i32
    %dma_wait3A_64 = arith.constant 0 : i32
    %dma_wait3A_65 = tpu.memref_slice %arg7[%dma_wait3A_63, %dma_wait3A_64] : memref<125x80xi32, #tpu.memory_space<vmem>> -> memref<1x80xi32, #tpu.memory_space<vmem>>
    %dma_wait3A_66 = tpu.memref_squeeze %dma_wait3A_65 : memref<1x80xi32, #tpu.memory_space<vmem>> -> memref<80xi32, #tpu.memory_space<vmem>>
    %dma_wait3A_67 = arith.constant 0 : i32
    %dma_wait3A_68 = arith.constant 0 : i32
    %dma_wait3A_69 = tpu.memref_slice %arg16[%dma_wait3A_67, %dma_wait3A_68] : memref<10240x64xf32, #tpu.memory_space<vmem_shared>> -> memref<10240x64xf32, #tpu.memory_space<vmem_shared>>
    tpu.wait_indirect_dma semaphore(%arg29 : memref<!tpu.dma_semaphore, #tpu.memory_space<semaphore_mem>>) src(%arg12 : memref<80x64xf32, #tpu.memory_space<vmem>>) dst(%dma_wait3A_69 : memref<10240x64xf32, #tpu.memory_space<vmem_shared>>)
    %dma_wait3A_70 = arith.constant 0 : i32
    %dma_wait3A_71 = arith.constant 0 : i32
    %dma_wait3A_72 = tpu.memref_slice %arg7[%dma_wait3A_70, %dma_wait3A_71] : memref<125x80xi32, #tpu.memory_space<vmem>> -> memref<1x80xi32, #tpu.memory_space<vmem>>
    %dma_wait3A_73 = tpu.memref_squeeze %dma_wait3A_72 : memref<1x80xi32, #tpu.memory_space<vmem>> -> memref<80xi32, #tpu.memory_space<vmem>>
    %dma_wait3A_74 = arith.constant 0 : i32
    %dma_wait3A_75 = arith.constant 0 : i32
    %dma_wait3A_76 = tpu.memref_slice %arg16[%dma_wait3A_74, %dma_wait3A_75] : memref<10240x64xf32, #tpu.memory_space<vmem_shared>> -> memref<10240x64xf32, #tpu.memory_space<vmem_shared>>
    tpu.wait_indirect_dma semaphore(%arg30 : memref<!tpu.dma_semaphore, #tpu.memory_space<semaphore_mem>>) src(%arg13 : memref<80x64xf32, #tpu.memory_space<vmem>>) dst(%dma_wait3A_76 : memref<10240x64xf32, #tpu.memory_space<vmem_shared>>)
    %dma_wait3A_77 = arith.constant 0 : i32
    %dma_wait3A_78 = arith.constant 0 : i32
    %dma_wait3A_79 = tpu.memref_slice %arg7[%dma_wait3A_77, %dma_wait3A_78] : memref<125x80xi32, #tpu.memory_space<vmem>> -> memref<1x80xi32, #tpu.memory_space<vmem>>
    %dma_wait3A_80 = tpu.memref_squeeze %dma_wait3A_79 : memref<1x80xi32, #tpu.memory_space<vmem>> -> memref<80xi32, #tpu.memory_space<vmem>>
    %dma_wait3A_81 = arith.constant 0 : i32
    %dma_wait3A_82 = arith.constant 0 : i32
    %dma_wait3A_83 = tpu.memref_slice %arg16[%dma_wait3A_81, %dma_wait3A_82] : memref<10240x64xf32, #tpu.memory_space<vmem_shared>> -> memref<10240x64xf32, #tpu.memory_space<vmem_shared>>
    tpu.wait_indirect_dma semaphore(%arg31 : memref<!tpu.dma_semaphore, #tpu.memory_space<semaphore_mem>>) src(%arg14 : memref<80x64xf32, #tpu.memory_space<vmem>>) dst(%dma_wait3A_83 : memref<10240x64xf32, #tpu.memory_space<vmem_shared>>)
    %dma_wait3A_84 = arith.constant 0 : i32
    %dma_wait3A_85 = arith.constant 0 : i32
    %dma_wait3A_86 = tpu.memref_slice %arg7[%dma_wait3A_84, %dma_wait3A_85] : memref<125x80xi32, #tpu.memory_space<vmem>> -> memref<1x80xi32, #tpu.memory_space<vmem>>
    %dma_wait3A_87 = tpu.memref_squeeze %dma_wait3A_86 : memref<1x80xi32, #tpu.memory_space<vmem>> -> memref<80xi32, #tpu.memory_space<vmem>>
    %dma_wait3A_88 = arith.constant 0 : i32
    %dma_wait3A_89 = arith.constant 0 : i32
    %dma_wait3A_90 = tpu.memref_slice %arg16[%dma_wait3A_88, %dma_wait3A_89] : memref<10240x64xf32, #tpu.memory_space<vmem_shared>> -> memref<10240x64xf32, #tpu.memory_space<vmem_shared>>
    tpu.wait_indirect_dma semaphore(%arg32 : memref<!tpu.dma_semaphore, #tpu.memory_space<semaphore_mem>>) src(%arg15 : memref<80x64xf32, #tpu.memory_space<vmem>>) dst(%dma_wait3A_90 : memref<10240x64xf32, #tpu.memory_space<vmem_shared>>)
    %barrier3A_91 = arith.constant 0 : index
    tpu.barrier barrier_id(%barrier3A_91)
    %mul3A_92 = arith.constant 640 : i32
    %mul3A_93 = arith.muli %arg1, %mul3A_92 : i32
    %mul3A_94 = arith.constant 640 : i32
    %mul3A_95 = arith.muli %arg1, %mul3A_94 : i32
    "tpu.region"() ({
      %run_scoped3A_202 = tpu.sem_alloc : memref<!tpu.dma_semaphore, #tpu.memory_space<semaphore_mem>>
      %dma_start3A_203 = arith.constant 0 : i32
      %dma_start3A_204 = tpu.memref_slice %arg5[%arg0, %mul3A_95, %dma_start3A_203] : memref<2x10240x128xf32, #tpu.memory_space<hbm>> -> memref<1x640x64xf32, #tpu.memory_space<hbm>>
      %dma_start3A_205 = tpu.memref_squeeze %dma_start3A_204 : memref<1x640x64xf32, #tpu.memory_space<hbm>> -> memref<640x64xf32, #tpu.memory_space<hbm>>
      %dma_start3A_206 = arith.constant 0 : i32
      %dma_start3A_207 = tpu.memref_slice %arg16[%mul3A_93, %dma_start3A_206] : memref<10240x64xf32, #tpu.memory_space<vmem_shared>> -> memref<640x64xf32, #tpu.memory_space<vmem_shared>>
      tpu.enqueue_dma source(%dma_start3A_207 : memref<640x64xf32, #tpu.memory_space<vmem_shared>>) target(%dma_start3A_205 : memref<640x64xf32, #tpu.memory_space<hbm>>) target_semaphore(%run_scoped3A_202 : memref<!tpu.dma_semaphore, #tpu.memory_space<semaphore_mem>>)
      %dma_wait3A_208 = arith.constant 0 : i32
      %dma_wait3A_209 = tpu.memref_slice %arg5[%arg0, %mul3A_95, %dma_wait3A_208] : memref<2x10240x128xf32, #tpu.memory_space<hbm>> -> memref<1x640x64xf32, #tpu.memory_space<hbm>>
      %dma_wait3A_210 = tpu.memref_squeeze %dma_wait3A_209 : memref<1x640x64xf32, #tpu.memory_space<hbm>> -> memref<640x64xf32, #tpu.memory_space<hbm>>
      %dma_wait3A_211 = arith.constant 0 : i32
      %dma_wait3A_212 = tpu.memref_slice %arg16[%mul3A_93, %dma_wait3A_211] : memref<10240x64xf32, #tpu.memory_space<vmem_shared>> -> memref<640x64xf32, #tpu.memory_space<vmem_shared>>
      tpu.wait_dma2 semaphore(%run_scoped3A_202 : memref<!tpu.dma_semaphore, #tpu.memory_space<semaphore_mem>>) src(%dma_wait3A_212 : memref<640x64xf32, #tpu.memory_space<vmem_shared>>) dst(%dma_wait3A_210 : memref<640x64xf32, #tpu.memory_space<hbm>>)
      tpu.yield
    }) : () -> ()
    %barrier3A_96 = arith.constant 0 : index
    tpu.barrier barrier_id(%barrier3A_96)
    %scan3A_97 = arith.constant 0 : i32
    %scan3A_98 = arith.constant 0 : i32
    %scan3A_99 = arith.constant 125 : i32
    %scan3A_100 = arith.addi %scan3A_98, %scan3A_99 : i32
    %scan3A_101 = arith.constant 1 : i32
    scf.for %scan3A_202 = %scan3A_98 to %scan3A_100 step %scan3A_101  : i32 {
      %get3A = arith.index_cast %scan3A_202 : i32 to index
      %get3A_203 = arith.constant 0 : index
      %get3A_204 = tpu.vector_load %arg6[%get3A, %get3A_203] {strides = array<i32>} : memref<125x80xi32, #tpu.memory_space<vmem>>, vector<16xi32>,
      %add3A_205 = arith.constant 1 : i32
      %add3A_206 = vector.broadcast %add3A_205 : i32 to vector<16xi32>
      %add3A_207 = arith.addi %get3A_204, %add3A_206 : vector<16xi32>
      %swap3A = arith.index_cast %scan3A_202 : i32 to index
      %swap3A_208 = arith.constant 0 : index
      %swap3A_209 = tpu.vector_load %arg6[%swap3A, %swap3A_208] {strides = array<i32>} : memref<125x80xi32, #tpu.memory_space<vmem>>, vector<16xi32>,
      tpu.vector_store %arg6[%swap3A, %swap3A_208], %add3A_207 {strides = array<i32>} : memref<125x80xi32, #tpu.memory_space<vmem>>, vector<16xi32>,
      %get3A_210 = arith.index_cast %scan3A_202 : i32 to index
      %get3A_211 = arith.constant 16 : index
      %get3A_212 = tpu.vector_load %arg6[%get3A_210, %get3A_211] {strides = array<i32>} : memref<125x80xi32, #tpu.memory_space<vmem>>, vector<16xi32>,
      %add3A_213 = arith.constant 1 : i32
      %add3A_214 = vector.broadcast %add3A_213 : i32 to vector<16xi32>
      %add3A_215 = arith.addi %get3A_212, %add3A_214 : vector<16xi32>
      %swap3A_216 = arith.index_cast %scan3A_202 : i32 to index
      %swap3A_217 = arith.constant 16 : index
      %swap3A_218 = tpu.vector_load %arg6[%swap3A_216, %swap3A_217] {strides = array<i32>} : memref<125x80xi32, #tpu.memory_space<vmem>>, vector<16xi32>,
      tpu.vector_store %arg6[%swap3A_216, %swap3A_217], %add3A_215 {strides = array<i32>} : memref<125x80xi32, #tpu.memory_space<vmem>>, vector<16xi32>,
      %get3A_219 = arith.index_cast %scan3A_202 : i32 to index
      %get3A_220 = arith.constant 32 : index
      %get3A_221 = tpu.vector_load %arg6[%get3A_219, %get3A_220] {strides = array<i32>} : memref<125x80xi32, #tpu.memory_space<vmem>>, vector<16xi32>,
      %add3A_222 = arith.constant 1 : i32
      %add3A_223 = vector.broadcast %add3A_222 : i32 to vector<16xi32>
      %add3A_224 = arith.addi %get3A_221, %add3A_223 : vector<16xi32>
      %swap3A_225 = arith.index_cast %scan3A_202 : i32 to index
      %swap3A_226 = arith.constant 32 : index
      %swap3A_227 = tpu.vector_load %arg6[%swap3A_225, %swap3A_226] {strides = array<i32>} : memref<125x80xi32, #tpu.memory_space<vmem>>, vector<16xi32>,
      tpu.vector_store %arg6[%swap3A_225, %swap3A_226], %add3A_224 {strides = array<i32>} : memref<125x80xi32, #tpu.memory_space<vmem>>, vector<16xi32>,
      %get3A_228 = arith.index_cast %scan3A_202 : i32 to index
      %get3A_229 = arith.constant 48 : index
      %get3A_230 = tpu.vector_load %arg6[%get3A_228, %get3A_229] {strides = array<i32>} : memref<125x80xi32, #tpu.memory_space<vmem>>, vector<16xi32>,
      %add3A_231 = arith.constant 1 : i32
      %add3A_232 = vector.broadcast %add3A_231 : i32 to vector<16xi32>
      %add3A_233 = arith.addi %get3A_230, %add3A_232 : vector<16xi32>
      %swap3A_234 = arith.index_cast %scan3A_202 : i32 to index
      %swap3A_235 = arith.constant 48 : index
      %swap3A_236 = tpu.vector_load %arg6[%swap3A_234, %swap3A_235] {strides = array<i32>} : memref<125x80xi32, #tpu.memory_space<vmem>>, vector<16xi32>,
      tpu.vector_store %arg6[%swap3A_234, %swap3A_235], %add3A_233 {strides = array<i32>} : memref<125x80xi32, #tpu.memory_space<vmem>>, vector<16xi32>,
      %get3A_237 = arith.index_cast %scan3A_202 : i32 to index
      %get3A_238 = arith.constant 64 : index
      %get3A_239 = tpu.vector_load %arg6[%get3A_237, %get3A_238] {strides = array<i32>} : memref<125x80xi32, #tpu.memory_space<vmem>>, vector<16xi32>,
      %add3A_240 = arith.constant 1 : i32
      %add3A_241 = vector.broadcast %add3A_240 : i32 to vector<16xi32>
      %add3A_242 = arith.addi %get3A_239, %add3A_241 : vector<16xi32>
      %swap3A_243 = arith.index_cast %scan3A_202 : i32 to index
      %swap3A_244 = arith.constant 64 : index
      %swap3A_245 = tpu.vector_load %arg6[%swap3A_243, %swap3A_244] {strides = array<i32>} : memref<125x80xi32, #tpu.memory_space<vmem>>, vector<16xi32>,
      tpu.vector_store %arg6[%swap3A_243, %swap3A_244], %add3A_242 {strides = array<i32>} : memref<125x80xi32, #tpu.memory_space<vmem>>, vector<16xi32>,
    }
    %scan3A_102 = arith.constant 125 : i32
    %mul3A_103 = arith.constant 640 : i32
    %mul3A_104 = arith.muli %arg1, %mul3A_103 : i32
    "tpu.region"() ({
      %run_scoped3A_202 = tpu.sem_alloc : memref<!tpu.dma_semaphore, #tpu.memory_space<semaphore_mem>>
      %dma_start3A_203 = arith.constant 0 : i32
      %dma_start3A_204 = tpu.memref_slice %arg16[%mul3A_104, %dma_start3A_203] : memref<10240x64xf32, #tpu.memory_space<vmem_shared>> -> memref<640x64xf32, #tpu.memory_space<vmem_shared>>
      tpu.enqueue_dma source(%arg4 : memref<640x64xf32, #tpu.memory_space<hbm>>) target(%dma_start3A_204 : memref<640x64xf32, #tpu.memory_space<vmem_shared>>) target_semaphore(%run_scoped3A_202 : memref<!tpu.dma_semaphore, #tpu.memory_space<semaphore_mem>>)
      %dma_wait3A_205 = arith.constant 0 : i32
      %dma_wait3A_206 = tpu.memref_slice %arg16[%mul3A_104, %dma_wait3A_205] : memref<10240x64xf32, #tpu.memory_space<vmem_shared>> -> memref<640x64xf32, #tpu.memory_space<vmem_shared>>
      tpu.wait_dma2 semaphore(%run_scoped3A_202 : memref<!tpu.dma_semaphore, #tpu.memory_space<semaphore_mem>>) src(%arg4 : memref<640x64xf32, #tpu.memory_space<hbm>>) dst(%dma_wait3A_206 : memref<640x64xf32, #tpu.memory_space<vmem_shared>>)
      tpu.yield
    }) : () -> ()
    %barrier3A_105 = arith.constant 0 : index
    tpu.barrier barrier_id(%barrier3A_105)
    %dma_start3A_106 = arith.constant 0 : i32
    %dma_start3A_107 = arith.constant 0 : i32
    %dma_start3A_108 = tpu.memref_slice %arg6[%dma_start3A_106, %dma_start3A_107] : memref<125x80xi32, #tpu.memory_space<vmem>> -> memref<1x80xi32, #tpu.memory_space<vmem>>
    %dma_start3A_109 = tpu.memref_squeeze %dma_start3A_108 : memref<1x80xi32, #tpu.memory_space<vmem>> -> memref<80xi32, #tpu.memory_space<vmem>>
    %dma_start3A_110 = arith.constant 0 : i32
    %dma_start3A_111 = arith.constant 0 : i32
    %dma_start3A_112 = tpu.memref_slice %arg3[%dma_start3A_110, %dma_start3A_111] : memref<20000x64xf32, #tpu.memory_space<hbm>> -> memref<20000x64xf32, #tpu.memory_space<hbm>>
    tpu.enqueue_indirect_dma source(%dma_start3A_112 : memref<20000x64xf32, #tpu.memory_space<hbm>>) target(%arg8 : memref<80x64xf32, #tpu.memory_space<vmem>>) offsets(%dma_start3A_109 : memref<80xi32, #tpu.memory_space<vmem>>) semaphore(%arg17 : memref<!tpu.dma_semaphore, #tpu.memory_space<semaphore_mem>>)
    %dma_start3A_113 = arith.constant 1 : i32
    %dma_start3A_114 = arith.constant 0 : i32
    %dma_start3A_115 = tpu.memref_slice %arg6[%dma_start3A_113, %dma_start3A_114] : memref<125x80xi32, #tpu.memory_space<vmem>> -> memref<1x80xi32, #tpu.memory_space<vmem>>
    %dma_start3A_116 = tpu.memref_squeeze %dma_start3A_115 : memref<1x80xi32, #tpu.memory_space<vmem>> -> memref<80xi32, #tpu.memory_space<vmem>>
    %dma_start3A_117 = arith.constant 0 : i32
    %dma_start3A_118 = arith.constant 0 : i32
    %dma_start3A_119 = tpu.memref_slice %arg3[%dma_start3A_117, %dma_start3A_118] : memref<20000x64xf32, #tpu.memory_space<hbm>> -> memref<20000x64xf32, #tpu.memory_space<hbm>>
    tpu.enqueue_indirect_dma source(%dma_start3A_119 : memref<20000x64xf32, #tpu.memory_space<hbm>>) target(%arg9 : memref<80x64xf32, #tpu.memory_space<vmem>>) offsets(%dma_start3A_116 : memref<80xi32, #tpu.memory_space<vmem>>) semaphore(%arg18 : memref<!tpu.dma_semaphore, #tpu.memory_space<semaphore_mem>>)
    %dma_start3A_120 = arith.constant 2 : i32
    %dma_start3A_121 = arith.constant 0 : i32
    %dma_start3A_122 = tpu.memref_slice %arg6[%dma_start3A_120, %dma_start3A_121] : memref<125x80xi32, #tpu.memory_space<vmem>> -> memref<1x80xi32, #tpu.memory_space<vmem>>
    %dma_start3A_123 = tpu.memref_squeeze %dma_start3A_122 : memref<1x80xi32, #tpu.memory_space<vmem>> -> memref<80xi32, #tpu.memory_space<vmem>>
    %dma_start3A_124 = arith.constant 0 : i32
    %dma_start3A_125 = arith.constant 0 : i32
    %dma_start3A_126 = tpu.memref_slice %arg3[%dma_start3A_124, %dma_start3A_125] : memref<20000x64xf32, #tpu.memory_space<hbm>> -> memref<20000x64xf32, #tpu.memory_space<hbm>>
    tpu.enqueue_indirect_dma source(%dma_start3A_126 : memref<20000x64xf32, #tpu.memory_space<hbm>>) target(%arg10 : memref<80x64xf32, #tpu.memory_space<vmem>>) offsets(%dma_start3A_123 : memref<80xi32, #tpu.memory_space<vmem>>) semaphore(%arg19 : memref<!tpu.dma_semaphore, #tpu.memory_space<semaphore_mem>>)
    %dma_start3A_127 = arith.constant 3 : i32
    %dma_start3A_128 = arith.constant 0 : i32
    %dma_start3A_129 = tpu.memref_slice %arg6[%dma_start3A_127, %dma_start3A_128] : memref<125x80xi32, #tpu.memory_space<vmem>> -> memref<1x80xi32, #tpu.memory_space<vmem>>
    %dma_start3A_130 = tpu.memref_squeeze %dma_start3A_129 : memref<1x80xi32, #tpu.memory_space<vmem>> -> memref<80xi32, #tpu.memory_space<vmem>>
    %dma_start3A_131 = arith.constant 0 : i32
    %dma_start3A_132 = arith.constant 0 : i32
    %dma_start3A_133 = tpu.memref_slice %arg3[%dma_start3A_131, %dma_start3A_132] : memref<20000x64xf32, #tpu.memory_space<hbm>> -> memref<20000x64xf32, #tpu.memory_space<hbm>>
    tpu.enqueue_indirect_dma source(%dma_start3A_133 : memref<20000x64xf32, #tpu.memory_space<hbm>>) target(%arg11 : memref<80x64xf32, #tpu.memory_space<vmem>>) offsets(%dma_start3A_130 : memref<80xi32, #tpu.memory_space<vmem>>) semaphore(%arg20 : memref<!tpu.dma_semaphore, #tpu.memory_space<semaphore_mem>>)
    %scan3A_134 = arith.constant 0 : i32
    %scan3A_135 = arith.constant 0 : i32
    %scan3A_136 = arith.constant 16 : i32
    %scan3A_137 = arith.addi %scan3A_135, %scan3A_136 : i32
    %scan3A_138 = arith.constant 1 : i32
    scf.for %scan3A_202 = %scan3A_135 to %scan3A_137 step %scan3A_138  : i32 {
      %mul3A_203 = arith.constant 8 : i32
      %mul3A_204 = arith.muli %scan3A_202, %mul3A_203 : i32
      %add3A_205 = arith.constant 0 : i32
      %add3A_206 = arith.addi %mul3A_204, %add3A_205 : i32
      %lt3A = arith.constant 125 : i32
      %lt3A_207 = arith.cmpi slt, %add3A_206, %lt3A : i32
      %convert_element_type3A = arith.extui %lt3A_207 : i1 to i32
      %cond3A = arith.constant 0 : i32
      %cond3A_208 = arith.cmpi ne, %convert_element_type3A, %cond3A : i32
      scf.if %cond3A_208 {
        %dma_wait3A_328 = arith.constant 0 : i32
        %dma_wait3A_329 = arith.constant 0 : i32
        %dma_wait3A_330 = tpu.memref_slice %arg6[%dma_wait3A_328, %dma_wait3A_329] : memref<125x80xi32, #tpu.memory_space<vmem>> -> memref<1x80xi32, #tpu.memory_space<vmem>>
        %dma_wait3A_331 = tpu.memref_squeeze %dma_wait3A_330 : memref<1x80xi32, #tpu.memory_space<vmem>> -> memref<80xi32, #tpu.memory_space<vmem>>
        %dma_wait3A_332 = arith.constant 0 : i32
        %dma_wait3A_333 = arith.constant 0 : i32
        %dma_wait3A_334 = tpu.memref_slice %arg3[%dma_wait3A_332, %dma_wait3A_333] : memref<20000x64xf32, #tpu.memory_space<hbm>> -> memref<20000x64xf32, #tpu.memory_space<hbm>>
        tpu.wait_indirect_dma semaphore(%arg17 : memref<!tpu.dma_semaphore, #tpu.memory_space<semaphore_mem>>) src(%dma_wait3A_334 : memref<20000x64xf32, #tpu.memory_space<hbm>>) dst(%arg8 : memref<80x64xf32, #tpu.memory_space<vmem>>)
        %dma_start3A_335 = arith.constant 0 : i32
        %dma_start3A_336 = tpu.memref_slice %arg7[%add3A_206, %dma_start3A_335] : memref<125x80xi32, #tpu.memory_space<vmem>> -> memref<1x80xi32, #tpu.memory_space<vmem>>
        %dma_start3A_337 = tpu.memref_squeeze %dma_start3A_336 : memref<1x80xi32, #tpu.memory_space<vmem>> -> memref<80xi32, #tpu.memory_space<vmem>>
        %dma_start3A_338 = arith.constant 0 : i32
        %dma_start3A_339 = arith.constant 0 : i32
        %dma_start3A_340 = tpu.memref_slice %arg16[%dma_start3A_338, %dma_start3A_339] : memref<10240x64xf32, #tpu.memory_space<vmem_shared>> -> memref<10240x64xf32, #tpu.memory_space<vmem_shared>>
        tpu.enqueue_indirect_dma source(%arg8 : memref<80x64xf32, #tpu.memory_space<vmem>>) target(%dma_start3A_340 : memref<10240x64xf32, #tpu.memory_space<vmem_shared>>) offsets(%dma_start3A_337 : memref<80xi32, #tpu.memory_space<vmem>>) semaphore(%arg25 : memref<!tpu.dma_semaphore, #tpu.memory_space<semaphore_mem>>) {add = true}
      } else {
      }
      %add3A_209 = arith.constant 4 : i32
      %add3A_210 = arith.addi %add3A_206, %add3A_209 : i32
      %lt3A_211 = arith.constant 125 : i32
      %lt3A_212 = arith.cmpi slt, %add3A_210, %lt3A_211 : i32
      %convert_element_type3A_213 = arith.extui %lt3A_212 : i1 to i32
      %cond3A_214 = arith.constant 0 : i32
      %cond3A_215 = arith.cmpi ne, %convert_element_type3A_213, %cond3A_214 : i32
      scf.if %cond3A_215 {
        %ge3A = arith.constant 4 : i32
        %ge3A_328 = arith.cmpi sge, %add3A_206, %ge3A : i32
        %convert_element_type3A_329 = arith.extui %ge3A_328 : i1 to i32
        %cond3A_330 = arith.constant 0 : i32
        %cond3A_331 = arith.cmpi ne, %convert_element_type3A_329, %cond3A_330 : i32
        scf.if %cond3A_331 {
          %dma_wait3A_338 = arith.constant 0 : i32
          %dma_wait3A_339 = arith.constant 0 : i32
          %dma_wait3A_340 = tpu.memref_slice %arg7[%dma_wait3A_338, %dma_wait3A_339] : memref<125x80xi32, #tpu.memory_space<vmem>> -> memref<1x80xi32, #tpu.memory_space<vmem>>
          %dma_wait3A_341 = tpu.memref_squeeze %dma_wait3A_340 : memref<1x80xi32, #tpu.memory_space<vmem>> -> memref<80xi32, #tpu.memory_space<vmem>>
          %dma_wait3A_342 = arith.constant 0 : i32
          %dma_wait3A_343 = arith.constant 0 : i32
          %dma_wait3A_344 = tpu.memref_slice %arg16[%dma_wait3A_342, %dma_wait3A_343] : memref<10240x64xf32, #tpu.memory_space<vmem_shared>> -> memref<10240x64xf32, #tpu.memory_space<vmem_shared>>
          tpu.wait_indirect_dma semaphore(%arg29 : memref<!tpu.dma_semaphore, #tpu.memory_space<semaphore_mem>>) src(%arg12 : memref<80x64xf32, #tpu.memory_space<vmem>>) dst(%dma_wait3A_344 : memref<10240x64xf32, #tpu.memory_space<vmem_shared>>)
        } else {
        }
        %dma_start3A_332 = arith.constant 0 : i32
        %dma_start3A_333 = tpu.memref_slice %arg6[%add3A_210, %dma_start3A_332] : memref<125x80xi32, #tpu.memory_space<vmem>> -> memref<1x80xi32, #tpu.memory_space<vmem>>
        %dma_start3A_334 = tpu.memref_squeeze %dma_start3A_333 : memref<1x80xi32, #tpu.memory_space<vmem>> -> memref<80xi32, #tpu.memory_space<vmem>>
        %dma_start3A_335 = arith.constant 0 : i32
        %dma_start3A_336 = arith.constant 0 : i32
        %dma_start3A_337 = tpu.memref_slice %arg3[%dma_start3A_335, %dma_start3A_336] : memref<20000x64xf32, #tpu.memory_space<hbm>> -> memref<20000x64xf32, #tpu.memory_space<hbm>>
        tpu.enqueue_indirect_dma source(%dma_start3A_337 : memref<20000x64xf32, #tpu.memory_space<hbm>>) target(%arg12 : memref<80x64xf32, #tpu.memory_space<vmem>>) offsets(%dma_start3A_334 : memref<80xi32, #tpu.memory_space<vmem>>) semaphore(%arg21 : memref<!tpu.dma_semaphore, #tpu.memory_space<semaphore_mem>>)
      } else {
      }
      %mul3A_216 = arith.constant 8 : i32
      %mul3A_217 = arith.muli %scan3A_202, %mul3A_216 : i32
      %add3A_218 = arith.constant 1 : i32
      %add3A_219 = arith.addi %mul3A_217, %add3A_218 : i32
      %lt3A_220 = arith.constant 125 : i32
      %lt3A_221 = arith.cmpi slt, %add3A_219, %lt3A_220 : i32
      %convert_element_type3A_222 = arith.extui %lt3A_221 : i1 to i32
      %cond3A_223 = arith.constant 0 : i32
      %cond3A_224 = arith.cmpi ne, %convert_element_type3A_222, %cond3A_223 : i32
      scf.if %cond3A_224 {
        %dma_wait3A_328 = arith.constant 0 : i32
        %dma_wait3A_329 = arith.constant 0 : i32
        %dma_wait3A_330 = tpu.memref_slice %arg6[%dma_wait3A_328, %dma_wait3A_329] : memref<125x80xi32, #tpu.memory_space<vmem>> -> memref<1x80xi32, #tpu.memory_space<vmem>>
        %dma_wait3A_331 = tpu.memref_squeeze %dma_wait3A_330 : memref<1x80xi32, #tpu.memory_space<vmem>> -> memref<80xi32, #tpu.memory_space<vmem>>
        %dma_wait3A_332 = arith.constant 0 : i32
        %dma_wait3A_333 = arith.constant 0 : i32
        %dma_wait3A_334 = tpu.memref_slice %arg3[%dma_wait3A_332, %dma_wait3A_333] : memref<20000x64xf32, #tpu.memory_space<hbm>> -> memref<20000x64xf32, #tpu.memory_space<hbm>>
        tpu.wait_indirect_dma semaphore(%arg18 : memref<!tpu.dma_semaphore, #tpu.memory_space<semaphore_mem>>) src(%dma_wait3A_334 : memref<20000x64xf32, #tpu.memory_space<hbm>>) dst(%arg9 : memref<80x64xf32, #tpu.memory_space<vmem>>)
        %dma_start3A_335 = arith.constant 0 : i32
        %dma_start3A_336 = tpu.memref_slice %arg7[%add3A_219, %dma_start3A_335] : memref<125x80xi32, #tpu.memory_space<vmem>> -> memref<1x80xi32, #tpu.memory_space<vmem>>
        %dma_start3A_337 = tpu.memref_squeeze %dma_start3A_336 : memref<1x80xi32, #tpu.memory_space<vmem>> -> memref<80xi32, #tpu.memory_space<vmem>>
        %dma_start3A_338 = arith.constant 0 : i32
        %dma_start3A_339 = arith.constant 0 : i32
        %dma_start3A_340 = tpu.memref_slice %arg16[%dma_start3A_338, %dma_start3A_339] : memref<10240x64xf32, #tpu.memory_space<vmem_shared>> -> memref<10240x64xf32, #tpu.memory_space<vmem_shared>>
        tpu.enqueue_indirect_dma source(%arg9 : memref<80x64xf32, #tpu.memory_space<vmem>>) target(%dma_start3A_340 : memref<10240x64xf32, #tpu.memory_space<vmem_shared>>) offsets(%dma_start3A_337 : memref<80xi32, #tpu.memory_space<vmem>>) semaphore(%arg26 : memref<!tpu.dma_semaphore, #tpu.memory_space<semaphore_mem>>) {add = true}
      } else {
      }
      %add3A_225 = arith.constant 4 : i32
      %add3A_226 = arith.addi %add3A_219, %add3A_225 : i32
      %lt3A_227 = arith.constant 125 : i32
      %lt3A_228 = arith.cmpi slt, %add3A_226, %lt3A_227 : i32
      %convert_element_type3A_229 = arith.extui %lt3A_228 : i1 to i32
      %cond3A_230 = arith.constant 0 : i32
      %cond3A_231 = arith.cmpi ne, %convert_element_type3A_229, %cond3A_230 : i32
      scf.if %cond3A_231 {
        %ge3A = arith.constant 4 : i32
        %ge3A_328 = arith.cmpi sge, %add3A_219, %ge3A : i32
        %convert_element_type3A_329 = arith.extui %ge3A_328 : i1 to i32
        %cond3A_330 = arith.constant 0 : i32
        %cond3A_331 = arith.cmpi ne, %convert_element_type3A_329, %cond3A_330 : i32
        scf.if %cond3A_331 {
          %dma_wait3A_338 = arith.constant 0 : i32
          %dma_wait3A_339 = arith.constant 0 : i32
          %dma_wait3A_340 = tpu.memref_slice %arg7[%dma_wait3A_338, %dma_wait3A_339] : memref<125x80xi32, #tpu.memory_space<vmem>> -> memref<1x80xi32, #tpu.memory_space<vmem>>
          %dma_wait3A_341 = tpu.memref_squeeze %dma_wait3A_340 : memref<1x80xi32, #tpu.memory_space<vmem>> -> memref<80xi32, #tpu.memory_space<vmem>>
          %dma_wait3A_342 = arith.constant 0 : i32
          %dma_wait3A_343 = arith.constant 0 : i32
          %dma_wait3A_344 = tpu.memref_slice %arg16[%dma_wait3A_342, %dma_wait3A_343] : memref<10240x64xf32, #tpu.memory_space<vmem_shared>> -> memref<10240x64xf32, #tpu.memory_space<vmem_shared>>
          tpu.wait_indirect_dma semaphore(%arg30 : memref<!tpu.dma_semaphore, #tpu.memory_space<semaphore_mem>>) src(%arg13 : memref<80x64xf32, #tpu.memory_space<vmem>>) dst(%dma_wait3A_344 : memref<10240x64xf32, #tpu.memory_space<vmem_shared>>)
        } else {
        }
        %dma_start3A_332 = arith.constant 0 : i32
        %dma_start3A_333 = tpu.memref_slice %arg6[%add3A_226, %dma_start3A_332] : memref<125x80xi32, #tpu.memory_space<vmem>> -> memref<1x80xi32, #tpu.memory_space<vmem>>
        %dma_start3A_334 = tpu.memref_squeeze %dma_start3A_333 : memref<1x80xi32, #tpu.memory_space<vmem>> -> memref<80xi32, #tpu.memory_space<vmem>>
        %dma_start3A_335 = arith.constant 0 : i32
        %dma_start3A_336 = arith.constant 0 : i32
        %dma_start3A_337 = tpu.memref_slice %arg3[%dma_start3A_335, %dma_start3A_336] : memref<20000x64xf32, #tpu.memory_space<hbm>> -> memref<20000x64xf32, #tpu.memory_space<hbm>>
        tpu.enqueue_indirect_dma source(%dma_start3A_337 : memref<20000x64xf32, #tpu.memory_space<hbm>>) target(%arg13 : memref<80x64xf32, #tpu.memory_space<vmem>>) offsets(%dma_start3A_334 : memref<80xi32, #tpu.memory_space<vmem>>) semaphore(%arg22 : memref<!tpu.dma_semaphore, #tpu.memory_space<semaphore_mem>>)
      } else {
      }
      %mul3A_232 = arith.constant 8 : i32
      %mul3A_233 = arith.muli %scan3A_202, %mul3A_232 : i32
      %add3A_234 = arith.constant 2 : i32
      %add3A_235 = arith.addi %mul3A_233, %add3A_234 : i32
      %lt3A_236 = arith.constant 125 : i32
      %lt3A_237 = arith.cmpi slt, %add3A_235, %lt3A_236 : i32
      %convert_element_type3A_238 = arith.extui %lt3A_237 : i1 to i32
      %cond3A_239 = arith.constant 0 : i32
      %cond3A_240 = arith.cmpi ne, %convert_element_type3A_238, %cond3A_239 : i32
      scf.if %cond3A_240 {
        %dma_wait3A_328 = arith.constant 0 : i32
        %dma_wait3A_329 = arith.constant 0 : i32
        %dma_wait3A_330 = tpu.memref_slice %arg6[%dma_wait3A_328, %dma_wait3A_329] : memref<125x80xi32, #tpu.memory_space<vmem>> -> memref<1x80xi32, #tpu.memory_space<vmem>>
        %dma_wait3A_331 = tpu.memref_squeeze %dma_wait3A_330 : memref<1x80xi32, #tpu.memory_space<vmem>> -> memref<80xi32, #tpu.memory_space<vmem>>
        %dma_wait3A_332 = arith.constant 0 : i32
        %dma_wait3A_333 = arith.constant 0 : i32
        %dma_wait3A_334 = tpu.memref_slice %arg3[%dma_wait3A_332, %dma_wait3A_333] : memref<20000x64xf32, #tpu.memory_space<hbm>> -> memref<20000x64xf32, #tpu.memory_space<hbm>>
        tpu.wait_indirect_dma semaphore(%arg19 : memref<!tpu.dma_semaphore, #tpu.memory_space<semaphore_mem>>) src(%dma_wait3A_334 : memref<20000x64xf32, #tpu.memory_space<hbm>>) dst(%arg10 : memref<80x64xf32, #tpu.memory_space<vmem>>)
        %dma_start3A_335 = arith.constant 0 : i32
        %dma_start3A_336 = tpu.memref_slice %arg7[%add3A_235, %dma_start3A_335] : memref<125x80xi32, #tpu.memory_space<vmem>> -> memref<1x80xi32, #tpu.memory_space<vmem>>
        %dma_start3A_337 = tpu.memref_squeeze %dma_start3A_336 : memref<1x80xi32, #tpu.memory_space<vmem>> -> memref<80xi32, #tpu.memory_space<vmem>>
        %dma_start3A_338 = arith.constant 0 : i32
        %dma_start3A_339 = arith.constant 0 : i32
        %dma_start3A_340 = tpu.memref_slice %arg16[%dma_start3A_338, %dma_start3A_339] : memref<10240x64xf32, #tpu.memory_space<vmem_shared>> -> memref<10240x64xf32, #tpu.memory_space<vmem_shared>>
        tpu.enqueue_indirect_dma source(%arg10 : memref<80x64xf32, #tpu.memory_space<vmem>>) target(%dma_start3A_340 : memref<10240x64xf32, #tpu.memory_space<vmem_shared>>) offsets(%dma_start3A_337 : memref<80xi32, #tpu.memory_space<vmem>>) semaphore(%arg27 : memref<!tpu.dma_semaphore, #tpu.memory_space<semaphore_mem>>) {add = true}
      } else {
      }
      %add3A_241 = arith.constant 4 : i32
      %add3A_242 = arith.addi %add3A_235, %add3A_241 : i32
      %lt3A_243 = arith.constant 125 : i32
      %lt3A_244 = arith.cmpi slt, %add3A_242, %lt3A_243 : i32
      %convert_element_type3A_245 = arith.extui %lt3A_244 : i1 to i32
      %cond3A_246 = arith.constant 0 : i32
      %cond3A_247 = arith.cmpi ne, %convert_element_type3A_245, %cond3A_246 : i32
      scf.if %cond3A_247 {
        %ge3A = arith.constant 4 : i32
        %ge3A_328 = arith.cmpi sge, %add3A_235, %ge3A : i32
        %convert_element_type3A_329 = arith.extui %ge3A_328 : i1 to i32
        %cond3A_330 = arith.constant 0 : i32
        %cond3A_331 = arith.cmpi ne, %convert_element_type3A_329, %cond3A_330 : i32
        scf.if %cond3A_331 {
          %dma_wait3A_338 = arith.constant 0 : i32
          %dma_wait3A_339 = arith.constant 0 : i32
          %dma_wait3A_340 = tpu.memref_slice %arg7[%dma_wait3A_338, %dma_wait3A_339] : memref<125x80xi32, #tpu.memory_space<vmem>> -> memref<1x80xi32, #tpu.memory_space<vmem>>
          %dma_wait3A_341 = tpu.memref_squeeze %dma_wait3A_340 : memref<1x80xi32, #tpu.memory_space<vmem>> -> memref<80xi32, #tpu.memory_space<vmem>>
          %dma_wait3A_342 = arith.constant 0 : i32
          %dma_wait3A_343 = arith.constant 0 : i32
          %dma_wait3A_344 = tpu.memref_slice %arg16[%dma_wait3A_342, %dma_wait3A_343] : memref<10240x64xf32, #tpu.memory_space<vmem_shared>> -> memref<10240x64xf32, #tpu.memory_space<vmem_shared>>
          tpu.wait_indirect_dma semaphore(%arg31 : memref<!tpu.dma_semaphore, #tpu.memory_space<semaphore_mem>>) src(%arg14 : memref<80x64xf32, #tpu.memory_space<vmem>>) dst(%dma_wait3A_344 : memref<10240x64xf32, #tpu.memory_space<vmem_shared>>)
        } else {
        }
        %dma_start3A_332 = arith.constant 0 : i32
        %dma_start3A_333 = tpu.memref_slice %arg6[%add3A_242, %dma_start3A_332] : memref<125x80xi32, #tpu.memory_space<vmem>> -> memref<1x80xi32, #tpu.memory_space<vmem>>
        %dma_start3A_334 = tpu.memref_squeeze %dma_start3A_333 : memref<1x80xi32, #tpu.memory_space<vmem>> -> memref<80xi32, #tpu.memory_space<vmem>>
        %dma_start3A_335 = arith.constant 0 : i32
        %dma_start3A_336 = arith.constant 0 : i32
        %dma_start3A_337 = tpu.memref_slice %arg3[%dma_start3A_335, %dma_start3A_336] : memref<20000x64xf32, #tpu.memory_space<hbm>> -> memref<20000x64xf32, #tpu.memory_space<hbm>>
        tpu.enqueue_indirect_dma source(%dma_start3A_337 : memref<20000x64xf32, #tpu.memory_space<hbm>>) target(%arg14 : memref<80x64xf32, #tpu.memory_space<vmem>>) offsets(%dma_start3A_334 : memref<80xi32, #tpu.memory_space<vmem>>) semaphore(%arg23 : memref<!tpu.dma_semaphore, #tpu.memory_space<semaphore_mem>>)
      } else {
      }
      %mul3A_248 = arith.constant 8 : i32
      %mul3A_249 = arith.muli %scan3A_202, %mul3A_248 : i32
      %add3A_250 = arith.constant 3 : i32
      %add3A_251 = arith.addi %mul3A_249, %add3A_250 : i32
      %lt3A_252 = arith.constant 125 : i32
      %lt3A_253 = arith.cmpi slt, %add3A_251, %lt3A_252 : i32
      %convert_element_type3A_254 = arith.extui %lt3A_253 : i1 to i32
      %cond3A_255 = arith.constant 0 : i32
      %cond3A_256 = arith.cmpi ne, %convert_element_type3A_254, %cond3A_255 : i32
      scf.if %cond3A_256 {
        %dma_wait3A_328 = arith.constant 0 : i32
        %dma_wait3A_329 = arith.constant 0 : i32
        %dma_wait3A_330 = tpu.memref_slice %arg6[%dma_wait3A_328, %dma_wait3A_329] : memref<125x80xi32, #tpu.memory_space<vmem>> -> memref<1x80xi32, #tpu.memory_space<vmem>>
        %dma_wait3A_331 = tpu.memref_squeeze %dma_wait3A_330 : memref<1x80xi32, #tpu.memory_space<vmem>> -> memref<80xi32, #tpu.memory_space<vmem>>
        %dma_wait3A_332 = arith.constant 0 : i32
        %dma_wait3A_333 = arith.constant 0 : i32
        %dma_wait3A_334 = tpu.memref_slice %arg3[%dma_wait3A_332, %dma_wait3A_333] : memref<20000x64xf32, #tpu.memory_space<hbm>> -> memref<20000x64xf32, #tpu.memory_space<hbm>>
        tpu.wait_indirect_dma semaphore(%arg20 : memref<!tpu.dma_semaphore, #tpu.memory_space<semaphore_mem>>) src(%dma_wait3A_334 : memref<20000x64xf32, #tpu.memory_space<hbm>>) dst(%arg11 : memref<80x64xf32, #tpu.memory_space<vmem>>)
        %dma_start3A_335 = arith.constant 0 : i32
        %dma_start3A_336 = tpu.memref_slice %arg7[%add3A_251, %dma_start3A_335] : memref<125x80xi32, #tpu.memory_space<vmem>> -> memref<1x80xi32, #tpu.memory_space<vmem>>
        %dma_start3A_337 = tpu.memref_squeeze %dma_start3A_336 : memref<1x80xi32, #tpu.memory_space<vmem>> -> memref<80xi32, #tpu.memory_space<vmem>>
        %dma_start3A_338 = arith.constant 0 : i32
        %dma_start3A_339 = arith.constant 0 : i32
        %dma_start3A_340 = tpu.memref_slice %arg16[%dma_start3A_338, %dma_start3A_339] : memref<10240x64xf32, #tpu.memory_space<vmem_shared>> -> memref<10240x64xf32, #tpu.memory_space<vmem_shared>>
        tpu.enqueue_indirect_dma source(%arg11 : memref<80x64xf32, #tpu.memory_space<vmem>>) target(%dma_start3A_340 : memref<10240x64xf32, #tpu.memory_space<vmem_shared>>) offsets(%dma_start3A_337 : memref<80xi32, #tpu.memory_space<vmem>>) semaphore(%arg28 : memref<!tpu.dma_semaphore, #tpu.memory_space<semaphore_mem>>) {add = true}
      } else {
      }
      %add3A_257 = arith.constant 4 : i32
      %add3A_258 = arith.addi %add3A_251, %add3A_257 : i32
      %lt3A_259 = arith.constant 125 : i32
      %lt3A_260 = arith.cmpi slt, %add3A_258, %lt3A_259 : i32
      %convert_element_type3A_261 = arith.extui %lt3A_260 : i1 to i32
      %cond3A_262 = arith.constant 0 : i32
      %cond3A_263 = arith.cmpi ne, %convert_element_type3A_261, %cond3A_262 : i32
      scf.if %cond3A_263 {
        %ge3A = arith.constant 4 : i32
        %ge3A_328 = arith.cmpi sge, %add3A_251, %ge3A : i32
        %convert_element_type3A_329 = arith.extui %ge3A_328 : i1 to i32
        %cond3A_330 = arith.constant 0 : i32
        %cond3A_331 = arith.cmpi ne, %convert_element_type3A_329, %cond3A_330 : i32
        scf.if %cond3A_331 {
          %dma_wait3A_338 = arith.constant 0 : i32
          %dma_wait3A_339 = arith.constant 0 : i32
          %dma_wait3A_340 = tpu.memref_slice %arg7[%dma_wait3A_338, %dma_wait3A_339] : memref<125x80xi32, #tpu.memory_space<vmem>> -> memref<1x80xi32, #tpu.memory_space<vmem>>
          %dma_wait3A_341 = tpu.memref_squeeze %dma_wait3A_340 : memref<1x80xi32, #tpu.memory_space<vmem>> -> memref<80xi32, #tpu.memory_space<vmem>>
          %dma_wait3A_342 = arith.constant 0 : i32
          %dma_wait3A_343 = arith.constant 0 : i32
          %dma_wait3A_344 = tpu.memref_slice %arg16[%dma_wait3A_342, %dma_wait3A_343] : memref<10240x64xf32, #tpu.memory_space<vmem_shared>> -> memref<10240x64xf32, #tpu.memory_space<vmem_shared>>
          tpu.wait_indirect_dma semaphore(%arg32 : memref<!tpu.dma_semaphore, #tpu.memory_space<semaphore_mem>>) src(%arg15 : memref<80x64xf32, #tpu.memory_space<vmem>>) dst(%dma_wait3A_344 : memref<10240x64xf32, #tpu.memory_space<vmem_shared>>)
        } else {
        }
        %dma_start3A_332 = arith.constant 0 : i32
        %dma_start3A_333 = tpu.memref_slice %arg6[%add3A_258, %dma_start3A_332] : memref<125x80xi32, #tpu.memory_space<vmem>> -> memref<1x80xi32, #tpu.memory_space<vmem>>
        %dma_start3A_334 = tpu.memref_squeeze %dma_start3A_333 : memref<1x80xi32, #tpu.memory_space<vmem>> -> memref<80xi32, #tpu.memory_space<vmem>>
        %dma_start3A_335 = arith.constant 0 : i32
        %dma_start3A_336 = arith.constant 0 : i32
        %dma_start3A_337 = tpu.memref_slice %arg3[%dma_start3A_335, %dma_start3A_336] : memref<20000x64xf32, #tpu.memory_space<hbm>> -> memref<20000x64xf32, #tpu.memory_space<hbm>>
        tpu.enqueue_indirect_dma source(%dma_start3A_337 : memref<20000x64xf32, #tpu.memory_space<hbm>>) target(%arg15 : memref<80x64xf32, #tpu.memory_space<vmem>>) offsets(%dma_start3A_334 : memref<80xi32, #tpu.memory_space<vmem>>) semaphore(%arg24 : memref<!tpu.dma_semaphore, #tpu.memory_space<semaphore_mem>>)
      } else {
      }
      %mul3A_264 = arith.constant 8 : i32
      %mul3A_265 = arith.muli %scan3A_202, %mul3A_264 : i32
      %add3A_266 = arith.constant 4 : i32
      %add3A_267 = arith.addi %mul3A_265, %add3A_266 : i32
      %lt3A_268 = arith.constant 125 : i32
      %lt3A_269 = arith.cmpi slt, %add3A_267, %lt3A_268 : i32
      %convert_element_type3A_270 = arith.extui %lt3A_269 : i1 to i32
      %cond3A_271 = arith.constant 0 : i32
      %cond3A_272 = arith.cmpi ne, %convert_element_type3A_270, %cond3A_271 : i32
      scf.if %cond3A_272 {
        %dma_wait3A_328 = arith.constant 0 : i32
        %dma_wait3A_329 = arith.constant 0 : i32
        %dma_wait3A_330 = tpu.memref_slice %arg6[%dma_wait3A_328, %dma_wait3A_329] : memref<125x80xi32, #tpu.memory_space<vmem>> -> memref<1x80xi32, #tpu.memory_space<vmem>>
        %dma_wait3A_331 = tpu.memref_squeeze %dma_wait3A_330 : memref<1x80xi32, #tpu.memory_space<vmem>> -> memref<80xi32, #tpu.memory_space<vmem>>
        %dma_wait3A_332 = arith.constant 0 : i32
        %dma_wait3A_333 = arith.constant 0 : i32
        %dma_wait3A_334 = tpu.memref_slice %arg3[%dma_wait3A_332, %dma_wait3A_333] : memref<20000x64xf32, #tpu.memory_space<hbm>> -> memref<20000x64xf32, #tpu.memory_space<hbm>>
        tpu.wait_indirect_dma semaphore(%arg21 : memref<!tpu.dma_semaphore, #tpu.memory_space<semaphore_mem>>) src(%dma_wait3A_334 : memref<20000x64xf32, #tpu.memory_space<hbm>>) dst(%arg12 : memref<80x64xf32, #tpu.memory_space<vmem>>)
        %dma_start3A_335 = arith.constant 0 : i32
        %dma_start3A_336 = tpu.memref_slice %arg7[%add3A_267, %dma_start3A_335] : memref<125x80xi32, #tpu.memory_space<vmem>> -> memref<1x80xi32, #tpu.memory_space<vmem>>
        %dma_start3A_337 = tpu.memref_squeeze %dma_start3A_336 : memref<1x80xi32, #tpu.memory_space<vmem>> -> memref<80xi32, #tpu.memory_space<vmem>>
        %dma_start3A_338 = arith.constant 0 : i32
        %dma_start3A_339 = arith.constant 0 : i32
        %dma_start3A_340 = tpu.memref_slice %arg16[%dma_start3A_338, %dma_start3A_339] : memref<10240x64xf32, #tpu.memory_space<vmem_shared>> -> memref<10240x64xf32, #tpu.memory_space<vmem_shared>>
        tpu.enqueue_indirect_dma source(%arg12 : memref<80x64xf32, #tpu.memory_space<vmem>>) target(%dma_start3A_340 : memref<10240x64xf32, #tpu.memory_space<vmem_shared>>) offsets(%dma_start3A_337 : memref<80xi32, #tpu.memory_space<vmem>>) semaphore(%arg29 : memref<!tpu.dma_semaphore, #tpu.memory_space<semaphore_mem>>) {add = true}
      } else {
      }
      %add3A_273 = arith.constant 4 : i32
      %add3A_274 = arith.addi %add3A_267, %add3A_273 : i32
      %lt3A_275 = arith.constant 125 : i32
      %lt3A_276 = arith.cmpi slt, %add3A_274, %lt3A_275 : i32
      %convert_element_type3A_277 = arith.extui %lt3A_276 : i1 to i32
      %cond3A_278 = arith.constant 0 : i32
      %cond3A_279 = arith.cmpi ne, %convert_element_type3A_277, %cond3A_278 : i32
      scf.if %cond3A_279 {
        %ge3A = arith.constant 4 : i32
        %ge3A_328 = arith.cmpi sge, %add3A_267, %ge3A : i32
        %convert_element_type3A_329 = arith.extui %ge3A_328 : i1 to i32
        %cond3A_330 = arith.constant 0 : i32
        %cond3A_331 = arith.cmpi ne, %convert_element_type3A_329, %cond3A_330 : i32
        scf.if %cond3A_331 {
          %dma_wait3A_338 = arith.constant 0 : i32
          %dma_wait3A_339 = arith.constant 0 : i32
          %dma_wait3A_340 = tpu.memref_slice %arg7[%dma_wait3A_338, %dma_wait3A_339] : memref<125x80xi32, #tpu.memory_space<vmem>> -> memref<1x80xi32, #tpu.memory_space<vmem>>
          %dma_wait3A_341 = tpu.memref_squeeze %dma_wait3A_340 : memref<1x80xi32, #tpu.memory_space<vmem>> -> memref<80xi32, #tpu.memory_space<vmem>>
          %dma_wait3A_342 = arith.constant 0 : i32
          %dma_wait3A_343 = arith.constant 0 : i32
          %dma_wait3A_344 = tpu.memref_slice %arg16[%dma_wait3A_342, %dma_wait3A_343] : memref<10240x64xf32, #tpu.memory_space<vmem_shared>> -> memref<10240x64xf32, #tpu.memory_space<vmem_shared>>
          tpu.wait_indirect_dma semaphore(%arg25 : memref<!tpu.dma_semaphore, #tpu.memory_space<semaphore_mem>>) src(%arg8 : memref<80x64xf32, #tpu.memory_space<vmem>>) dst(%dma_wait3A_344 : memref<10240x64xf32, #tpu.memory_space<vmem_shared>>)
        } else {
        }
        %dma_start3A_332 = arith.constant 0 : i32
        %dma_start3A_333 = tpu.memref_slice %arg6[%add3A_274, %dma_start3A_332] : memref<125x80xi32, #tpu.memory_space<vmem>> -> memref<1x80xi32, #tpu.memory_space<vmem>>
        %dma_start3A_334 = tpu.memref_squeeze %dma_start3A_333 : memref<1x80xi32, #tpu.memory_space<vmem>> -> memref<80xi32, #tpu.memory_space<vmem>>
        %dma_start3A_335 = arith.constant 0 : i32
        %dma_start3A_336 = arith.constant 0 : i32
        %dma_start3A_337 = tpu.memref_slice %arg3[%dma_start3A_335, %dma_start3A_336] : memref<20000x64xf32, #tpu.memory_space<hbm>> -> memref<20000x64xf32, #tpu.memory_space<hbm>>
        tpu.enqueue_indirect_dma source(%dma_start3A_337 : memref<20000x64xf32, #tpu.memory_space<hbm>>) target(%arg8 : memref<80x64xf32, #tpu.memory_space<vmem>>) offsets(%dma_start3A_334 : memref<80xi32, #tpu.memory_space<vmem>>) semaphore(%arg17 : memref<!tpu.dma_semaphore, #tpu.memory_space<semaphore_mem>>)
      } else {
      }
      %mul3A_280 = arith.constant 8 : i32
      %mul3A_281 = arith.muli %scan3A_202, %mul3A_280 : i32
      %add3A_282 = arith.constant 5 : i32
      %add3A_283 = arith.addi %mul3A_281, %add3A_282 : i32
      %lt3A_284 = arith.constant 125 : i32
      %lt3A_285 = arith.cmpi slt, %add3A_283, %lt3A_284 : i32
      %convert_element_type3A_286 = arith.extui %lt3A_285 : i1 to i32
      %cond3A_287 = arith.constant 0 : i32
      %cond3A_288 = arith.cmpi ne, %convert_element_type3A_286, %cond3A_287 : i32
      scf.if %cond3A_288 {
        %dma_wait3A_328 = arith.constant 0 : i32
        %dma_wait3A_329 = arith.constant 0 : i32
        %dma_wait3A_330 = tpu.memref_slice %arg6[%dma_wait3A_328, %dma_wait3A_329] : memref<125x80xi32, #tpu.memory_space<vmem>> -> memref<1x80xi32, #tpu.memory_space<vmem>>
        %dma_wait3A_331 = tpu.memref_squeeze %dma_wait3A_330 : memref<1x80xi32, #tpu.memory_space<vmem>> -> memref<80xi32, #tpu.memory_space<vmem>>
        %dma_wait3A_332 = arith.constant 0 : i32
        %dma_wait3A_333 = arith.constant 0 : i32
        %dma_wait3A_334 = tpu.memref_slice %arg3[%dma_wait3A_332, %dma_wait3A_333] : memref<20000x64xf32, #tpu.memory_space<hbm>> -> memref<20000x64xf32, #tpu.memory_space<hbm>>
        tpu.wait_indirect_dma semaphore(%arg22 : memref<!tpu.dma_semaphore, #tpu.memory_space<semaphore_mem>>) src(%dma_wait3A_334 : memref<20000x64xf32, #tpu.memory_space<hbm>>) dst(%arg13 : memref<80x64xf32, #tpu.memory_space<vmem>>)
        %dma_start3A_335 = arith.constant 0 : i32
        %dma_start3A_336 = tpu.memref_slice %arg7[%add3A_283, %dma_start3A_335] : memref<125x80xi32, #tpu.memory_space<vmem>> -> memref<1x80xi32, #tpu.memory_space<vmem>>
        %dma_start3A_337 = tpu.memref_squeeze %dma_start3A_336 : memref<1x80xi32, #tpu.memory_space<vmem>> -> memref<80xi32, #tpu.memory_space<vmem>>
        %dma_start3A_338 = arith.constant 0 : i32
        %dma_start3A_339 = arith.constant 0 : i32
        %dma_start3A_340 = tpu.memref_slice %arg16[%dma_start3A_338, %dma_start3A_339] : memref<10240x64xf32, #tpu.memory_space<vmem_shared>> -> memref<10240x64xf32, #tpu.memory_space<vmem_shared>>
        tpu.enqueue_indirect_dma source(%arg13 : memref<80x64xf32, #tpu.memory_space<vmem>>) target(%dma_start3A_340 : memref<10240x64xf32, #tpu.memory_space<vmem_shared>>) offsets(%dma_start3A_337 : memref<80xi32, #tpu.memory_space<vmem>>) semaphore(%arg30 : memref<!tpu.dma_semaphore, #tpu.memory_space<semaphore_mem>>) {add = true}
      } else {
      }
      %add3A_289 = arith.constant 4 : i32
      %add3A_290 = arith.addi %add3A_283, %add3A_289 : i32
      %lt3A_291 = arith.constant 125 : i32
      %lt3A_292 = arith.cmpi slt, %add3A_290, %lt3A_291 : i32
      %convert_element_type3A_293 = arith.extui %lt3A_292 : i1 to i32
      %cond3A_294 = arith.constant 0 : i32
      %cond3A_295 = arith.cmpi ne, %convert_element_type3A_293, %cond3A_294 : i32
      scf.if %cond3A_295 {
        %ge3A = arith.constant 4 : i32
        %ge3A_328 = arith.cmpi sge, %add3A_283, %ge3A : i32
        %convert_element_type3A_329 = arith.extui %ge3A_328 : i1 to i32
        %cond3A_330 = arith.constant 0 : i32
        %cond3A_331 = arith.cmpi ne, %convert_element_type3A_329, %cond3A_330 : i32
        scf.if %cond3A_331 {
          %dma_wait3A_338 = arith.constant 0 : i32
          %dma_wait3A_339 = arith.constant 0 : i32
          %dma_wait3A_340 = tpu.memref_slice %arg7[%dma_wait3A_338, %dma_wait3A_339] : memref<125x80xi32, #tpu.memory_space<vmem>> -> memref<1x80xi32, #tpu.memory_space<vmem>>
          %dma_wait3A_341 = tpu.memref_squeeze %dma_wait3A_340 : memref<1x80xi32, #tpu.memory_space<vmem>> -> memref<80xi32, #tpu.memory_space<vmem>>
          %dma_wait3A_342 = arith.constant 0 : i32
          %dma_wait3A_343 = arith.constant 0 : i32
          %dma_wait3A_344 = tpu.memref_slice %arg16[%dma_wait3A_342, %dma_wait3A_343] : memref<10240x64xf32, #tpu.memory_space<vmem_shared>> -> memref<10240x64xf32, #tpu.memory_space<vmem_shared>>
          tpu.wait_indirect_dma semaphore(%arg26 : memref<!tpu.dma_semaphore, #tpu.memory_space<semaphore_mem>>) src(%arg9 : memref<80x64xf32, #tpu.memory_space<vmem>>) dst(%dma_wait3A_344 : memref<10240x64xf32, #tpu.memory_space<vmem_shared>>)
        } else {
        }
        %dma_start3A_332 = arith.constant 0 : i32
        %dma_start3A_333 = tpu.memref_slice %arg6[%add3A_290, %dma_start3A_332] : memref<125x80xi32, #tpu.memory_space<vmem>> -> memref<1x80xi32, #tpu.memory_space<vmem>>
        %dma_start3A_334 = tpu.memref_squeeze %dma_start3A_333 : memref<1x80xi32, #tpu.memory_space<vmem>> -> memref<80xi32, #tpu.memory_space<vmem>>
        %dma_start3A_335 = arith.constant 0 : i32
        %dma_start3A_336 = arith.constant 0 : i32
        %dma_start3A_337 = tpu.memref_slice %arg3[%dma_start3A_335, %dma_start3A_336] : memref<20000x64xf32, #tpu.memory_space<hbm>> -> memref<20000x64xf32, #tpu.memory_space<hbm>>
        tpu.enqueue_indirect_dma source(%dma_start3A_337 : memref<20000x64xf32, #tpu.memory_space<hbm>>) target(%arg9 : memref<80x64xf32, #tpu.memory_space<vmem>>) offsets(%dma_start3A_334 : memref<80xi32, #tpu.memory_space<vmem>>) semaphore(%arg18 : memref<!tpu.dma_semaphore, #tpu.memory_space<semaphore_mem>>)
      } else {
      }
      %mul3A_296 = arith.constant 8 : i32
      %mul3A_297 = arith.muli %scan3A_202, %mul3A_296 : i32
      %add3A_298 = arith.constant 6 : i32
      %add3A_299 = arith.addi %mul3A_297, %add3A_298 : i32
      %lt3A_300 = arith.constant 125 : i32
      %lt3A_301 = arith.cmpi slt, %add3A_299, %lt3A_300 : i32
      %convert_element_type3A_302 = arith.extui %lt3A_301 : i1 to i32
      %cond3A_303 = arith.constant 0 : i32
      %cond3A_304 = arith.cmpi ne, %convert_element_type3A_302, %cond3A_303 : i32
      scf.if %cond3A_304 {
        %dma_wait3A_328 = arith.constant 0 : i32
        %dma_wait3A_329 = arith.constant 0 : i32
        %dma_wait3A_330 = tpu.memref_slice %arg6[%dma_wait3A_328, %dma_wait3A_329] : memref<125x80xi32, #tpu.memory_space<vmem>> -> memref<1x80xi32, #tpu.memory_space<vmem>>
        %dma_wait3A_331 = tpu.memref_squeeze %dma_wait3A_330 : memref<1x80xi32, #tpu.memory_space<vmem>> -> memref<80xi32, #tpu.memory_space<vmem>>
        %dma_wait3A_332 = arith.constant 0 : i32
        %dma_wait3A_333 = arith.constant 0 : i32
        %dma_wait3A_334 = tpu.memref_slice %arg3[%dma_wait3A_332, %dma_wait3A_333] : memref<20000x64xf32, #tpu.memory_space<hbm>> -> memref<20000x64xf32, #tpu.memory_space<hbm>>
        tpu.wait_indirect_dma semaphore(%arg23 : memref<!tpu.dma_semaphore, #tpu.memory_space<semaphore_mem>>) src(%dma_wait3A_334 : memref<20000x64xf32, #tpu.memory_space<hbm>>) dst(%arg14 : memref<80x64xf32, #tpu.memory_space<vmem>>)
        %dma_start3A_335 = arith.constant 0 : i32
        %dma_start3A_336 = tpu.memref_slice %arg7[%add3A_299, %dma_start3A_335] : memref<125x80xi32, #tpu.memory_space<vmem>> -> memref<1x80xi32, #tpu.memory_space<vmem>>
        %dma_start3A_337 = tpu.memref_squeeze %dma_start3A_336 : memref<1x80xi32, #tpu.memory_space<vmem>> -> memref<80xi32, #tpu.memory_space<vmem>>
        %dma_start3A_338 = arith.constant 0 : i32
        %dma_start3A_339 = arith.constant 0 : i32
        %dma_start3A_340 = tpu.memref_slice %arg16[%dma_start3A_338, %dma_start3A_339] : memref<10240x64xf32, #tpu.memory_space<vmem_shared>> -> memref<10240x64xf32, #tpu.memory_space<vmem_shared>>
        tpu.enqueue_indirect_dma source(%arg14 : memref<80x64xf32, #tpu.memory_space<vmem>>) target(%dma_start3A_340 : memref<10240x64xf32, #tpu.memory_space<vmem_shared>>) offsets(%dma_start3A_337 : memref<80xi32, #tpu.memory_space<vmem>>) semaphore(%arg31 : memref<!tpu.dma_semaphore, #tpu.memory_space<semaphore_mem>>) {add = true}
      } else {
      }
      %add3A_305 = arith.constant 4 : i32
      %add3A_306 = arith.addi %add3A_299, %add3A_305 : i32
      %lt3A_307 = arith.constant 125 : i32
      %lt3A_308 = arith.cmpi slt, %add3A_306, %lt3A_307 : i32
      %convert_element_type3A_309 = arith.extui %lt3A_308 : i1 to i32
      %cond3A_310 = arith.constant 0 : i32
      %cond3A_311 = arith.cmpi ne, %convert_element_type3A_309, %cond3A_310 : i32
      scf.if %cond3A_311 {
        %ge3A = arith.constant 4 : i32
        %ge3A_328 = arith.cmpi sge, %add3A_299, %ge3A : i32
        %convert_element_type3A_329 = arith.extui %ge3A_328 : i1 to i32
        %cond3A_330 = arith.constant 0 : i32
        %cond3A_331 = arith.cmpi ne, %convert_element_type3A_329, %cond3A_330 : i32
        scf.if %cond3A_331 {
          %dma_wait3A_338 = arith.constant 0 : i32
          %dma_wait3A_339 = arith.constant 0 : i32
          %dma_wait3A_340 = tpu.memref_slice %arg7[%dma_wait3A_338, %dma_wait3A_339] : memref<125x80xi32, #tpu.memory_space<vmem>> -> memref<1x80xi32, #tpu.memory_space<vmem>>
          %dma_wait3A_341 = tpu.memref_squeeze %dma_wait3A_340 : memref<1x80xi32, #tpu.memory_space<vmem>> -> memref<80xi32, #tpu.memory_space<vmem>>
          %dma_wait3A_342 = arith.constant 0 : i32
          %dma_wait3A_343 = arith.constant 0 : i32
          %dma_wait3A_344 = tpu.memref_slice %arg16[%dma_wait3A_342, %dma_wait3A_343] : memref<10240x64xf32, #tpu.memory_space<vmem_shared>> -> memref<10240x64xf32, #tpu.memory_space<vmem_shared>>
          tpu.wait_indirect_dma semaphore(%arg27 : memref<!tpu.dma_semaphore, #tpu.memory_space<semaphore_mem>>) src(%arg10 : memref<80x64xf32, #tpu.memory_space<vmem>>) dst(%dma_wait3A_344 : memref<10240x64xf32, #tpu.memory_space<vmem_shared>>)
        } else {
        }
        %dma_start3A_332 = arith.constant 0 : i32
        %dma_start3A_333 = tpu.memref_slice %arg6[%add3A_306, %dma_start3A_332] : memref<125x80xi32, #tpu.memory_space<vmem>> -> memref<1x80xi32, #tpu.memory_space<vmem>>
        %dma_start3A_334 = tpu.memref_squeeze %dma_start3A_333 : memref<1x80xi32, #tpu.memory_space<vmem>> -> memref<80xi32, #tpu.memory_space<vmem>>
        %dma_start3A_335 = arith.constant 0 : i32
        %dma_start3A_336 = arith.constant 0 : i32
        %dma_start3A_337 = tpu.memref_slice %arg3[%dma_start3A_335, %dma_start3A_336] : memref<20000x64xf32, #tpu.memory_space<hbm>> -> memref<20000x64xf32, #tpu.memory_space<hbm>>
        tpu.enqueue_indirect_dma source(%dma_start3A_337 : memref<20000x64xf32, #tpu.memory_space<hbm>>) target(%arg10 : memref<80x64xf32, #tpu.memory_space<vmem>>) offsets(%dma_start3A_334 : memref<80xi32, #tpu.memory_space<vmem>>) semaphore(%arg19 : memref<!tpu.dma_semaphore, #tpu.memory_space<semaphore_mem>>)
      } else {
      }
      %mul3A_312 = arith.constant 8 : i32
      %mul3A_313 = arith.muli %scan3A_202, %mul3A_312 : i32
      %add3A_314 = arith.constant 7 : i32
      %add3A_315 = arith.addi %mul3A_313, %add3A_314 : i32
      %lt3A_316 = arith.constant 125 : i32
      %lt3A_317 = arith.cmpi slt, %add3A_315, %lt3A_316 : i32
      %convert_element_type3A_318 = arith.extui %lt3A_317 : i1 to i32
      %cond3A_319 = arith.constant 0 : i32
      %cond3A_320 = arith.cmpi ne, %convert_element_type3A_318, %cond3A_319 : i32
      scf.if %cond3A_320 {
        %dma_wait3A_328 = arith.constant 0 : i32
        %dma_wait3A_329 = arith.constant 0 : i32
        %dma_wait3A_330 = tpu.memref_slice %arg6[%dma_wait3A_328, %dma_wait3A_329] : memref<125x80xi32, #tpu.memory_space<vmem>> -> memref<1x80xi32, #tpu.memory_space<vmem>>
        %dma_wait3A_331 = tpu.memref_squeeze %dma_wait3A_330 : memref<1x80xi32, #tpu.memory_space<vmem>> -> memref<80xi32, #tpu.memory_space<vmem>>
        %dma_wait3A_332 = arith.constant 0 : i32
        %dma_wait3A_333 = arith.constant 0 : i32
        %dma_wait3A_334 = tpu.memref_slice %arg3[%dma_wait3A_332, %dma_wait3A_333] : memref<20000x64xf32, #tpu.memory_space<hbm>> -> memref<20000x64xf32, #tpu.memory_space<hbm>>
        tpu.wait_indirect_dma semaphore(%arg24 : memref<!tpu.dma_semaphore, #tpu.memory_space<semaphore_mem>>) src(%dma_wait3A_334 : memref<20000x64xf32, #tpu.memory_space<hbm>>) dst(%arg15 : memref<80x64xf32, #tpu.memory_space<vmem>>)
        %dma_start3A_335 = arith.constant 0 : i32
        %dma_start3A_336 = tpu.memref_slice %arg7[%add3A_315, %dma_start3A_335] : memref<125x80xi32, #tpu.memory_space<vmem>> -> memref<1x80xi32, #tpu.memory_space<vmem>>
        %dma_start3A_337 = tpu.memref_squeeze %dma_start3A_336 : memref<1x80xi32, #tpu.memory_space<vmem>> -> memref<80xi32, #tpu.memory_space<vmem>>
        %dma_start3A_338 = arith.constant 0 : i32
        %dma_start3A_339 = arith.constant 0 : i32
        %dma_start3A_340 = tpu.memref_slice %arg16[%dma_start3A_338, %dma_start3A_339] : memref<10240x64xf32, #tpu.memory_space<vmem_shared>> -> memref<10240x64xf32, #tpu.memory_space<vmem_shared>>
        tpu.enqueue_indirect_dma source(%arg15 : memref<80x64xf32, #tpu.memory_space<vmem>>) target(%dma_start3A_340 : memref<10240x64xf32, #tpu.memory_space<vmem_shared>>) offsets(%dma_start3A_337 : memref<80xi32, #tpu.memory_space<vmem>>) semaphore(%arg32 : memref<!tpu.dma_semaphore, #tpu.memory_space<semaphore_mem>>) {add = true}
      } else {
      }
      %add3A_321 = arith.constant 4 : i32
      %add3A_322 = arith.addi %add3A_315, %add3A_321 : i32
      %lt3A_323 = arith.constant 125 : i32
      %lt3A_324 = arith.cmpi slt, %add3A_322, %lt3A_323 : i32
      %convert_element_type3A_325 = arith.extui %lt3A_324 : i1 to i32
      %cond3A_326 = arith.constant 0 : i32
      %cond3A_327 = arith.cmpi ne, %convert_element_type3A_325, %cond3A_326 : i32
      scf.if %cond3A_327 {
        %ge3A = arith.constant 4 : i32
        %ge3A_328 = arith.cmpi sge, %add3A_315, %ge3A : i32
        %convert_element_type3A_329 = arith.extui %ge3A_328 : i1 to i32
        %cond3A_330 = arith.constant 0 : i32
        %cond3A_331 = arith.cmpi ne, %convert_element_type3A_329, %cond3A_330 : i32
        scf.if %cond3A_331 {
          %dma_wait3A_338 = arith.constant 0 : i32
          %dma_wait3A_339 = arith.constant 0 : i32
          %dma_wait3A_340 = tpu.memref_slice %arg7[%dma_wait3A_338, %dma_wait3A_339] : memref<125x80xi32, #tpu.memory_space<vmem>> -> memref<1x80xi32, #tpu.memory_space<vmem>>
          %dma_wait3A_341 = tpu.memref_squeeze %dma_wait3A_340 : memref<1x80xi32, #tpu.memory_space<vmem>> -> memref<80xi32, #tpu.memory_space<vmem>>
          %dma_wait3A_342 = arith.constant 0 : i32
          %dma_wait3A_343 = arith.constant 0 : i32
          %dma_wait3A_344 = tpu.memref_slice %arg16[%dma_wait3A_342, %dma_wait3A_343] : memref<10240x64xf32, #tpu.memory_space<vmem_shared>> -> memref<10240x64xf32, #tpu.memory_space<vmem_shared>>
          tpu.wait_indirect_dma semaphore(%arg28 : memref<!tpu.dma_semaphore, #tpu.memory_space<semaphore_mem>>) src(%arg11 : memref<80x64xf32, #tpu.memory_space<vmem>>) dst(%dma_wait3A_344 : memref<10240x64xf32, #tpu.memory_space<vmem_shared>>)
        } else {
        }
        %dma_start3A_332 = arith.constant 0 : i32
        %dma_start3A_333 = tpu.memref_slice %arg6[%add3A_322, %dma_start3A_332] : memref<125x80xi32, #tpu.memory_space<vmem>> -> memref<1x80xi32, #tpu.memory_space<vmem>>
        %dma_start3A_334 = tpu.memref_squeeze %dma_start3A_333 : memref<1x80xi32, #tpu.memory_space<vmem>> -> memref<80xi32, #tpu.memory_space<vmem>>
        %dma_start3A_335 = arith.constant 0 : i32
        %dma_start3A_336 = arith.constant 0 : i32
        %dma_start3A_337 = tpu.memref_slice %arg3[%dma_start3A_335, %dma_start3A_336] : memref<20000x64xf32, #tpu.memory_space<hbm>> -> memref<20000x64xf32, #tpu.memory_space<hbm>>
        tpu.enqueue_indirect_dma source(%dma_start3A_337 : memref<20000x64xf32, #tpu.memory_space<hbm>>) target(%arg11 : memref<80x64xf32, #tpu.memory_space<vmem>>) offsets(%dma_start3A_334 : memref<80xi32, #tpu.memory_space<vmem>>) semaphore(%arg20 : memref<!tpu.dma_semaphore, #tpu.memory_space<semaphore_mem>>)
      } else {
      }
    }
    %scan3A_139 = arith.constant 16 : i32
    %dma_wait3A_140 = arith.constant 0 : i32
    %dma_wait3A_141 = arith.constant 0 : i32
    %dma_wait3A_142 = tpu.memref_slice %arg7[%dma_wait3A_140, %dma_wait3A_141] : memref<125x80xi32, #tpu.memory_space<vmem>> -> memref<1x80xi32, #tpu.memory_space<vmem>>
    %dma_wait3A_143 = tpu.memref_squeeze %dma_wait3A_142 : memref<1x80xi32, #tpu.memory_space<vmem>> -> memref<80xi32, #tpu.memory_space<vmem>>
    %dma_wait3A_144 = arith.constant 0 : i32
    %dma_wait3A_145 = arith.constant 0 : i32
    %dma_wait3A_146 = tpu.memref_slice %arg16[%dma_wait3A_144, %dma_wait3A_145] : memref<10240x64xf32, #tpu.memory_space<vmem_shared>> -> memref<10240x64xf32, #tpu.memory_space<vmem_shared>>
    tpu.wait_indirect_dma semaphore(%arg25 : memref<!tpu.dma_semaphore, #tpu.memory_space<semaphore_mem>>) src(%arg8 : memref<80x64xf32, #tpu.memory_space<vmem>>) dst(%dma_wait3A_146 : memref<10240x64xf32, #tpu.memory_space<vmem_shared>>)
    %dma_wait3A_147 = arith.constant 0 : i32
    %dma_wait3A_148 = arith.constant 0 : i32
    %dma_wait3A_149 = tpu.memref_slice %arg7[%dma_wait3A_147, %dma_wait3A_148] : memref<125x80xi32, #tpu.memory_space<vmem>> -> memref<1x80xi32, #tpu.memory_space<vmem>>
    %dma_wait3A_150 = tpu.memref_squeeze %dma_wait3A_149 : memref<1x80xi32, #tpu.memory_space<vmem>> -> memref<80xi32, #tpu.memory_space<vmem>>
    %dma_wait3A_151 = arith.constant 0 : i32
    %dma_wait3A_152 = arith.constant 0 : i32
    %dma_wait3A_153 = tpu.memref_slice %arg16[%dma_wait3A_151, %dma_wait3A_152] : memref<10240x64xf32, #tpu.memory_space<vmem_shared>> -> memref<10240x64xf32, #tpu.memory_space<vmem_shared>>
    tpu.wait_indirect_dma semaphore(%arg26 : memref<!tpu.dma_semaphore, #tpu.memory_space<semaphore_mem>>) src(%arg9 : memref<80x64xf32, #tpu.memory_space<vmem>>) dst(%dma_wait3A_153 : memref<10240x64xf32, #tpu.memory_space<vmem_shared>>)
    %dma_wait3A_154 = arith.constant 0 : i32
    %dma_wait3A_155 = arith.constant 0 : i32
    %dma_wait3A_156 = tpu.memref_slice %arg7[%dma_wait3A_154, %dma_wait3A_155] : memref<125x80xi32, #tpu.memory_space<vmem>> -> memref<1x80xi32, #tpu.memory_space<vmem>>
    %dma_wait3A_157 = tpu.memref_squeeze %dma_wait3A_156 : memref<1x80xi32, #tpu.memory_space<vmem>> -> memref<80xi32, #tpu.memory_space<vmem>>
    %dma_wait3A_158 = arith.constant 0 : i32
    %dma_wait3A_159 = arith.constant 0 : i32
    %dma_wait3A_160 = tpu.memref_slice %arg16[%dma_wait3A_158, %dma_wait3A_159] : memref<10240x64xf32, #tpu.memory_space<vmem_shared>> -> memref<10240x64xf32, #tpu.memory_space<vmem_shared>>
    tpu.wait_indirect_dma semaphore(%arg27 : memref<!tpu.dma_semaphore, #tpu.memory_space<semaphore_mem>>) src(%arg10 : memref<80x64xf32, #tpu.memory_space<vmem>>) dst(%dma_wait3A_160 : memref<10240x64xf32, #tpu.memory_space<vmem_shared>>)
    %dma_wait3A_161 = arith.constant 0 : i32
    %dma_wait3A_162 = arith.constant 0 : i32
    %dma_wait3A_163 = tpu.memref_slice %arg7[%dma_wait3A_161, %dma_wait3A_162] : memref<125x80xi32, #tpu.memory_space<vmem>> -> memref<1x80xi32, #tpu.memory_space<vmem>>
    %dma_wait3A_164 = tpu.memref_squeeze %dma_wait3A_163 : memref<1x80xi32, #tpu.memory_space<vmem>> -> memref<80xi32, #tpu.memory_space<vmem>>
    %dma_wait3A_165 = arith.constant 0 : i32
    %dma_wait3A_166 = arith.constant 0 : i32
    %dma_wait3A_167 = tpu.memref_slice %arg16[%dma_wait3A_165, %dma_wait3A_166] : memref<10240x64xf32, #tpu.memory_space<vmem_shared>> -> memref<10240x64xf32, #tpu.memory_space<vmem_shared>>
    tpu.wait_indirect_dma semaphore(%arg28 : memref<!tpu.dma_semaphore, #tpu.memory_space<semaphore_mem>>) src(%arg11 : memref<80x64xf32, #tpu.memory_space<vmem>>) dst(%dma_wait3A_167 : memref<10240x64xf32, #tpu.memory_space<vmem_shared>>)
    %dma_wait3A_168 = arith.constant 0 : i32
    %dma_wait3A_169 = arith.constant 0 : i32
    %dma_wait3A_170 = tpu.memref_slice %arg7[%dma_wait3A_168, %dma_wait3A_169] : memref<125x80xi32, #tpu.memory_space<vmem>> -> memref<1x80xi32, #tpu.memory_space<vmem>>
    %dma_wait3A_171 = tpu.memref_squeeze %dma_wait3A_170 : memref<1x80xi32, #tpu.memory_space<vmem>> -> memref<80xi32, #tpu.memory_space<vmem>>
    %dma_wait3A_172 = arith.constant 0 : i32
    %dma_wait3A_173 = arith.constant 0 : i32
    %dma_wait3A_174 = tpu.memref_slice %arg16[%dma_wait3A_172, %dma_wait3A_173] : memref<10240x64xf32, #tpu.memory_space<vmem_shared>> -> memref<10240x64xf32, #tpu.memory_space<vmem_shared>>
    tpu.wait_indirect_dma semaphore(%arg29 : memref<!tpu.dma_semaphore, #tpu.memory_space<semaphore_mem>>) src(%arg12 : memref<80x64xf32, #tpu.memory_space<vmem>>) dst(%dma_wait3A_174 : memref<10240x64xf32, #tpu.memory_space<vmem_shared>>)
    %dma_wait3A_175 = arith.constant 0 : i32
    %dma_wait3A_176 = arith.constant 0 : i32
    %dma_wait3A_177 = tpu.memref_slice %arg7[%dma_wait3A_175, %dma_wait3A_176] : memref<125x80xi32, #tpu.memory_space<vmem>> -> memref<1x80xi32, #tpu.memory_space<vmem>>
    %dma_wait3A_178 = tpu.memref_squeeze %dma_wait3A_177 : memref<1x80xi32, #tpu.memory_space<vmem>> -> memref<80xi32, #tpu.memory_space<vmem>>
    %dma_wait3A_179 = arith.constant 0 : i32
    %dma_wait3A_180 = arith.constant 0 : i32
    %dma_wait3A_181 = tpu.memref_slice %arg16[%dma_wait3A_179, %dma_wait3A_180] : memref<10240x64xf32, #tpu.memory_space<vmem_shared>> -> memref<10240x64xf32, #tpu.memory_space<vmem_shared>>
    tpu.wait_indirect_dma semaphore(%arg30 : memref<!tpu.dma_semaphore, #tpu.memory_space<semaphore_mem>>) src(%arg13 : memref<80x64xf32, #tpu.memory_space<vmem>>) dst(%dma_wait3A_181 : memref<10240x64xf32, #tpu.memory_space<vmem_shared>>)
    %dma_wait3A_182 = arith.constant 0 : i32
    %dma_wait3A_183 = arith.constant 0 : i32
    %dma_wait3A_184 = tpu.memref_slice %arg7[%dma_wait3A_182, %dma_wait3A_183] : memref<125x80xi32, #tpu.memory_space<vmem>> -> memref<1x80xi32, #tpu.memory_space<vmem>>
    %dma_wait3A_185 = tpu.memref_squeeze %dma_wait3A_184 : memref<1x80xi32, #tpu.memory_space<vmem>> -> memref<80xi32, #tpu.memory_space<vmem>>
    %dma_wait3A_186 = arith.constant 0 : i32
    %dma_wait3A_187 = arith.constant 0 : i32
    %dma_wait3A_188 = tpu.memref_slice %arg16[%dma_wait3A_186, %dma_wait3A_187] : memref<10240x64xf32, #tpu.memory_space<vmem_shared>> -> memref<10240x64xf32, #tpu.memory_space<vmem_shared>>
    tpu.wait_indirect_dma semaphore(%arg31 : memref<!tpu.dma_semaphore, #tpu.memory_space<semaphore_mem>>) src(%arg14 : memref<80x64xf32, #tpu.memory_space<vmem>>) dst(%dma_wait3A_188 : memref<10240x64xf32, #tpu.memory_space<vmem_shared>>)
    %dma_wait3A_189 = arith.constant 0 : i32
    %dma_wait3A_190 = arith.constant 0 : i32
    %dma_wait3A_191 = tpu.memref_slice %arg7[%dma_wait3A_189, %dma_wait3A_190] : memref<125x80xi32, #tpu.memory_space<vmem>> -> memref<1x80xi32, #tpu.memory_space<vmem>>
    %dma_wait3A_192 = tpu.memref_squeeze %dma_wait3A_191 : memref<1x80xi32, #tpu.memory_space<vmem>> -> memref<80xi32, #tpu.memory_space<vmem>>
    %dma_wait3A_193 = arith.constant 0 : i32
    %dma_wait3A_194 = arith.constant 0 : i32
    %dma_wait3A_195 = tpu.memref_slice %arg16[%dma_wait3A_193, %dma_wait3A_194] : memref<10240x64xf32, #tpu.memory_space<vmem_shared>> -> memref<10240x64xf32, #tpu.memory_space<vmem_shared>>
    tpu.wait_indirect_dma semaphore(%arg32 : memref<!tpu.dma_semaphore, #tpu.memory_space<semaphore_mem>>) src(%arg15 : memref<80x64xf32, #tpu.memory_space<vmem>>) dst(%dma_wait3A_195 : memref<10240x64xf32, #tpu.memory_space<vmem_shared>>)
    %barrier3A_196 = arith.constant 0 : index
    tpu.barrier barrier_id(%barrier3A_196)
    %mul3A_197 = arith.constant 640 : i32
    %mul3A_198 = arith.muli %arg1, %mul3A_197 : i32
    %mul3A_199 = arith.constant 640 : i32
    %mul3A_200 = arith.muli %arg1, %mul3A_199 : i32
    "tpu.region"() ({
      %run_scoped3A_202 = tpu.sem_alloc : memref<!tpu.dma_semaphore, #tpu.memory_space<semaphore_mem>>
      %dma_start3A_203 = arith.constant 64 : i32
      %dma_start3A_204 = tpu.memref_slice %arg5[%arg0, %mul3A_200, %dma_start3A_203] : memref<2x10240x128xf32, #tpu.memory_space<hbm>> -> memref<1x640x64xf32, #tpu.memory_space<hbm>>
      %dma_start3A_205 = tpu.memref_squeeze %dma_start3A_204 : memref<1x640x64xf32, #tpu.memory_space<hbm>> -> memref<640x64xf32, #tpu.memory_space<hbm>>
      %dma_start3A_206 = arith.constant 0 : i32
      %dma_start3A_207 = tpu.memref_slice %arg16[%mul3A_198, %dma_start3A_206] : memref<10240x64xf32, #tpu.memory_space<vmem_shared>> -> memref<640x64xf32, #tpu.memory_space<vmem_shared>>
      tpu.enqueue_dma source(%dma_start3A_207 : memref<640x64xf32, #tpu.memory_space<vmem_shared>>) target(%dma_start3A_205 : memref<640x64xf32, #tpu.memory_space<hbm>>) target_semaphore(%run_scoped3A_202 : memref<!tpu.dma_semaphore, #tpu.memory_space<semaphore_mem>>)
      %dma_wait3A_208 = arith.constant 64 : i32
      %dma_wait3A_209 = tpu.memref_slice %arg5[%arg0, %mul3A_200, %dma_wait3A_208] : memref<2x10240x128xf32, #tpu.memory_space<hbm>> -> memref<1x640x64xf32, #tpu.memory_space<hbm>>
      %dma_wait3A_210 = tpu.memref_squeeze %dma_wait3A_209 : memref<1x640x64xf32, #tpu.memory_space<hbm>> -> memref<640x64xf32, #tpu.memory_space<hbm>>
      %dma_wait3A_211 = arith.constant 0 : i32
      %dma_wait3A_212 = tpu.memref_slice %arg16[%mul3A_198, %dma_wait3A_211] : memref<10240x64xf32, #tpu.memory_space<vmem_shared>> -> memref<640x64xf32, #tpu.memory_space<vmem_shared>>
      tpu.wait_dma2 semaphore(%run_scoped3A_202 : memref<!tpu.dma_semaphore, #tpu.memory_space<semaphore_mem>>) src(%dma_wait3A_212 : memref<640x64xf32, #tpu.memory_space<vmem_shared>>) dst(%dma_wait3A_210 : memref<640x64xf32, #tpu.memory_space<hbm>>)
      tpu.yield
    }) : () -> ()
    %barrier3A_201 = arith.constant 0 : index
    tpu.barrier barrier_id(%barrier3A_201)
    return
  }
}

module attributes {stable_mosaic.version = 14 : i64} {
  func.func @_tc_dinv_body(%arg0: memref<32x80x128xf32, #tpu.memory_space<vmem>>, %arg1: memref<80x128xf32, #tpu.memory_space<vmem>>) attributes {dimension_semantics = [], scalar_prefetch = 0 : i64, scratch_operands = 0 : i64, tpu.core_type = #tpu.core_type<tc>} {
    %get3A = arith.constant 0 : index
    %get3A_0 = arith.constant 0 : index
    %get3A_1 = arith.constant 0 : index
    %get3A_2 = vector.load %arg0[%get3A, %get3A_0, %get3A_1] : memref<32x80x128xf32, #tpu.memory_space<vmem>>, vector<32x80x128xf32>
    %reduce_sum3A = arith.constant dense<0.000000e+00> : vector<80x128xf32>
    %reduce_sum3A_3 = vector.multi_reduction <add>, %get3A_2, %reduce_sum3A [0] : vector<32x80x128xf32> to vector<80x128xf32>
    %add3A = arith.constant 1.000000e+00 : f32
    %add3A_4 = vector.broadcast %add3A : f32 to vector<80x128xf32>
    %add3A_5 = arith.addf %reduce_sum3A_3, %add3A_4 : vector<80x128xf32>
    %sqrt3A = math.sqrt %add3A_5 : vector<80x128xf32>
    %div3A = arith.constant 1.000000e+00 : f32
    %div3A_6 = vector.broadcast %div3A : f32 to vector<80x128xf32>
    %div3A_7 = arith.divf %div3A_6, %sqrt3A : vector<80x128xf32>
    %swap3A = arith.constant 0 : index
    %swap3A_8 = arith.constant 0 : index
    %swap3A_9 = vector.load %arg1[%swap3A, %swap3A_8] : memref<80x128xf32, #tpu.memory_space<vmem>>, vector<80x128xf32>
    tpu.vector_store %arg1[%swap3A, %swap3A_8], %div3A_7 {strides = array<i32>} : memref<80x128xf32, #tpu.memory_space<vmem>>, vector<80x128xf32>,
    return
  }
}

module attributes {stable_mosaic.version = 14 : i64} {
  func.func @_tc_mm_body(%arg0: i32, %arg1: memref<2000x128xf32, #tpu.memory_space<vmem>>, %arg2: memref<128x128xf32, #tpu.memory_space<vmem>>, %arg3: memref<2000x1xf32, #tpu.memory_space<vmem>>, %arg4: memref<2000x128xf32, #tpu.memory_space<vmem>>, %arg5: memref<2000x128xf32, #tpu.memory_space<vmem>>) attributes {dimension_semantics = [#tpu.dimension_semantics<arbitrary>], iteration_bounds = array<i64: 5>, scalar_prefetch = 0 : i64, scratch_operands = 0 : i64, tpu.core_type = #tpu.core_type<tc>, window_params = [{transform_indices = @transform_0, window_bounds = array<i64: 2000, 128>}, {pipeline_mode = #tpu.pipeline_mode<synchronous>, transform_indices = @transform_1, window_bounds = array<i64: 128, 128>}, {transform_indices = @transform_2, window_bounds = array<i64: 2000, 1>}, {transform_indices = @transform_3, window_bounds = array<i64: 2000, 128>}, {transform_indices = @transform_4, window_bounds = array<i64: 2000, 128>}]} {
    %get3A = arith.constant 0 : index
    %get3A_0 = arith.constant 0 : index
    %get3A_1 = vector.load %arg1[%get3A, %get3A_0] : memref<2000x128xf32, #tpu.memory_space<vmem>>, vector<2000x128xf32>
    %get3A_2 = arith.constant 0 : index
    %get3A_3 = arith.constant 0 : index
    %get3A_4 = vector.load %arg2[%get3A_2, %get3A_3] : memref<128x128xf32, #tpu.memory_space<vmem>>, vector<128x128xf32>
    %dot_general3A = arith.constant dense<0.000000e+00> : vector<2000x128xf32>
    %dot_general3A_5 = tpu.matmul %get3A_1, %get3A_4, %dot_general3A {dimension_numbers = #tpu.dot_dimension_numbers<[1], [0], [0], [1], [0, 0, 1, 1], [], []>, transpose_lhs_hint = false} : vector<2000x128xf32>, vector<128x128xf32>, vector<2000x128xf32> -> vector<2000x128xf32>
    %swap3A = arith.constant 0 : index
    %swap3A_6 = arith.constant 0 : index
    %swap3A_7 = vector.load %arg4[%swap3A, %swap3A_6] : memref<2000x128xf32, #tpu.memory_space<vmem>>, vector<2000x128xf32>
    tpu.vector_store %arg4[%swap3A, %swap3A_6], %dot_general3A_5 {strides = array<i32>} : memref<2000x128xf32, #tpu.memory_space<vmem>>, vector<2000x128xf32>,
    %get3A_8 = arith.constant 0 : index
    %get3A_9 = arith.constant 0 : index
    %get3A_10 = vector.load %arg3[%get3A_8, %get3A_9] : memref<2000x1xf32, #tpu.memory_space<vmem>>, vector<2000x1xf32>
    %mul3A = vector.broadcast %get3A_10 : vector<2000x1xf32> to vector<2000x128xf32>
    %mul3A_11 = arith.mulf %dot_general3A_5, %mul3A : vector<2000x128xf32>
    %swap3A_12 = arith.constant 0 : index
    %swap3A_13 = arith.constant 0 : index
    %swap3A_14 = vector.load %arg5[%swap3A_12, %swap3A_13] : memref<2000x128xf32, #tpu.memory_space<vmem>>, vector<2000x128xf32>
    tpu.vector_store %arg5[%swap3A_12, %swap3A_13], %mul3A_11 {strides = array<i32>} : memref<2000x128xf32, #tpu.memory_space<vmem>>, vector<2000x128xf32>,
    return
  }
  func.func @transform_0(%arg0: i32) -> (i32, i32) {
    %c0_i32 = arith.constant 0 : i32
    %c0_i32_0 = arith.constant 0 : i32
    return %arg0, %c0_i32 : i32, i32
  }
  func.func @transform_1(%arg0: i32) -> (i32, i32) {
    %c0_i32 = arith.constant 0 : i32
    %c0_i32_0 = arith.constant 0 : i32
    %c0_i32_1 = arith.constant 0 : i32
    return %c0_i32, %c0_i32_0 : i32, i32
  }
  func.func @transform_2(%arg0: i32) -> (i32, i32) {
    %c0_i32 = arith.constant 0 : i32
    %c0_i32_0 = arith.constant 0 : i32
    return %arg0, %c0_i32 : i32, i32
  }
  func.func @transform_3(%arg0: i32) -> (i32, i32) {
    %c0_i32 = arith.constant 0 : i32
    %c0_i32_0 = arith.constant 0 : i32
    return %arg0, %c0_i32 : i32, i32
  }
  func.func @transform_4(%arg0: i32) -> (i32, i32) {
    %c0_i32 = arith.constant 0 : i32
    %c0_i32_0 = arith.constant 0 : i32
    return %arg0, %c0_i32 : i32, i32
  }
}

module attributes {stable_mosaic.version = 14 : i64} {
  func.func @_tc_layer_body(%arg0: i32, %arg1: memref<2x2000x128xf32, #tpu.memory_space<vmem>>, %arg2: memref<2000x1xf32, #tpu.memory_space<vmem>>, %arg3: memref<2000x128xf32, #tpu.memory_space<vmem>>, %arg4: memref<1x128xf32, #tpu.memory_space<vmem>>, %arg5: memref<128x128xf32, #tpu.memory_space<vmem>>, %arg6: memref<2000x128xf32, #tpu.memory_space<vmem>>, %arg7: memref<2000x128xf32, #tpu.memory_space<vmem>>) attributes {dimension_semantics = [#tpu.dimension_semantics<arbitrary>], iteration_bounds = array<i64: 5>, scalar_prefetch = 0 : i64, scratch_operands = 0 : i64, tpu.core_type = #tpu.core_type<tc>, window_params = [{transform_indices = @transform_0, window_bounds = array<i64: 2, 2000, 128>}, {transform_indices = @transform_1, window_bounds = array<i64: 2000, 1>}, {transform_indices = @transform_2, window_bounds = array<i64: 2000, 128>}, {pipeline_mode = #tpu.pipeline_mode<synchronous>, transform_indices = @transform_3, window_bounds = array<i64: 1, 128>}, {pipeline_mode = #tpu.pipeline_mode<synchronous>, transform_indices = @transform_4, window_bounds = array<i64: 128, 128>}, {transform_indices = @transform_5, window_bounds = array<i64: 2000, 128>}, {transform_indices = @transform_6, window_bounds = array<i64: 2000, 128>}]} {
    %get3A = arith.constant 0 : index
    %get3A_0 = arith.constant 0 : index
    %get3A_1 = arith.constant 0 : index
    %get3A_2 = vector.load %arg1[%get3A, %get3A_0, %get3A_1] : memref<2x2000x128xf32, #tpu.memory_space<vmem>>, vector<1x2000x128xf32>
    %get3A_3 = vector.shape_cast %get3A_2 : vector<1x2000x128xf32> to vector<2000x128xf32>
    %get3A_4 = arith.constant 1 : index
    %get3A_5 = arith.constant 0 : index
    %get3A_6 = arith.constant 0 : index
    %get3A_7 = vector.load %arg1[%get3A_4, %get3A_5, %get3A_6] : memref<2x2000x128xf32, #tpu.memory_space<vmem>>, vector<1x2000x128xf32>
    %get3A_8 = vector.shape_cast %get3A_7 : vector<1x2000x128xf32> to vector<2000x128xf32>
    %add3A = arith.addf %get3A_3, %get3A_8 : vector<2000x128xf32>
    %get3A_9 = arith.constant 0 : index
    %get3A_10 = arith.constant 0 : index
    %get3A_11 = vector.load %arg2[%get3A_9, %get3A_10] : memref<2000x1xf32, #tpu.memory_space<vmem>>, vector<2000x1xf32>
    %mul3A = vector.broadcast %get3A_11 : vector<2000x1xf32> to vector<2000x128xf32>
    %mul3A_12 = arith.mulf %mul3A, %add3A : vector<2000x128xf32>
    %mul3A_13 = arith.mulf %get3A_11, %get3A_11 : vector<2000x1xf32>
    %get3A_14 = arith.constant 0 : index
    %get3A_15 = arith.constant 0 : index
    %get3A_16 = vector.load %arg3[%get3A_14, %get3A_15] : memref<2000x128xf32, #tpu.memory_space<vmem>>, vector<2000x128xf32>
    %mul3A_17 = vector.broadcast %mul3A_13 : vector<2000x1xf32> to vector<2000x128xf32>
    %mul3A_18 = arith.mulf %mul3A_17, %get3A_16 : vector<2000x128xf32>
    %add3A_19 = arith.addf %mul3A_12, %mul3A_18 : vector<2000x128xf32>
    %get3A_20 = arith.constant 0 : index
    %get3A_21 = arith.constant 0 : index
    %get3A_22 = vector.load %arg4[%get3A_20, %get3A_21] : memref<1x128xf32, #tpu.memory_space<vmem>>, vector<1x128xf32>
    %add3A_23 = vector.broadcast %get3A_22 : vector<1x128xf32> to vector<2000x128xf32>
    %add3A_24 = arith.addf %add3A_19, %add3A_23 : vector<2000x128xf32>
    %max3A = arith.constant 0.000000e+00 : f32
    %max3A_25 = vector.broadcast %max3A : f32 to vector<2000x128xf32>
    %max3A_26 = arith.maximumf %add3A_24, %max3A_25 : vector<2000x128xf32>
    %get3A_27 = arith.constant 0 : index
    %get3A_28 = arith.constant 0 : index
    %get3A_29 = vector.load %arg5[%get3A_27, %get3A_28] : memref<128x128xf32, #tpu.memory_space<vmem>>, vector<128x128xf32>
    %dot_general3A = arith.constant dense<0.000000e+00> : vector<2000x128xf32>
    %dot_general3A_30 = tpu.matmul %max3A_26, %get3A_29, %dot_general3A {dimension_numbers = #tpu.dot_dimension_numbers<[1], [0], [0], [1], [0, 0, 1, 1], [], []>, transpose_lhs_hint = false} : vector<2000x128xf32>, vector<128x128xf32>, vector<2000x128xf32> -> vector<2000x128xf32>
    %swap3A = arith.constant 0 : index
    %swap3A_31 = arith.constant 0 : index
    %swap3A_32 = vector.load %arg6[%swap3A, %swap3A_31] : memref<2000x128xf32, #tpu.memory_space<vmem>>, vector<2000x128xf32>
    tpu.vector_store %arg6[%swap3A, %swap3A_31], %dot_general3A_30 {strides = array<i32>} : memref<2000x128xf32, #tpu.memory_space<vmem>>, vector<2000x128xf32>,
    %mul3A_33 = vector.broadcast %get3A_11 : vector<2000x1xf32> to vector<2000x128xf32>
    %mul3A_34 = arith.mulf %dot_general3A_30, %mul3A_33 : vector<2000x128xf32>
    %swap3A_35 = arith.constant 0 : index
    %swap3A_36 = arith.constant 0 : index
    %swap3A_37 = vector.load %arg7[%swap3A_35, %swap3A_36] : memref<2000x128xf32, #tpu.memory_space<vmem>>, vector<2000x128xf32>
    tpu.vector_store %arg7[%swap3A_35, %swap3A_36], %mul3A_34 {strides = array<i32>} : memref<2000x128xf32, #tpu.memory_space<vmem>>, vector<2000x128xf32>,
    return
  }
  func.func @transform_0(%arg0: i32) -> (i32, i32, i32) {
    %c0_i32 = arith.constant 0 : i32
    %c0_i32_0 = arith.constant 0 : i32
    %c0_i32_1 = arith.constant 0 : i32
    return %c0_i32, %arg0, %c0_i32_0 : i32, i32, i32
  }
  func.func @transform_1(%arg0: i32) -> (i32, i32) {
    %c0_i32 = arith.constant 0 : i32
    %c0_i32_0 = arith.constant 0 : i32
    return %arg0, %c0_i32 : i32, i32
  }
  func.func @transform_2(%arg0: i32) -> (i32, i32) {
    %c0_i32 = arith.constant 0 : i32
    %c0_i32_0 = arith.constant 0 : i32
    return %arg0, %c0_i32 : i32, i32
  }
  func.func @transform_3(%arg0: i32) -> (i32, i32) {
    %c0_i32 = arith.constant 0 : i32
    %c0_i32_0 = arith.constant 0 : i32
    %c0_i32_1 = arith.constant 0 : i32
    return %c0_i32, %c0_i32_0 : i32, i32
  }
  func.func @transform_4(%arg0: i32) -> (i32, i32) {
    %c0_i32 = arith.constant 0 : i32
    %c0_i32_0 = arith.constant 0 : i32
    %c0_i32_1 = arith.constant 0 : i32
    return %c0_i32, %c0_i32_0 : i32, i32
  }
  func.func @transform_5(%arg0: i32) -> (i32, i32) {
    %c0_i32 = arith.constant 0 : i32
    %c0_i32_0 = arith.constant 0 : i32
    return %arg0, %c0_i32 : i32, i32
  }
  func.func @transform_6(%arg0: i32) -> (i32, i32) {
    %c0_i32 = arith.constant 0 : i32
    %c0_i32_0 = arith.constant 0 : i32
    return %arg0, %c0_i32 : i32, i32
  }
}

module attributes {stable_mosaic.version = 14 : i64} {
  func.func @_tc_final_body(%arg0: i32, %arg1: memref<2x1024x128xf32, #tpu.memory_space<vmem>>, %arg2: memref<1024x1xf32, #tpu.memory_space<vmem>>, %arg3: memref<1024x128xf32, #tpu.memory_space<vmem>>, %arg4: memref<1x128xf32, #tpu.memory_space<vmem>>, %arg5: memref<1x128xf32, #tpu.memory_space<vmem>>, %arg6: memref<1x128xf32, #tpu.memory_space<vmem>>, %arg7: memref<1x1xf32, #tpu.memory_space<vmem>>, %arg8: memref<1024xf32, #tpu.memory_space<vmem>>, %arg9: memref<1024xf32, #tpu.memory_space<vmem>>) attributes {dimension_semantics = [#tpu.dimension_semantics<arbitrary>], iteration_bounds = array<i64: 10>, scalar_prefetch = 0 : i64, scratch_operands = 0 : i64, tpu.core_type = #tpu.core_type<tc>, window_params = [{transform_indices = @transform_0, window_bounds = array<i64: 2, 1024, 128>}, {transform_indices = @transform_1, window_bounds = array<i64: 1024, 1>}, {transform_indices = @transform_2, window_bounds = array<i64: 1024, 128>}, {pipeline_mode = #tpu.pipeline_mode<synchronous>, transform_indices = @transform_3, window_bounds = array<i64: 1, 128>}, {pipeline_mode = #tpu.pipeline_mode<synchronous>, transform_indices = @transform_4, window_bounds = array<i64: 1, 128>}, {pipeline_mode = #tpu.pipeline_mode<synchronous>, transform_indices = @transform_5, window_bounds = array<i64: 1, 128>}, {pipeline_mode = #tpu.pipeline_mode<synchronous>, transform_indices = @transform_6, window_bounds = array<i64: 1, 1>}, {transform_indices = @transform_7, window_bounds = array<i64: 1024>}, {transform_indices = @transform_8, window_bounds = array<i64: 1024>}]} {
    %get3A = arith.constant 0 : index
    %get3A_0 = arith.constant 0 : index
    %get3A_1 = arith.constant 0 : index
    %get3A_2 = vector.load %arg1[%get3A, %get3A_0, %get3A_1] : memref<2x1024x128xf32, #tpu.memory_space<vmem>>, vector<1x1024x128xf32>
    %get3A_3 = vector.shape_cast %get3A_2 : vector<1x1024x128xf32> to vector<1024x128xf32>
    %get3A_4 = arith.constant 1 : index
    %get3A_5 = arith.constant 0 : index
    %get3A_6 = arith.constant 0 : index
    %get3A_7 = vector.load %arg1[%get3A_4, %get3A_5, %get3A_6] : memref<2x1024x128xf32, #tpu.memory_space<vmem>>, vector<1x1024x128xf32>
    %get3A_8 = vector.shape_cast %get3A_7 : vector<1x1024x128xf32> to vector<1024x128xf32>
    %add3A = arith.addf %get3A_3, %get3A_8 : vector<1024x128xf32>
    %get3A_9 = arith.constant 0 : index
    %get3A_10 = arith.constant 0 : index
    %get3A_11 = vector.load %arg2[%get3A_9, %get3A_10] : memref<1024x1xf32, #tpu.memory_space<vmem>>, vector<1024x1xf32>
    %mul3A = vector.broadcast %get3A_11 : vector<1024x1xf32> to vector<1024x128xf32>
    %mul3A_12 = arith.mulf %mul3A, %add3A : vector<1024x128xf32>
    %mul3A_13 = arith.mulf %get3A_11, %get3A_11 : vector<1024x1xf32>
    %get3A_14 = arith.constant 0 : index
    %get3A_15 = arith.constant 0 : index
    %get3A_16 = vector.load %arg3[%get3A_14, %get3A_15] : memref<1024x128xf32, #tpu.memory_space<vmem>>, vector<1024x128xf32>
    %mul3A_17 = vector.broadcast %mul3A_13 : vector<1024x1xf32> to vector<1024x128xf32>
    %mul3A_18 = arith.mulf %mul3A_17, %get3A_16 : vector<1024x128xf32>
    %add3A_19 = arith.addf %mul3A_12, %mul3A_18 : vector<1024x128xf32>
    %get3A_20 = arith.constant 0 : index
    %get3A_21 = arith.constant 0 : index
    %get3A_22 = vector.load %arg4[%get3A_20, %get3A_21] : memref<1x128xf32, #tpu.memory_space<vmem>>, vector<1x128xf32>
    %add3A_23 = vector.broadcast %get3A_22 : vector<1x128xf32> to vector<1024x128xf32>
    %add3A_24 = arith.addf %add3A_19, %add3A_23 : vector<1024x128xf32>
    %convert_element_type3A = arith.truncf %add3A_24 : vector<1024x128xf32> to vector<1024x128xbf16>
    %convert_element_type3A_25 = arith.extf %convert_element_type3A : vector<1024x128xbf16> to vector<1024x128xf32>
    %get3A_26 = arith.constant 0 : index
    %get3A_27 = arith.constant 0 : index
    %get3A_28 = vector.load %arg5[%get3A_26, %get3A_27] : memref<1x128xf32, #tpu.memory_space<vmem>>, vector<1x128xf32>
    %convert_element_type3A_29 = arith.truncf %get3A_28 : vector<1x128xf32> to vector<1x128xbf16>
    %convert_element_type3A_30 = arith.extf %convert_element_type3A_29 : vector<1x128xbf16> to vector<1x128xf32>
    %get3A_31 = arith.constant 0 : index
    %get3A_32 = arith.constant 0 : index
    %get3A_33 = vector.load %arg6[%get3A_31, %get3A_32] : memref<1x128xf32, #tpu.memory_space<vmem>>, vector<1x128xf32>
    %convert_element_type3A_34 = arith.truncf %get3A_33 : vector<1x128xf32> to vector<1x128xbf16>
    %convert_element_type3A_35 = arith.extf %convert_element_type3A_34 : vector<1x128xbf16> to vector<1x128xf32>
    %mul3A_36 = vector.broadcast %convert_element_type3A_30 : vector<1x128xf32> to vector<1024x128xf32>
    %mul3A_37 = arith.mulf %convert_element_type3A_25, %mul3A_36 : vector<1024x128xf32>
    %reduce_sum3A = arith.constant dense<0.000000e+00> : vector<1024xf32>
    %reduce_sum3A_38 = vector.multi_reduction <add>, %mul3A_37, %reduce_sum3A [1] : vector<1024x128xf32> to vector<1024xf32>
    %get3A_39 = arith.constant 0 : index
    %get3A_40 = arith.constant 0 : index
    %get3A_41 = vector.load %arg7[%get3A_39, %get3A_40] : memref<1x1xf32, #tpu.memory_space<vmem>>, vector<1x1xf32>
    %get3A_42 = vector.extract %get3A_41[0, 0] : f32 from vector<1x1xf32>
    %add3A_43 = vector.broadcast %get3A_42 : f32 to vector<1024xf32>
    %add3A_44 = arith.addf %reduce_sum3A_38, %add3A_43 : vector<1024xf32>
    %swap3A = arith.constant 0 : index
    %swap3A_45 = vector.load %arg8[%swap3A] : memref<1024xf32, #tpu.memory_space<vmem>>, vector<1024xf32>
    tpu.vector_store %arg8[%swap3A], %add3A_44 {strides = array<i32>} : memref<1024xf32, #tpu.memory_space<vmem>>, vector<1024xf32>,
    %mul3A_46 = vector.broadcast %convert_element_type3A_35 : vector<1x128xf32> to vector<1024x128xf32>
    %mul3A_47 = arith.mulf %convert_element_type3A_25, %mul3A_46 : vector<1024x128xf32>
    %reduce_sum3A_48 = arith.constant dense<0.000000e+00> : vector<1024xf32>
    %reduce_sum3A_49 = vector.multi_reduction <add>, %mul3A_47, %reduce_sum3A_48 [1] : vector<1024x128xf32> to vector<1024xf32>
    %swap3A_50 = arith.constant 0 : index
    %swap3A_51 = vector.load %arg9[%swap3A_50] : memref<1024xf32, #tpu.memory_space<vmem>>, vector<1024xf32>
    tpu.vector_store %arg9[%swap3A_50], %reduce_sum3A_49 {strides = array<i32>} : memref<1024xf32, #tpu.memory_space<vmem>>, vector<1024xf32>,
    return
  }
  func.func @transform_0(%arg0: i32) -> (i32, i32, i32) {
    %c0_i32 = arith.constant 0 : i32
    %c0_i32_0 = arith.constant 0 : i32
    %c0_i32_1 = arith.constant 0 : i32
    return %c0_i32, %arg0, %c0_i32_0 : i32, i32, i32
  }
  func.func @transform_1(%arg0: i32) -> (i32, i32) {
    %c0_i32 = arith.constant 0 : i32
    %c0_i32_0 = arith.constant 0 : i32
    return %arg0, %c0_i32 : i32, i32
  }
  func.func @transform_2(%arg0: i32) -> (i32, i32) {
    %c0_i32 = arith.constant 0 : i32
    %c0_i32_0 = arith.constant 0 : i32
    return %arg0, %c0_i32 : i32, i32
  }
  func.func @transform_3(%arg0: i32) -> (i32, i32) {
    %c0_i32 = arith.constant 0 : i32
    %c0_i32_0 = arith.constant 0 : i32
    %c0_i32_1 = arith.constant 0 : i32
    return %c0_i32, %c0_i32_0 : i32, i32
  }
  func.func @transform_4(%arg0: i32) -> (i32, i32) {
    %c0_i32 = arith.constant 0 : i32
    %c0_i32_0 = arith.constant 0 : i32
    %c0_i32_1 = arith.constant 0 : i32
    return %c0_i32, %c0_i32_0 : i32, i32
  }
  func.func @transform_5(%arg0: i32) -> (i32, i32) {
    %c0_i32 = arith.constant 0 : i32
    %c0_i32_0 = arith.constant 0 : i32
    %c0_i32_1 = arith.constant 0 : i32
    return %c0_i32, %c0_i32_0 : i32, i32
  }
  func.func @transform_6(%arg0: i32) -> (i32, i32) {
    %c0_i32 = arith.constant 0 : i32
    %c0_i32_0 = arith.constant 0 : i32
    %c0_i32_1 = arith.constant 0 : i32
    return %c0_i32, %c0_i32_0 : i32, i32
  }
  func.func @transform_7(%arg0: i32) -> i32 {
    %c0_i32 = arith.constant 0 : i32
    return %arg0 : i32
  }
  func.func @transform_8(%arg0: i32) -> i32 {
    %c0_i32 = arith.constant 0 : i32
    return %arg0 : i32
  }
}

</mosaic_0001>

<sc_bundles>
// kernel: kernel.10.cloned.1.call-start
scs
__scs_entry_jumppad:
0x0: {  	(pc) =	sbr.rel $0x88, $3  }
0x1: {  	(tag) =	ssettag $0x0;
	lr =	simm.s32 $0x1  }
0x2: {  	[smem:$0x3F99] =	sst lr;
	_ =	strace $0xD0000000  }
0x3: {  	_ = 	snop  }
0x4: {  	_ = 	snop  }
0x5: {  	_ = 	snop  }
0x6: {  	_ = 	snop  }
0x7: {  	_ = 	snop  }
__scs_overlays_trampoline_lowered:
0x8: {  	[smem:$0x3FA8] =	sst s0  }
0x9: {  	[smem:$0x3FA9] =	sst s1  }
0xa: {  	[smem:$0x3FAA] =	sst s2  }
0xb: {  	[smem:$0x3FAB] =	sst s3  }
0xc: {  	[smem:$0x3FAC] =	sst s4  }
0xd: {  	[smem:$0x3FAD] =	sst s5  }
0xe: {  	[smem:$0x3FAE] =	sst s6  }
0xf: {  	[smem:$0x3FAF] =	sst s7  }
0x10: {  	[smem:$0x3FB0] =	sst s8  }
0x11: {  	[smem:$0x3FB1] =	sst s9;
	s0 =	simm.s32 @!p0 $0x0  }
0x12: {  	s1 =	sld [smem:$0x3F97];
	s0 =	simm.s32 @p0 $0x1  }
0x13: {  	[smem:$0x3FB2] =	sst s0;
	s0 =	simm.s32 @!p1 $0x0  }
0x14: {  	s2 =	sld [smem:$0x3F96];
	s0 =	simm.s32 @p1 $0x1  }
0x15: {  	[smem:$0x3FB3] =	sst s0;
	s0 =	simm.s32 @!p2 $0x0  }
0x16: {  	s3 =	sld [smem:$0x3FDB];
	s0 =	simm.s32 @p2 $0x1  }
0x17: {  	s4 =	simm.s32 $0x1BF5;
	[smem:$0x3FB5] =	sst s0  }
0x18: {  	s0 =	sld [smem:$0x3F98];
	_ =	swait.ge [sflag:s4], $0x0  }
0x19: {  	s7 =	sld [smem:$0x3F99]  }
0x1a: {  	s8 =	sadd.s32 $0xFFFFE003, lr  }
0x1b: {  	s9 =	sadd.s32 $0xFFFFFEF7, lr;
	s5 =	simm.s32 $0xFFFFFFFF;
	p2 =	slt.u32 s8, $0xFFFFF086  }
0x1c: {  	p1 =	slt.u32 s9, $0xF7A;
	s5 =	simm.s32 @!p2 $0x0  }
0x1d: {  	s5 =	simm.s32 @p1 $0x1;
	p0 =	seq.s32 s7, s2  }
0x1e: {  	s7 =	smul.u32 @!p0 $0xF7A, s2;
	p2 =	seq.s32 @!p0 s5, $0x0  }
0x1f: {  	s9 =	smul.u32 $0xF7A, s1;
	s8 =	simm.s32 @!p0 $0x1BF5;
	p2 =	por !p2, p0  }
0x20: {  	[sflag:s8] =	ssyncset.s32 @!p0 $0xFFFFF086;
	s6 =	sadd.s32 @!p0 s3, s7;
	s7 =	simm.s32 @!p0 $0x108  }
0x21: {  	s3 =	sadd.s32 s3, s9;
	s6 =	sadd.s32 @!p0 $0x88, s6;
	s7 =	simm.s32 @p2 $0x1082  }
0x22: {  	[simem:s7], [sflag:s8] =	dma.local @!p0 [hbm:s6], $0xF7A  }
0x23: {  	s9 =	sor.u32 $0xD0000000, s2;
	s6 =	simm.s32 $0x108;
	_ =	swait.ge @!p0 [sflag:s8], $0x0  }
0x24: {  	s3 =	sadd.s32 $0x88, s3;
	s6 =	simm.s32 @!p1 $0x1082;
	[sflag:s4] =	ssyncset.s32 $0xFFFFF086  }
0x25: {  	[simem:s6], [sflag:s4] =	dma.local [hbm:s3], $0xF7A  }
0x26: {  	[smem:$0x3F99] =	sst s1;
	(tag) =	ssettag s2;
	_ =	strace s9  }
0x27: {  	s1 =	sld [smem:$0x3FA9]  }
0x28: {  	s2 =	sld [smem:$0x3FAA]  }
0x29: {  	s4 =	sld [smem:$0x3FAC]  }
0x2a: {  	p0 =	seq.s32 s5, $0x0;
	s5 =	sld [smem:$0x3FAD]  }
0x2b: {  	s6 =	sld [smem:$0x3FAE]  }
0x2c: {  	s7 =	sld [smem:$0x3FAF]  }
0x2d: {  	s3 =	simm.s32 $0x108;
	s8 =	sld [smem:$0x3FB0]  }
0x2e: {  	s3 =	simm.s32 @!p0 $0x1082;
	s9 =	sld [smem:$0x3FB1]  }
0x2f: {  	lr =	sadd.s32 s0, s3;
	s0 =	sld [smem:$0x3FA8]  }
0x30: {  	s3 =	sld [smem:$0x3FAB]  }
0x31: {  	[smem:$0x3FB4] =	sst s10  }
0x32: {  	s10 =	sld [smem:$0x3FB2];
	_ =	sdelay $0x3  }
0x33: {  	p0 =	seq.s32 s10, $0x1;
	s10 =	sld [smem:$0x3FB4];
	_ =	sdelay $0x3  }
0x34: {  	[smem:$0x3FB4] =	sst s10  }
0x35: {  	s10 =	sld [smem:$0x3FB3];
	_ =	sdelay $0x3  }
0x36: {  	p1 =	seq.s32 s10, $0x1;
	s10 =	sld [smem:$0x3FB4];
	_ =	sdelay $0x3  }
0x37: {  	[smem:$0x3FB4] =	sst s10  }
0x38: {  	s10 =	sld [smem:$0x3FB5]  }
0x39: {  	_ = 	snop;
	(pc) =	sbr.ind lr, $3  }
0x3a: {  	_ = 	snop  }
0x3b: {  	_ = 	snop  }
0x3c: {  	p2 =	seq.s32 s10, $0x1;
	s10 =	sld [smem:$0x3FB4]  }
0x3d: {  	_ =	shalt  }
0x3e: {  	_ =	shalt  }
0x3f: {  	_ =	shalt  }
0x40: {  	_ =	shalt  }
0x41: {  	_ =	shalt  }
0x42: {  	_ =	shalt  }
0x43: {  	_ =	shalt  }
0x44: {  	_ =	shalt  }
0x45: {  	_ =	shalt  }
0x46: {  	_ =	shalt  }
0x47: {  	_ =	shalt  }
0x48: {  	_ =	shalt  }
0x49: {  	_ =	shalt  }
0x4a: {  	_ =	shalt  }
0x4b: {  	_ =	shalt  }
0x4c: {  	_ =	shalt  }
0x4d: {  	_ =	shalt  }
0x4e: {  	_ =	shalt  }
0x4f: {  	_ =	shalt  }
0x50: {  	_ =	shalt  }
0x51: {  	_ =	shalt  }
0x52: {  	_ =	shalt  }
0x53: {  	_ =	shalt  }
0x54: {  	_ =	shalt  }
0x55: {  	_ =	shalt  }
0x56: {  	_ =	shalt  }
0x57: {  	_ =	shalt  }
0x58: {  	_ =	shalt  }
0x59: {  	_ =	shalt  }
0x5a: {  	_ =	shalt  }
0x5b: {  	_ =	shalt  }
0x5c: {  	_ =	shalt  }
0x5d: {  	_ =	shalt  }
0x5e: {  	_ =	shalt  }
0x5f: {  	_ =	shalt  }
0x60: {  	_ =	shalt  }
0x61: {  	_ =	shalt  }
0x62: {  	_ =	shalt  }
0x63: {  	_ =	shalt  }
0x64: {  	_ =	shalt  }
0x65: {  	_ =	shalt  }
0x66: {  	_ =	shalt  }
0x67: {  	_ =	shalt  }
0x68: {  	_ =	shalt  }
0x69: {  	_ =	shalt  }
0x6a: {  	_ =	shalt  }
0x6b: {  	_ =	shalt  }
0x6c: {  	_ =	shalt  }
0x6d: {  	_ =	shalt  }
0x6e: {  	_ =	shalt  }
0x6f: {  	_ =	shalt  }
0x70: {  	_ =	shalt  }
0x71: {  	_ =	shalt  }
0x72: {  	_ =	shalt  }
0x73: {  	_ =	shalt  }
0x74: {  	_ =	shalt  }
0x75: {  	_ =	shalt  }
0x76: {  	_ =	shalt  }
0x77: {  	_ =	shalt  }
0x78: {  	_ =	shalt  }
0x79: {  	_ =	shalt  }
0x7a: {  	_ =	shalt  }
0x7b: {  	_ =	shalt  }
0x7c: {  	_ =	shalt  }
0x7d: {  	_ =	shalt  }
0x7e: {  	_ =	shalt  }
0x7f: {  	_ =	shalt  }
0x80: {  	_ =	shalt  }
0x81: {  	_ =	shalt  }
0x82: {  	_ =	shalt  }
0x83: {  	_ =	shalt  }
0x84: {  	_ =	shalt  }
0x85: {  	_ =	shalt  }
0x86: {  	_ =	shalt  }
0x87: {  	_ =	shalt  }
.Lfunc_end0:
.L_simem_size_0:
called_computation_lowered:
.L_overlay_start_0:
0x88: {  	s2 =	sld [smem:$0x3FD9]  }
0x89: {  	s3 =	sld [smem:$0x3FFE];
	_ =	sdelay $0x1  }
0x8a: {  	s1 =	srdreg.scid  }
0x8b: {  	s0 =	sand.u32 $0x1, s1  }
0x8c: {  	s17 =	sshll.u32 s0, $0xA;
	s2 =	sadd.s32 s3, s2  }
0x8d: {  	s2 =	sadd.s32 s2, s17  }
0x8e: {  	[smem:$0x3FC0] =	sst s2  }
0x8f: {  	_ = 	snop  }
0x90: {  	s2 =	sld [smem:$0x3FD0];
	(tm) =	ssettm $0x1  }
0x91: {  	s18 =	sld [smem:$0x3FFB];
	_ =	sdelay $0x3  }
0x92: {  	_ =	strace s18  }
0x93: {  	s3 =	sld [smem:$0x3FFC];
	_ =	sdelay $0x3  }
0x94: {  	_ =	strace s3  }
0x95: {  	s3 =	sld [smem:$0x3FFD];
	_ =	sdelay $0x3  }
0x96: {  	_ =	strace s3  }
0x97: {  	_ =	strace $0x8FFFFFFF  }
0x98: {  	s19 =	sld [smem:$0x3FDB];
	_ =	sdelay $0x1  }
0x99: {  	s4 =	simm.s32 $_scs_section_size  }
0x9a: {  	s5 =	simm.s32 $_size__tile_overlayer_lowered;
	s6 =	simm.s32 $_tile_overlayer_lowered  }
0x9b: {  	s22 =	simm.s32 $0x1BFF;
	s21 =	sshll.u32 s6, $0x1;
	s3 =	sadd.s32 s4, s19  }
0x9c: {  	s7 =	simm.s32 $0x0;
	s20 =	sshll.u32 s5, $0x1;
	s5 =	sadd.s32 s21, s3  }
0x9d: {  	[timem:s7], [sflag:s22] =	dma.local [hbm:s5], s20  }
0x9e: {  	_ =	swait.ge [sflag:s22], s20  }
0x9f: {  	s4 =	ssub.s32 $0x0, s20;
	[sflag:s22] =	ssyncset.done $0x0  }
0xa0: {  	[sflag:s22] =	ssyncadd.s32 s4;
	_ =	sdelay $0x1  }
0xa1: {  	s23 =	simm.s32 $0x1B8B  }
0xa2: {  	_ =	swait.ge [sflag:s23], $0x1  }
0xa3: {  	[sflag:s23] =	ssyncset.done $0x0  }
0xa4: {  	s25 =	simm.s32 $0x1B8E;
	s24 =	sld [smem:$0x3FFE];
	[sflag:s23] =	ssyncadd.s32 $0xFFFFFFFF  }
0xa5: {  	s26 =	simm.s32 $execute0_lowered;
	[smem:$0x3FD2] =	sst s25  }
0xa6: {  	s5 =	sshll.u32 s26, $0x1;
	_ =	strace $0x80000046;
	[dreg:$0x1] =	wrdreg $0xFFFFFFFF  }
0xa7: {  	s28 =	simm.s32 $_size_execute0_lowered;
	s3 =	sadd.s32 s3, s5;
	[dreg:$0x0] =	wrdreg $0x0  }
0xa8: {  	s5 =	sshll.u32 s28, $0x1;
	[dreg:$0x2] =	wrdreg s3  }
0xa9: {  	[dreg:$0x3] =	wrdreg s5  }
0xaa: {  	[dreg:$0x4] =	wrdreg $0xC0  }
0xab: {  	_ =	task [dreg:s7], $0x5FFFF  }
0xac: {  	[dreg:$0x1] =	wrdreg $0xFFFFFFFF  }
0xad: {  	[dreg:$0x0] =	wrdreg $0x60  }
0xae: {  	[dreg:$0x2] =	wrdreg s24  }
0xaf: {  	[dreg:$0x3] =	wrdreg s2  }
0xb0: {  	[dreg:$0x4] =	wrdreg $0x9  }
0xb1: {  	_ =	task.clear_ibuf [dreg:s7], $0x5FFFF;
	_ =	strace $0x90000046  }
0xb2: {  	s29 =	simm.s32 $0x9;
	_ =	strace $0x80000048  }
0xb3: {  	_ =	swait.ge [sflag:s29], $0x1  }
0xb4: {  	[sflag:s29] =	ssyncadd.s32 $0xFFFFFFFF  }
0xb5: {  	_ =	strace $0x90000048  }
0xb6: {  	_ =	sfence  }
0xb7: {  	s30 =	sld [smem:$0x0];
	_ =	sdelay $0x2  }
0xb8: {  	s31 =	sshll.u32 s1, $0xD;
	s1 =	sshrl.u32 s1, $0x2  }
0xb9: {  	s3 =	sand.u32 $0x4000, s31;
	s1 =	sadd.s32 s1, s30  }
0xba: {  	s0 =	sor.u32 s3, s0;
	s1 =	sshll.u32 s1, $0x11  }
0xbb: {  	s0 =	sor.u32 s1, s0  }
0xbc: {  	s0 =	sadd.s32 $0x8F2B, s0  }
0xbd: {  	[sflag:s0] =	ssyncadd.remote.s32 $0x1  }
0xbe: {  	_ =	sfence.sel $0xFFFF  }
0xbf: {  	[dreg:$0x0] =	wrdreg $0xFFFFFFFF;
	(pc) =	sbr.abs _section_cstart, $3  }
0xc0: {  	[dreg:$0x1] =	wrdreg $0xFFFFFFFF  }
0xc1: {  	_ =	task.clear_ibuf [dreg:s7], $0x2FFFF;
	_ =	strace $0x9FFFFFFF  }
0xc2: {  	(tm) =	ssettm $0x7FFFFFFF  }
0xc3: {  	_ =	shalt  }
tec
execute0_lowered:
.L_overlay_start_1:
0x0: {  	(tag) =	ssettag $0x1  }
0x1: {  	s4 =	rddreg [dreg:$0x0]  }
0x2: {  	s1 =	srdreg.scid;
	s0 =	stileid.u32  }
0x3: {  	s2 =	rddreg [dreg:$0x1];
	s3 =	simm.s32 $0x0;
	s9 =	simm.s32 $0x0  }
0x4: {  	s5 =	sand.u32 $0x1, s1;
	s6 =	sshll.u32 s0, $0x1;
	s1 =	rddreg [dreg:$0x2]  }
0x5: {  	[smem:$0x7FF] =	sst s3;
	s6 =	sor.u32 s5, s6;
	s5 =	ssub.s32 $0x2, s5  }
0x6: {  	s7 =	smul.u32 $0x500, s6;
	s6 =	sshll.u32 s6, $0xB;
	s8 =	sshrl.u32 s5, $0x1  }
0x7: {  	_ =	strace $0x80000047;
	s6 =	sadd.s32 s6, s4;
	s8 =	ssub.s32 s5, s8  }
0x8: {  	s7 =	sadd.s32 s7, s4;
	s4 =	sadd.s32 $0x13600, s6;
	s6 =	smax.u32 s8, $0x1  }
0x9: {  	v0 =	vimm.f32 $1.000000000e+00;
	s8 =	simm.s32 $0x4000;
	s5 =	sadd.s32 $0x23600, s7;
	s7 =	simm.s32 $0x1  }
.LBB2_1:
0xa: {  	[tilespmem:s3], [sflag:$0x1] =	stream.linear.gather [hbm4b:s4+s3], $0x3E80, $0x38;
	[tilespmem:$0x6800] =	vst v63  }
0xb: {  	_ =	swait.ge [sflag:s7], $0x3E80  }
0xc: {  	[sflag:s7] =	ssyncset.done $0x0  }
0xd: {  	[sflag:s7] =	ssyncadd.s32 $0xFFFFC180  }
0xe: {  	[tilespmem:s8], [sflag:$0x1] =	stream.linear.gather [hbm4b:s2+s3], $0x2800, $0x38;
	[tilespmem:$0x6800] =	vst v63  }
0xf: {  	_ =	swait.ge [sflag:s7], $0x2800  }
0x10: {  	[sflag:s7] =	ssyncset.done $0x0  }
0x11: {  	s10 =	simm.s32 $0x0;
	[sflag:s7] =	ssyncadd.s32 $0xFFFFD800  }
.LBB2_2:
0x12: {  	s11 =	sshra.s32 s10, $0x2  }
0x13: {  	v1 =	vld [tilespmem:s11+$0x0];
	_ =	sdelay $0x7  }
0x14: {  	[tilespmem:v1+s8+$0x0] =	vst.idx.add.f32.msk $0xffff, v0  }
0x15: {  	v1 =	vld [tilespmem:s11+$0x10];
	_ =	sdelay $0x7  }
0x16: {  	[tilespmem:v1+s8+$0x0] =	vst.idx.add.f32.msk $0xffff, v0  }
0x17: {  	v1 =	vld [tilespmem:s11+$0x20];
	_ =	sdelay $0x7  }
0x18: {  	[tilespmem:v1+s8+$0x0] =	vst.idx.add.f32.msk $0xffff, v0  }
0x19: {  	v1 =	vld [tilespmem:s11+$0x30];
	_ =	sdelay $0x7  }
0x1a: {  	[tilespmem:v1+s8+$0x0] =	vst.idx.add.f32.msk $0xffff, v0  }
0x1b: {  	v1 =	vld [tilespmem:s11+$0x40];
	_ =	sdelay $0x2  }
0x1c: {  	p0 =	sne.s32 s10, $0xF800  }
.Ltmp0:
0x1d: {  	_ = 	snop;
	(pc) =	sbr.rel @p0 .LBB2_2-.Ltmp0, $2  }
0x1e: {  	_ =	sdelay $0x2  }
0x1f: {  	s10 =	sadd.s32 $0x200, s10;
	[tilespmem:v1+s8+$0x0] =	vst.idx.add.f32.msk $0xffff, v0  }
0x20: {  	s9 =	sadd.s32 $0x1, s9  }
0x21: {  	p0 =	sne.s32 s9, s6  }
.Ltmp1:
0x22: {  	_ = 	snop;
	(pc) =	sbr.rel @p0 .LBB2_1-.Ltmp1, $4  }
0x23: {  	[hbm4b:s5+s3] =	stream.linear.scatter [tilespmem:s8], [sflag:$0x1], $0x2800, $0x38;
	[tilespmem:$0x6800] =	vst v63  }
0x24: {  	_ =	swait.ge [sflag:s7], $0x2800  }
0x25: {  	[sflag:s7] =	ssyncset.done $0x0  }
0x26: {  	[sflag:s7] =	ssyncadd.s32 $0xFFFFD800  }
0x27: {  	_ =	sfence.sel $0x180000  }
0x28: {  	[bflag:$0x0] =	sbarrier.arrive $0xFFFF  }
0x29: {  	p0 =	sne.s32 s0, $0x0;
	_ =	strace $0x90000047  }
0x2a: {  	s0 =	sadd.s32 @!p0 $0x100000, s1;
	[bflag:$0x2] =	sbarrier.arrive $0xFFFF  }
0x2b: {  	[sflag:s0] =	ssyncadd.tile.s32 @!p0 $0x1;
	_ =	shalt  }
.Lfunc_end2:
_tile_overlayer_lowered:
.L_overlay_start_2:
0x2c: {  	(tag) =	ssettag $0x2  }
0x2d: {  	s0 =	rddreg [dreg:$0x0];
	s2 =	stileid.u32  }
0x2e: {  	s1 =	rddreg [dreg:$0x1];
	p0 =	sne.s32 s2, $0x0  }
0x2f: {  	s3 =	rddreg [dreg:$0x2];
	[bflag:$0x3] =	sbarrier.arrive $0xFFFF;
	s2 =	simm.s32 @!p0 $0x1C01  }
0x30: {  	[timem:s3], [sflag:s2] =	dma.local @!p0 [hbm:s0], s1  }
0x31: {  	s0 =	simm.s32 @!p0 $0x1  }
0x32: {  	_ =	swait.ge @!p0 [sflag:s0], s1  }
0x33: {  	s1 =	ssub.s32 @!p0 $0x0, s1;
	[sflag:s0] =	ssyncset.done @!p0 $0x0  }
0x34: {  	[sflag:s0] =	ssyncadd.s32 @!p0 s1  }
0x35: {  	[bflag:$0x3] =	sbarrier.arrive $0xFFFF  }
0x36: {  	_ =	shalt  }

// kernel: kernel.13.cloned.1.call-start
scs
__scs_entry_jumppad:
0x0: {  	(pc) =	sbr.rel $0x88, $3  }
0x1: {  	(tag) =	ssettag $0x0;
	lr =	simm.s32 $0x1  }
0x2: {  	[smem:$0x3F99] =	sst lr;
	_ =	strace $0xD0000000  }
0x3: {  	_ = 	snop  }
0x4: {  	_ = 	snop  }
0x5: {  	_ = 	snop  }
0x6: {  	_ = 	snop  }
0x7: {  	_ = 	snop  }
__scs_overlays_trampoline_lowered:
0x8: {  	[smem:$0x3FA8] =	sst s0  }
0x9: {  	[smem:$0x3FA9] =	sst s1  }
0xa: {  	[smem:$0x3FAA] =	sst s2  }
0xb: {  	[smem:$0x3FAB] =	sst s3  }
0xc: {  	[smem:$0x3FAC] =	sst s4  }
0xd: {  	[smem:$0x3FAD] =	sst s5  }
0xe: {  	[smem:$0x3FAE] =	sst s6  }
0xf: {  	[smem:$0x3FAF] =	sst s7  }
0x10: {  	[smem:$0x3FB0] =	sst s8  }
0x11: {  	[smem:$0x3FB1] =	sst s9;
	s0 =	simm.s32 @!p0 $0x0  }
0x12: {  	s1 =	sld [smem:$0x3F97];
	s0 =	simm.s32 @p0 $0x1  }
0x13: {  	[smem:$0x3FB2] =	sst s0;
	s0 =	simm.s32 @!p1 $0x0  }
0x14: {  	s2 =	sld [smem:$0x3F96];
	s0 =	simm.s32 @p1 $0x1  }
0x15: {  	[smem:$0x3FB3] =	sst s0;
	s0 =	simm.s32 @!p2 $0x0  }
0x16: {  	s3 =	sld [smem:$0x3FDB];
	s0 =	simm.s32 @p2 $0x1  }
0x17: {  	s4 =	simm.s32 $0x1BF5;
	[smem:$0x3FB5] =	sst s0  }
0x18: {  	s0 =	sld [smem:$0x3F98];
	_ =	swait.ge [sflag:s4], $0x0  }
0x19: {  	s7 =	sld [smem:$0x3F99]  }
0x1a: {  	s8 =	sadd.s32 $0xFFFFE003, lr  }
0x1b: {  	s9 =	sadd.s32 $0xFFFFFEF7, lr;
	s5 =	simm.s32 $0xFFFFFFFF;
	p2 =	slt.u32 s8, $0xFFFFF086  }
0x1c: {  	p1 =	slt.u32 s9, $0xF7A;
	s5 =	simm.s32 @!p2 $0x0  }
0x1d: {  	s5 =	simm.s32 @p1 $0x1;
	p0 =	seq.s32 s7, s2  }
0x1e: {  	s7 =	smul.u32 @!p0 $0xF7A, s2;
	p2 =	seq.s32 @!p0 s5, $0x0  }
0x1f: {  	s9 =	smul.u32 $0xF7A, s1;
	s8 =	simm.s32 @!p0 $0x1BF5;
	p2 =	por !p2, p0  }
0x20: {  	[sflag:s8] =	ssyncset.s32 @!p0 $0xFFFFF086;
	s6 =	sadd.s32 @!p0 s3, s7;
	s7 =	simm.s32 @!p0 $0x108  }
0x21: {  	s3 =	sadd.s32 s3, s9;
	s6 =	sadd.s32 @!p0 $0x88, s6;
	s7 =	simm.s32 @p2 $0x1082  }
0x22: {  	[simem:s7], [sflag:s8] =	dma.local @!p0 [hbm:s6], $0xF7A  }
0x23: {  	s9 =	sor.u32 $0xD0000000, s2;
	s6 =	simm.s32 $0x108;
	_ =	swait.ge @!p0 [sflag:s8], $0x0  }
0x24: {  	s3 =	sadd.s32 $0x88, s3;
	s6 =	simm.s32 @!p1 $0x1082;
	[sflag:s4] =	ssyncset.s32 $0xFFFFF086  }
0x25: {  	[simem:s6], [sflag:s4] =	dma.local [hbm:s3], $0xF7A  }
0x26: {  	[smem:$0x3F99] =	sst s1;
	(tag) =	ssettag s2;
	_ =	strace s9  }
0x27: {  	s1 =	sld [smem:$0x3FA9]  }
0x28: {  	s2 =	sld [smem:$0x3FAA]  }
0x29: {  	s4 =	sld [smem:$0x3FAC]  }
0x2a: {  	p0 =	seq.s32 s5, $0x0;
	s5 =	sld [smem:$0x3FAD]  }
0x2b: {  	s6 =	sld [smem:$0x3FAE]  }
0x2c: {  	s7 =	sld [smem:$0x3FAF]  }
0x2d: {  	s3 =	simm.s32 $0x108;
	s8 =	sld [smem:$0x3FB0]  }
0x2e: {  	s3 =	simm.s32 @!p0 $0x1082;
	s9 =	sld [smem:$0x3FB1]  }
0x2f: {  	lr =	sadd.s32 s0, s3;
	s0 =	sld [smem:$0x3FA8]  }
0x30: {  	s3 =	sld [smem:$0x3FAB]  }
0x31: {  	[smem:$0x3FB4] =	sst s10  }
0x32: {  	s10 =	sld [smem:$0x3FB2];
	_ =	sdelay $0x3  }
0x33: {  	p0 =	seq.s32 s10, $0x1;
	s10 =	sld [smem:$0x3FB4];
	_ =	sdelay $0x3  }
0x34: {  	[smem:$0x3FB4] =	sst s10  }
0x35: {  	s10 =	sld [smem:$0x3FB3];
	_ =	sdelay $0x3  }
0x36: {  	p1 =	seq.s32 s10, $0x1;
	s10 =	sld [smem:$0x3FB4];
	_ =	sdelay $0x3  }
0x37: {  	[smem:$0x3FB4] =	sst s10  }
0x38: {  	s10 =	sld [smem:$0x3FB5]  }
0x39: {  	_ = 	snop;
	(pc) =	sbr.ind lr, $3  }
0x3a: {  	_ = 	snop  }
0x3b: {  	_ = 	snop  }
0x3c: {  	p2 =	seq.s32 s10, $0x1;
	s10 =	sld [smem:$0x3FB4]  }
0x3d: {  	_ =	shalt  }
0x3e: {  	_ =	shalt  }
0x3f: {  	_ =	shalt  }
0x40: {  	_ =	shalt  }
0x41: {  	_ =	shalt  }
0x42: {  	_ =	shalt  }
0x43: {  	_ =	shalt  }
0x44: {  	_ =	shalt  }
0x45: {  	_ =	shalt  }
0x46: {  	_ =	shalt  }
0x47: {  	_ =	shalt  }
0x48: {  	_ =	shalt  }
0x49: {  	_ =	shalt  }
0x4a: {  	_ =	shalt  }
0x4b: {  	_ =	shalt  }
0x4c: {  	_ =	shalt  }
0x4d: {  	_ =	shalt  }
0x4e: {  	_ =	shalt  }
0x4f: {  	_ =	shalt  }
0x50: {  	_ =	shalt  }
0x51: {  	_ =	shalt  }
0x52: {  	_ =	shalt  }
0x53: {  	_ =	shalt  }
0x54: {  	_ =	shalt  }
0x55: {  	_ =	shalt  }
0x56: {  	_ =	shalt  }
0x57: {  	_ =	shalt  }
0x58: {  	_ =	shalt  }
0x59: {  	_ =	shalt  }
0x5a: {  	_ =	shalt  }
0x5b: {  	_ =	shalt  }
0x5c: {  	_ =	shalt  }
0x5d: {  	_ =	shalt  }
0x5e: {  	_ =	shalt  }
0x5f: {  	_ =	shalt  }
0x60: {  	_ =	shalt  }
0x61: {  	_ =	shalt  }
0x62: {  	_ =	shalt  }
0x63: {  	_ =	shalt  }
0x64: {  	_ =	shalt  }
0x65: {  	_ =	shalt  }
0x66: {  	_ =	shalt  }
0x67: {  	_ =	shalt  }
0x68: {  	_ =	shalt  }
0x69: {  	_ =	shalt  }
0x6a: {  	_ =	shalt  }
0x6b: {  	_ =	shalt  }
0x6c: {  	_ =	shalt  }
0x6d: {  	_ =	shalt  }
0x6e: {  	_ =	shalt  }
0x6f: {  	_ =	shalt  }
0x70: {  	_ =	shalt  }
0x71: {  	_ =	shalt  }
0x72: {  	_ =	shalt  }
0x73: {  	_ =	shalt  }
0x74: {  	_ =	shalt  }
0x75: {  	_ =	shalt  }
0x76: {  	_ =	shalt  }
0x77: {  	_ =	shalt  }
0x78: {  	_ =	shalt  }
0x79: {  	_ =	shalt  }
0x7a: {  	_ =	shalt  }
0x7b: {  	_ =	shalt  }
0x7c: {  	_ =	shalt  }
0x7d: {  	_ =	shalt  }
0x7e: {  	_ =	shalt  }
0x7f: {  	_ =	shalt  }
0x80: {  	_ =	shalt  }
0x81: {  	_ =	shalt  }
0x82: {  	_ =	shalt  }
0x83: {  	_ =	shalt  }
0x84: {  	_ =	shalt  }
0x85: {  	_ =	shalt  }
0x86: {  	_ =	shalt  }
0x87: {  	_ =	shalt  }
.Lfunc_end0:
.L_simem_size_0:
called_computation.1_lowered:
.L_overlay_start_0:
0x88: {  	s2 =	sld [smem:$0x3FD9]  }
0x89: {  	s3 =	sld [smem:$0x3FFE];
	_ =	sdelay $0x1  }
0x8a: {  	s1 =	srdreg.scid  }
0x8b: {  	s0 =	sand.u32 $0x1, s1  }
0x8c: {  	s17 =	sshll.u32 s0, $0xA;
	s2 =	sadd.s32 s3, s2  }
0x8d: {  	s2 =	sadd.s32 s2, s17  }
0x8e: {  	[smem:$0x3FC0] =	sst s2  }
0x8f: {  	_ = 	snop  }
0x90: {  	s2 =	sld [smem:$0x3FD0];
	(tm) =	ssettm $0x1  }
0x91: {  	s18 =	sld [smem:$0x3FFB];
	_ =	sdelay $0x3  }
0x92: {  	_ =	strace s18  }
0x93: {  	s3 =	sld [smem:$0x3FFC];
	_ =	sdelay $0x3  }
0x94: {  	_ =	strace s3  }
0x95: {  	s3 =	sld [smem:$0x3FFD];
	_ =	sdelay $0x3  }
0x96: {  	_ =	strace s3  }
0x97: {  	_ =	strace $0x8FFFFFFF  }
0x98: {  	s19 =	sld [smem:$0x3FDB];
	_ =	sdelay $0x1  }
0x99: {  	s4 =	simm.s32 $_scs_section_size  }
0x9a: {  	s5 =	simm.s32 $_size__tile_overlayer_lowered;
	s6 =	simm.s32 $_tile_overlayer_lowered  }
0x9b: {  	s22 =	simm.s32 $0x1BFF;
	s21 =	sshll.u32 s6, $0x1;
	s3 =	sadd.s32 s4, s19  }
0x9c: {  	s7 =	simm.s32 $0x0;
	s20 =	sshll.u32 s5, $0x1;
	s5 =	sadd.s32 s21, s3  }
0x9d: {  	[timem:s7], [sflag:s22] =	dma.local [hbm:s5], s20  }
0x9e: {  	_ =	swait.ge [sflag:s22], s20  }
0x9f: {  	s4 =	ssub.s32 $0x0, s20;
	[sflag:s22] =	ssyncset.done $0x0  }
0xa0: {  	[sflag:s22] =	ssyncadd.s32 s4;
	_ =	sdelay $0x1  }
0xa1: {  	s23 =	simm.s32 $0x1B8B  }
0xa2: {  	_ =	swait.ge [sflag:s23], $0x1  }
0xa3: {  	[sflag:s23] =	ssyncset.done $0x0  }
0xa4: {  	s25 =	simm.s32 $0x1B8E;
	s24 =	sld [smem:$0x3FFE];
	[sflag:s23] =	ssyncadd.s32 $0xFFFFFFFF  }
0xa5: {  	s26 =	simm.s32 $execute0_lowered;
	[smem:$0x3FD2] =	sst s25  }
0xa6: {  	s5 =	sshll.u32 s26, $0x1;
	_ =	strace $0x80000049;
	[dreg:$0x1] =	wrdreg $0xFFFFFFFF  }
0xa7: {  	s28 =	simm.s32 $_size_execute0_lowered;
	s3 =	sadd.s32 s3, s5;
	[dreg:$0x0] =	wrdreg $0x0  }
0xa8: {  	s5 =	sshll.u32 s28, $0x1;
	[dreg:$0x2] =	wrdreg s3  }
0xa9: {  	[dreg:$0x3] =	wrdreg s5  }
0xaa: {  	[dreg:$0x4] =	wrdreg $0xC0  }
0xab: {  	_ =	task [dreg:s7], $0x5FFFF  }
0xac: {  	[dreg:$0x1] =	wrdreg $0xFFFFFFFF  }
0xad: {  	[dreg:$0x0] =	wrdreg $0x60  }
0xae: {  	[dreg:$0x2] =	wrdreg s24  }
0xaf: {  	[dreg:$0x3] =	wrdreg s2  }
0xb0: {  	[dreg:$0x4] =	wrdreg $0xEE200  }
0xb1: {  	[dreg:$0x5] =	wrdreg $0x9  }
0xb2: {  	_ =	task.clear_ibuf [dreg:s7], $0x6FFFF;
	_ =	strace $0x90000049  }
0xb3: {  	s29 =	simm.s32 $0x9;
	_ =	strace $0x8000004B  }
0xb4: {  	_ =	swait.ge [sflag:s29], $0x1  }
0xb5: {  	[sflag:s29] =	ssyncadd.s32 $0xFFFFFFFF  }
0xb6: {  	_ =	strace $0x9000004B  }
0xb7: {  	_ =	sfence  }
0xb8: {  	s30 =	sld [smem:$0x0];
	_ =	sdelay $0x2  }
0xb9: {  	s31 =	sshll.u32 s1, $0xD;
	s1 =	sshrl.u32 s1, $0x2  }
0xba: {  	s3 =	sand.u32 $0x4000, s31;
	s1 =	sadd.s32 s1, s30  }
0xbb: {  	s0 =	sor.u32 s3, s0;
	s1 =	sshll.u32 s1, $0x11  }
0xbc: {  	s0 =	sor.u32 s1, s0  }
0xbd: {  	s0 =	sadd.s32 $0x8F2B, s0  }
0xbe: {  	[sflag:s0] =	ssyncadd.remote.s32 $0x1  }
0xbf: {  	_ =	sfence.sel $0xFFFF  }
0xc0: {  	[dreg:$0x0] =	wrdreg $0xFFFFFFFF;
	(pc) =	sbr.abs _section_cstart, $3  }
0xc1: {  	[dreg:$0x1] =	wrdreg $0xFFFFFFFF  }
0xc2: {  	_ =	task.clear_ibuf [dreg:s7], $0x2FFFF;
	_ =	strace $0x9FFFFFFF  }
0xc3: {  	(tm) =	ssettm $0x7FFFFFFF  }
tec
execute0_lowered:
.L_overlay_start_1:
0x0: {  	(tag) =	ssettag $0x1  }
0x1: {  	s0 =	srdreg.scid;
	s2 =	rddreg [dreg:$0x0]  }
0x2: {  	s4 =	stileid.u32;
	s3 =	rddreg [dreg:$0x2];
	s7 =	simm.s32 $0x0  }
0x3: {  	s11 =	simm.s32 $0x11;
	s15 =	simm.s32 $0x50;
	s16 =	simm.s32 $0x4E20  }
0x4: {  	s17 =	simm.s32 $0x6220;
	s19 =	simm.s32 $0x7620;
	s21 =	simm.s32 $0x8A20  }
0x5: {  	s22 =	simm.s32 $0x1;
	s28 =	simm.s32 $0x5;
	s8 =	simm.s32 $0x0  }
0x6: {  	s0 =	sand.u32 $0x1, s0;
	s1 =	sshll.u32 s4, $0x1;
	s6 =	smul.u32 $0x14000, s4  }
0x7: {  	[smem:$0x7FF] =	sst s7;
	s23 =	smul.u32 $0x28000, s4;
	s31 =	sshll.u32 s4, $0x6  }
0x8: {  	s1 =	sor.u32 s0, s1;
	s5 =	smul.u32 $0x140000, s0;
	_ =	strace $0x8000004A  }
0x9: {  	s0 =	ssub.s32 $0x2, s0;
	s7 =	sor.u32 $0x1C11, s31;
	s1 =	smul.u32 $0x2710, s1  }
0xa: {  	s24 =	sshrl.u32 s0, $0x1;
	s26 =	sshrl.u32 s23, $0x2;
	s23 =	simm.s32 $0x9E20  }
0xb: {  	[dreg:$0x9] =	wrdreg s7;
	s5 =	sadd.s32 s6, s5;
	s0 =	ssub.s32 s0, s24  }
0xc: {  	s29 =	sadd.s32 s26, s3;
	s24 =	simm.s32 $0x2;
	s1 =	sshrl.u32 s1, $0x3  }
0xd: {  	s6 =	sshrl.u32 s5, $0x3;
	s5 =	sadd.s32 $0x41000, s2;
	s0 =	smax.u32 s0, $0x1  }
0xe: {  	s9 =	sshrl.u32 s29, $0x3;
	s1 =	sadd.s32 s1, s2;
	[dreg:$0x8] =	wrdreg s0  }
.Ltmp0:
0xf: {  	[dreg:$0xa] =	wrdreg s9;
	s25 =	sadd.s32 $0x2D600, s1;
	(pc) =	sbr.rel .LBB2_1-.Ltmp0, $4  }
0x10: {  	s2 =	sadd.s32 s6, s2;
	s1 =	sadd.s32 $0x37240, s1;
	[dreg:$0x4] =	wrdreg s25  }
0x11: {  	s26 =	simm.s32 $0x4;
	s30 =	sadd.s32 $0x68200, s2;
	[dreg:$0x5] =	wrdreg s1  }
0x12: {  	s6 =	simm.s32 $0x10;
	s2 =	sadd.s32 $0x68208, s2;
	[dreg:$0x6] =	wrdreg s30  }
0x13: {  	[dreg:$0x7] =	wrdreg s2;
	s25 =	simm.s32 $0x3;
	s1 =	simm.s32 $0xC  }
.LBB2_9:
0x14: {  	s0 =	simm.s32 $0x9  }
0x15: {  	_ =	swait.ge [sflag:s0], $0x1400  }
0x16: {  	[sflag:s0] =	ssyncset.done $0x0  }
0x17: {  	s13 =	simm.s32 $0xA;
	[sflag:s0] =	ssyncadd.s32 $0xFFFFEC00  }
0x18: {  	_ =	swait.ge [sflag:s13], $0x1400  }
0x19: {  	[sflag:s13] =	ssyncset.done $0x0  }
0x1a: {  	s14 =	simm.s32 $0xB;
	[sflag:s13] =	ssyncadd.s32 $0xFFFFEC00  }
0x1b: {  	_ =	swait.ge [sflag:s14], $0x1400  }
0x1c: {  	[sflag:s14] =	ssyncset.done $0x0  }
0x1d: {  	[sflag:s14] =	ssyncadd.s32 $0xFFFFEC00  }
0x1e: {  	_ =	swait.ge [sflag:s1], $0x1400  }
0x1f: {  	[sflag:s1] =	ssyncset.done $0x0  }
0x20: {  	s18 =	simm.s32 $0xD;
	[sflag:s1] =	ssyncadd.s32 $0xFFFFEC00  }
0x21: {  	_ =	swait.ge [sflag:s18], $0x1400  }
0x22: {  	[sflag:s18] =	ssyncset.done $0x0  }
0x23: {  	s20 =	simm.s32 $0xE;
	[sflag:s18] =	ssyncadd.s32 $0xFFFFEC00  }
0x24: {  	_ =	swait.ge [sflag:s20], $0x1400  }
0x25: {  	[sflag:s20] =	ssyncset.done $0x0  }
0x26: {  	s29 =	simm.s32 $0xF;
	[sflag:s20] =	ssyncadd.s32 $0xFFFFEC00  }
0x27: {  	_ =	swait.ge [sflag:s29], $0x1400  }
0x28: {  	[sflag:s29] =	ssyncset.done $0x0  }
0x29: {  	[sflag:s29] =	ssyncadd.s32 $0xFFFFEC00  }
0x2a: {  	_ =	swait.ge [sflag:s6], $0x1400  }
0x2b: {  	[sflag:s6] =	ssyncset.done $0x0  }
0x2c: {  	[sflag:s6] =	ssyncadd.s32 $0xFFFFEC00  }
0x2d: {  	[bflag:$0x0] =	sbarrier.arrive $0xFFFF  }
0x2e: {  	s30 =	rddreg [dreg:$0x7]  }
0x2f: {  	s7 =	rddreg [dreg:$0x9]  }
0x30: {  	s2 =	simm.s32 $0x8;
	s9 =	rddreg [dreg:$0xa]  }
0x31: {  	[hbm:s30@s6], [sflag:s7] =	dma.strided [spmem:s9@s2], $0x1400, s22, $0x8   }
0x32: {  	_ =	swait.ge [sflag:s11], $0x1400  }
0x33: {  	s8 =	sadd.s32 $0x1, s8;
	s31 =	rddreg [dreg:$0x8]  }
0x34: {  	p0 =	sne.s32 s8, s31  }
.Ltmp1:
0x35: {  	_ = 	snop;
	(pc) =	sbr.rel @!p0 .LBB2_10-.Ltmp1, $3  }
0x36: {  	[sflag:s11] =	ssyncset.done $0x0  }
0x37: {  	[sflag:s11] =	ssyncadd.s32 $0xFFFFEC00  }
0x38: {  	[bflag:$0x0] =	sbarrier.arrive $0xFFFF;
	_ =	sdelay $0x1  }
.LBB2_1:
0x39: {  	s2 =	simm.s32 $0x0;
	s0 =	rddreg [dreg:$0x4]  }
0x3a: {  	[tilespmem:s2], [sflag:$0x11] =	stream.linear.gather [hbm4b:s0+s2], $0x2710, $0x38;
	[tilespmem:$0x18E20] =	vst v63  }
0x3b: {  	_ =	swait.ge [sflag:s11], $0x2710  }
0x3c: {  	[sflag:s11] =	ssyncset.done $0x0  }
0x3d: {  	s4 =	simm.s32 $0x2710;
	s20 =	rddreg [dreg:$0x5];
	[sflag:s11] =	ssyncadd.s32 $0xFFFFD8F0  }
0x3e: {  	[tilespmem:s4], [sflag:$0x11] =	stream.linear.gather [hbm4b:s20+s2], $0x2710, $0x38;
	[tilespmem:$0x18E20] =	vst v63  }
0x3f: {  	_ =	swait.ge [sflag:s11], $0x2710  }
0x40: {  	[sflag:s11] =	ssyncset.done $0x0  }
0x41: {  	[sflag:s11] =	ssyncadd.s32 $0xFFFFD8F0  }
0x42: {  	s29 =	rddreg [dreg:$0x1]  }
0x43: {  	[spmem:s9], [sflag:s7] =	dma.local [hbm:s29], $0x1400  }
0x44: {  	_ =	swait.ge [sflag:s11], $0x1400  }
0x45: {  	[sflag:s11] =	ssyncset.done $0x0  }
0x46: {  	[sflag:s11] =	ssyncadd.s32 $0xFFFFEC00  }
0x47: {  	[bflag:$0x0] =	sbarrier.arrive $0xFFFF  }
0x48: {  	[tilespmem:s16], [sflag:$0x1] =	stream.indirect.gather [hbm4b:s5+s15], $0x40, s2, s15, $0xb8;
	[tilespmem:$0x18E20] =	vst v63  }
0x49: {  	_ = 	snop  }
0x4a: {  	[tilespmem:s17], [sflag:$0x2] =	stream.indirect.gather [hbm4b:s5+s15], $0x40, s15, s15, $0xb8;
	[tilespmem:$0x18E20] =	vst v63  }
0x4b: {  	s30 =	simm.s32 $0xA0  }
0x4c: {  	[tilespmem:s19], [sflag:$0x3] =	stream.indirect.gather [hbm4b:s5+s15], $0x40, s30, s15, $0xb8;
	[tilespmem:$0x18E20] =	vst v63  }
0x4d: {  	s31 =	simm.s32 $0xF0;
	s10 =	simm.s32 $0x0;
	s9 =	simm.s32 $0x7  }
0x4e: {  	[tilespmem:s21], [sflag:$0x4] =	stream.indirect.gather [hbm4b:s5+s15], $0x40, s31, s15, $0xb8;
	[tilespmem:$0x18E20] =	vst v63  }
.LBB2_2:
0x4f: {  	_ =	swait.ge [sflag:s22], $0x1400  }
0x50: {  	s18 =	sshra.s32 s10, $0x2;
	[sflag:s22] =	ssyncset.done $0x0  }
0x51: {  	p0 =	seq.s32 s10, $0x0;
	s20 =	sadd.s32 $0x2710, s18;
	[sflag:s22] =	ssyncadd.s32 $0xFFFFEC00  }
0x52: {  	[spmem:s3] =	stream.indirect.scatter.add.f32 [tilespmem:s16], [sflag:$0x9], $0x40, s20, s15, $0xb8;
	[tilespmem:$0x18E20] =	vst v63  }
0x53: {  	s20 =	simm.s32 @!p0 $0xD  }
0x54: {  	_ =	swait.ge @!p0 [sflag:s20], $0x1400  }
0x55: {  	s7 =	sadd.s32 $0xFFFFFFFE, s9;
	[sflag:s20] =	ssyncset.done @!p0 $0x0  }
0x56: {  	s2 =	sadd.s32 $0x140, s18;
	[sflag:s20] =	ssyncadd.s32 @!p0 $0xFFFFEC00;
	p0 =	sgt.u32 s7, $0x7C  }
0x57: {  	[tilespmem:s23], [sflag:$0x5] =	stream.indirect.gather [hbm4b:s5+s15], $0x40, s2, s15, $0xb8;
	[tilespmem:$0x18E20] =	vst v63  }
0x58: {  	p2 =	sne.s32 @!p0 s10, $0x0;
	_ =	swait.ge [sflag:s24], $0x1400  }
0x59: {  	p1 =	por !p2, p0;
	[sflag:s24] =	ssyncset.done $0x0  }
0x5a: {  	s4 =	sadd.s32 $0x2760, s18;
	s20 =	simm.s32 @!p1 $0xE;
	[sflag:s24] =	ssyncadd.s32 $0xFFFFEC00  }
0x5b: {  	[spmem:s3] =	stream.indirect.scatter.add.f32 [tilespmem:s17], [sflag:$0xA], $0x40, s4, s15, $0xb8;
	[tilespmem:$0x18E20] =	vst v63  }
0x5c: {  	_ =	swait.ge @!p1 [sflag:s20], $0x1400  }
0x5d: {  	s12 =	sadd.s32 $0xFFFFFFFF, s9;
	[sflag:s20] =	ssyncset.done @!p1 $0x0  }
0x5e: {  	p2 =	por p2, p0;
	[sflag:s20] =	ssyncadd.s32 @!p1 $0xFFFFEC00;
	s20 =	sshra.s32 @!p1 s10, $0x2  }
0x5f: {  	s7 =	simm.s32 @!p1 $0x50;
	s4 =	simm.s32 @!p1 $0xB220;
	s20 =	sadd.s32 @!p1 $0x190, s20  }
0x60: {  	[tilespmem:s4], [sflag:$0x6] =	stream.indirect.gather @!p1 [hbm4b:s5+s7], $0x40, s20, s7, $0xb8;
	[tilespmem:$0x18E20] =	vst v63  }
0x61: {  	s29 =	simm.s32 @!p2 $0xB220;
	s4 =	sadd.s32 @!p1 $0x280, s10;
	s7 =	sshra.s32 @!p2 s10, $0x2  }
0x62: {  	s20 =	simm.s32 @!p2 $0x50;
	s7 =	sadd.s32 @!p2 $0x190, s7;
	s4 =	simm.s32 @p1 $0x280  }
0x63: {  	[tilespmem:s29], [sflag:$0x6] =	stream.indirect.gather @!p2 [hbm4b:s5+s20], $0x40, s7, s20, $0xb8;
	[tilespmem:$0x18E20] =	vst v63  }
0x64: {  	p1 =	sgt.u32 s12, $0x7C;
	s4 =	simm.s32 @p0 $0x9880;
	_ =	swait.ge [sflag:s25], $0x1400  }
0x65: {  	p2 =	seq.s32 @!p1 s10, $0x0;
	s4 =	sshra.s32 s4, $0x2;
	[sflag:s25] =	ssyncset.done $0x0  }
0x66: {  	p2 =	por p2, p1;
	s4 =	sadd.s32 $0x2710, s4;
	[sflag:s25] =	ssyncadd.s32 $0xFFFFEC00  }
0x67: {  	[spmem:s3] =	stream.indirect.scatter.add.f32 [tilespmem:s19], [sflag:$0xB], $0x40, s4, s15, $0xb8;
	[tilespmem:$0x18E20] =	vst v63  }
0x68: {  	s4 =	simm.s32 @!p2 $0xF  }
0x69: {  	_ =	swait.ge @!p2 [sflag:s4], $0x1400  }
0x6a: {  	[sflag:s4] =	ssyncset.done @!p2 $0x0  }
0x6b: {  	s20 =	simm.s32 @!p1 $0x50;
	[sflag:s4] =	ssyncadd.s32 @!p2 $0xFFFFEC00;
	s4 =	sshra.s32 @!p1 s10, $0x2  }
0x6c: {  	s29 =	simm.s32 @!p1 $0xC620;
	p2 =	sgt.u32 s9, $0x7C;
	s7 =	sadd.s32 @!p1 $0x1E0, s4  }
0x6d: {  	[tilespmem:s29], [sflag:$0x7] =	stream.indirect.gather @!p1 [hbm4b:s5+s20], $0x40, s7, s20, $0xb8;
	[tilespmem:$0x18E20] =	vst v63  }
0x6e: {  	p3 =	seq.s32 @!p2 s10, $0x0;
	_ =	swait.ge [sflag:s26], $0x1400  }
0x6f: {  	p3 =	por p3, p2;
	[sflag:s26] =	ssyncset.done $0x0  }
0x70: {  	s13 =	sadd.s32 $0x2800, s18;
	s7 =	simm.s32 @!p3 $0x10;
	[sflag:s26] =	ssyncadd.s32 $0xFFFFEC00  }
0x71: {  	[spmem:s3] =	stream.indirect.scatter.add.f32 [tilespmem:s21], [sflag:$0xC], $0x40, s13, s15, $0xb8;
	[tilespmem:$0x18E20] =	vst v63  }
0x72: {  	_ =	swait.ge @!p3 [sflag:s7], $0x1400  }
0x73: {  	[sflag:s7] =	ssyncset.done @!p3 $0x0  }
0x74: {  	[sflag:s7] =	ssyncadd.s32 @!p3 $0xFFFFEC00;
	s7 =	sshra.s32 @!p2 s10, $0x2  }
0x75: {  	s31 =	simm.s32 @!p2 $0x50;
	s0 =	simm.s32 @!p2 $0xDA20;
	s30 =	sadd.s32 @!p2 $0x230, s7  }
0x76: {  	[tilespmem:s0], [sflag:$0x8] =	stream.indirect.gather @!p2 [hbm4b:s5+s31], $0x40, s30, s31, $0xb8;
	[tilespmem:$0x18E20] =	vst v63  }
0x77: {  	_ =	swait.ge [sflag:s28], $0x1400  }
0x78: {  	p3 =	seq.s32 s10, $0x9600;
	[sflag:s28] =	ssyncset.done $0x0  }
0x79: {  	s14 =	sadd.s32 $0x2850, s18;
	s30 =	simm.s32 @!p3 $0x9;
	[sflag:s28] =	ssyncadd.s32 $0xFFFFEC00  }
0x7a: {  	[spmem:s3] =	stream.indirect.scatter.add.f32 [tilespmem:s23], [sflag:$0xD], $0x40, s14, s15, $0xb8;
	[tilespmem:$0x18E20] =	vst v63  }
0x7b: {  	_ =	swait.ge @!p3 [sflag:s30], $0x1400  }
0x7c: {  	[sflag:s30] =	ssyncset.done @!p3 $0x0  }
0x7d: {  	[sflag:s30] =	ssyncadd.s32 @!p3 $0xFFFFEC00;
	s30 =	sshra.s32 @!p3 s10, $0x2  }
0x7e: {  	s2 =	simm.s32 @!p3 $0x50;
	s13 =	simm.s32 @!p3 $0x4E20;
	s12 =	sadd.s32 @!p3 $0x280, s30  }
0x7f: {  	[tilespmem:s13], [sflag:$0x1] =	stream.indirect.gather @!p3 [hbm4b:s5+s2], $0x40, s12, s2, $0xb8;
	[tilespmem:$0x18E20] =	vst v63  }
0x80: {  	s12 =	simm.s32 @!p0 $0x6  }
0x81: {  	_ =	swait.ge @!p0 [sflag:s12], $0x1400  }
0x82: {  	[sflag:s12] =	ssyncset.done @!p0 $0x0  }
0x83: {  	[sflag:s12] =	ssyncadd.s32 @!p0 $0xFFFFEC00;
	s12 =	sshra.s32 @!p0 s10, $0x2  }
0x84: {  	s14 =	simm.s32 @!p0 $0xB220;
	s13 =	simm.s32 @!p0 $0x50;
	s12 =	sadd.s32 @!p0 $0x28A0, s12  }
0x85: {  	[spmem:s3] =	stream.indirect.scatter.add.f32 @!p0 [tilespmem:s14], [sflag:$0xE], $0x40, s12, s13, $0xb8;
	[tilespmem:$0x18E20] =	vst v63  }
0x86: {  	s12 =	simm.s32 @!p3 $0xA  }
0x87: {  	_ =	swait.ge @!p3 [sflag:s12], $0x1400  }
0x88: {  	[sflag:s12] =	ssyncset.done @!p3 $0x0  }
0x89: {  	s13 =	simm.s32 @!p3 $0x6220;
	[sflag:s12] =	ssyncadd.s32 @!p3 $0xFFFFEC00;
	s12 =	sadd.s32 @!p3 $0x2D0, s30  }
0x8a: {  	[tilespmem:s13], [sflag:$0x2] =	stream.indirect.gather @!p3 [hbm4b:s5+s2], $0x40, s12, s2, $0xb8;
	[tilespmem:$0x18E20] =	vst v63  }
0x8b: {  	s12 =	simm.s32 @!p1 $0x7  }
0x8c: {  	_ =	swait.ge @!p1 [sflag:s12], $0x1400  }
0x8d: {  	[sflag:s12] =	ssyncset.done @!p1 $0x0  }
0x8e: {  	s4 =	sadd.s32 @!p1 $0x28F0, s4;
	[sflag:s12] =	ssyncadd.s32 @!p1 $0xFFFFEC00  }
0x8f: {  	[spmem:s3] =	stream.indirect.scatter.add.f32 @!p1 [tilespmem:s29], [sflag:$0xF], $0x40, s4, s20, $0xb8;
	[tilespmem:$0x18E20] =	vst v63  }
0x90: {  	s4 =	simm.s32 @!p3 $0xB  }
0x91: {  	_ =	swait.ge @!p3 [sflag:s4], $0x1400  }
0x92: {  	[sflag:s4] =	ssyncset.done @!p3 $0x0  }
0x93: {  	s12 =	simm.s32 @!p3 $0x7620;
	[sflag:s4] =	ssyncadd.s32 @!p3 $0xFFFFEC00;
	s4 =	sadd.s32 @!p3 $0x320, s30  }
0x94: {  	[tilespmem:s12], [sflag:$0x3] =	stream.indirect.gather @!p3 [hbm4b:s5+s2], $0x40, s4, s2, $0xb8;
	[tilespmem:$0x18E20] =	vst v63  }
.Ltmp2:
0x95: {  	s2 =	simm.s32 @!p2 $0x8;
	(pc) =	sbr.rel @p3 .LBB2_4-.Ltmp2, $4  }
0x96: {  	_ =	swait.ge @!p2 [sflag:s2], $0x1400  }
0x97: {  	[sflag:s2] =	ssyncset.done @!p2 $0x0  }
0x98: {  	[sflag:s2] =	ssyncadd.s32 @!p2 $0xFFFFEC00;
	s2 =	sadd.s32 @!p2 $0x2940, s7  }
0x99: {  	[spmem:s3] =	stream.indirect.scatter.add.f32 @!p2 [tilespmem:s0], [sflag:$0x10], $0x40, s2, s31, $0xb8;
	[tilespmem:$0x18E20] =	vst v63  }
.Ltmp3:
0x9a: {  	(pc) =	sbr.rel .LBB2_2-.Ltmp3, $4  }
0x9b: {  	_ =	swait.ge [sflag:s1], $0x1400  }
0x9c: {  	s0 =	sadd.s32 $0x370, s18;
	[sflag:s1] =	ssyncset.done $0x0  }
0x9d: {  	s10 =	sadd.s32 $0xA00, s10;
	s9 =	sadd.s32 $0x8, s9;
	[sflag:s1] =	ssyncadd.s32 $0xFFFFEC00  }
0x9e: {  	[tilespmem:s21], [sflag:$0x4] =	stream.indirect.gather [hbm4b:s5+s15], $0x40, s0, s15, $0xb8;
	[tilespmem:$0x18E20] =	vst v63  }
.LBB2_4:
0x9f: {  	s0 =	simm.s32 $0x9  }
0xa0: {  	_ =	swait.ge [sflag:s0], $0x1400  }
0xa1: {  	[sflag:s0] =	ssyncset.done $0x0  }
0xa2: {  	s14 =	simm.s32 $0xA;
	[sflag:s0] =	ssyncadd.s32 $0xFFFFEC00  }
0xa3: {  	_ =	swait.ge [sflag:s14], $0x1400  }
0xa4: {  	[sflag:s14] =	ssyncset.done $0x0  }
0xa5: {  	s18 =	simm.s32 $0xB;
	[sflag:s14] =	ssyncadd.s32 $0xFFFFEC00  }
0xa6: {  	_ =	swait.ge [sflag:s18], $0x1400  }
0xa7: {  	[sflag:s18] =	ssyncset.done $0x0  }
0xa8: {  	[sflag:s18] =	ssyncadd.s32 $0xFFFFEC00  }
0xa9: {  	_ =	swait.ge [sflag:s1], $0x1400  }
0xaa: {  	[sflag:s1] =	ssyncset.done $0x0  }
0xab: {  	s20 =	simm.s32 $0xD;
	[sflag:s1] =	ssyncadd.s32 $0xFFFFEC00  }
0xac: {  	_ =	swait.ge [sflag:s20], $0x1400  }
0xad: {  	[sflag:s20] =	ssyncset.done $0x0  }
0xae: {  	s29 =	simm.s32 $0xE;
	[sflag:s20] =	ssyncadd.s32 $0xFFFFEC00  }
0xaf: {  	_ =	swait.ge [sflag:s29], $0x1400  }
0xb0: {  	[sflag:s29] =	ssyncset.done $0x0  }
0xb1: {  	s30 =	simm.s32 $0xF;
	[sflag:s29] =	ssyncadd.s32 $0xFFFFEC00  }
0xb2: {  	_ =	swait.ge [sflag:s30], $0x1400  }
0xb3: {  	[sflag:s30] =	ssyncset.done $0x0  }
0xb4: {  	[sflag:s30] =	ssyncadd.s32 $0xFFFFEC00  }
0xb5: {  	_ =	swait.ge [sflag:s6], $0x1400  }
0xb6: {  	[sflag:s6] =	ssyncset.done $0x0  }
0xb7: {  	[sflag:s6] =	ssyncadd.s32 $0xFFFFEC00  }
0xb8: {  	[bflag:$0x0] =	sbarrier.arrive $0xFFFF  }
0xb9: {  	s31 =	rddreg [dreg:$0x6]  }
0xba: {  	s2 =	rddreg [dreg:$0x9]  }
0xbb: {  	s7 =	simm.s32 $0x8;
	s4 =	rddreg [dreg:$0xa]  }
0xbc: {  	[hbm:s31@s6], [sflag:s2] =	dma.strided [spmem:s4@s7], $0x1400, s22, $0x8   }
0xbd: {  	_ =	swait.ge [sflag:s11], $0x1400  }
0xbe: {  	[sflag:s11] =	ssyncset.done $0x0  }
0xbf: {  	[sflag:s11] =	ssyncadd.s32 $0xFFFFEC00  }
0xc0: {  	s9 =	simm.s32 $0x0;
	[bflag:$0x0] =	sbarrier.arrive $0xFFFF  }
0xc1: {  	v3 =	vld [tilespmem:s9+$0x0]  }
0xc2: {  	v2 =	vld [tilespmem:s9+$0x10]  }
0xc3: {  	v1 =	vld [tilespmem:s9+$0x20]  }
0xc4: {  	s10 =	simm.s32 $0x140;
	v0 =	vld [tilespmem:s9+$0x30]  }
.LBB2_5:
0xc5: {  	p0 =	sne.s32 s10, $0x9B00;
	v4 =	vld [tilespmem:s9+$0x40]  }
0xc6: {  	v3 =	vadd.s32 $0x1, v3  }
.Ltmp4:
0xc7: {  	s0 =	sshra.s32 s10, $0x2;
	[tilespmem:s9+$0x0] =	vst v3;
	v2 =	vadd.s32 $0x1, v2;
	(pc) =	sbr.rel @p0 .LBB2_5-.Ltmp4, $4  }
0xc8: {  	v3 =	vld [tilespmem:s0+$0x0];
	[tilespmem:s9+$0x10] =	vst v2;
	v1 =	vadd.s32 $0x1, v1  }
0xc9: {  	v2 =	vld [tilespmem:s0+$0x10];
	[tilespmem:s9+$0x20] =	vst v1;
	v0 =	vadd.s32 $0x1, v0  }
0xca: {  	v1 =	vld [tilespmem:s0+$0x20];
	[tilespmem:s9+$0x30] =	vst v0;
	v4 =	vadd.s32 $0x1, v4  }
0xcb: {  	s10 =	sadd.s32 $0x140, s10;
	v0 =	vld [tilespmem:s0+$0x30];
	[tilespmem:s9+$0x40] =	vst v4;
	s9 =	smov.u32 s0  }
0xcc: {  	v4 =	vld [tilespmem:s9+$0x40]  }
0xcd: {  	v3 =	vadd.s32 $0x1, v3  }
0xce: {  	[tilespmem:s9+$0x0] =	vst v3;
	v2 =	vadd.s32 $0x1, v2  }
0xcf: {  	[tilespmem:s9+$0x10] =	vst v2;
	v1 =	vadd.s32 $0x1, v1  }
0xd0: {  	[tilespmem:s9+$0x20] =	vst v1;
	v0 =	vadd.s32 $0x1, v0  }
0xd1: {  	[tilespmem:s9+$0x30] =	vst v0;
	v63 =	vadd.s32 $0x1, v4  }
0xd2: {  	s0 =	rddreg [dreg:$0x1];
	[tilespmem:s9+$0x40] =	vst v63  }
0xd3: {  	[spmem:s4], [sflag:s2] =	dma.local [hbm:s0], $0x1400  }
0xd4: {  	_ =	swait.ge [sflag:s11], $0x1400  }
0xd5: {  	[sflag:s11] =	ssyncset.done $0x0  }
0xd6: {  	[sflag:s11] =	ssyncadd.s32 $0xFFFFEC00  }
0xd7: {  	s9 =	simm.s32 $0x0;
	[bflag:$0x0] =	sbarrier.arrive $0xFFFF  }
0xd8: {  	[tilespmem:s16], [sflag:$0x1] =	stream.indirect.gather [hbm4b:s5+s15], $0x40, s9, s15, $0xb8;
	[tilespmem:$0x18E20] =	vst v63  }
0xd9: {  	_ = 	snop  }
0xda: {  	[tilespmem:s17], [sflag:$0x2] =	stream.indirect.gather [hbm4b:s5+s15], $0x40, s15, s15, $0xb8;
	[tilespmem:$0x18E20] =	vst v63  }
0xdb: {  	s30 =	simm.s32 $0xA0  }
0xdc: {  	[tilespmem:s19], [sflag:$0x3] =	stream.indirect.gather [hbm4b:s5+s15], $0x40, s30, s15, $0xb8;
	[tilespmem:$0x18E20] =	vst v63  }
0xdd: {  	s31 =	simm.s32 $0xF0;
	s10 =	simm.s32 $0x7  }
0xde: {  	[tilespmem:s21], [sflag:$0x4] =	stream.indirect.gather [hbm4b:s5+s15], $0x40, s31, s15, $0xb8;
	[tilespmem:$0x18E20] =	vst v63  }
.LBB2_7:
0xdf: {  	_ =	swait.ge [sflag:s22], $0x1400  }
0xe0: {  	s18 =	sshra.s32 s9, $0x2;
	[sflag:s22] =	ssyncset.done $0x0  }
0xe1: {  	p0 =	seq.s32 s9, $0x0;
	s0 =	sadd.s32 $0x2710, s18;
	[sflag:s22] =	ssyncadd.s32 $0xFFFFEC00  }
0xe2: {  	[spmem:s3] =	stream.indirect.scatter.add.f32 [tilespmem:s16], [sflag:$0x9], $0x40, s0, s15, $0xb8;
	[tilespmem:$0x18E20] =	vst v63  }
0xe3: {  	s0 =	simm.s32 @!p0 $0xD  }
0xe4: {  	_ =	swait.ge @!p0 [sflag:s0], $0x1400  }
0xe5: {  	s20 =	sadd.s32 $0xFFFFFFFE, s10;
	[sflag:s0] =	ssyncset.done @!p0 $0x0  }
0xe6: {  	s13 =	sadd.s32 $0x140, s18;
	[sflag:s0] =	ssyncadd.s32 @!p0 $0xFFFFEC00;
	p0 =	sgt.u32 s20, $0x7C  }
0xe7: {  	[tilespmem:s23], [sflag:$0x5] =	stream.indirect.gather [hbm4b:s5+s15], $0x40, s13, s15, $0xb8;
	[tilespmem:$0x18E20] =	vst v63  }
0xe8: {  	p2 =	sne.s32 @!p0 s9, $0x0;
	_ =	swait.ge [sflag:s24], $0x1400  }
0xe9: {  	p1 =	por !p2, p0;
	[sflag:s24] =	ssyncset.done $0x0  }
0xea: {  	s14 =	sadd.s32 $0x2760, s18;
	s0 =	simm.s32 @!p1 $0xE;
	[sflag:s24] =	ssyncadd.s32 $0xFFFFEC00  }
0xeb: {  	[spmem:s3] =	stream.indirect.scatter.add.f32 [tilespmem:s17], [sflag:$0xA], $0x40, s14, s15, $0xb8;
	[tilespmem:$0x18E20] =	vst v63  }
0xec: {  	_ =	swait.ge @!p1 [sflag:s0], $0x1400  }
0xed: {  	s29 =	sadd.s32 $0xFFFFFFFF, s10;
	[sflag:s0] =	ssyncset.done @!p1 $0x0  }
0xee: {  	p2 =	por p2, p0;
	[sflag:s0] =	ssyncadd.s32 @!p1 $0xFFFFEC00;
	s0 =	sshra.s32 @!p1 s9, $0x2  }
0xef: {  	s2 =	simm.s32 @!p1 $0x50;
	s4 =	simm.s32 @!p1 $0xB220;
	s0 =	sadd.s32 @!p1 $0x190, s0  }
0xf0: {  	[tilespmem:s4], [sflag:$0x6] =	stream.indirect.gather @!p1 [hbm4b:s5+s2], $0x40, s0, s2, $0xb8;
	[tilespmem:$0x18E20] =	vst v63  }
0xf1: {  	s7 =	simm.s32 @!p2 $0xB220;
	s0 =	sadd.s32 @!p1 $0x280, s9;
	s2 =	sshra.s32 @!p2 s9, $0x2  }
0xf2: {  	s4 =	simm.s32 @!p2 $0x50;
	s2 =	sadd.s32 @!p2 $0x190, s2;
	s0 =	simm.s32 @p1 $0x280  }
0xf3: {  	[tilespmem:s7], [sflag:$0x6] =	stream.indirect.gather @!p2 [hbm4b:s5+s4], $0x40, s2, s4, $0xb8;
	[tilespmem:$0x18E20] =	vst v63  }
0xf4: {  	p1 =	sgt.u32 s29, $0x7C;
	s0 =	simm.s32 @p0 $0x9880;
	_ =	swait.ge [sflag:s25], $0x1400  }
0xf5: {  	p2 =	seq.s32 @!p1 s9, $0x0;
	s0 =	sshra.s32 s0, $0x2;
	[sflag:s25] =	ssyncset.done $0x0  }
0xf6: {  	p2 =	por p2, p1;
	s0 =	sadd.s32 $0x2710, s0;
	[sflag:s25] =	ssyncadd.s32 $0xFFFFEC00  }
0xf7: {  	[spmem:s3] =	stream.indirect.scatter.add.f32 [tilespmem:s19], [sflag:$0xB], $0x40, s0, s15, $0xb8;
	[tilespmem:$0x18E20] =	vst v63  }
0xf8: {  	s0 =	simm.s32 @!p2 $0xF  }
0xf9: {  	_ =	swait.ge @!p2 [sflag:s0], $0x1400  }
0xfa: {  	[sflag:s0] =	ssyncset.done @!p2 $0x0  }
0xfb: {  	s4 =	simm.s32 @!p1 $0x50;
	[sflag:s0] =	ssyncadd.s32 @!p2 $0xFFFFEC00;
	s0 =	sshra.s32 @!p1 s9, $0x2  }
0xfc: {  	s7 =	simm.s32 @!p1 $0xC620;
	p2 =	sgt.u32 s10, $0x7C;
	s2 =	sadd.s32 @!p1 $0x1E0, s0  }
0xfd: {  	[tilespmem:s7], [sflag:$0x7] =	stream.indirect.gather @!p1 [hbm4b:s5+s4], $0x40, s2, s4, $0xb8;
	[tilespmem:$0x18E20] =	vst v63  }
0xfe: {  	p3 =	seq.s32 @!p2 s9, $0x0;
	_ =	swait.ge [sflag:s26], $0x1400  }
0xff: {  	p3 =	por p3, p2;
	[sflag:s26] =	ssyncset.done $0x0  }
0x100: {  	s30 =	sadd.s32 $0x2800, s18;
	s2 =	simm.s32 @!p3 $0x10;
	[sflag:s26] =	ssyncadd.s32 $0xFFFFEC00  }
0x101: {  	[spmem:s3] =	stream.indirect.scatter.add.f32 [tilespmem:s21], [sflag:$0xC], $0x40, s30, s15, $0xb8;
	[tilespmem:$0x18E20] =	vst v63  }
0x102: {  	_ =	swait.ge @!p3 [sflag:s2], $0x1400  }
0x103: {  	[sflag:s2] =	ssyncset.done @!p3 $0x0  }
0x104: {  	[sflag:s2] =	ssyncadd.s32 @!p3 $0xFFFFEC00;
	s2 =	sshra.s32 @!p2 s9, $0x2  }
0x105: {  	s13 =	simm.s32 @!p2 $0x50;
	s14 =	simm.s32 @!p2 $0xDA20;
	s12 =	sadd.s32 @!p2 $0x230, s2  }
0x106: {  	[tilespmem:s14], [sflag:$0x8] =	stream.indirect.gather @!p2 [hbm4b:s5+s13], $0x40, s12, s13, $0xb8;
	[tilespmem:$0x18E20] =	vst v63  }
0x107: {  	_ =	swait.ge [sflag:s28], $0x1400  }
0x108: {  	p3 =	seq.s32 s9, $0x9600;
	[sflag:s28] =	ssyncset.done $0x0  }
0x109: {  	s31 =	sadd.s32 $0x2850, s18;
	s12 =	simm.s32 @!p3 $0x9;
	[sflag:s28] =	ssyncadd.s32 $0xFFFFEC00  }
0x10a: {  	[spmem:s3] =	stream.indirect.scatter.add.f32 [tilespmem:s23], [sflag:$0xD], $0x40, s31, s15, $0xb8;
	[tilespmem:$0x18E20] =	vst v63  }
0x10b: {  	_ =	swait.ge @!p3 [sflag:s12], $0x1400  }
0x10c: {  	[sflag:s12] =	ssyncset.done @!p3 $0x0  }
0x10d: {  	[sflag:s12] =	ssyncadd.s32 @!p3 $0xFFFFEC00;
	s12 =	sshra.s32 @!p3 s9, $0x2  }
0x10e: {  	s29 =	simm.s32 @!p3 $0x50;
	s30 =	simm.s32 @!p3 $0x4E20;
	s20 =	sadd.s32 @!p3 $0x280, s12  }
0x10f: {  	[tilespmem:s30], [sflag:$0x1] =	stream.indirect.gather @!p3 [hbm4b:s5+s29], $0x40, s20, s29, $0xb8;
	[tilespmem:$0x18E20] =	vst v63  }
0x110: {  	s20 =	simm.s32 @!p0 $0x6  }
0x111: {  	_ =	swait.ge @!p0 [sflag:s20], $0x1400  }
0x112: {  	[sflag:s20] =	ssyncset.done @!p0 $0x0  }
0x113: {  	[sflag:s20] =	ssyncadd.s32 @!p0 $0xFFFFEC00;
	s20 =	sshra.s32 @!p0 s9, $0x2  }
0x114: {  	s31 =	simm.s32 @!p0 $0xB220;
	s30 =	simm.s32 @!p0 $0x50;
	s20 =	sadd.s32 @!p0 $0x28A0, s20  }
0x115: {  	[spmem:s3] =	stream.indirect.scatter.add.f32 @!p0 [tilespmem:s31], [sflag:$0xE], $0x40, s20, s30, $0xb8;
	[tilespmem:$0x18E20] =	vst v63  }
0x116: {  	s20 =	simm.s32 @!p3 $0xA  }
0x117: {  	_ =	swait.ge @!p3 [sflag:s20], $0x1400  }
0x118: {  	[sflag:s20] =	ssyncset.done @!p3 $0x0  }
0x119: {  	s30 =	simm.s32 @!p3 $0x6220;
	[sflag:s20] =	ssyncadd.s32 @!p3 $0xFFFFEC00;
	s20 =	sadd.s32 @!p3 $0x2D0, s12  }
0x11a: {  	[tilespmem:s30], [sflag:$0x2] =	stream.indirect.gather @!p3 [hbm4b:s5+s29], $0x40, s20, s29, $0xb8;
	[tilespmem:$0x18E20] =	vst v63  }
0x11b: {  	s20 =	simm.s32 @!p1 $0x7  }
0x11c: {  	_ =	swait.ge @!p1 [sflag:s20], $0x1400  }
0x11d: {  	[sflag:s20] =	ssyncset.done @!p1 $0x0  }
0x11e: {  	s0 =	sadd.s32 @!p1 $0x28F0, s0;
	[sflag:s20] =	ssyncadd.s32 @!p1 $0xFFFFEC00  }
0x11f: {  	[spmem:s3] =	stream.indirect.scatter.add.f32 @!p1 [tilespmem:s7], [sflag:$0xF], $0x40, s0, s4, $0xb8;
	[tilespmem:$0x18E20] =	vst v63  }
0x120: {  	s0 =	simm.s32 @!p3 $0xB  }
0x121: {  	_ =	swait.ge @!p3 [sflag:s0], $0x1400  }
0x122: {  	[sflag:s0] =	ssyncset.done @!p3 $0x0  }
0x123: {  	s4 =	simm.s32 @!p3 $0x7620;
	[sflag:s0] =	ssyncadd.s32 @!p3 $0xFFFFEC00;
	s0 =	sadd.s32 @!p3 $0x320, s12  }
0x124: {  	[tilespmem:s4], [sflag:$0x3] =	stream.indirect.gather @!p3 [hbm4b:s5+s29], $0x40, s0, s29, $0xb8;
	[tilespmem:$0x18E20] =	vst v63  }
.Ltmp5:
0x125: {  	s0 =	simm.s32 @!p2 $0x8;
	(pc) =	sbr.rel @p3 .LBB2_9-.Ltmp5, $4  }
0x126: {  	_ =	swait.ge @!p2 [sflag:s0], $0x1400  }
0x127: {  	[sflag:s0] =	ssyncset.done @!p2 $0x0  }
0x128: {  	[sflag:s0] =	ssyncadd.s32 @!p2 $0xFFFFEC00;
	s0 =	sadd.s32 @!p2 $0x2940, s2  }
0x129: {  	[spmem:s3] =	stream.indirect.scatter.add.f32 @!p2 [tilespmem:s14], [sflag:$0x10], $0x40, s0, s13, $0xb8;
	[tilespmem:$0x18E20] =	vst v63  }
.Ltmp6:
0x12a: {  	(pc) =	sbr.rel .LBB2_7-.Ltmp6, $4  }
0x12b: {  	_ =	swait.ge [sflag:s1], $0x1400  }
0x12c: {  	s0 =	sadd.s32 $0x370, s18;
	[sflag:s1] =	ssyncset.done $0x0  }
0x12d: {  	s9 =	sadd.s32 $0xA00, s9;
	s10 =	sadd.s32 $0x8, s10;
	[sflag:s1] =	ssyncadd.s32 $0xFFFFEC00  }
0x12e: {  	[tilespmem:s21], [sflag:$0x4] =	stream.indirect.gather [hbm4b:s5+s15], $0x40, s0, s15, $0xb8;
	[tilespmem:$0x18E20] =	vst v63  }
.LBB2_10:
0x12f: {  	_ =	sfence.sel $0x180000  }
0x130: {  	[bflag:$0x0] =	sbarrier.arrive $0xFFFF  }
0x131: {  	_ =	strace $0x9000004A  }
0x132: {  	s0 =	stileid.u32;
	[bflag:$0x2] =	sbarrier.arrive $0xFFFF  }
0x133: {  	p0 =	sne.s32 s0, $0x0;
	s0 =	rddreg [dreg:$0x3]  }
0x134: {  	s0 =	sadd.s32 @!p0 $0x100000, s0  }
0x135: {  	[sflag:s0] =	ssyncadd.tile.s32 @!p0 $0x1;
	_ =	shalt  }
.Lfunc_end2:
_tile_overlayer_lowered:
.L_overlay_start_2:
0x136: {  	(tag) =	ssettag $0x2  }
0x137: {  	s0 =	rddreg [dreg:$0x0];
	s2 =	stileid.u32  }
0x138: {  	s1 =	rddreg [dreg:$0x1];
	p0 =	sne.s32 s2, $0x0  }
0x139: {  	s3 =	rddreg [dreg:$0x2];
	[bflag:$0x3] =	sbarrier.arrive $0xFFFF;
	s2 =	simm.s32 @!p0 $0x1C11  }
0x13a: {  	[timem:s3], [sflag:s2] =	dma.local @!p0 [hbm:s0], s1  }
0x13b: {  	s0 =	simm.s32 @!p0 $0x11  }
0x13c: {  	_ =	swait.ge @!p0 [sflag:s0], s1  }
0x13d: {  	s1 =	ssub.s32 @!p0 $0x0, s1;
	[sflag:s0] =	ssyncset.done @!p0 $0x0  }
0x13e: {  	[sflag:s0] =	ssyncadd.s32 @!p0 s1  }
0x13f: {  	[bflag:$0x3] =	sbarrier.arrive $0xFFFF  }
0x140: {  	_ =	shalt  }

// kernel: kernel.16.cloned.1.call-start
scs
__scs_entry_jumppad:
0x0: {  	(pc) =	sbr.rel $0x88, $3  }
0x1: {  	(tag) =	ssettag $0x0;
	lr =	simm.s32 $0x1  }
0x2: {  	[smem:$0x3F99] =	sst lr;
	_ =	strace $0xD0000000  }
0x3: {  	_ = 	snop  }
0x4: {  	_ = 	snop  }
0x5: {  	_ = 	snop  }
0x6: {  	_ = 	snop  }
0x7: {  	_ = 	snop  }
__scs_overlays_trampoline_lowered:
0x8: {  	[smem:$0x3FA8] =	sst s0  }
0x9: {  	[smem:$0x3FA9] =	sst s1  }
0xa: {  	[smem:$0x3FAA] =	sst s2  }
0xb: {  	[smem:$0x3FAB] =	sst s3  }
0xc: {  	[smem:$0x3FAC] =	sst s4  }
0xd: {  	[smem:$0x3FAD] =	sst s5  }
0xe: {  	[smem:$0x3FAE] =	sst s6  }
0xf: {  	[smem:$0x3FAF] =	sst s7  }
0x10: {  	[smem:$0x3FB0] =	sst s8  }
0x11: {  	[smem:$0x3FB1] =	sst s9;
	s0 =	simm.s32 @!p0 $0x0  }
0x12: {  	s1 =	sld [smem:$0x3F97];
	s0 =	simm.s32 @p0 $0x1  }
0x13: {  	[smem:$0x3FB2] =	sst s0;
	s0 =	simm.s32 @!p1 $0x0  }
0x14: {  	s2 =	sld [smem:$0x3F96];
	s0 =	simm.s32 @p1 $0x1  }
0x15: {  	[smem:$0x3FB3] =	sst s0;
	s0 =	simm.s32 @!p2 $0x0  }
0x16: {  	s3 =	sld [smem:$0x3FDB];
	s0 =	simm.s32 @p2 $0x1  }
0x17: {  	s4 =	simm.s32 $0x1BF5;
	[smem:$0x3FB5] =	sst s0  }
0x18: {  	s0 =	sld [smem:$0x3F98];
	_ =	swait.ge [sflag:s4], $0x0  }
0x19: {  	s7 =	sld [smem:$0x3F99]  }
0x1a: {  	s8 =	sadd.s32 $0xFFFFE003, lr  }
0x1b: {  	s9 =	sadd.s32 $0xFFFFFEF7, lr;
	s5 =	simm.s32 $0xFFFFFFFF;
	p2 =	slt.u32 s8, $0xFFFFF086  }
0x1c: {  	p1 =	slt.u32 s9, $0xF7A;
	s5 =	simm.s32 @!p2 $0x0  }
0x1d: {  	s5 =	simm.s32 @p1 $0x1;
	p0 =	seq.s32 s7, s2  }
0x1e: {  	s7 =	smul.u32 @!p0 $0xF7A, s2;
	p2 =	seq.s32 @!p0 s5, $0x0  }
0x1f: {  	s9 =	smul.u32 $0xF7A, s1;
	s8 =	simm.s32 @!p0 $0x1BF5;
	p2 =	por !p2, p0  }
0x20: {  	[sflag:s8] =	ssyncset.s32 @!p0 $0xFFFFF086;
	s6 =	sadd.s32 @!p0 s3, s7;
	s7 =	simm.s32 @!p0 $0x108  }
0x21: {  	s3 =	sadd.s32 s3, s9;
	s6 =	sadd.s32 @!p0 $0x88, s6;
	s7 =	simm.s32 @p2 $0x1082  }
0x22: {  	[simem:s7], [sflag:s8] =	dma.local @!p0 [hbm:s6], $0xF7A  }
0x23: {  	s9 =	sor.u32 $0xD0000000, s2;
	s6 =	simm.s32 $0x108;
	_ =	swait.ge @!p0 [sflag:s8], $0x0  }
0x24: {  	s3 =	sadd.s32 $0x88, s3;
	s6 =	simm.s32 @!p1 $0x1082;
	[sflag:s4] =	ssyncset.s32 $0xFFFFF086  }
0x25: {  	[simem:s6], [sflag:s4] =	dma.local [hbm:s3], $0xF7A  }
0x26: {  	[smem:$0x3F99] =	sst s1;
	(tag) =	ssettag s2;
	_ =	strace s9  }
0x27: {  	s1 =	sld [smem:$0x3FA9]  }
0x28: {  	s2 =	sld [smem:$0x3FAA]  }
0x29: {  	s4 =	sld [smem:$0x3FAC]  }
0x2a: {  	p0 =	seq.s32 s5, $0x0;
	s5 =	sld [smem:$0x3FAD]  }
0x2b: {  	s6 =	sld [smem:$0x3FAE]  }
0x2c: {  	s7 =	sld [smem:$0x3FAF]  }
0x2d: {  	s3 =	simm.s32 $0x108;
	s8 =	sld [smem:$0x3FB0]  }
0x2e: {  	s3 =	simm.s32 @!p0 $0x1082;
	s9 =	sld [smem:$0x3FB1]  }
0x2f: {  	lr =	sadd.s32 s0, s3;
	s0 =	sld [smem:$0x3FA8]  }
0x30: {  	s3 =	sld [smem:$0x3FAB]  }
0x31: {  	[smem:$0x3FB4] =	sst s10  }
0x32: {  	s10 =	sld [smem:$0x3FB2];
	_ =	sdelay $0x3  }
0x33: {  	p0 =	seq.s32 s10, $0x1;
	s10 =	sld [smem:$0x3FB4];
	_ =	sdelay $0x3  }
0x34: {  	[smem:$0x3FB4] =	sst s10  }
0x35: {  	s10 =	sld [smem:$0x3FB3];
	_ =	sdelay $0x3  }
0x36: {  	p1 =	seq.s32 s10, $0x1;
	s10 =	sld [smem:$0x3FB4];
	_ =	sdelay $0x3  }
0x37: {  	[smem:$0x3FB4] =	sst s10  }
0x38: {  	s10 =	sld [smem:$0x3FB5]  }
0x39: {  	_ = 	snop;
	(pc) =	sbr.ind lr, $3  }
0x3a: {  	_ = 	snop  }
0x3b: {  	_ = 	snop  }
0x3c: {  	p2 =	seq.s32 s10, $0x1;
	s10 =	sld [smem:$0x3FB4]  }
0x3d: {  	_ =	shalt  }
0x3e: {  	_ =	shalt  }
0x3f: {  	_ =	shalt  }
0x40: {  	_ =	shalt  }
0x41: {  	_ =	shalt  }
0x42: {  	_ =	shalt  }
0x43: {  	_ =	shalt  }
0x44: {  	_ =	shalt  }
0x45: {  	_ =	shalt  }
0x46: {  	_ =	shalt  }
0x47: {  	_ =	shalt  }
0x48: {  	_ =	shalt  }
0x49: {  	_ =	shalt  }
0x4a: {  	_ =	shalt  }
0x4b: {  	_ =	shalt  }
0x4c: {  	_ =	shalt  }
0x4d: {  	_ =	shalt  }
0x4e: {  	_ =	shalt  }
0x4f: {  	_ =	shalt  }
0x50: {  	_ =	shalt  }
0x51: {  	_ =	shalt  }
0x52: {  	_ =	shalt  }
0x53: {  	_ =	shalt  }
0x54: {  	_ =	shalt  }
0x55: {  	_ =	shalt  }
0x56: {  	_ =	shalt  }
0x57: {  	_ =	shalt  }
0x58: {  	_ =	shalt  }
0x59: {  	_ =	shalt  }
0x5a: {  	_ =	shalt  }
0x5b: {  	_ =	shalt  }
0x5c: {  	_ =	shalt  }
0x5d: {  	_ =	shalt  }
0x5e: {  	_ =	shalt  }
0x5f: {  	_ =	shalt  }
0x60: {  	_ =	shalt  }
0x61: {  	_ =	shalt  }
0x62: {  	_ =	shalt  }
0x63: {  	_ =	shalt  }
0x64: {  	_ =	shalt  }
0x65: {  	_ =	shalt  }
0x66: {  	_ =	shalt  }
0x67: {  	_ =	shalt  }
0x68: {  	_ =	shalt  }
0x69: {  	_ =	shalt  }
0x6a: {  	_ =	shalt  }
0x6b: {  	_ =	shalt  }
0x6c: {  	_ =	shalt  }
0x6d: {  	_ =	shalt  }
0x6e: {  	_ =	shalt  }
0x6f: {  	_ =	shalt  }
0x70: {  	_ =	shalt  }
0x71: {  	_ =	shalt  }
0x72: {  	_ =	shalt  }
0x73: {  	_ =	shalt  }
0x74: {  	_ =	shalt  }
0x75: {  	_ =	shalt  }
0x76: {  	_ =	shalt  }
0x77: {  	_ =	shalt  }
0x78: {  	_ =	shalt  }
0x79: {  	_ =	shalt  }
0x7a: {  	_ =	shalt  }
0x7b: {  	_ =	shalt  }
0x7c: {  	_ =	shalt  }
0x7d: {  	_ =	shalt  }
0x7e: {  	_ =	shalt  }
0x7f: {  	_ =	shalt  }
0x80: {  	_ =	shalt  }
0x81: {  	_ =	shalt  }
0x82: {  	_ =	shalt  }
0x83: {  	_ =	shalt  }
0x84: {  	_ =	shalt  }
0x85: {  	_ =	shalt  }
0x86: {  	_ =	shalt  }
0x87: {  	_ =	shalt  }
.Lfunc_end0:
.L_simem_size_0:
called_computation.2_lowered:
.L_overlay_start_0:
0x88: {  	s2 =	sld [smem:$0x3FD9]  }
0x89: {  	s3 =	sld [smem:$0x3FFE];
	_ =	sdelay $0x1  }
0x8a: {  	s1 =	srdreg.scid  }
0x8b: {  	s0 =	sand.u32 $0x1, s1  }
0x8c: {  	s17 =	sshll.u32 s0, $0xA;
	s2 =	sadd.s32 s3, s2  }
0x8d: {  	s2 =	sadd.s32 s2, s17  }
0x8e: {  	[smem:$0x3FC0] =	sst s2  }
0x8f: {  	_ = 	snop  }
0x90: {  	s2 =	sld [smem:$0x3FD0];
	(tm) =	ssettm $0x1  }
0x91: {  	s18 =	sld [smem:$0x3FFB];
	_ =	sdelay $0x3  }
0x92: {  	_ =	strace s18  }
0x93: {  	s3 =	sld [smem:$0x3FFC];
	_ =	sdelay $0x3  }
0x94: {  	_ =	strace s3  }
0x95: {  	s3 =	sld [smem:$0x3FFD];
	_ =	sdelay $0x3  }
0x96: {  	_ =	strace s3  }
0x97: {  	_ =	strace $0x8FFFFFFF  }
0x98: {  	s19 =	sld [smem:$0x3FDB];
	_ =	sdelay $0x1  }
0x99: {  	s4 =	simm.s32 $_scs_section_size  }
0x9a: {  	s5 =	simm.s32 $_size__tile_overlayer_lowered;
	s6 =	simm.s32 $_tile_overlayer_lowered  }
0x9b: {  	s22 =	simm.s32 $0x1BFF;
	s21 =	sshll.u32 s6, $0x1;
	s3 =	sadd.s32 s4, s19  }
0x9c: {  	s7 =	simm.s32 $0x0;
	s20 =	sshll.u32 s5, $0x1;
	s5 =	sadd.s32 s21, s3  }
0x9d: {  	[timem:s7], [sflag:s22] =	dma.local [hbm:s5], s20  }
0x9e: {  	_ =	swait.ge [sflag:s22], s20  }
0x9f: {  	s4 =	ssub.s32 $0x0, s20;
	[sflag:s22] =	ssyncset.done $0x0  }
0xa0: {  	[sflag:s22] =	ssyncadd.s32 s4;
	_ =	sdelay $0x1  }
0xa1: {  	s23 =	simm.s32 $0x1B8B  }
0xa2: {  	_ =	swait.ge [sflag:s23], $0x1  }
0xa3: {  	[sflag:s23] =	ssyncset.done $0x0  }
0xa4: {  	s25 =	simm.s32 $0x1B8E;
	s24 =	sld [smem:$0x3FFE];
	[sflag:s23] =	ssyncadd.s32 $0xFFFFFFFF  }
0xa5: {  	s26 =	simm.s32 $execute0_lowered;
	[smem:$0x3FD2] =	sst s25  }
0xa6: {  	s5 =	sshll.u32 s26, $0x1;
	_ =	strace $0x8000004C;
	[dreg:$0x1] =	wrdreg $0xFFFFFFFF  }
0xa7: {  	s28 =	simm.s32 $_size_execute0_lowered;
	s3 =	sadd.s32 s3, s5;
	[dreg:$0x0] =	wrdreg $0x0  }
0xa8: {  	s5 =	sshll.u32 s28, $0x1;
	[dreg:$0x2] =	wrdreg s3  }
0xa9: {  	[dreg:$0x3] =	wrdreg s5  }
0xaa: {  	[dreg:$0x4] =	wrdreg $0xC0  }
0xab: {  	_ =	task [dreg:s7], $0x5FFFF  }
0xac: {  	[dreg:$0x1] =	wrdreg $0xFFFFFFFF  }
0xad: {  	[dreg:$0x0] =	wrdreg $0x60  }
0xae: {  	[dreg:$0x2] =	wrdreg s24  }
0xaf: {  	[dreg:$0x3] =	wrdreg s2  }
0xb0: {  	[dreg:$0x4] =	wrdreg $0xEE200  }
0xb1: {  	[dreg:$0x5] =	wrdreg $0x9  }
0xb2: {  	_ =	task.clear_ibuf [dreg:s7], $0x6FFFF;
	_ =	strace $0x9000004C  }
0xb3: {  	s29 =	simm.s32 $0x9;
	_ =	strace $0x8000004E  }
0xb4: {  	_ =	swait.ge [sflag:s29], $0x1  }
0xb5: {  	[sflag:s29] =	ssyncadd.s32 $0xFFFFFFFF  }
0xb6: {  	_ =	strace $0x9000004E  }
0xb7: {  	_ =	sfence  }
0xb8: {  	s30 =	sld [smem:$0x0];
	_ =	sdelay $0x2  }
0xb9: {  	s31 =	sshll.u32 s1, $0xD;
	s1 =	sshrl.u32 s1, $0x2  }
0xba: {  	s3 =	sand.u32 $0x4000, s31;
	s1 =	sadd.s32 s1, s30  }
0xbb: {  	s0 =	sor.u32 s3, s0;
	s1 =	sshll.u32 s1, $0x11  }
0xbc: {  	s0 =	sor.u32 s1, s0  }
0xbd: {  	s0 =	sadd.s32 $0x8F2B, s0  }
0xbe: {  	[sflag:s0] =	ssyncadd.remote.s32 $0x1  }
0xbf: {  	_ =	sfence.sel $0xFFFF  }
0xc0: {  	[dreg:$0x0] =	wrdreg $0xFFFFFFFF;
	(pc) =	sbr.abs _section_cstart, $3  }
0xc1: {  	[dreg:$0x1] =	wrdreg $0xFFFFFFFF  }
0xc2: {  	_ =	task.clear_ibuf [dreg:s7], $0x2FFFF;
	_ =	strace $0x9FFFFFFF  }
0xc3: {  	(tm) =	ssettm $0x7FFFFFFF  }
tec
execute0_lowered:
.L_overlay_start_1:
0x0: {  	(tag) =	ssettag $0x1  }
0x1: {  	s0 =	srdreg.scid;
	s2 =	rddreg [dreg:$0x0]  }
0x2: {  	s4 =	stileid.u32;
	s3 =	rddreg [dreg:$0x2];
	s7 =	simm.s32 $0x0  }
0x3: {  	s11 =	simm.s32 $0x11;
	s15 =	simm.s32 $0x50;
	s16 =	simm.s32 $0x4E20  }
0x4: {  	s17 =	simm.s32 $0x6220;
	s19 =	simm.s32 $0x7620;
	s21 =	simm.s32 $0x8A20  }
0x5: {  	s22 =	simm.s32 $0x1;
	s28 =	simm.s32 $0x5;
	s8 =	simm.s32 $0x0  }
0x6: {  	s0 =	sand.u32 $0x1, s0;
	s1 =	sshll.u32 s4, $0x1;
	s6 =	smul.u32 $0x14000, s4  }
0x7: {  	[smem:$0x7FF] =	sst s7;
	s23 =	smul.u32 $0x28000, s4;
	s31 =	sshll.u32 s4, $0x6  }
0x8: {  	s1 =	sor.u32 s0, s1;
	s5 =	smul.u32 $0x140000, s0;
	_ =	strace $0x8000004D  }
0x9: {  	s0 =	ssub.s32 $0x2, s0;
	s7 =	sor.u32 $0x1C11, s31;
	s1 =	smul.u32 $0x2710, s1  }
0xa: {  	s24 =	sshrl.u32 s0, $0x1;
	s26 =	sshrl.u32 s23, $0x2;
	s23 =	simm.s32 $0x9E20  }
0xb: {  	[dreg:$0x9] =	wrdreg s7;
	s5 =	sadd.s32 s6, s5;
	s0 =	ssub.s32 s0, s24  }
0xc: {  	s29 =	sadd.s32 s26, s3;
	s24 =	simm.s32 $0x2;
	s1 =	sshrl.u32 s1, $0x3  }
0xd: {  	s6 =	sshrl.u32 s5, $0x3;
	s5 =	sadd.s32 $0x41000, s2;
	s0 =	smax.u32 s0, $0x1  }
0xe: {  	s9 =	sshrl.u32 s29, $0x3;
	s1 =	sadd.s32 s1, s2;
	[dreg:$0x8] =	wrdreg s0  }
.Ltmp0:
0xf: {  	[dreg:$0xa] =	wrdreg s9;
	s25 =	sadd.s32 $0x2D600, s1;
	(pc) =	sbr.rel .LBB2_1-.Ltmp0, $4  }
0x10: {  	s2 =	sadd.s32 s6, s2;
	s1 =	sadd.s32 $0x37240, s1;
	[dreg:$0x4] =	wrdreg s25  }
0x11: {  	s26 =	simm.s32 $0x4;
	s30 =	sadd.s32 $0x68200, s2;
	[dreg:$0x5] =	wrdreg s1  }
0x12: {  	s6 =	simm.s32 $0x10;
	s2 =	sadd.s32 $0x68208, s2;
	[dreg:$0x6] =	wrdreg s30  }
0x13: {  	[dreg:$0x7] =	wrdreg s2;
	s25 =	simm.s32 $0x3;
	s1 =	simm.s32 $0xC  }
.LBB2_9:
0x14: {  	s0 =	simm.s32 $0x9  }
0x15: {  	_ =	swait.ge [sflag:s0], $0x1400  }
0x16: {  	[sflag:s0] =	ssyncset.done $0x0  }
0x17: {  	s13 =	simm.s32 $0xA;
	[sflag:s0] =	ssyncadd.s32 $0xFFFFEC00  }
0x18: {  	_ =	swait.ge [sflag:s13], $0x1400  }
0x19: {  	[sflag:s13] =	ssyncset.done $0x0  }
0x1a: {  	s14 =	simm.s32 $0xB;
	[sflag:s13] =	ssyncadd.s32 $0xFFFFEC00  }
0x1b: {  	_ =	swait.ge [sflag:s14], $0x1400  }
0x1c: {  	[sflag:s14] =	ssyncset.done $0x0  }
0x1d: {  	[sflag:s14] =	ssyncadd.s32 $0xFFFFEC00  }
0x1e: {  	_ =	swait.ge [sflag:s1], $0x1400  }
0x1f: {  	[sflag:s1] =	ssyncset.done $0x0  }
0x20: {  	s18 =	simm.s32 $0xD;
	[sflag:s1] =	ssyncadd.s32 $0xFFFFEC00  }
0x21: {  	_ =	swait.ge [sflag:s18], $0x1400  }
0x22: {  	[sflag:s18] =	ssyncset.done $0x0  }
0x23: {  	s20 =	simm.s32 $0xE;
	[sflag:s18] =	ssyncadd.s32 $0xFFFFEC00  }
0x24: {  	_ =	swait.ge [sflag:s20], $0x1400  }
0x25: {  	[sflag:s20] =	ssyncset.done $0x0  }
0x26: {  	s29 =	simm.s32 $0xF;
	[sflag:s20] =	ssyncadd.s32 $0xFFFFEC00  }
0x27: {  	_ =	swait.ge [sflag:s29], $0x1400  }
0x28: {  	[sflag:s29] =	ssyncset.done $0x0  }
0x29: {  	[sflag:s29] =	ssyncadd.s32 $0xFFFFEC00  }
0x2a: {  	_ =	swait.ge [sflag:s6], $0x1400  }
0x2b: {  	[sflag:s6] =	ssyncset.done $0x0  }
0x2c: {  	[sflag:s6] =	ssyncadd.s32 $0xFFFFEC00  }
0x2d: {  	[bflag:$0x0] =	sbarrier.arrive $0xFFFF  }
0x2e: {  	s30 =	rddreg [dreg:$0x7]  }
0x2f: {  	s7 =	rddreg [dreg:$0x9]  }
0x30: {  	s2 =	simm.s32 $0x8;
	s9 =	rddreg [dreg:$0xa]  }
0x31: {  	[hbm:s30@s6], [sflag:s7] =	dma.strided [spmem:s9@s2], $0x1400, s22, $0x8   }
0x32: {  	_ =	swait.ge [sflag:s11], $0x1400  }
0x33: {  	s8 =	sadd.s32 $0x1, s8;
	s31 =	rddreg [dreg:$0x8]  }
0x34: {  	p0 =	sne.s32 s8, s31  }
.Ltmp1:
0x35: {  	_ = 	snop;
	(pc) =	sbr.rel @!p0 .LBB2_10-.Ltmp1, $3  }
0x36: {  	[sflag:s11] =	ssyncset.done $0x0  }
0x37: {  	[sflag:s11] =	ssyncadd.s32 $0xFFFFEC00  }
0x38: {  	[bflag:$0x0] =	sbarrier.arrive $0xFFFF;
	_ =	sdelay $0x1  }
.LBB2_1:
0x39: {  	s2 =	simm.s32 $0x0;
	s0 =	rddreg [dreg:$0x4]  }
0x3a: {  	[tilespmem:s2], [sflag:$0x11] =	stream.linear.gather [hbm4b:s0+s2], $0x2710, $0x38;
	[tilespmem:$0x18E20] =	vst v63  }
0x3b: {  	_ =	swait.ge [sflag:s11], $0x2710  }
0x3c: {  	[sflag:s11] =	ssyncset.done $0x0  }
0x3d: {  	s4 =	simm.s32 $0x2710;
	s20 =	rddreg [dreg:$0x5];
	[sflag:s11] =	ssyncadd.s32 $0xFFFFD8F0  }
0x3e: {  	[tilespmem:s4], [sflag:$0x11] =	stream.linear.gather [hbm4b:s20+s2], $0x2710, $0x38;
	[tilespmem:$0x18E20] =	vst v63  }
0x3f: {  	_ =	swait.ge [sflag:s11], $0x2710  }
0x40: {  	[sflag:s11] =	ssyncset.done $0x0  }
0x41: {  	[sflag:s11] =	ssyncadd.s32 $0xFFFFD8F0  }
0x42: {  	s29 =	rddreg [dreg:$0x1]  }
0x43: {  	[spmem:s9], [sflag:s7] =	dma.local [hbm:s29], $0x1400  }
0x44: {  	_ =	swait.ge [sflag:s11], $0x1400  }
0x45: {  	[sflag:s11] =	ssyncset.done $0x0  }
0x46: {  	[sflag:s11] =	ssyncadd.s32 $0xFFFFEC00  }
0x47: {  	[bflag:$0x0] =	sbarrier.arrive $0xFFFF  }
0x48: {  	[tilespmem:s16], [sflag:$0x1] =	stream.indirect.gather [hbm4b:s5+s15], $0x40, s2, s15, $0xb8;
	[tilespmem:$0x18E20] =	vst v63  }
0x49: {  	_ = 	snop  }
0x4a: {  	[tilespmem:s17], [sflag:$0x2] =	stream.indirect.gather [hbm4b:s5+s15], $0x40, s15, s15, $0xb8;
	[tilespmem:$0x18E20] =	vst v63  }
0x4b: {  	s30 =	simm.s32 $0xA0  }
0x4c: {  	[tilespmem:s19], [sflag:$0x3] =	stream.indirect.gather [hbm4b:s5+s15], $0x40, s30, s15, $0xb8;
	[tilespmem:$0x18E20] =	vst v63  }
0x4d: {  	s31 =	simm.s32 $0xF0;
	s10 =	simm.s32 $0x0;
	s9 =	simm.s32 $0x7  }
0x4e: {  	[tilespmem:s21], [sflag:$0x4] =	stream.indirect.gather [hbm4b:s5+s15], $0x40, s31, s15, $0xb8;
	[tilespmem:$0x18E20] =	vst v63  }
.LBB2_2:
0x4f: {  	_ =	swait.ge [sflag:s22], $0x1400  }
0x50: {  	s18 =	sshra.s32 s10, $0x2;
	[sflag:s22] =	ssyncset.done $0x0  }
0x51: {  	p0 =	seq.s32 s10, $0x0;
	s20 =	sadd.s32 $0x2710, s18;
	[sflag:s22] =	ssyncadd.s32 $0xFFFFEC00  }
0x52: {  	[spmem:s3] =	stream.indirect.scatter.add.f32 [tilespmem:s16], [sflag:$0x9], $0x40, s20, s15, $0xb8;
	[tilespmem:$0x18E20] =	vst v63  }
0x53: {  	s20 =	simm.s32 @!p0 $0xD  }
0x54: {  	_ =	swait.ge @!p0 [sflag:s20], $0x1400  }
0x55: {  	s7 =	sadd.s32 $0xFFFFFFFE, s9;
	[sflag:s20] =	ssyncset.done @!p0 $0x0  }
0x56: {  	s2 =	sadd.s32 $0x140, s18;
	[sflag:s20] =	ssyncadd.s32 @!p0 $0xFFFFEC00;
	p0 =	sgt.u32 s7, $0x7C  }
0x57: {  	[tilespmem:s23], [sflag:$0x5] =	stream.indirect.gather [hbm4b:s5+s15], $0x40, s2, s15, $0xb8;
	[tilespmem:$0x18E20] =	vst v63  }
0x58: {  	p2 =	sne.s32 @!p0 s10, $0x0;
	_ =	swait.ge [sflag:s24], $0x1400  }
0x59: {  	p1 =	por !p2, p0;
	[sflag:s24] =	ssyncset.done $0x0  }
0x5a: {  	s4 =	sadd.s32 $0x2760, s18;
	s20 =	simm.s32 @!p1 $0xE;
	[sflag:s24] =	ssyncadd.s32 $0xFFFFEC00  }
0x5b: {  	[spmem:s3] =	stream.indirect.scatter.add.f32 [tilespmem:s17], [sflag:$0xA], $0x40, s4, s15, $0xb8;
	[tilespmem:$0x18E20] =	vst v63  }
0x5c: {  	_ =	swait.ge @!p1 [sflag:s20], $0x1400  }
0x5d: {  	s12 =	sadd.s32 $0xFFFFFFFF, s9;
	[sflag:s20] =	ssyncset.done @!p1 $0x0  }
0x5e: {  	p2 =	por p2, p0;
	[sflag:s20] =	ssyncadd.s32 @!p1 $0xFFFFEC00;
	s20 =	sshra.s32 @!p1 s10, $0x2  }
0x5f: {  	s7 =	simm.s32 @!p1 $0x50;
	s4 =	simm.s32 @!p1 $0xB220;
	s20 =	sadd.s32 @!p1 $0x190, s20  }
0x60: {  	[tilespmem:s4], [sflag:$0x6] =	stream.indirect.gather @!p1 [hbm4b:s5+s7], $0x40, s20, s7, $0xb8;
	[tilespmem:$0x18E20] =	vst v63  }
0x61: {  	s29 =	simm.s32 @!p2 $0xB220;
	s4 =	sadd.s32 @!p1 $0x280, s10;
	s7 =	sshra.s32 @!p2 s10, $0x2  }
0x62: {  	s20 =	simm.s32 @!p2 $0x50;
	s7 =	sadd.s32 @!p2 $0x190, s7;
	s4 =	simm.s32 @p1 $0x280  }
0x63: {  	[tilespmem:s29], [sflag:$0x6] =	stream.indirect.gather @!p2 [hbm4b:s5+s20], $0x40, s7, s20, $0xb8;
	[tilespmem:$0x18E20] =	vst v63  }
0x64: {  	p1 =	sgt.u32 s12, $0x7C;
	s4 =	simm.s32 @p0 $0x9880;
	_ =	swait.ge [sflag:s25], $0x1400  }
0x65: {  	p2 =	seq.s32 @!p1 s10, $0x0;
	s4 =	sshra.s32 s4, $0x2;
	[sflag:s25] =	ssyncset.done $0x0  }
0x66: {  	p2 =	por p2, p1;
	s4 =	sadd.s32 $0x2710, s4;
	[sflag:s25] =	ssyncadd.s32 $0xFFFFEC00  }
0x67: {  	[spmem:s3] =	stream.indirect.scatter.add.f32 [tilespmem:s19], [sflag:$0xB], $0x40, s4, s15, $0xb8;
	[tilespmem:$0x18E20] =	vst v63  }
0x68: {  	s4 =	simm.s32 @!p2 $0xF  }
0x69: {  	_ =	swait.ge @!p2 [sflag:s4], $0x1400  }
0x6a: {  	[sflag:s4] =	ssyncset.done @!p2 $0x0  }
0x6b: {  	s20 =	simm.s32 @!p1 $0x50;
	[sflag:s4] =	ssyncadd.s32 @!p2 $0xFFFFEC00;
	s4 =	sshra.s32 @!p1 s10, $0x2  }
0x6c: {  	s29 =	simm.s32 @!p1 $0xC620;
	p2 =	sgt.u32 s9, $0x7C;
	s7 =	sadd.s32 @!p1 $0x1E0, s4  }
0x6d: {  	[tilespmem:s29], [sflag:$0x7] =	stream.indirect.gather @!p1 [hbm4b:s5+s20], $0x40, s7, s20, $0xb8;
	[tilespmem:$0x18E20] =	vst v63  }
0x6e: {  	p3 =	seq.s32 @!p2 s10, $0x0;
	_ =	swait.ge [sflag:s26], $0x1400  }
0x6f: {  	p3 =	por p3, p2;
	[sflag:s26] =	ssyncset.done $0x0  }
0x70: {  	s13 =	sadd.s32 $0x2800, s18;
	s7 =	simm.s32 @!p3 $0x10;
	[sflag:s26] =	ssyncadd.s32 $0xFFFFEC00  }
0x71: {  	[spmem:s3] =	stream.indirect.scatter.add.f32 [tilespmem:s21], [sflag:$0xC], $0x40, s13, s15, $0xb8;
	[tilespmem:$0x18E20] =	vst v63  }
0x72: {  	_ =	swait.ge @!p3 [sflag:s7], $0x1400  }
0x73: {  	[sflag:s7] =	ssyncset.done @!p3 $0x0  }
0x74: {  	[sflag:s7] =	ssyncadd.s32 @!p3 $0xFFFFEC00;
	s7 =	sshra.s32 @!p2 s10, $0x2  }
0x75: {  	s31 =	simm.s32 @!p2 $0x50;
	s0 =	simm.s32 @!p2 $0xDA20;
	s30 =	sadd.s32 @!p2 $0x230, s7  }
0x76: {  	[tilespmem:s0], [sflag:$0x8] =	stream.indirect.gather @!p2 [hbm4b:s5+s31], $0x40, s30, s31, $0xb8;
	[tilespmem:$0x18E20] =	vst v63  }
0x77: {  	_ =	swait.ge [sflag:s28], $0x1400  }
0x78: {  	p3 =	seq.s32 s10, $0x9600;
	[sflag:s28] =	ssyncset.done $0x0  }
0x79: {  	s14 =	sadd.s32 $0x2850, s18;
	s30 =	simm.s32 @!p3 $0x9;
	[sflag:s28] =	ssyncadd.s32 $0xFFFFEC00  }
0x7a: {  	[spmem:s3] =	stream.indirect.scatter.add.f32 [tilespmem:s23], [sflag:$0xD], $0x40, s14, s15, $0xb8;
	[tilespmem:$0x18E20] =	vst v63  }
0x7b: {  	_ =	swait.ge @!p3 [sflag:s30], $0x1400  }
0x7c: {  	[sflag:s30] =	ssyncset.done @!p3 $0x0  }
0x7d: {  	[sflag:s30] =	ssyncadd.s32 @!p3 $0xFFFFEC00;
	s30 =	sshra.s32 @!p3 s10, $0x2  }
0x7e: {  	s2 =	simm.s32 @!p3 $0x50;
	s13 =	simm.s32 @!p3 $0x4E20;
	s12 =	sadd.s32 @!p3 $0x280, s30  }
0x7f: {  	[tilespmem:s13], [sflag:$0x1] =	stream.indirect.gather @!p3 [hbm4b:s5+s2], $0x40, s12, s2, $0xb8;
	[tilespmem:$0x18E20] =	vst v63  }
0x80: {  	s12 =	simm.s32 @!p0 $0x6  }
0x81: {  	_ =	swait.ge @!p0 [sflag:s12], $0x1400  }
0x82: {  	[sflag:s12] =	ssyncset.done @!p0 $0x0  }
0x83: {  	[sflag:s12] =	ssyncadd.s32 @!p0 $0xFFFFEC00;
	s12 =	sshra.s32 @!p0 s10, $0x2  }
0x84: {  	s14 =	simm.s32 @!p0 $0xB220;
	s13 =	simm.s32 @!p0 $0x50;
	s12 =	sadd.s32 @!p0 $0x28A0, s12  }
0x85: {  	[spmem:s3] =	stream.indirect.scatter.add.f32 @!p0 [tilespmem:s14], [sflag:$0xE], $0x40, s12, s13, $0xb8;
	[tilespmem:$0x18E20] =	vst v63  }
0x86: {  	s12 =	simm.s32 @!p3 $0xA  }
0x87: {  	_ =	swait.ge @!p3 [sflag:s12], $0x1400  }
0x88: {  	[sflag:s12] =	ssyncset.done @!p3 $0x0  }
0x89: {  	s13 =	simm.s32 @!p3 $0x6220;
	[sflag:s12] =	ssyncadd.s32 @!p3 $0xFFFFEC00;
	s12 =	sadd.s32 @!p3 $0x2D0, s30  }
0x8a: {  	[tilespmem:s13], [sflag:$0x2] =	stream.indirect.gather @!p3 [hbm4b:s5+s2], $0x40, s12, s2, $0xb8;
	[tilespmem:$0x18E20] =	vst v63  }
0x8b: {  	s12 =	simm.s32 @!p1 $0x7  }
0x8c: {  	_ =	swait.ge @!p1 [sflag:s12], $0x1400  }
0x8d: {  	[sflag:s12] =	ssyncset.done @!p1 $0x0  }
0x8e: {  	s4 =	sadd.s32 @!p1 $0x28F0, s4;
	[sflag:s12] =	ssyncadd.s32 @!p1 $0xFFFFEC00  }
0x8f: {  	[spmem:s3] =	stream.indirect.scatter.add.f32 @!p1 [tilespmem:s29], [sflag:$0xF], $0x40, s4, s20, $0xb8;
	[tilespmem:$0x18E20] =	vst v63  }
0x90: {  	s4 =	simm.s32 @!p3 $0xB  }
0x91: {  	_ =	swait.ge @!p3 [sflag:s4], $0x1400  }
0x92: {  	[sflag:s4] =	ssyncset.done @!p3 $0x0  }
0x93: {  	s12 =	simm.s32 @!p3 $0x7620;
	[sflag:s4] =	ssyncadd.s32 @!p3 $0xFFFFEC00;
	s4 =	sadd.s32 @!p3 $0x320, s30  }
0x94: {  	[tilespmem:s12], [sflag:$0x3] =	stream.indirect.gather @!p3 [hbm4b:s5+s2], $0x40, s4, s2, $0xb8;
	[tilespmem:$0x18E20] =	vst v63  }
.Ltmp2:
0x95: {  	s2 =	simm.s32 @!p2 $0x8;
	(pc) =	sbr.rel @p3 .LBB2_4-.Ltmp2, $4  }
0x96: {  	_ =	swait.ge @!p2 [sflag:s2], $0x1400  }
0x97: {  	[sflag:s2] =	ssyncset.done @!p2 $0x0  }
0x98: {  	[sflag:s2] =	ssyncadd.s32 @!p2 $0xFFFFEC00;
	s2 =	sadd.s32 @!p2 $0x2940, s7  }
0x99: {  	[spmem:s3] =	stream.indirect.scatter.add.f32 @!p2 [tilespmem:s0], [sflag:$0x10], $0x40, s2, s31, $0xb8;
	[tilespmem:$0x18E20] =	vst v63  }
.Ltmp3:
0x9a: {  	(pc) =	sbr.rel .LBB2_2-.Ltmp3, $4  }
0x9b: {  	_ =	swait.ge [sflag:s1], $0x1400  }
0x9c: {  	s0 =	sadd.s32 $0x370, s18;
	[sflag:s1] =	ssyncset.done $0x0  }
0x9d: {  	s10 =	sadd.s32 $0xA00, s10;
	s9 =	sadd.s32 $0x8, s9;
	[sflag:s1] =	ssyncadd.s32 $0xFFFFEC00  }
0x9e: {  	[tilespmem:s21], [sflag:$0x4] =	stream.indirect.gather [hbm4b:s5+s15], $0x40, s0, s15, $0xb8;
	[tilespmem:$0x18E20] =	vst v63  }
.LBB2_4:
0x9f: {  	s0 =	simm.s32 $0x9  }
0xa0: {  	_ =	swait.ge [sflag:s0], $0x1400  }
0xa1: {  	[sflag:s0] =	ssyncset.done $0x0  }
0xa2: {  	s14 =	simm.s32 $0xA;
	[sflag:s0] =	ssyncadd.s32 $0xFFFFEC00  }
0xa3: {  	_ =	swait.ge [sflag:s14], $0x1400  }
0xa4: {  	[sflag:s14] =	ssyncset.done $0x0  }
0xa5: {  	s18 =	simm.s32 $0xB;
	[sflag:s14] =	ssyncadd.s32 $0xFFFFEC00  }
0xa6: {  	_ =	swait.ge [sflag:s18], $0x1400  }
0xa7: {  	[sflag:s18] =	ssyncset.done $0x0  }
0xa8: {  	[sflag:s18] =	ssyncadd.s32 $0xFFFFEC00  }
0xa9: {  	_ =	swait.ge [sflag:s1], $0x1400  }
0xaa: {  	[sflag:s1] =	ssyncset.done $0x0  }
0xab: {  	s20 =	simm.s32 $0xD;
	[sflag:s1] =	ssyncadd.s32 $0xFFFFEC00  }
0xac: {  	_ =	swait.ge [sflag:s20], $0x1400  }
0xad: {  	[sflag:s20] =	ssyncset.done $0x0  }
0xae: {  	s29 =	simm.s32 $0xE;
	[sflag:s20] =	ssyncadd.s32 $0xFFFFEC00  }
0xaf: {  	_ =	swait.ge [sflag:s29], $0x1400  }
0xb0: {  	[sflag:s29] =	ssyncset.done $0x0  }
0xb1: {  	s30 =	simm.s32 $0xF;
	[sflag:s29] =	ssyncadd.s32 $0xFFFFEC00  }
0xb2: {  	_ =	swait.ge [sflag:s30], $0x1400  }
0xb3: {  	[sflag:s30] =	ssyncset.done $0x0  }
0xb4: {  	[sflag:s30] =	ssyncadd.s32 $0xFFFFEC00  }
0xb5: {  	_ =	swait.ge [sflag:s6], $0x1400  }
0xb6: {  	[sflag:s6] =	ssyncset.done $0x0  }
0xb7: {  	[sflag:s6] =	ssyncadd.s32 $0xFFFFEC00  }
0xb8: {  	[bflag:$0x0] =	sbarrier.arrive $0xFFFF  }
0xb9: {  	s31 =	rddreg [dreg:$0x6]  }
0xba: {  	s2 =	rddreg [dreg:$0x9]  }
0xbb: {  	s7 =	simm.s32 $0x8;
	s4 =	rddreg [dreg:$0xa]  }
0xbc: {  	[hbm:s31@s6], [sflag:s2] =	dma.strided [spmem:s4@s7], $0x1400, s22, $0x8   }
0xbd: {  	_ =	swait.ge [sflag:s11], $0x1400  }
0xbe: {  	[sflag:s11] =	ssyncset.done $0x0  }
0xbf: {  	[sflag:s11] =	ssyncadd.s32 $0xFFFFEC00  }
0xc0: {  	s9 =	simm.s32 $0x0;
	[bflag:$0x0] =	sbarrier.arrive $0xFFFF  }
0xc1: {  	v3 =	vld [tilespmem:s9+$0x0]  }
0xc2: {  	v2 =	vld [tilespmem:s9+$0x10]  }
0xc3: {  	v1 =	vld [tilespmem:s9+$0x20]  }
0xc4: {  	s10 =	simm.s32 $0x140;
	v0 =	vld [tilespmem:s9+$0x30]  }
.LBB2_5:
0xc5: {  	p0 =	sne.s32 s10, $0x9B00;
	v4 =	vld [tilespmem:s9+$0x40]  }
0xc6: {  	v3 =	vadd.s32 $0x1, v3  }
.Ltmp4:
0xc7: {  	s0 =	sshra.s32 s10, $0x2;
	[tilespmem:s9+$0x0] =	vst v3;
	v2 =	vadd.s32 $0x1, v2;
	(pc) =	sbr.rel @p0 .LBB2_5-.Ltmp4, $4  }
0xc8: {  	v3 =	vld [tilespmem:s0+$0x0];
	[tilespmem:s9+$0x10] =	vst v2;
	v1 =	vadd.s32 $0x1, v1  }
0xc9: {  	v2 =	vld [tilespmem:s0+$0x10];
	[tilespmem:s9+$0x20] =	vst v1;
	v0 =	vadd.s32 $0x1, v0  }
0xca: {  	v1 =	vld [tilespmem:s0+$0x20];
	[tilespmem:s9+$0x30] =	vst v0;
	v4 =	vadd.s32 $0x1, v4  }
0xcb: {  	s10 =	sadd.s32 $0x140, s10;
	v0 =	vld [tilespmem:s0+$0x30];
	[tilespmem:s9+$0x40] =	vst v4;
	s9 =	smov.u32 s0  }
0xcc: {  	v4 =	vld [tilespmem:s9+$0x40]  }
0xcd: {  	v3 =	vadd.s32 $0x1, v3  }
0xce: {  	[tilespmem:s9+$0x0] =	vst v3;
	v2 =	vadd.s32 $0x1, v2  }
0xcf: {  	[tilespmem:s9+$0x10] =	vst v2;
	v1 =	vadd.s32 $0x1, v1  }
0xd0: {  	[tilespmem:s9+$0x20] =	vst v1;
	v0 =	vadd.s32 $0x1, v0  }
0xd1: {  	[tilespmem:s9+$0x30] =	vst v0;
	v63 =	vadd.s32 $0x1, v4  }
0xd2: {  	s0 =	rddreg [dreg:$0x1];
	[tilespmem:s9+$0x40] =	vst v63  }
0xd3: {  	[spmem:s4], [sflag:s2] =	dma.local [hbm:s0], $0x1400  }
0xd4: {  	_ =	swait.ge [sflag:s11], $0x1400  }
0xd5: {  	[sflag:s11] =	ssyncset.done $0x0  }
0xd6: {  	[sflag:s11] =	ssyncadd.s32 $0xFFFFEC00  }
0xd7: {  	s9 =	simm.s32 $0x0;
	[bflag:$0x0] =	sbarrier.arrive $0xFFFF  }
0xd8: {  	[tilespmem:s16], [sflag:$0x1] =	stream.indirect.gather [hbm4b:s5+s15], $0x40, s9, s15, $0xb8;
	[tilespmem:$0x18E20] =	vst v63  }
0xd9: {  	_ = 	snop  }
0xda: {  	[tilespmem:s17], [sflag:$0x2] =	stream.indirect.gather [hbm4b:s5+s15], $0x40, s15, s15, $0xb8;
	[tilespmem:$0x18E20] =	vst v63  }
0xdb: {  	s30 =	simm.s32 $0xA0  }
0xdc: {  	[tilespmem:s19], [sflag:$0x3] =	stream.indirect.gather [hbm4b:s5+s15], $0x40, s30, s15, $0xb8;
	[tilespmem:$0x18E20] =	vst v63  }
0xdd: {  	s31 =	simm.s32 $0xF0;
	s10 =	simm.s32 $0x7  }
0xde: {  	[tilespmem:s21], [sflag:$0x4] =	stream.indirect.gather [hbm4b:s5+s15], $0x40, s31, s15, $0xb8;
	[tilespmem:$0x18E20] =	vst v63  }
.LBB2_7:
0xdf: {  	_ =	swait.ge [sflag:s22], $0x1400  }
0xe0: {  	s18 =	sshra.s32 s9, $0x2;
	[sflag:s22] =	ssyncset.done $0x0  }
0xe1: {  	p0 =	seq.s32 s9, $0x0;
	s0 =	sadd.s32 $0x2710, s18;
	[sflag:s22] =	ssyncadd.s32 $0xFFFFEC00  }
0xe2: {  	[spmem:s3] =	stream.indirect.scatter.add.f32 [tilespmem:s16], [sflag:$0x9], $0x40, s0, s15, $0xb8;
	[tilespmem:$0x18E20] =	vst v63  }
0xe3: {  	s0 =	simm.s32 @!p0 $0xD  }
0xe4: {  	_ =	swait.ge @!p0 [sflag:s0], $0x1400  }
0xe5: {  	s20 =	sadd.s32 $0xFFFFFFFE, s10;
	[sflag:s0] =	ssyncset.done @!p0 $0x0  }
0xe6: {  	s13 =	sadd.s32 $0x140, s18;
	[sflag:s0] =	ssyncadd.s32 @!p0 $0xFFFFEC00;
	p0 =	sgt.u32 s20, $0x7C  }
0xe7: {  	[tilespmem:s23], [sflag:$0x5] =	stream.indirect.gather [hbm4b:s5+s15], $0x40, s13, s15, $0xb8;
	[tilespmem:$0x18E20] =	vst v63  }
0xe8: {  	p2 =	sne.s32 @!p0 s9, $0x0;
	_ =	swait.ge [sflag:s24], $0x1400  }
0xe9: {  	p1 =	por !p2, p0;
	[sflag:s24] =	ssyncset.done $0x0  }
0xea: {  	s14 =	sadd.s32 $0x2760, s18;
	s0 =	simm.s32 @!p1 $0xE;
	[sflag:s24] =	ssyncadd.s32 $0xFFFFEC00  }
0xeb: {  	[spmem:s3] =	stream.indirect.scatter.add.f32 [tilespmem:s17], [sflag:$0xA], $0x40, s14, s15, $0xb8;
	[tilespmem:$0x18E20] =	vst v63  }
0xec: {  	_ =	swait.ge @!p1 [sflag:s0], $0x1400  }
0xed: {  	s29 =	sadd.s32 $0xFFFFFFFF, s10;
	[sflag:s0] =	ssyncset.done @!p1 $0x0  }
0xee: {  	p2 =	por p2, p0;
	[sflag:s0] =	ssyncadd.s32 @!p1 $0xFFFFEC00;
	s0 =	sshra.s32 @!p1 s9, $0x2  }
0xef: {  	s2 =	simm.s32 @!p1 $0x50;
	s4 =	simm.s32 @!p1 $0xB220;
	s0 =	sadd.s32 @!p1 $0x190, s0  }
0xf0: {  	[tilespmem:s4], [sflag:$0x6] =	stream.indirect.gather @!p1 [hbm4b:s5+s2], $0x40, s0, s2, $0xb8;
	[tilespmem:$0x18E20] =	vst v63  }
0xf1: {  	s7 =	simm.s32 @!p2 $0xB220;
	s0 =	sadd.s32 @!p1 $0x280, s9;
	s2 =	sshra.s32 @!p2 s9, $0x2  }
0xf2: {  	s4 =	simm.s32 @!p2 $0x50;
	s2 =	sadd.s32 @!p2 $0x190, s2;
	s0 =	simm.s32 @p1 $0x280  }
0xf3: {  	[tilespmem:s7], [sflag:$0x6] =	stream.indirect.gather @!p2 [hbm4b:s5+s4], $0x40, s2, s4, $0xb8;
	[tilespmem:$0x18E20] =	vst v63  }
0xf4: {  	p1 =	sgt.u32 s29, $0x7C;
	s0 =	simm.s32 @p0 $0x9880;
	_ =	swait.ge [sflag:s25], $0x1400  }
0xf5: {  	p2 =	seq.s32 @!p1 s9, $0x0;
	s0 =	sshra.s32 s0, $0x2;
	[sflag:s25] =	ssyncset.done $0x0  }
0xf6: {  	p2 =	por p2, p1;
	s0 =	sadd.s32 $0x2710, s0;
	[sflag:s25] =	ssyncadd.s32 $0xFFFFEC00  }
0xf7: {  	[spmem:s3] =	stream.indirect.scatter.add.f32 [tilespmem:s19], [sflag:$0xB], $0x40, s0, s15, $0xb8;
	[tilespmem:$0x18E20] =	vst v63  }
0xf8: {  	s0 =	simm.s32 @!p2 $0xF  }
0xf9: {  	_ =	swait.ge @!p2 [sflag:s0], $0x1400  }
0xfa: {  	[sflag:s0] =	ssyncset.done @!p2 $0x0  }
0xfb: {  	s4 =	simm.s32 @!p1 $0x50;
	[sflag:s0] =	ssyncadd.s32 @!p2 $0xFFFFEC00;
	s0 =	sshra.s32 @!p1 s9, $0x2  }
0xfc: {  	s7 =	simm.s32 @!p1 $0xC620;
	p2 =	sgt.u32 s10, $0x7C;
	s2 =	sadd.s32 @!p1 $0x1E0, s0  }
0xfd: {  	[tilespmem:s7], [sflag:$0x7] =	stream.indirect.gather @!p1 [hbm4b:s5+s4], $0x40, s2, s4, $0xb8;
	[tilespmem:$0x18E20] =	vst v63  }
0xfe: {  	p3 =	seq.s32 @!p2 s9, $0x0;
	_ =	swait.ge [sflag:s26], $0x1400  }
0xff: {  	p3 =	por p3, p2;
	[sflag:s26] =	ssyncset.done $0x0  }
0x100: {  	s30 =	sadd.s32 $0x2800, s18;
	s2 =	simm.s32 @!p3 $0x10;
	[sflag:s26] =	ssyncadd.s32 $0xFFFFEC00  }
0x101: {  	[spmem:s3] =	stream.indirect.scatter.add.f32 [tilespmem:s21], [sflag:$0xC], $0x40, s30, s15, $0xb8;
	[tilespmem:$0x18E20] =	vst v63  }
0x102: {  	_ =	swait.ge @!p3 [sflag:s2], $0x1400  }
0x103: {  	[sflag:s2] =	ssyncset.done @!p3 $0x0  }
0x104: {  	[sflag:s2] =	ssyncadd.s32 @!p3 $0xFFFFEC00;
	s2 =	sshra.s32 @!p2 s9, $0x2  }
0x105: {  	s13 =	simm.s32 @!p2 $0x50;
	s14 =	simm.s32 @!p2 $0xDA20;
	s12 =	sadd.s32 @!p2 $0x230, s2  }
0x106: {  	[tilespmem:s14], [sflag:$0x8] =	stream.indirect.gather @!p2 [hbm4b:s5+s13], $0x40, s12, s13, $0xb8;
	[tilespmem:$0x18E20] =	vst v63  }
0x107: {  	_ =	swait.ge [sflag:s28], $0x1400  }
0x108: {  	p3 =	seq.s32 s9, $0x9600;
	[sflag:s28] =	ssyncset.done $0x0  }
0x109: {  	s31 =	sadd.s32 $0x2850, s18;
	s12 =	simm.s32 @!p3 $0x9;
	[sflag:s28] =	ssyncadd.s32 $0xFFFFEC00  }
0x10a: {  	[spmem:s3] =	stream.indirect.scatter.add.f32 [tilespmem:s23], [sflag:$0xD], $0x40, s31, s15, $0xb8;
	[tilespmem:$0x18E20] =	vst v63  }
0x10b: {  	_ =	swait.ge @!p3 [sflag:s12], $0x1400  }
0x10c: {  	[sflag:s12] =	ssyncset.done @!p3 $0x0  }
0x10d: {  	[sflag:s12] =	ssyncadd.s32 @!p3 $0xFFFFEC00;
	s12 =	sshra.s32 @!p3 s9, $0x2  }
0x10e: {  	s29 =	simm.s32 @!p3 $0x50;
	s30 =	simm.s32 @!p3 $0x4E20;
	s20 =	sadd.s32 @!p3 $0x280, s12  }
0x10f: {  	[tilespmem:s30], [sflag:$0x1] =	stream.indirect.gather @!p3 [hbm4b:s5+s29], $0x40, s20, s29, $0xb8;
	[tilespmem:$0x18E20] =	vst v63  }
0x110: {  	s20 =	simm.s32 @!p0 $0x6  }
0x111: {  	_ =	swait.ge @!p0 [sflag:s20], $0x1400  }
0x112: {  	[sflag:s20] =	ssyncset.done @!p0 $0x0  }
0x113: {  	[sflag:s20] =	ssyncadd.s32 @!p0 $0xFFFFEC00;
	s20 =	sshra.s32 @!p0 s9, $0x2  }
0x114: {  	s31 =	simm.s32 @!p0 $0xB220;
	s30 =	simm.s32 @!p0 $0x50;
	s20 =	sadd.s32 @!p0 $0x28A0, s20  }
0x115: {  	[spmem:s3] =	stream.indirect.scatter.add.f32 @!p0 [tilespmem:s31], [sflag:$0xE], $0x40, s20, s30, $0xb8;
	[tilespmem:$0x18E20] =	vst v63  }
0x116: {  	s20 =	simm.s32 @!p3 $0xA  }
0x117: {  	_ =	swait.ge @!p3 [sflag:s20], $0x1400  }
0x118: {  	[sflag:s20] =	ssyncset.done @!p3 $0x0  }
0x119: {  	s30 =	simm.s32 @!p3 $0x6220;
	[sflag:s20] =	ssyncadd.s32 @!p3 $0xFFFFEC00;
	s20 =	sadd.s32 @!p3 $0x2D0, s12  }
0x11a: {  	[tilespmem:s30], [sflag:$0x2] =	stream.indirect.gather @!p3 [hbm4b:s5+s29], $0x40, s20, s29, $0xb8;
	[tilespmem:$0x18E20] =	vst v63  }
0x11b: {  	s20 =	simm.s32 @!p1 $0x7  }
0x11c: {  	_ =	swait.ge @!p1 [sflag:s20], $0x1400  }
0x11d: {  	[sflag:s20] =	ssyncset.done @!p1 $0x0  }
0x11e: {  	s0 =	sadd.s32 @!p1 $0x28F0, s0;
	[sflag:s20] =	ssyncadd.s32 @!p1 $0xFFFFEC00  }
0x11f: {  	[spmem:s3] =	stream.indirect.scatter.add.f32 @!p1 [tilespmem:s7], [sflag:$0xF], $0x40, s0, s4, $0xb8;
	[tilespmem:$0x18E20] =	vst v63  }
0x120: {  	s0 =	simm.s32 @!p3 $0xB  }
0x121: {  	_ =	swait.ge @!p3 [sflag:s0], $0x1400  }
0x122: {  	[sflag:s0] =	ssyncset.done @!p3 $0x0  }
0x123: {  	s4 =	simm.s32 @!p3 $0x7620;
	[sflag:s0] =	ssyncadd.s32 @!p3 $0xFFFFEC00;
	s0 =	sadd.s32 @!p3 $0x320, s12  }
0x124: {  	[tilespmem:s4], [sflag:$0x3] =	stream.indirect.gather @!p3 [hbm4b:s5+s29], $0x40, s0, s29, $0xb8;
	[tilespmem:$0x18E20] =	vst v63  }
.Ltmp5:
0x125: {  	s0 =	simm.s32 @!p2 $0x8;
	(pc) =	sbr.rel @p3 .LBB2_9-.Ltmp5, $4  }
0x126: {  	_ =	swait.ge @!p2 [sflag:s0], $0x1400  }
0x127: {  	[sflag:s0] =	ssyncset.done @!p2 $0x0  }
0x128: {  	[sflag:s0] =	ssyncadd.s32 @!p2 $0xFFFFEC00;
	s0 =	sadd.s32 @!p2 $0x2940, s2  }
0x129: {  	[spmem:s3] =	stream.indirect.scatter.add.f32 @!p2 [tilespmem:s14], [sflag:$0x10], $0x40, s0, s13, $0xb8;
	[tilespmem:$0x18E20] =	vst v63  }
.Ltmp6:
0x12a: {  	(pc) =	sbr.rel .LBB2_7-.Ltmp6, $4  }
0x12b: {  	_ =	swait.ge [sflag:s1], $0x1400  }
0x12c: {  	s0 =	sadd.s32 $0x370, s18;
	[sflag:s1] =	ssyncset.done $0x0  }
0x12d: {  	s9 =	sadd.s32 $0xA00, s9;
	s10 =	sadd.s32 $0x8, s10;
	[sflag:s1] =	ssyncadd.s32 $0xFFFFEC00  }
0x12e: {  	[tilespmem:s21], [sflag:$0x4] =	stream.indirect.gather [hbm4b:s5+s15], $0x40, s0, s15, $0xb8;
	[tilespmem:$0x18E20] =	vst v63  }
.LBB2_10:
0x12f: {  	_ =	sfence.sel $0x180000  }
0x130: {  	[bflag:$0x0] =	sbarrier.arrive $0xFFFF  }
0x131: {  	_ =	strace $0x9000004D  }
0x132: {  	s0 =	stileid.u32;
	[bflag:$0x2] =	sbarrier.arrive $0xFFFF  }
0x133: {  	p0 =	sne.s32 s0, $0x0;
	s0 =	rddreg [dreg:$0x3]  }
0x134: {  	s0 =	sadd.s32 @!p0 $0x100000, s0  }
0x135: {  	[sflag:s0] =	ssyncadd.tile.s32 @!p0 $0x1;
	_ =	shalt  }
.Lfunc_end2:
_tile_overlayer_lowered:
.L_overlay_start_2:
0x136: {  	(tag) =	ssettag $0x2  }
0x137: {  	s0 =	rddreg [dreg:$0x0];
	s2 =	stileid.u32  }
0x138: {  	s1 =	rddreg [dreg:$0x1];
	p0 =	sne.s32 s2, $0x0  }
0x139: {  	s3 =	rddreg [dreg:$0x2];
	[bflag:$0x3] =	sbarrier.arrive $0xFFFF;
	s2 =	simm.s32 @!p0 $0x1C11  }
0x13a: {  	[timem:s3], [sflag:s2] =	dma.local @!p0 [hbm:s0], s1  }
0x13b: {  	s0 =	simm.s32 @!p0 $0x11  }
0x13c: {  	_ =	swait.ge @!p0 [sflag:s0], s1  }
0x13d: {  	s1 =	ssub.s32 @!p0 $0x0, s1;
	[sflag:s0] =	ssyncset.done @!p0 $0x0  }
0x13e: {  	[sflag:s0] =	ssyncadd.s32 @!p0 s1  }
0x13f: {  	[bflag:$0x3] =	sbarrier.arrive $0xFFFF  }
0x140: {  	_ =	shalt  }

// kernel: kernel.19.cloned.1.call-start
scs
__scs_entry_jumppad:
0x0: {  	(pc) =	sbr.rel $0x88, $3  }
0x1: {  	(tag) =	ssettag $0x0;
	lr =	simm.s32 $0x1  }
0x2: {  	[smem:$0x3F99] =	sst lr;
	_ =	strace $0xD0000000  }
0x3: {  	_ = 	snop  }
0x4: {  	_ = 	snop  }
0x5: {  	_ = 	snop  }
0x6: {  	_ = 	snop  }
0x7: {  	_ = 	snop  }
__scs_overlays_trampoline_lowered:
0x8: {  	[smem:$0x3FA8] =	sst s0  }
0x9: {  	[smem:$0x3FA9] =	sst s1  }
0xa: {  	[smem:$0x3FAA] =	sst s2  }
0xb: {  	[smem:$0x3FAB] =	sst s3  }
0xc: {  	[smem:$0x3FAC] =	sst s4  }
0xd: {  	[smem:$0x3FAD] =	sst s5  }
0xe: {  	[smem:$0x3FAE] =	sst s6  }
0xf: {  	[smem:$0x3FAF] =	sst s7  }
0x10: {  	[smem:$0x3FB0] =	sst s8  }
0x11: {  	[smem:$0x3FB1] =	sst s9;
	s0 =	simm.s32 @!p0 $0x0  }
0x12: {  	s1 =	sld [smem:$0x3F97];
	s0 =	simm.s32 @p0 $0x1  }
0x13: {  	[smem:$0x3FB2] =	sst s0;
	s0 =	simm.s32 @!p1 $0x0  }
0x14: {  	s2 =	sld [smem:$0x3F96];
	s0 =	simm.s32 @p1 $0x1  }
0x15: {  	[smem:$0x3FB3] =	sst s0;
	s0 =	simm.s32 @!p2 $0x0  }
0x16: {  	s3 =	sld [smem:$0x3FDB];
	s0 =	simm.s32 @p2 $0x1  }
0x17: {  	s4 =	simm.s32 $0x1BF5;
	[smem:$0x3FB5] =	sst s0  }
0x18: {  	s0 =	sld [smem:$0x3F98];
	_ =	swait.ge [sflag:s4], $0x0  }
0x19: {  	s7 =	sld [smem:$0x3F99]  }
0x1a: {  	s8 =	sadd.s32 $0xFFFFE003, lr  }
0x1b: {  	s9 =	sadd.s32 $0xFFFFFEF7, lr;
	s5 =	simm.s32 $0xFFFFFFFF;
	p2 =	slt.u32 s8, $0xFFFFF086  }
0x1c: {  	p1 =	slt.u32 s9, $0xF7A;
	s5 =	simm.s32 @!p2 $0x0  }
0x1d: {  	s5 =	simm.s32 @p1 $0x1;
	p0 =	seq.s32 s7, s2  }
0x1e: {  	s7 =	smul.u32 @!p0 $0xF7A, s2;
	p2 =	seq.s32 @!p0 s5, $0x0  }
0x1f: {  	s9 =	smul.u32 $0xF7A, s1;
	s8 =	simm.s32 @!p0 $0x1BF5;
	p2 =	por !p2, p0  }
0x20: {  	[sflag:s8] =	ssyncset.s32 @!p0 $0xFFFFF086;
	s6 =	sadd.s32 @!p0 s3, s7;
	s7 =	simm.s32 @!p0 $0x108  }
0x21: {  	s3 =	sadd.s32 s3, s9;
	s6 =	sadd.s32 @!p0 $0x88, s6;
	s7 =	simm.s32 @p2 $0x1082  }
0x22: {  	[simem:s7], [sflag:s8] =	dma.local @!p0 [hbm:s6], $0xF7A  }
0x23: {  	s9 =	sor.u32 $0xD0000000, s2;
	s6 =	simm.s32 $0x108;
	_ =	swait.ge @!p0 [sflag:s8], $0x0  }
0x24: {  	s3 =	sadd.s32 $0x88, s3;
	s6 =	simm.s32 @!p1 $0x1082;
	[sflag:s4] =	ssyncset.s32 $0xFFFFF086  }
0x25: {  	[simem:s6], [sflag:s4] =	dma.local [hbm:s3], $0xF7A  }
0x26: {  	[smem:$0x3F99] =	sst s1;
	(tag) =	ssettag s2;
	_ =	strace s9  }
0x27: {  	s1 =	sld [smem:$0x3FA9]  }
0x28: {  	s2 =	sld [smem:$0x3FAA]  }
0x29: {  	s4 =	sld [smem:$0x3FAC]  }
0x2a: {  	p0 =	seq.s32 s5, $0x0;
	s5 =	sld [smem:$0x3FAD]  }
0x2b: {  	s6 =	sld [smem:$0x3FAE]  }
0x2c: {  	s7 =	sld [smem:$0x3FAF]  }
0x2d: {  	s3 =	simm.s32 $0x108;
	s8 =	sld [smem:$0x3FB0]  }
0x2e: {  	s3 =	simm.s32 @!p0 $0x1082;
	s9 =	sld [smem:$0x3FB1]  }
0x2f: {  	lr =	sadd.s32 s0, s3;
	s0 =	sld [smem:$0x3FA8]  }
0x30: {  	s3 =	sld [smem:$0x3FAB]  }
0x31: {  	[smem:$0x3FB4] =	sst s10  }
0x32: {  	s10 =	sld [smem:$0x3FB2];
	_ =	sdelay $0x3  }
0x33: {  	p0 =	seq.s32 s10, $0x1;
	s10 =	sld [smem:$0x3FB4];
	_ =	sdelay $0x3  }
0x34: {  	[smem:$0x3FB4] =	sst s10  }
0x35: {  	s10 =	sld [smem:$0x3FB3];
	_ =	sdelay $0x3  }
0x36: {  	p1 =	seq.s32 s10, $0x1;
	s10 =	sld [smem:$0x3FB4];
	_ =	sdelay $0x3  }
0x37: {  	[smem:$0x3FB4] =	sst s10  }
0x38: {  	s10 =	sld [smem:$0x3FB5]  }
0x39: {  	_ = 	snop;
	(pc) =	sbr.ind lr, $3  }
0x3a: {  	_ = 	snop  }
0x3b: {  	_ = 	snop  }
0x3c: {  	p2 =	seq.s32 s10, $0x1;
	s10 =	sld [smem:$0x3FB4]  }
0x3d: {  	_ =	shalt  }
0x3e: {  	_ =	shalt  }
0x3f: {  	_ =	shalt  }
0x40: {  	_ =	shalt  }
0x41: {  	_ =	shalt  }
0x42: {  	_ =	shalt  }
0x43: {  	_ =	shalt  }
0x44: {  	_ =	shalt  }
0x45: {  	_ =	shalt  }
0x46: {  	_ =	shalt  }
0x47: {  	_ =	shalt  }
0x48: {  	_ =	shalt  }
0x49: {  	_ =	shalt  }
0x4a: {  	_ =	shalt  }
0x4b: {  	_ =	shalt  }
0x4c: {  	_ =	shalt  }
0x4d: {  	_ =	shalt  }
0x4e: {  	_ =	shalt  }
0x4f: {  	_ =	shalt  }
0x50: {  	_ =	shalt  }
0x51: {  	_ =	shalt  }
0x52: {  	_ =	shalt  }
0x53: {  	_ =	shalt  }
0x54: {  	_ =	shalt  }
0x55: {  	_ =	shalt  }
0x56: {  	_ =	shalt  }
0x57: {  	_ =	shalt  }
0x58: {  	_ =	shalt  }
0x59: {  	_ =	shalt  }
0x5a: {  	_ =	shalt  }
0x5b: {  	_ =	shalt  }
0x5c: {  	_ =	shalt  }
0x5d: {  	_ =	shalt  }
0x5e: {  	_ =	shalt  }
0x5f: {  	_ =	shalt  }
0x60: {  	_ =	shalt  }
0x61: {  	_ =	shalt  }
0x62: {  	_ =	shalt  }
0x63: {  	_ =	shalt  }
0x64: {  	_ =	shalt  }
0x65: {  	_ =	shalt  }
0x66: {  	_ =	shalt  }
0x67: {  	_ =	shalt  }
0x68: {  	_ =	shalt  }
0x69: {  	_ =	shalt  }
0x6a: {  	_ =	shalt  }
0x6b: {  	_ =	shalt  }
0x6c: {  	_ =	shalt  }
0x6d: {  	_ =	shalt  }
0x6e: {  	_ =	shalt  }
0x6f: {  	_ =	shalt  }
0x70: {  	_ =	shalt  }
0x71: {  	_ =	shalt  }
0x72: {  	_ =	shalt  }
0x73: {  	_ =	shalt  }
0x74: {  	_ =	shalt  }
0x75: {  	_ =	shalt  }
0x76: {  	_ =	shalt  }
0x77: {  	_ =	shalt  }
0x78: {  	_ =	shalt  }
0x79: {  	_ =	shalt  }
0x7a: {  	_ =	shalt  }
0x7b: {  	_ =	shalt  }
0x7c: {  	_ =	shalt  }
0x7d: {  	_ =	shalt  }
0x7e: {  	_ =	shalt  }
0x7f: {  	_ =	shalt  }
0x80: {  	_ =	shalt  }
0x81: {  	_ =	shalt  }
0x82: {  	_ =	shalt  }
0x83: {  	_ =	shalt  }
0x84: {  	_ =	shalt  }
0x85: {  	_ =	shalt  }
0x86: {  	_ =	shalt  }
0x87: {  	_ =	shalt  }
.Lfunc_end0:
.L_simem_size_0:
called_computation.3_lowered:
.L_overlay_start_0:
0x88: {  	s2 =	sld [smem:$0x3FD9]  }
0x89: {  	s3 =	sld [smem:$0x3FFE];
	_ =	sdelay $0x1  }
0x8a: {  	s1 =	srdreg.scid  }
0x8b: {  	s0 =	sand.u32 $0x1, s1  }
0x8c: {  	s17 =	sshll.u32 s0, $0xA;
	s2 =	sadd.s32 s3, s2  }
0x8d: {  	s2 =	sadd.s32 s2, s17  }
0x8e: {  	[smem:$0x3FC0] =	sst s2  }
0x8f: {  	_ = 	snop  }
0x90: {  	s2 =	sld [smem:$0x3FD0];
	(tm) =	ssettm $0x1  }
0x91: {  	s18 =	sld [smem:$0x3FFB];
	_ =	sdelay $0x3  }
0x92: {  	_ =	strace s18  }
0x93: {  	s3 =	sld [smem:$0x3FFC];
	_ =	sdelay $0x3  }
0x94: {  	_ =	strace s3  }
0x95: {  	s3 =	sld [smem:$0x3FFD];
	_ =	sdelay $0x3  }
0x96: {  	_ =	strace s3  }
0x97: {  	_ =	strace $0x8FFFFFFF  }
0x98: {  	s19 =	sld [smem:$0x3FDB];
	_ =	sdelay $0x1  }
0x99: {  	s4 =	simm.s32 $_scs_section_size  }
0x9a: {  	s5 =	simm.s32 $_size__tile_overlayer_lowered;
	s6 =	simm.s32 $_tile_overlayer_lowered  }
0x9b: {  	s22 =	simm.s32 $0x1BFF;
	s21 =	sshll.u32 s6, $0x1;
	s3 =	sadd.s32 s4, s19  }
0x9c: {  	s7 =	simm.s32 $0x0;
	s20 =	sshll.u32 s5, $0x1;
	s5 =	sadd.s32 s21, s3  }
0x9d: {  	[timem:s7], [sflag:s22] =	dma.local [hbm:s5], s20  }
0x9e: {  	_ =	swait.ge [sflag:s22], s20  }
0x9f: {  	s4 =	ssub.s32 $0x0, s20;
	[sflag:s22] =	ssyncset.done $0x0  }
0xa0: {  	[sflag:s22] =	ssyncadd.s32 s4;
	_ =	sdelay $0x1  }
0xa1: {  	s23 =	simm.s32 $0x1B8B  }
0xa2: {  	_ =	swait.ge [sflag:s23], $0x1  }
0xa3: {  	[sflag:s23] =	ssyncset.done $0x0  }
0xa4: {  	s25 =	simm.s32 $0x1B8E;
	s24 =	sld [smem:$0x3FFE];
	[sflag:s23] =	ssyncadd.s32 $0xFFFFFFFF  }
0xa5: {  	s26 =	simm.s32 $execute0_lowered;
	[smem:$0x3FD2] =	sst s25  }
0xa6: {  	s5 =	sshll.u32 s26, $0x1;
	_ =	strace $0x8000004F;
	[dreg:$0x1] =	wrdreg $0xFFFFFFFF  }
0xa7: {  	s28 =	simm.s32 $_size_execute0_lowered;
	s3 =	sadd.s32 s3, s5;
	[dreg:$0x0] =	wrdreg $0x0  }
0xa8: {  	s5 =	sshll.u32 s28, $0x1;
	[dreg:$0x2] =	wrdreg s3  }
0xa9: {  	[dreg:$0x3] =	wrdreg s5  }
0xaa: {  	[dreg:$0x4] =	wrdreg $0xC0  }
0xab: {  	_ =	task [dreg:s7], $0x5FFFF  }
0xac: {  	[dreg:$0x1] =	wrdreg $0xFFFFFFFF  }
0xad: {  	[dreg:$0x0] =	wrdreg $0x60  }
0xae: {  	[dreg:$0x2] =	wrdreg s24  }
0xaf: {  	[dreg:$0x3] =	wrdreg s2  }
0xb0: {  	[dreg:$0x4] =	wrdreg $0x9  }
0xb1: {  	_ =	task.clear_ibuf [dreg:s7], $0x5FFFF;
	_ =	strace $0x9000004F  }
0xb2: {  	s29 =	simm.s32 $0x9;
	_ =	strace $0x80000051  }
0xb3: {  	_ =	swait.ge [sflag:s29], $0x1  }
0xb4: {  	[sflag:s29] =	ssyncadd.s32 $0xFFFFFFFF  }
0xb5: {  	_ =	strace $0x90000051  }
0xb6: {  	_ =	sfence  }
0xb7: {  	s30 =	sld [smem:$0x0];
	_ =	sdelay $0x2  }
0xb8: {  	s31 =	sshll.u32 s1, $0xD;
	s1 =	sshrl.u32 s1, $0x2  }
0xb9: {  	s3 =	sand.u32 $0x4000, s31;
	s1 =	sadd.s32 s1, s30  }
0xba: {  	s0 =	sor.u32 s3, s0;
	s1 =	sshll.u32 s1, $0x11  }
0xbb: {  	s0 =	sor.u32 s1, s0  }
0xbc: {  	s0 =	sadd.s32 $0x8F2B, s0  }
0xbd: {  	[sflag:s0] =	ssyncadd.remote.s32 $0x1  }
0xbe: {  	_ =	sfence.sel $0xFFFF  }
0xbf: {  	[dreg:$0x0] =	wrdreg $0xFFFFFFFF;
	(pc) =	sbr.abs _section_cstart, $3  }
0xc0: {  	[dreg:$0x1] =	wrdreg $0xFFFFFFFF  }
0xc1: {  	_ =	task.clear_ibuf [dreg:s7], $0x2FFFF;
	_ =	strace $0x9FFFFFFF  }
0xc2: {  	(tm) =	ssettm $0x7FFFFFFF  }
0xc3: {  	_ =	shalt  }
tec
execute0_lowered:
.L_overlay_start_1:
0x0: {  	(tag) =	ssettag $0x1  }
0x1: {  	s4 =	rddreg [dreg:$0x0]  }
0x2: {  	s2 =	rddreg [dreg:$0x1];
	s3 =	srdreg.scid  }
0x3: {  	s0 =	rddreg [dreg:$0x2];
	s1 =	stileid.u32;
	s9 =	simm.s32 $0x1  }
0x4: {  	s10 =	simm.s32 $0x4000;
	s11 =	simm.s32 $0x8000;
	s12 =	simm.s32 $0xA780  }
0x5: {  	s13 =	simm.s32 $0xCF00;
	s14 =	simm.s32 $0x0;
	s5 =	sand.u32 $0x1, s3  }
0x6: {  	s3 =	simm.s32 $0x0;
	s6 =	sshll.u32 s1, $0xC;
	s7 =	sshll.u32 s5, $0xB  }
0x7: {  	[smem:$0x7FF] =	sst s3;
	s5 =	ssub.s32 $0x2, s5;
	s6 =	sor.u32 s7, s6  }
0x8: {  	_ =	strace $0x80000050;
	s31 =	sshrl.u32 s5, $0x1;
	s7 =	sadd.s32 s6, s4  }
0x9: {  	s4 =	sadd.s32 $0x23600, s4;
	s8 =	ssub.s32 s5, s31;
	s5 =	sadd.s32 $0x3600, s7  }
0xa: {  	s6 =	sadd.s32 $0x13600, s7;
	s7 =	sadd.s32 $0x23C00, s7;
	s8 =	smax.u32 s8, $0x1  }
.LBB2_1:
0xb: {  	[tilespmem:s3], [sflag:$0x1] =	stream.linear.gather [hbm4b:s5+s3], $0x3E80, $0x38;
	[tilespmem:$0x10F00] =	vst v63  }
0xc: {  	_ =	swait.ge [sflag:s9], $0x3E80  }
0xd: {  	[sflag:s9] =	ssyncset.done $0x0  }
0xe: {  	[sflag:s9] =	ssyncadd.s32 $0xFFFFC180  }
0xf: {  	[tilespmem:s10], [sflag:$0x1] =	stream.linear.gather [hbm4b:s6+s3], $0x3E80, $0x38;
	[tilespmem:$0x10F00] =	vst v63  }
0x10: {  	_ =	swait.ge [sflag:s9], $0x3E80  }
0x11: {  	[sflag:s9] =	ssyncset.done $0x0  }
0x12: {  	[sflag:s9] =	ssyncadd.s32 $0xFFFFC180  }
0x13: {  	[tilespmem:s11], [sflag:$0x1] =	stream.linear.gather [hbm4b:s2+s3], $0x2710, $0x38;
	[tilespmem:$0x10F00] =	vst v63  }
0x14: {  	_ =	swait.ge [sflag:s9], $0x2710  }
0x15: {  	[sflag:s9] =	ssyncset.done $0x0  }
0x16: {  	[sflag:s9] =	ssyncadd.s32 $0xFFFFD8F0  }
0x17: {  	[tilespmem:s12], [sflag:$0x1] =	stream.linear.gather [hbm4b:s4+s3], $0x2710, $0x38;
	[tilespmem:$0x10F00] =	vst v63  }
0x18: {  	_ =	swait.ge [sflag:s9], $0x2710  }
0x19: {  	[sflag:s9] =	ssyncset.done $0x0  }
0x1a: {  	s15 =	simm.s32 $0x0;
	[sflag:s9] =	ssyncadd.s32 $0xFFFFD8F0  }
0x1b: {  	v0 =	vld [tilespmem:s15+$0x0]  }
0x1c: {  	v1 =	vld [tilespmem:s15+$0x4000];
	_ =	sdelay $0x3  }
0x1d: {  	v0 =	vshrl.u32 v0, $0x1;
	_ =	sdelay $0x2  }
0x1e: {  	v2 =	vld [tilespmem:s15+$0x10]  }
0x1f: {  	v1 =	vld.idx.msk [tilespmem:v1+s12+$0x0], $0xffff  }
0x20: {  	v0 =	vld.idx.msk [tilespmem:v0+s11+$0x0], $0xffff  }
0x21: {  	v3 =	vld [tilespmem:s15+$0x4010];
	_ =	sdelay $0x1  }
0x22: {  	v2 =	vshrl.u32 v2, $0x1;
	_ =	sdelay $0x1  }
0x23: {  	v0 =	vadd.f32 v1, v0;
	_ =	sdelay $0x1  }
0x24: {  	v4 =	vld [tilespmem:s15+$0x20];
	[tilespmem:s15+$0xCF00] =	vst v0  }
0x25: {  	v0 =	vld.idx.msk [tilespmem:v2+s11+$0x0], $0xffff  }
0x26: {  	v2 =	vld.idx.msk [tilespmem:v3+s12+$0x0], $0xffff  }
0x27: {  	v3 =	vld [tilespmem:s15+$0x4020];
	_ =	sdelay $0x1  }
0x28: {  	v4 =	vshrl.u32 v4, $0x1;
	_ =	sdelay $0x1  }
0x29: {  	v0 =	vadd.f32 v2, v0;
	_ =	sdelay $0x1  }
0x2a: {  	v5 =	vld [tilespmem:s15+$0x30];
	[tilespmem:s15+$0xCF10] =	vst v0  }
0x2b: {  	v0 =	vld.idx.msk [tilespmem:v4+s11+$0x0], $0xffff  }
0x2c: {  	v2 =	vld.idx.msk [tilespmem:v3+s12+$0x0], $0xffff  }
0x2d: {  	v3 =	vld [tilespmem:s15+$0x4030];
	_ =	sdelay $0x1  }
0x2e: {  	v4 =	vshrl.u32 v5, $0x1;
	_ =	sdelay $0x1  }
0x2f: {  	v0 =	vadd.f32 v2, v0;
	_ =	sdelay $0x1  }
0x30: {  	v1 =	vld [tilespmem:s15+$0x40];
	[tilespmem:s15+$0xCF20] =	vst v0  }
0x31: {  	v0 =	vld.idx.msk [tilespmem:v4+s11+$0x0], $0xffff  }
0x32: {  	v2 =	vld.idx.msk [tilespmem:v3+s12+$0x0], $0xffff  }
0x33: {  	v4 =	vld [tilespmem:s15+$0x4040];
	_ =	sdelay $0x1  }
0x34: {  	v1 =	vshrl.u32 v1, $0x1;
	_ =	sdelay $0x1  }
0x35: {  	v0 =	vadd.f32 v2, v0  }
0x36: {  	s18 =	simm.s32 $0x80  }
0x37: {  	v3 =	vld [tilespmem:s18+$0x0];
	[tilespmem:s15+$0xCF30] =	vst v0  }
0x38: {  	v1 =	vld.idx.msk [tilespmem:v1+s11+$0x0], $0xffff  }
0x39: {  	v2 =	vld.idx.msk [tilespmem:v4+s12+$0x0], $0xffff  }
0x3a: {  	s16 =	simm.s32 $0x400;
	v0 =	vld [tilespmem:s18+$0x4000]  }
.LBB2_2:
0x3b: {  	p0 =	sne.s32 s16, $0xF800;
	v4 =	vld [tilespmem:s18+$0x10];
	s17 =	smov.u32 s16;
	s16 =	sadd.s32 $0x200, s16  }
0x3c: {  	v3 =	vshrl.u32 v3, $0x1;
	v5 =	vld [tilespmem:s18+$0x20]  }
0x3d: {  	v6 =	vld [tilespmem:s18+$0x30]  }
0x3e: {  	v7 =	vld [tilespmem:s18+$0x40]  }
0x3f: {  	v1 =	vadd.f32 v2, v1;
	_ =	sdelay $0x1  }
0x40: {  	[tilespmem:s15+$0xCF40] =	vst v1;
	s15 =	smov.u32 s18  }
0x41: {  	v1 =	vld.idx.msk [tilespmem:v3+s11+$0x0], $0xffff  }
0x42: {  	v0 =	vld.idx.msk [tilespmem:v0+s12+$0x0], $0xffff;
	_ =	sdelay $0x1  }
0x43: {  	v2 =	vld [tilespmem:s15+$0x4010];
	_ =	sdelay $0x1  }
0x44: {  	v3 =	vshrl.u32 v4, $0x1;
	_ =	sdelay $0x1  }
0x45: {  	v0 =	vadd.f32 v0, v1;
	_ =	sdelay $0x1  }
0x46: {  	[tilespmem:s15+$0xCF00] =	vst v0  }
0x47: {  	v0 =	vld.idx.msk [tilespmem:v3+s11+$0x0], $0xffff  }
0x48: {  	v1 =	vld.idx.msk [tilespmem:v2+s12+$0x0], $0xffff;
	_ =	sdelay $0x1  }
0x49: {  	v2 =	vld [tilespmem:s15+$0x4020];
	_ =	sdelay $0x1  }
0x4a: {  	v3 =	vshrl.u32 v5, $0x1;
	_ =	sdelay $0x1  }
0x4b: {  	v0 =	vadd.f32 v1, v0;
	_ =	sdelay $0x1  }
0x4c: {  	[tilespmem:s15+$0xCF10] =	vst v0  }
0x4d: {  	v0 =	vld.idx.msk [tilespmem:v3+s11+$0x0], $0xffff  }
0x4e: {  	v1 =	vld.idx.msk [tilespmem:v2+s12+$0x0], $0xffff;
	_ =	sdelay $0x1  }
0x4f: {  	v2 =	vld [tilespmem:s15+$0x4030];
	_ =	sdelay $0x1  }
0x50: {  	v3 =	vshrl.u32 v6, $0x1;
	_ =	sdelay $0x1  }
0x51: {  	v0 =	vadd.f32 v1, v0;
	_ =	sdelay $0x1  }
0x52: {  	[tilespmem:s15+$0xCF20] =	vst v0  }
0x53: {  	v0 =	vld.idx.msk [tilespmem:v3+s11+$0x0], $0xffff  }
0x54: {  	v1 =	vld.idx.msk [tilespmem:v2+s12+$0x0], $0xffff;
	_ =	sdelay $0x1  }
0x55: {  	v2 =	vld [tilespmem:s15+$0x4040];
	_ =	sdelay $0x1  }
0x56: {  	v4 =	vshrl.u32 v7, $0x1;
	_ =	sdelay $0x1  }
0x57: {  	v0 =	vadd.f32 v1, v0  }
.Ltmp0:
0x58: {  	s18 =	sshra.s32 s17, $0x2;
	(pc) =	sbr.rel @p0 .LBB2_2-.Ltmp0, $4  }
0x59: {  	v3 =	vld [tilespmem:s18+$0x0];
	[tilespmem:s15+$0xCF30] =	vst v0  }
0x5a: {  	v1 =	vld.idx.msk [tilespmem:v4+s11+$0x0], $0xffff  }
0x5b: {  	v2 =	vld.idx.msk [tilespmem:v2+s12+$0x0], $0xffff  }
0x5c: {  	v0 =	vld [tilespmem:s18+$0x4000]  }
0x5d: {  	_ =	sdelay $0x1  }
0x5e: {  	v3 =	vshrl.u32 v3, $0x1  }
0x5f: {  	v4 =	vld [tilespmem:s18+$0x10]  }
0x60: {  	v5 =	vld [tilespmem:s18+$0x20];
	v1 =	vadd.f32 v2, v1  }
0x61: {  	v6 =	vld [tilespmem:s18+$0x30]  }
0x62: {  	v53 =	vld [tilespmem:s18+$0x40];
	[tilespmem:s15+$0xCF40] =	vst v1  }
0x63: {  	v1 =	vld.idx.msk [tilespmem:v3+s11+$0x0], $0xffff  }
0x64: {  	v0 =	vld.idx.msk [tilespmem:v0+s12+$0x0], $0xffff  }
0x65: {  	v54 =	vld [tilespmem:s18+$0x4010];
	_ =	sdelay $0x1  }
0x66: {  	v4 =	vshrl.u32 v4, $0x1;
	_ =	sdelay $0x1  }
0x67: {  	v0 =	vadd.f32 v0, v1;
	_ =	sdelay $0x1  }
0x68: {  	[tilespmem:s18+$0xCF00] =	vst v0  }
0x69: {  	v0 =	vld.idx.msk [tilespmem:v4+s11+$0x0], $0xffff  }
0x6a: {  	v55 =	vld.idx.msk [tilespmem:v54+s12+$0x0], $0xffff  }
0x6b: {  	v56 =	vld [tilespmem:s18+$0x4020];
	_ =	sdelay $0x1  }
0x6c: {  	v57 =	vshrl.u32 v5, $0x1;
	_ =	sdelay $0x1  }
0x6d: {  	v0 =	vadd.f32 v55, v0;
	_ =	sdelay $0x1  }
0x6e: {  	[tilespmem:s18+$0xCF10] =	vst v0  }
0x6f: {  	v0 =	vld.idx.msk [tilespmem:v57+s11+$0x0], $0xffff  }
0x70: {  	v58 =	vld.idx.msk [tilespmem:v56+s12+$0x0], $0xffff  }
0x71: {  	v59 =	vld [tilespmem:s18+$0x4030];
	_ =	sdelay $0x1  }
0x72: {  	v60 =	vshrl.u32 v6, $0x1;
	_ =	sdelay $0x1  }
0x73: {  	v0 =	vadd.f32 v58, v0;
	_ =	sdelay $0x1  }
0x74: {  	[tilespmem:s18+$0xCF20] =	vst v0  }
0x75: {  	v0 =	vld.idx.msk [tilespmem:v60+s11+$0x0], $0xffff  }
0x76: {  	v61 =	vld.idx.msk [tilespmem:v59+s12+$0x0], $0xffff  }
0x77: {  	v62 =	vld [tilespmem:s18+$0x4040];
	_ =	sdelay $0x1  }
0x78: {  	v2 =	vshrl.u32 v53, $0x1;
	_ =	sdelay $0x1  }
0x79: {  	v0 =	vadd.f32 v61, v0;
	_ =	sdelay $0x1  }
0x7a: {  	[tilespmem:s18+$0xCF30] =	vst v0  }
0x7b: {  	v0 =	vld.idx.msk [tilespmem:v2+s11+$0x0], $0xffff  }
0x7c: {  	v63 =	vld.idx.msk [tilespmem:v62+s12+$0x0], $0xffff;
	_ =	sdelay $0x4  }
0x7d: {  	s14 =	sadd.s32 $0x1, s14;
	v0 =	vadd.f32 v63, v0  }
0x7e: {  	p0 =	sne.s32 s14, s8  }
.Ltmp1:
0x7f: {  	[tilespmem:s18+$0xCF40] =	vst v0;
	(pc) =	sbr.rel @p0 .LBB2_1-.Ltmp1, $4  }
0x80: {  	[hbm4b:s7+s3] =	stream.linear.scatter [tilespmem:s13], [sflag:$0x1], $0x3E80, $0x38;
	[tilespmem:$0x10F00] =	vst v63  }
0x81: {  	_ =	swait.ge [sflag:s9], $0x3E80  }
0x82: {  	[sflag:s9] =	ssyncset.done $0x0  }
0x83: {  	[sflag:s9] =	ssyncadd.s32 $0xFFFFC180  }
0x84: {  	_ =	sfence.sel $0x180000  }
0x85: {  	[bflag:$0x0] =	sbarrier.arrive $0xFFFF  }
0x86: {  	p0 =	sne.s32 s1, $0x0;
	_ =	strace $0x90000050  }
0x87: {  	s0 =	sadd.s32 @!p0 $0x100000, s0;
	[bflag:$0x2] =	sbarrier.arrive $0xFFFF  }
0x88: {  	[sflag:s0] =	ssyncadd.tile.s32 @!p0 $0x1;
	_ =	shalt  }
.Lfunc_end2:
_tile_overlayer_lowered:
.L_overlay_start_2:
0x89: {  	(tag) =	ssettag $0x2  }
0x8a: {  	s0 =	rddreg [dreg:$0x0];
	s2 =	stileid.u32  }
0x8b: {  	s1 =	rddreg [dreg:$0x1];
	p0 =	sne.s32 s2, $0x0  }
0x8c: {  	s3 =	rddreg [dreg:$0x2];
	[bflag:$0x3] =	sbarrier.arrive $0xFFFF;
	s2 =	simm.s32 @!p0 $0x1C01  }
0x8d: {  	[timem:s3], [sflag:s2] =	dma.local @!p0 [hbm:s0], s1  }
0x8e: {  	s0 =	simm.s32 @!p0 $0x1  }
0x8f: {  	_ =	swait.ge @!p0 [sflag:s0], s1  }
0x90: {  	s1 =	ssub.s32 @!p0 $0x0, s1;
	[sflag:s0] =	ssyncset.done @!p0 $0x0  }
0x91: {  	[sflag:s0] =	ssyncadd.s32 @!p0 s1  }
0x92: {  	[bflag:$0x3] =	sbarrier.arrive $0xFFFF  }
0x93: {  	_ =	shalt  }

</sc_bundles>
